<compile_context>
chip_gen: v7x
topology: tpu7x:2x2x1
jax: 0.10.2.dev20260603
libtpu: 0.0.44.dev20260713+nightly
codegen_flags: <defaults>
</compile_context>

<pallas_src>
import functools
import jax
import jax.numpy as jnp
from jax import lax
from jax.experimental import pallas as pl
from jax.experimental.pallas import tpu as pltpu
from jax.experimental.pallas import tpu_sc as plsc

_N = 10000
_C = 128
_ROWS = 50
_T = 16
_NBLK = _N // _T
_NW = 32
_NJ = (_NBLK + _NW - 1) // _NW


def _sc_body(x_hbm, o_hbm, buf, xv, isem, osem):
    wid = lax.axis_index("s") * 2 + lax.axis_index("c")

    z16 = jnp.zeros((16,), jnp.float32)

    def zbody(i, c):
        a = i // _ROWS
        r = i - a * _ROWS
        for k in range(8):
            buf[a, r, pl.ds(16 * k, 16)] = z16
        return c

    lax.fori_loop(0, _T * _ROWS, zbody, 0)

    def body(j, carry):
        blk = wid + _NW * j

        @pl.when(blk < _NBLK)
        def _():
            base = blk * _T
            g = pltpu.make_async_copy(x_hbm.at[pl.ds(base, _T), :], xv, isem)
            g.start()
            g.wait()
            for a in range(_T):
                for k in range(8):
                    buf[a, 0, pl.ds(16 * k, 16)] = xv[a, pl.ds(16 * k, 16)]
                    buf[a, 25, pl.ds(16 * k, 16)] = xv[
                        a, pl.ds(_C + 16 * k, 16)
                    ]
            s = pltpu.make_async_copy(
                buf, o_hbm.at[pl.ds(base, _T), :, :], osem
            )
            s.start()
            s.wait()

        return carry

    lax.fori_loop(0, _NJ, body, 0)


def kernel(atom_embeddings):
    mesh = plsc.VectorSubcoreMesh(core_axis_name="c", subcore_axis_name="s")
    f = functools.partial(
        pl.kernel,
        out_type=jax.ShapeDtypeStruct((_N, _ROWS, _C), jnp.float32),
        mesh=mesh,
        scratch_types=[
            pltpu.VMEM((_T, _ROWS, _C), jnp.float32),
            pltpu.VMEM((_T, 2 * _C), jnp.float32),
            pltpu.SemaphoreType.DMA,
            pltpu.SemaphoreType.DMA,
        ],
    )(_sc_body)
    return f(atom_embeddings)

# --- scband reference (transcript-rebuilt; emitter-appended) ---
"""Pipeline reference for scband-so3-scalar-embedder-87677462380701 (READ-ONLY COPY).

The authoritative reference and input builder live on the scoring server;
editing this copy changes nothing except your own understanding.
"""

import jax, jax.numpy as jnp
import numpy as np

LMAX_LIST = [4, 4]
SPHERE_CHANNELS = 128


def setup_inputs(seed: int = 0) -> dict:
    key = jax.random.key(seed)
    sphere_channels_all = len(LMAX_LIST) * SPHERE_CHANNELS
    atom_embeddings = jax.random.normal(key, (10000, sphere_channels_all), dtype=jnp.float32)
    return {"atom_embeddings": atom_embeddings}


def reference(atom_embeddings):
    lmax_list = LMAX_LIST
    sphere_channels = SPHERE_CHANNELS
    num_resolutions = len(lmax_list)
    sphere_channels_all = num_resolutions * sphere_channels
    assert atom_embeddings.shape[1] == sphere_channels_all
    num_atoms = atom_embeddings.shape[0]
    total_coeffs = int(sum((l + 1) ** 2 for l in lmax_list))
    # SO3_Embedding internal tensor: zeros of shape (N, total_coeffs, sphere_channels)
    embedding = jnp.zeros((num_atoms, total_coeffs, sphere_channels), dtype=atom_embeddings.dtype)
    offset_res = 0
    offset_channels = 0
    for i in range(num_resolutions):
        if num_resolutions == 1:
            embedding = embedding.at[:, offset_res, :].set(atom_embeddings)
        else:
            embedding = embedding.at[:, offset_res, :].set(
                atom_embeddings[:, offset_channels:offset_channels + sphere_channels]
            )
        offset_channels += sphere_channels
        offset_res += int((lmax_list[i] + 1) ** 2)
    return embedding

if __name__ == "__main__":
    import jax
    _d = setup_inputs()
    print(jax.jit(kernel)(*tuple(_d.values())))

</pallas_src>

<mosaic_0001>
#map = affine_map<(d0, d1) -> (0, 0)>
#map1 = affine_map<(d0, d1) -> (0, 0, 0)>
module attributes {stable_mosaic.version = 14 : i64} {
  func.func @_sc_body(%arg0: i32, %arg1: i32, %arg2: memref<10000x256xf32, #tpu.memory_space<hbm>>, %arg3: memref<10000x50x128xf32, #tpu.memory_space<hbm>>, %arg4: memref<16x50x128xf32, #tpu.memory_space<vmem>>, %arg5: memref<16x256xf32, #tpu.memory_space<vmem>>, %arg6: memref<!tpu.dma_semaphore, #tpu.memory_space<semaphore_mem>>, %arg7: memref<!tpu.dma_semaphore, #tpu.memory_space<semaphore_mem>>) attributes {dimension_semantics = [#tpu.dimension_semantics<core_parallel>, #tpu.dimension_semantics<subcore_parallel>], iteration_bounds = array<i64: 2, 16>, scalar_prefetch = 0 : i64, scratch_operands = 4 : i64, tpu.core_type = #tpu.core_type<sc_vector_subcore>, window_params = [{transform_indices = #map}, {transform_indices = #map1}]} {
    %mul3A = arith.constant 2 : i32
    %mul3A_0 = arith.muli %arg1, %mul3A : i32
    %add3A = arith.addi %mul3A_0, %arg0 : i32
    %broadcast_in_dim3A = arith.constant 0.000000e+00 : f32
    %broadcast_in_dim3A_1 = vector.broadcast %broadcast_in_dim3A : f32 to vector<16xf32>
    %scan3A = arith.constant 0 : i32
    %scan3A_2 = arith.constant 0 : i32
    %scan3A_3 = arith.constant 800 : i32
    %scan3A_4 = arith.addi %scan3A_2, %scan3A_3 : i32
    %scan3A_5 = arith.constant 1 : i32
    scf.for %scan3A_13 = %scan3A_2 to %scan3A_4 step %scan3A_5  : i32 {
      %jit3A = arith.constant 50 : i32
      %div3A = arith.divsi %scan3A_13, %jit3A : i32
      %sign3A = arith.constant 0 : i32
      %sign3A_14 = arith.cmpi sgt, %scan3A_13, %sign3A : i32
      %sign3A_15 = arith.extui %sign3A_14 : i1 to i32
      %sign3A_16 = arith.constant 0 : i32
      %sign3A_17 = arith.cmpi slt, %scan3A_13, %sign3A_16 : i32
      %sign3A_18 = arith.extui %sign3A_17 : i1 to i32
      %sign3A_19 = arith.subi %sign3A_15, %sign3A_18 : i32
      %sign3A_20 = arith.constant 0 : i32
      %sign3A_21 = arith.cmpi sgt, %jit3A, %sign3A_20 : i32
      %sign3A_22 = arith.extui %sign3A_21 : i1 to i32
      %sign3A_23 = arith.constant 0 : i32
      %sign3A_24 = arith.cmpi slt, %jit3A, %sign3A_23 : i32
      %sign3A_25 = arith.extui %sign3A_24 : i1 to i32
      %sign3A_26 = arith.subi %sign3A_22, %sign3A_25 : i32
      %ne3A = arith.cmpi ne, %sign3A_19, %sign3A_26 : i32
      %rem3A = arith.remsi %scan3A_13, %jit3A : i32
      %ne3A_27 = arith.constant 0 : i32
      %ne3A_28 = arith.cmpi ne, %rem3A, %ne3A_27 : i32
      %and3A = arith.andi %ne3A, %ne3A_28 : i1
      %sub3A = arith.constant 1 : i32
      %sub3A_29 = arith.subi %div3A, %sub3A : i32
      %select_n3A = arith.select %and3A, %sub3A_29, %div3A : i32
      %mul3A_30 = arith.constant 50 : i32
      %mul3A_31 = arith.muli %select_n3A, %mul3A_30 : i32
      %sub3A_32 = arith.subi %scan3A_13, %mul3A_31 : i32
      %swap3A = arith.index_cast %select_n3A : i32 to index
      %swap3A_33 = arith.index_cast %sub3A_32 : i32 to index
      %swap3A_34 = arith.constant 0 : index
      %swap3A_35 = tpu.vector_load %arg4[%swap3A, %swap3A_33, %swap3A_34] {strides = array<i32>} : memref<16x50x128xf32, #tpu.memory_space<vmem>>, vector<1x1x16xf32>,
      %swap3A_36 = vector.shape_cast %swap3A_35 : vector<1x1x16xf32> to vector<16xf32>
      %swap3A_37 = vector.shape_cast %broadcast_in_dim3A_1 : vector<16xf32> to vector<1x1x16xf32>
      tpu.vector_store %arg4[%swap3A, %swap3A_33, %swap3A_34], %swap3A_37 {strides = array<i32>} : memref<16x50x128xf32, #tpu.memory_space<vmem>>, vector<1x1x16xf32>,
      %swap3A_38 = arith.index_cast %select_n3A : i32 to index
      %swap3A_39 = arith.index_cast %sub3A_32 : i32 to index
      %swap3A_40 = arith.constant 16 : index
      %swap3A_41 = tpu.vector_load %arg4[%swap3A_38, %swap3A_39, %swap3A_40] {strides = array<i32>} : memref<16x50x128xf32, #tpu.memory_space<vmem>>, vector<1x1x16xf32>,
      %swap3A_42 = vector.shape_cast %swap3A_41 : vector<1x1x16xf32> to vector<16xf32>
      %swap3A_43 = vector.shape_cast %broadcast_in_dim3A_1 : vector<16xf32> to vector<1x1x16xf32>
      tpu.vector_store %arg4[%swap3A_38, %swap3A_39, %swap3A_40], %swap3A_43 {strides = array<i32>} : memref<16x50x128xf32, #tpu.memory_space<vmem>>, vector<1x1x16xf32>,
      %swap3A_44 = arith.index_cast %select_n3A : i32 to index
      %swap3A_45 = arith.index_cast %sub3A_32 : i32 to index
      %swap3A_46 = arith.constant 32 : index
      %swap3A_47 = tpu.vector_load %arg4[%swap3A_44, %swap3A_45, %swap3A_46] {strides = array<i32>} : memref<16x50x128xf32, #tpu.memory_space<vmem>>, vector<1x1x16xf32>,
      %swap3A_48 = vector.shape_cast %swap3A_47 : vector<1x1x16xf32> to vector<16xf32>
      %swap3A_49 = vector.shape_cast %broadcast_in_dim3A_1 : vector<16xf32> to vector<1x1x16xf32>
      tpu.vector_store %arg4[%swap3A_44, %swap3A_45, %swap3A_46], %swap3A_49 {strides = array<i32>} : memref<16x50x128xf32, #tpu.memory_space<vmem>>, vector<1x1x16xf32>,
      %swap3A_50 = arith.index_cast %select_n3A : i32 to index
      %swap3A_51 = arith.index_cast %sub3A_32 : i32 to index
      %swap3A_52 = arith.constant 48 : index
      %swap3A_53 = tpu.vector_load %arg4[%swap3A_50, %swap3A_51, %swap3A_52] {strides = array<i32>} : memref<16x50x128xf32, #tpu.memory_space<vmem>>, vector<1x1x16xf32>,
      %swap3A_54 = vector.shape_cast %swap3A_53 : vector<1x1x16xf32> to vector<16xf32>
      %swap3A_55 = vector.shape_cast %broadcast_in_dim3A_1 : vector<16xf32> to vector<1x1x16xf32>
      tpu.vector_store %arg4[%swap3A_50, %swap3A_51, %swap3A_52], %swap3A_55 {strides = array<i32>} : memref<16x50x128xf32, #tpu.memory_space<vmem>>, vector<1x1x16xf32>,
      %swap3A_56 = arith.index_cast %select_n3A : i32 to index
      %swap3A_57 = arith.index_cast %sub3A_32 : i32 to index
      %swap3A_58 = arith.constant 64 : index
      %swap3A_59 = tpu.vector_load %arg4[%swap3A_56, %swap3A_57, %swap3A_58] {strides = array<i32>} : memref<16x50x128xf32, #tpu.memory_space<vmem>>, vector<1x1x16xf32>,
      %swap3A_60 = vector.shape_cast %swap3A_59 : vector<1x1x16xf32> to vector<16xf32>
      %swap3A_61 = vector.shape_cast %broadcast_in_dim3A_1 : vector<16xf32> to vector<1x1x16xf32>
      tpu.vector_store %arg4[%swap3A_56, %swap3A_57, %swap3A_58], %swap3A_61 {strides = array<i32>} : memref<16x50x128xf32, #tpu.memory_space<vmem>>, vector<1x1x16xf32>,
      %swap3A_62 = arith.index_cast %select_n3A : i32 to index
      %swap3A_63 = arith.index_cast %sub3A_32 : i32 to index
      %swap3A_64 = arith.constant 80 : index
      %swap3A_65 = tpu.vector_load %arg4[%swap3A_62, %swap3A_63, %swap3A_64] {strides = array<i32>} : memref<16x50x128xf32, #tpu.memory_space<vmem>>, vector<1x1x16xf32>,
      %swap3A_66 = vector.shape_cast %swap3A_65 : vector<1x1x16xf32> to vector<16xf32>
      %swap3A_67 = vector.shape_cast %broadcast_in_dim3A_1 : vector<16xf32> to vector<1x1x16xf32>
      tpu.vector_store %arg4[%swap3A_62, %swap3A_63, %swap3A_64], %swap3A_67 {strides = array<i32>} : memref<16x50x128xf32, #tpu.memory_space<vmem>>, vector<1x1x16xf32>,
      %swap3A_68 = arith.index_cast %select_n3A : i32 to index
      %swap3A_69 = arith.index_cast %sub3A_32 : i32 to index
      %swap3A_70 = arith.constant 96 : index
      %swap3A_71 = tpu.vector_load %arg4[%swap3A_68, %swap3A_69, %swap3A_70] {strides = array<i32>} : memref<16x50x128xf32, #tpu.memory_space<vmem>>, vector<1x1x16xf32>,
      %swap3A_72 = vector.shape_cast %swap3A_71 : vector<1x1x16xf32> to vector<16xf32>
      %swap3A_73 = vector.shape_cast %broadcast_in_dim3A_1 : vector<16xf32> to vector<1x1x16xf32>
      tpu.vector_store %arg4[%swap3A_68, %swap3A_69, %swap3A_70], %swap3A_73 {strides = array<i32>} : memref<16x50x128xf32, #tpu.memory_space<vmem>>, vector<1x1x16xf32>,
      %swap3A_74 = arith.index_cast %select_n3A : i32 to index
      %swap3A_75 = arith.index_cast %sub3A_32 : i32 to index
      %swap3A_76 = arith.constant 112 : index
      %swap3A_77 = tpu.vector_load %arg4[%swap3A_74, %swap3A_75, %swap3A_76] {strides = array<i32>} : memref<16x50x128xf32, #tpu.memory_space<vmem>>, vector<1x1x16xf32>,
      %swap3A_78 = vector.shape_cast %swap3A_77 : vector<1x1x16xf32> to vector<16xf32>
      %swap3A_79 = vector.shape_cast %broadcast_in_dim3A_1 : vector<16xf32> to vector<1x1x16xf32>
      tpu.vector_store %arg4[%swap3A_74, %swap3A_75, %swap3A_76], %swap3A_79 {strides = array<i32>} : memref<16x50x128xf32, #tpu.memory_space<vmem>>, vector<1x1x16xf32>,
    }
    %scan3A_6 = arith.constant 800 : i32
    %scan3A_7 = arith.constant 0 : i32
    %scan3A_8 = arith.constant 0 : i32
    %scan3A_9 = arith.constant 20 : i32
    %scan3A_10 = arith.addi %scan3A_8, %scan3A_9 : i32
    %scan3A_11 = arith.constant 1 : i32
    scf.for %scan3A_13 = %scan3A_8 to %scan3A_10 step %scan3A_11  : i32 {
      %mul3A_14 = arith.constant 32 : i32
      %mul3A_15 = arith.muli %mul3A_14, %scan3A_13 : i32
      %add3A_16 = arith.addi %add3A, %mul3A_15 : i32
      %lt3A = arith.constant 625 : i32
      %lt3A_17 = arith.cmpi slt, %add3A_16, %lt3A : i32
      %convert_element_type3A = arith.extui %lt3A_17 : i1 to i32
      %cond3A = arith.constant 0 : i32
      %cond3A_18 = arith.cmpi ne, %convert_element_type3A, %cond3A : i32
      scf.if %cond3A_18 {
        %mul3A_19 = arith.constant 16 : i32
        %mul3A_20 = arith.muli %add3A_16, %mul3A_19 : i32
        %dma_start3A = arith.constant 0 : i32
        %dma_start3A_21 = tpu.memref_slice %arg2[%mul3A_20, %dma_start3A] : memref<10000x256xf32, #tpu.memory_space<hbm>> -> memref<16x256xf32, #tpu.memory_space<hbm>>
        %dma_start3A_22 = arith.constant 0 : i32
        %dma_start3A_23 = tpu.memref_slice %arg2[%mul3A_20, %dma_start3A_22] : memref<10000x256xf32, #tpu.memory_space<hbm>> -> memref<16x256xf32, #tpu.memory_space<hbm>>
        tpu.enqueue_dma source(%dma_start3A_23 : memref<16x256xf32, #tpu.memory_space<hbm>>) target(%arg5 : memref<16x256xf32, #tpu.memory_space<vmem>>) target_semaphore(%arg6 : memref<!tpu.dma_semaphore, #tpu.memory_space<semaphore_mem>>)
        %dma_wait3A = arith.constant 0 : i32
        %dma_wait3A_24 = tpu.memref_slice %arg2[%mul3A_20, %dma_wait3A] : memref<10000x256xf32, #tpu.memory_space<hbm>> -> memref<16x256xf32, #tpu.memory_space<hbm>>
        %dma_wait3A_25 = arith.constant 0 : i32
        %dma_wait3A_26 = tpu.memref_slice %arg2[%mul3A_20, %dma_wait3A_25] : memref<10000x256xf32, #tpu.memory_space<hbm>> -> memref<16x256xf32, #tpu.memory_space<hbm>>
        tpu.wait_dma2 semaphore(%arg6 : memref<!tpu.dma_semaphore, #tpu.memory_space<semaphore_mem>>) src(%dma_wait3A_26 : memref<16x256xf32, #tpu.memory_space<hbm>>) dst(%arg5 : memref<16x256xf32, #tpu.memory_space<vmem>>)
        %get3A = arith.constant 0 : i32
        %get3A_27 = arith.index_cast %get3A : i32 to index
        %get3A_28 = arith.constant 0 : index
        %get3A_29 = tpu.vector_load %arg5[%get3A_27, %get3A_28] {strides = array<i32>} : memref<16x256xf32, #tpu.memory_space<vmem>>, vector<1x16xf32>,
        %get3A_30 = vector.shape_cast %get3A_29 : vector<1x16xf32> to vector<16xf32>
        %swap3A = arith.constant 0 : i32
        %swap3A_31 = arith.constant 0 : i32
        %swap3A_32 = arith.index_cast %swap3A : i32 to index
        %swap3A_33 = arith.index_cast %swap3A_31 : i32 to index
        %swap3A_34 = arith.constant 0 : index
        %swap3A_35 = tpu.vector_load %arg4[%swap3A_32, %swap3A_33, %swap3A_34] {strides = array<i32>} : memref<16x50x128xf32, #tpu.memory_space<vmem>>, vector<1x1x16xf32>,
        %swap3A_36 = vector.shape_cast %swap3A_35 : vector<1x1x16xf32> to vector<16xf32>
        %swap3A_37 = vector.shape_cast %get3A_30 : vector<16xf32> to vector<1x1x16xf32>
        tpu.vector_store %arg4[%swap3A_32, %swap3A_33, %swap3A_34], %swap3A_37 {strides = array<i32>} : memref<16x50x128xf32, #tpu.memory_space<vmem>>, vector<1x1x16xf32>,
        %get3A_38 = arith.constant 0 : i32
        %get3A_39 = arith.index_cast %get3A_38 : i32 to index
        %get3A_40 = arith.constant 128 : index
        %get3A_41 = tpu.vector_load %arg5[%get3A_39, %get3A_40] {strides = array<i32>} : memref<16x256xf32, #tpu.memory_space<vmem>>, vector<1x16xf32>,
        %get3A_42 = vector.shape_cast %get3A_41 : vector<1x16xf32> to vector<16xf32>
        %swap3A_43 = arith.constant 0 : i32
        %swap3A_44 = arith.constant 25 : i32
        %swap3A_45 = arith.index_cast %swap3A_43 : i32 to index
        %swap3A_46 = arith.index_cast %swap3A_44 : i32 to index
        %swap3A_47 = arith.constant 0 : index
        %swap3A_48 = tpu.vector_load %arg4[%swap3A_45, %swap3A_46, %swap3A_47] {strides = array<i32>} : memref<16x50x128xf32, #tpu.memory_space<vmem>>, vector<1x1x16xf32>,
        %swap3A_49 = vector.shape_cast %swap3A_48 : vector<1x1x16xf32> to vector<16xf32>
        %swap3A_50 = vector.shape_cast %get3A_42 : vector<16xf32> to vector<1x1x16xf32>
        tpu.vector_store %arg4[%swap3A_45, %swap3A_46, %swap3A_47], %swap3A_50 {strides = array<i32>} : memref<16x50x128xf32, #tpu.memory_space<vmem>>, vector<1x1x16xf32>,
        %get3A_51 = arith.constant 0 : i32
        %get3A_52 = arith.index_cast %get3A_51 : i32 to index
        %get3A_53 = arith.constant 16 : index
        %get3A_54 = tpu.vector_load %arg5[%get3A_52, %get3A_53] {strides = array<i32>} : memref<16x256xf32, #tpu.memory_space<vmem>>, vector<1x16xf32>,
        %get3A_55 = vector.shape_cast %get3A_54 : vector<1x16xf32> to vector<16xf32>
        %swap3A_56 = arith.constant 0 : i32
        %swap3A_57 = arith.constant 0 : i32
        %swap3A_58 = arith.index_cast %swap3A_56 : i32 to index
        %swap3A_59 = arith.index_cast %swap3A_57 : i32 to index
        %swap3A_60 = arith.constant 16 : index
        %swap3A_61 = tpu.vector_load %arg4[%swap3A_58, %swap3A_59, %swap3A_60] {strides = array<i32>} : memref<16x50x128xf32, #tpu.memory_space<vmem>>, vector<1x1x16xf32>,
        %swap3A_62 = vector.shape_cast %swap3A_61 : vector<1x1x16xf32> to vector<16xf32>
        %swap3A_63 = vector.shape_cast %get3A_55 : vector<16xf32> to vector<1x1x16xf32>
        tpu.vector_store %arg4[%swap3A_58, %swap3A_59, %swap3A_60], %swap3A_63 {strides = array<i32>} : memref<16x50x128xf32, #tpu.memory_space<vmem>>, vector<1x1x16xf32>,
        %get3A_64 = arith.constant 0 : i32
        %get3A_65 = arith.index_cast %get3A_64 : i32 to index
        %get3A_66 = arith.constant 144 : index
        %get3A_67 = tpu.vector_load %arg5[%get3A_65, %get3A_66] {strides = array<i32>} : memref<16x256xf32, #tpu.memory_space<vmem>>, vector<1x16xf32>,
        %get3A_68 = vector.shape_cast %get3A_67 : vector<1x16xf32> to vector<16xf32>
        %swap3A_69 = arith.constant 0 : i32
        %swap3A_70 = arith.constant 25 : i32
        %swap3A_71 = arith.index_cast %swap3A_69 : i32 to index
        %swap3A_72 = arith.index_cast %swap3A_70 : i32 to index
        %swap3A_73 = arith.constant 16 : index
        %swap3A_74 = tpu.vector_load %arg4[%swap3A_71, %swap3A_72, %swap3A_73] {strides = array<i32>} : memref<16x50x128xf32, #tpu.memory_space<vmem>>, vector<1x1x16xf32>,
        %swap3A_75 = vector.shape_cast %swap3A_74 : vector<1x1x16xf32> to vector<16xf32>
        %swap3A_76 = vector.shape_cast %get3A_68 : vector<16xf32> to vector<1x1x16xf32>
        tpu.vector_store %arg4[%swap3A_71, %swap3A_72, %swap3A_73], %swap3A_76 {strides = array<i32>} : memref<16x50x128xf32, #tpu.memory_space<vmem>>, vector<1x1x16xf32>,
        %get3A_77 = arith.constant 0 : i32
        %get3A_78 = arith.index_cast %get3A_77 : i32 to index
        %get3A_79 = arith.constant 32 : index
        %get3A_80 = tpu.vector_load %arg5[%get3A_78, %get3A_79] {strides = array<i32>} : memref<16x256xf32, #tpu.memory_space<vmem>>, vector<1x16xf32>,
        %get3A_81 = vector.shape_cast %get3A_80 : vector<1x16xf32> to vector<16xf32>
        %swap3A_82 = arith.constant 0 : i32
        %swap3A_83 = arith.constant 0 : i32
        %swap3A_84 = arith.index_cast %swap3A_82 : i32 to index
        %swap3A_85 = arith.index_cast %swap3A_83 : i32 to index
        %swap3A_86 = arith.constant 32 : index
        %swap3A_87 = tpu.vector_load %arg4[%swap3A_84, %swap3A_85, %swap3A_86] {strides = array<i32>} : memref<16x50x128xf32, #tpu.memory_space<vmem>>, vector<1x1x16xf32>,
        %swap3A_88 = vector.shape_cast %swap3A_87 : vector<1x1x16xf32> to vector<16xf32>
        %swap3A_89 = vector.shape_cast %get3A_81 : vector<16xf32> to vector<1x1x16xf32>
        tpu.vector_store %arg4[%swap3A_84, %swap3A_85, %swap3A_86], %swap3A_89 {strides = array<i32>} : memref<16x50x128xf32, #tpu.memory_space<vmem>>, vector<1x1x16xf32>,
        %get3A_90 = arith.constant 0 : i32
        %get3A_91 = arith.index_cast %get3A_90 : i32 to index
        %get3A_92 = arith.constant 160 : index
        %get3A_93 = tpu.vector_load %arg5[%get3A_91, %get3A_92] {strides = array<i32>} : memref<16x256xf32, #tpu.memory_space<vmem>>, vector<1x16xf32>,
        %get3A_94 = vector.shape_cast %get3A_93 : vector<1x16xf32> to vector<16xf32>
        %swap3A_95 = arith.constant 0 : i32
        %swap3A_96 = arith.constant 25 : i32
        %swap3A_97 = arith.index_cast %swap3A_95 : i32 to index
        %swap3A_98 = arith.index_cast %swap3A_96 : i32 to index
        %swap3A_99 = arith.constant 32 : index
        %swap3A_100 = tpu.vector_load %arg4[%swap3A_97, %swap3A_98, %swap3A_99] {strides = array<i32>} : memref<16x50x128xf32, #tpu.memory_space<vmem>>, vector<1x1x16xf32>,
        %swap3A_101 = vector.shape_cast %swap3A_100 : vector<1x1x16xf32> to vector<16xf32>
        %swap3A_102 = vector.shape_cast %get3A_94 : vector<16xf32> to vector<1x1x16xf32>
        tpu.vector_store %arg4[%swap3A_97, %swap3A_98, %swap3A_99], %swap3A_102 {strides = array<i32>} : memref<16x50x128xf32, #tpu.memory_space<vmem>>, vector<1x1x16xf32>,
        %get3A_103 = arith.constant 0 : i32
        %get3A_104 = arith.index_cast %get3A_103 : i32 to index
        %get3A_105 = arith.constant 48 : index
        %get3A_106 = tpu.vector_load %arg5[%get3A_104, %get3A_105] {strides = array<i32>} : memref<16x256xf32, #tpu.memory_space<vmem>>, vector<1x16xf32>,
        %get3A_107 = vector.shape_cast %get3A_106 : vector<1x16xf32> to vector<16xf32>
        %swap3A_108 = arith.constant 0 : i32
        %swap3A_109 = arith.constant 0 : i32
        %swap3A_110 = arith.index_cast %swap3A_108 : i32 to index
        %swap3A_111 = arith.index_cast %swap3A_109 : i32 to index
        %swap3A_112 = arith.constant 48 : index
        %swap3A_113 = tpu.vector_load %arg4[%swap3A_110, %swap3A_111, %swap3A_112] {strides = array<i32>} : memref<16x50x128xf32, #tpu.memory_space<vmem>>, vector<1x1x16xf32>,
        %swap3A_114 = vector.shape_cast %swap3A_113 : vector<1x1x16xf32> to vector<16xf32>
        %swap3A_115 = vector.shape_cast %get3A_107 : vector<16xf32> to vector<1x1x16xf32>
        tpu.vector_store %arg4[%swap3A_110, %swap3A_111, %swap3A_112], %swap3A_115 {strides = array<i32>} : memref<16x50x128xf32, #tpu.memory_space<vmem>>, vector<1x1x16xf32>,
        %get3A_116 = arith.constant 0 : i32
        %get3A_117 = arith.index_cast %get3A_116 : i32 to index
        %get3A_118 = arith.constant 176 : index
        %get3A_119 = tpu.vector_load %arg5[%get3A_117, %get3A_118] {strides = array<i32>} : memref<16x256xf32, #tpu.memory_space<vmem>>, vector<1x16xf32>,
        %get3A_120 = vector.shape_cast %get3A_119 : vector<1x16xf32> to vector<16xf32>
        %swap3A_121 = arith.constant 0 : i32
        %swap3A_122 = arith.constant 25 : i32
        %swap3A_123 = arith.index_cast %swap3A_121 : i32 to index
        %swap3A_124 = arith.index_cast %swap3A_122 : i32 to index
        %swap3A_125 = arith.constant 48 : index
        %swap3A_126 = tpu.vector_load %arg4[%swap3A_123, %swap3A_124, %swap3A_125] {strides = array<i32>} : memref<16x50x128xf32, #tpu.memory_space<vmem>>, vector<1x1x16xf32>,
        %swap3A_127 = vector.shape_cast %swap3A_126 : vector<1x1x16xf32> to vector<16xf32>
        %swap3A_128 = vector.shape_cast %get3A_120 : vector<16xf32> to vector<1x1x16xf32>
        tpu.vector_store %arg4[%swap3A_123, %swap3A_124, %swap3A_125], %swap3A_128 {strides = array<i32>} : memref<16x50x128xf32, #tpu.memory_space<vmem>>, vector<1x1x16xf32>,
        %get3A_129 = arith.constant 0 : i32
        %get3A_130 = arith.index_cast %get3A_129 : i32 to index
        %get3A_131 = arith.constant 64 : index
        %get3A_132 = tpu.vector_load %arg5[%get3A_130, %get3A_131] {strides = array<i32>} : memref<16x256xf32, #tpu.memory_space<vmem>>, vector<1x16xf32>,
        %get3A_133 = vector.shape_cast %get3A_132 : vector<1x16xf32> to vector<16xf32>
        %swap3A_134 = arith.constant 0 : i32
        %swap3A_135 = arith.constant 0 : i32
        %swap3A_136 = arith.index_cast %swap3A_134 : i32 to index
        %swap3A_137 = arith.index_cast %swap3A_135 : i32 to index
        %swap3A_138 = arith.constant 64 : index
        %swap3A_139 = tpu.vector_load %arg4[%swap3A_136, %swap3A_137, %swap3A_138] {strides = array<i32>} : memref<16x50x128xf32, #tpu.memory_space<vmem>>, vector<1x1x16xf32>,
        %swap3A_140 = vector.shape_cast %swap3A_139 : vector<1x1x16xf32> to vector<16xf32>
        %swap3A_141 = vector.shape_cast %get3A_133 : vector<16xf32> to vector<1x1x16xf32>
        tpu.vector_store %arg4[%swap3A_136, %swap3A_137, %swap3A_138], %swap3A_141 {strides = array<i32>} : memref<16x50x128xf32, #tpu.memory_space<vmem>>, vector<1x1x16xf32>,
        %get3A_142 = arith.constant 0 : i32
        %get3A_143 = arith.index_cast %get3A_142 : i32 to index
        %get3A_144 = arith.constant 192 : index
        %get3A_145 = tpu.vector_load %arg5[%get3A_143, %get3A_144] {strides = array<i32>} : memref<16x256xf32, #tpu.memory_space<vmem>>, vector<1x16xf32>,
        %get3A_146 = vector.shape_cast %get3A_145 : vector<1x16xf32> to vector<16xf32>
        %swap3A_147 = arith.constant 0 : i32
        %swap3A_148 = arith.constant 25 : i32
        %swap3A_149 = arith.index_cast %swap3A_147 : i32 to index
        %swap3A_150 = arith.index_cast %swap3A_148 : i32 to index
        %swap3A_151 = arith.constant 64 : index
        %swap3A_152 = tpu.vector_load %arg4[%swap3A_149, %swap3A_150, %swap3A_151] {strides = array<i32>} : memref<16x50x128xf32, #tpu.memory_space<vmem>>, vector<1x1x16xf32>,
        %swap3A_153 = vector.shape_cast %swap3A_152 : vector<1x1x16xf32> to vector<16xf32>
        %swap3A_154 = vector.shape_cast %get3A_146 : vector<16xf32> to vector<1x1x16xf32>
        tpu.vector_store %arg4[%swap3A_149, %swap3A_150, %swap3A_151], %swap3A_154 {strides = array<i32>} : memref<16x50x128xf32, #tpu.memory_space<vmem>>, vector<1x1x16xf32>,
        %get3A_155 = arith.constant 0 : i32
        %get3A_156 = arith.index_cast %get3A_155 : i32 to index
        %get3A_157 = arith.constant 80 : index
        %get3A_158 = tpu.vector_load %arg5[%get3A_156, %get3A_157] {strides = array<i32>} : memref<16x256xf32, #tpu.memory_space<vmem>>, vector<1x16xf32>,
        %get3A_159 = vector.shape_cast %get3A_158 : vector<1x16xf32> to vector<16xf32>
        %swap3A_160 = arith.constant 0 : i32
        %swap3A_161 = arith.constant 0 : i32
        %swap3A_162 = arith.index_cast %swap3A_160 : i32 to index
        %swap3A_163 = arith.index_cast %swap3A_161 : i32 to index
        %swap3A_164 = arith.constant 80 : index
        %swap3A_165 = tpu.vector_load %arg4[%swap3A_162, %swap3A_163, %swap3A_164] {strides = array<i32>} : memref<16x50x128xf32, #tpu.memory_space<vmem>>, vector<1x1x16xf32>,
        %swap3A_166 = vector.shape_cast %swap3A_165 : vector<1x1x16xf32> to vector<16xf32>
        %swap3A_167 = vector.shape_cast %get3A_159 : vector<16xf32> to vector<1x1x16xf32>
        tpu.vector_store %arg4[%swap3A_162, %swap3A_163, %swap3A_164], %swap3A_167 {strides = array<i32>} : memref<16x50x128xf32, #tpu.memory_space<vmem>>, vector<1x1x16xf32>,
        %get3A_168 = arith.constant 0 : i32
        %get3A_169 = arith.index_cast %get3A_168 : i32 to index
        %get3A_170 = arith.constant 208 : index
        %get3A_171 = tpu.vector_load %arg5[%get3A_169, %get3A_170] {strides = array<i32>} : memref<16x256xf32, #tpu.memory_space<vmem>>, vector<1x16xf32>,
        %get3A_172 = vector.shape_cast %get3A_171 : vector<1x16xf32> to vector<16xf32>
        %swap3A_173 = arith.constant 0 : i32
        %swap3A_174 = arith.constant 25 : i32
        %swap3A_175 = arith.index_cast %swap3A_173 : i32 to index
        %swap3A_176 = arith.index_cast %swap3A_174 : i32 to index
        %swap3A_177 = arith.constant 80 : index
        %swap3A_178 = tpu.vector_load %arg4[%swap3A_175, %swap3A_176, %swap3A_177] {strides = array<i32>} : memref<16x50x128xf32, #tpu.memory_space<vmem>>, vector<1x1x16xf32>,
        %swap3A_179 = vector.shape_cast %swap3A_178 : vector<1x1x16xf32> to vector<16xf32>
        %swap3A_180 = vector.shape_cast %get3A_172 : vector<16xf32> to vector<1x1x16xf32>
        tpu.vector_store %arg4[%swap3A_175, %swap3A_176, %swap3A_177], %swap3A_180 {strides = array<i32>} : memref<16x50x128xf32, #tpu.memory_space<vmem>>, vector<1x1x16xf32>,
        %get3A_181 = arith.constant 0 : i32
        %get3A_182 = arith.index_cast %get3A_181 : i32 to index
        %get3A_183 = arith.constant 96 : index
        %get3A_184 = tpu.vector_load %arg5[%get3A_182, %get3A_183] {strides = array<i32>} : memref<16x256xf32, #tpu.memory_space<vmem>>, vector<1x16xf32>,
        %get3A_185 = vector.shape_cast %get3A_184 : vector<1x16xf32> to vector<16xf32>
        %swap3A_186 = arith.constant 0 : i32
        %swap3A_187 = arith.constant 0 : i32
        %swap3A_188 = arith.index_cast %swap3A_186 : i32 to index
        %swap3A_189 = arith.index_cast %swap3A_187 : i32 to index
        %swap3A_190 = arith.constant 96 : index
        %swap3A_191 = tpu.vector_load %arg4[%swap3A_188, %swap3A_189, %swap3A_190] {strides = array<i32>} : memref<16x50x128xf32, #tpu.memory_space<vmem>>, vector<1x1x16xf32>,
        %swap3A_192 = vector.shape_cast %swap3A_191 : vector<1x1x16xf32> to vector<16xf32>
        %swap3A_193 = vector.shape_cast %get3A_185 : vector<16xf32> to vector<1x1x16xf32>
        tpu.vector_store %arg4[%swap3A_188, %swap3A_189, %swap3A_190], %swap3A_193 {strides = array<i32>} : memref<16x50x128xf32, #tpu.memory_space<vmem>>, vector<1x1x16xf32>,
        %get3A_194 = arith.constant 0 : i32
        %get3A_195 = arith.index_cast %get3A_194 : i32 to index
        %get3A_196 = arith.constant 224 : index
        %get3A_197 = tpu.vector_load %arg5[%get3A_195, %get3A_196] {strides = array<i32>} : memref<16x256xf32, #tpu.memory_space<vmem>>, vector<1x16xf32>,
        %get3A_198 = vector.shape_cast %get3A_197 : vector<1x16xf32> to vector<16xf32>
        %swap3A_199 = arith.constant 0 : i32
        %swap3A_200 = arith.constant 25 : i32
        %swap3A_201 = arith.index_cast %swap3A_199 : i32 to index
        %swap3A_202 = arith.index_cast %swap3A_200 : i32 to index
        %swap3A_203 = arith.constant 96 : index
        %swap3A_204 = tpu.vector_load %arg4[%swap3A_201, %swap3A_202, %swap3A_203] {strides = array<i32>} : memref<16x50x128xf32, #tpu.memory_space<vmem>>, vector<1x1x16xf32>,
        %swap3A_205 = vector.shape_cast %swap3A_204 : vector<1x1x16xf32> to vector<16xf32>
        %swap3A_206 = vector.shape_cast %get3A_198 : vector<16xf32> to vector<1x1x16xf32>
        tpu.vector_store %arg4[%swap3A_201, %swap3A_202, %swap3A_203], %swap3A_206 {strides = array<i32>} : memref<16x50x128xf32, #tpu.memory_space<vmem>>, vector<1x1x16xf32>,
        %get3A_207 = arith.constant 0 : i32
        %get3A_208 = arith.index_cast %get3A_207 : i32 to index
        %get3A_209 = arith.constant 112 : index
        %get3A_210 = tpu.vector_load %arg5[%get3A_208, %get3A_209] {strides = array<i32>} : memref<16x256xf32, #tpu.memory_space<vmem>>, vector<1x16xf32>,
        %get3A_211 = vector.shape_cast %get3A_210 : vector<1x16xf32> to vector<16xf32>
        %swap3A_212 = arith.constant 0 : i32
        %swap3A_213 = arith.constant 0 : i32
        %swap3A_214 = arith.index_cast %swap3A_212 : i32 to index
        %swap3A_215 = arith.index_cast %swap3A_213 : i32 to index
        %swap3A_216 = arith.constant 112 : index
        %swap3A_217 = tpu.vector_load %arg4[%swap3A_214, %swap3A_215, %swap3A_216] {strides = array<i32>} : memref<16x50x128xf32, #tpu.memory_space<vmem>>, vector<1x1x16xf32>,
        %swap3A_218 = vector.shape_cast %swap3A_217 : vector<1x1x16xf32> to vector<16xf32>
        %swap3A_219 = vector.shape_cast %get3A_211 : vector<16xf32> to vector<1x1x16xf32>
        tpu.vector_store %arg4[%swap3A_214, %swap3A_215, %swap3A_216], %swap3A_219 {strides = array<i32>} : memref<16x50x128xf32, #tpu.memory_space<vmem>>, vector<1x1x16xf32>,
        %get3A_220 = arith.constant 0 : i32
        %get3A_221 = arith.index_cast %get3A_220 : i32 to index
        %get3A_222 = arith.constant 240 : index
        %get3A_223 = tpu.vector_load %arg5[%get3A_221, %get3A_222] {strides = array<i32>} : memref<16x256xf32, #tpu.memory_space<vmem>>, vector<1x16xf32>,
        %get3A_224 = vector.shape_cast %get3A_223 : vector<1x16xf32> to vector<16xf32>
        %swap3A_225 = arith.constant 0 : i32
        %swap3A_226 = arith.constant 25 : i32
        %swap3A_227 = arith.index_cast %swap3A_225 : i32 to index
        %swap3A_228 = arith.index_cast %swap3A_226 : i32 to index
        %swap3A_229 = arith.constant 112 : index
        %swap3A_230 = tpu.vector_load %arg4[%swap3A_227, %swap3A_228, %swap3A_229] {strides = array<i32>} : memref<16x50x128xf32, #tpu.memory_space<vmem>>, vector<1x1x16xf32>,
        %swap3A_231 = vector.shape_cast %swap3A_230 : vector<1x1x16xf32> to vector<16xf32>
        %swap3A_232 = vector.shape_cast %get3A_224 : vector<16xf32> to vector<1x1x16xf32>
        tpu.vector_store %arg4[%swap3A_227, %swap3A_228, %swap3A_229], %swap3A_232 {strides = array<i32>} : memref<16x50x128xf32, #tpu.memory_space<vmem>>, vector<1x1x16xf32>,
        %get3A_233 = arith.constant 1 : i32
        %get3A_234 = arith.index_cast %get3A_233 : i32 to index
        %get3A_235 = arith.constant 0 : index
        %get3A_236 = tpu.vector_load %arg5[%get3A_234, %get3A_235] {strides = array<i32>} : memref<16x256xf32, #tpu.memory_space<vmem>>, vector<1x16xf32>,
        %get3A_237 = vector.shape_cast %get3A_236 : vector<1x16xf32> to vector<16xf32>
        %swap3A_238 = arith.constant 1 : i32
        %swap3A_239 = arith.constant 0 : i32
        %swap3A_240 = arith.index_cast %swap3A_238 : i32 to index
        %swap3A_241 = arith.index_cast %swap3A_239 : i32 to index
        %swap3A_242 = arith.constant 0 : index
        %swap3A_243 = tpu.vector_load %arg4[%swap3A_240, %swap3A_241, %swap3A_242] {strides = array<i32>} : memref<16x50x128xf32, #tpu.memory_space<vmem>>, vector<1x1x16xf32>,
        %swap3A_244 = vector.shape_cast %swap3A_243 : vector<1x1x16xf32> to vector<16xf32>
        %swap3A_245 = vector.shape_cast %get3A_237 : vector<16xf32> to vector<1x1x16xf32>
        tpu.vector_store %arg4[%swap3A_240, %swap3A_241, %swap3A_242], %swap3A_245 {strides = array<i32>} : memref<16x50x128xf32, #tpu.memory_space<vmem>>, vector<1x1x16xf32>,
        %get3A_246 = arith.constant 1 : i32
        %get3A_247 = arith.index_cast %get3A_246 : i32 to index
        %get3A_248 = arith.constant 128 : index
        %get3A_249 = tpu.vector_load %arg5[%get3A_247, %get3A_248] {strides = array<i32>} : memref<16x256xf32, #tpu.memory_space<vmem>>, vector<1x16xf32>,
        %get3A_250 = vector.shape_cast %get3A_249 : vector<1x16xf32> to vector<16xf32>
        %swap3A_251 = arith.constant 1 : i32
        %swap3A_252 = arith.constant 25 : i32
        %swap3A_253 = arith.index_cast %swap3A_251 : i32 to index
        %swap3A_254 = arith.index_cast %swap3A_252 : i32 to index
        %swap3A_255 = arith.constant 0 : index
        %swap3A_256 = tpu.vector_load %arg4[%swap3A_253, %swap3A_254, %swap3A_255] {strides = array<i32>} : memref<16x50x128xf32, #tpu.memory_space<vmem>>, vector<1x1x16xf32>,
        %swap3A_257 = vector.shape_cast %swap3A_256 : vector<1x1x16xf32> to vector<16xf32>
        %swap3A_258 = vector.shape_cast %get3A_250 : vector<16xf32> to vector<1x1x16xf32>
        tpu.vector_store %arg4[%swap3A_253, %swap3A_254, %swap3A_255], %swap3A_258 {strides = array<i32>} : memref<16x50x128xf32, #tpu.memory_space<vmem>>, vector<1x1x16xf32>,
        %get3A_259 = arith.constant 1 : i32
        %get3A_260 = arith.index_cast %get3A_259 : i32 to index
        %get3A_261 = arith.constant 16 : index
        %get3A_262 = tpu.vector_load %arg5[%get3A_260, %get3A_261] {strides = array<i32>} : memref<16x256xf32, #tpu.memory_space<vmem>>, vector<1x16xf32>,
        %get3A_263 = vector.shape_cast %get3A_262 : vector<1x16xf32> to vector<16xf32>
        %swap3A_264 = arith.constant 1 : i32
        %swap3A_265 = arith.constant 0 : i32
        %swap3A_266 = arith.index_cast %swap3A_264 : i32 to index
        %swap3A_267 = arith.index_cast %swap3A_265 : i32 to index
        %swap3A_268 = arith.constant 16 : index
        %swap3A_269 = tpu.vector_load %arg4[%swap3A_266, %swap3A_267, %swap3A_268] {strides = array<i32>} : memref<16x50x128xf32, #tpu.memory_space<vmem>>, vector<1x1x16xf32>,
        %swap3A_270 = vector.shape_cast %swap3A_269 : vector<1x1x16xf32> to vector<16xf32>
        %swap3A_271 = vector.shape_cast %get3A_263 : vector<16xf32> to vector<1x1x16xf32>
        tpu.vector_store %arg4[%swap3A_266, %swap3A_267, %swap3A_268], %swap3A_271 {strides = array<i32>} : memref<16x50x128xf32, #tpu.memory_space<vmem>>, vector<1x1x16xf32>,
        %get3A_272 = arith.constant 1 : i32
        %get3A_273 = arith.index_cast %get3A_272 : i32 to index
        %get3A_274 = arith.constant 144 : index
        %get3A_275 = tpu.vector_load %arg5[%get3A_273, %get3A_274] {strides = array<i32>} : memref<16x256xf32, #tpu.memory_space<vmem>>, vector<1x16xf32>,
        %get3A_276 = vector.shape_cast %get3A_275 : vector<1x16xf32> to vector<16xf32>
        %swap3A_277 = arith.constant 1 : i32
        %swap3A_278 = arith.constant 25 : i32
        %swap3A_279 = arith.index_cast %swap3A_277 : i32 to index
        %swap3A_280 = arith.index_cast %swap3A_278 : i32 to index
        %swap3A_281 = arith.constant 16 : index
        %swap3A_282 = tpu.vector_load %arg4[%swap3A_279, %swap3A_280, %swap3A_281] {strides = array<i32>} : memref<16x50x128xf32, #tpu.memory_space<vmem>>, vector<1x1x16xf32>,
        %swap3A_283 = vector.shape_cast %swap3A_282 : vector<1x1x16xf32> to vector<16xf32>
        %swap3A_284 = vector.shape_cast %get3A_276 : vector<16xf32> to vector<1x1x16xf32>
        tpu.vector_store %arg4[%swap3A_279, %swap3A_280, %swap3A_281], %swap3A_284 {strides = array<i32>} : memref<16x50x128xf32, #tpu.memory_space<vmem>>, vector<1x1x16xf32>,
        %get3A_285 = arith.constant 1 : i32
        %get3A_286 = arith.index_cast %get3A_285 : i32 to index
        %get3A_287 = arith.constant 32 : index
        %get3A_288 = tpu.vector_load %arg5[%get3A_286, %get3A_287] {strides = array<i32>} : memref<16x256xf32, #tpu.memory_space<vmem>>, vector<1x16xf32>,
        %get3A_289 = vector.shape_cast %get3A_288 : vector<1x16xf32> to vector<16xf32>
        %swap3A_290 = arith.constant 1 : i32
        %swap3A_291 = arith.constant 0 : i32
        %swap3A_292 = arith.index_cast %swap3A_290 : i32 to index
        %swap3A_293 = arith.index_cast %swap3A_291 : i32 to index
        %swap3A_294 = arith.constant 32 : index
        %swap3A_295 = tpu.vector_load %arg4[%swap3A_292, %swap3A_293, %swap3A_294] {strides = array<i32>} : memref<16x50x128xf32, #tpu.memory_space<vmem>>, vector<1x1x16xf32>,
        %swap3A_296 = vector.shape_cast %swap3A_295 : vector<1x1x16xf32> to vector<16xf32>
        %swap3A_297 = vector.shape_cast %get3A_289 : vector<16xf32> to vector<1x1x16xf32>
        tpu.vector_store %arg4[%swap3A_292, %swap3A_293, %swap3A_294], %swap3A_297 {strides = array<i32>} : memref<16x50x128xf32, #tpu.memory_space<vmem>>, vector<1x1x16xf32>,
        %get3A_298 = arith.constant 1 : i32
        %get3A_299 = arith.index_cast %get3A_298 : i32 to index
        %get3A_300 = arith.constant 160 : index
        %get3A_301 = tpu.vector_load %arg5[%get3A_299, %get3A_300] {strides = array<i32>} : memref<16x256xf32, #tpu.memory_space<vmem>>, vector<1x16xf32>,
        %get3A_302 = vector.shape_cast %get3A_301 : vector<1x16xf32> to vector<16xf32>
        %swap3A_303 = arith.constant 1 : i32
        %swap3A_304 = arith.constant 25 : i32
        %swap3A_305 = arith.index_cast %swap3A_303 : i32 to index
        %swap3A_306 = arith.index_cast %swap3A_304 : i32 to index
        %swap3A_307 = arith.constant 32 : index
        %swap3A_308 = tpu.vector_load %arg4[%swap3A_305, %swap3A_306, %swap3A_307] {strides = array<i32>} : memref<16x50x128xf32, #tpu.memory_space<vmem>>, vector<1x1x16xf32>,
        %swap3A_309 = vector.shape_cast %swap3A_308 : vector<1x1x16xf32> to vector<16xf32>
        %swap3A_310 = vector.shape_cast %get3A_302 : vector<16xf32> to vector<1x1x16xf32>
        tpu.vector_store %arg4[%swap3A_305, %swap3A_306, %swap3A_307], %swap3A_310 {strides = array<i32>} : memref<16x50x128xf32, #tpu.memory_space<vmem>>, vector<1x1x16xf32>,
        %get3A_311 = arith.constant 1 : i32
        %get3A_312 = arith.index_cast %get3A_311 : i32 to index
        %get3A_313 = arith.constant 48 : index
        %get3A_314 = tpu.vector_load %arg5[%get3A_312, %get3A_313] {strides = array<i32>} : memref<16x256xf32, #tpu.memory_space<vmem>>, vector<1x16xf32>,
        %get3A_315 = vector.shape_cast %get3A_314 : vector<1x16xf32> to vector<16xf32>
        %swap3A_316 = arith.constant 1 : i32
        %swap3A_317 = arith.constant 0 : i32
        %swap3A_318 = arith.index_cast %swap3A_316 : i32 to index
        %swap3A_319 = arith.index_cast %swap3A_317 : i32 to index
        %swap3A_320 = arith.constant 48 : index
        %swap3A_321 = tpu.vector_load %arg4[%swap3A_318, %swap3A_319, %swap3A_320] {strides = array<i32>} : memref<16x50x128xf32, #tpu.memory_space<vmem>>, vector<1x1x16xf32>,
        %swap3A_322 = vector.shape_cast %swap3A_321 : vector<1x1x16xf32> to vector<16xf32>
        %swap3A_323 = vector.shape_cast %get3A_315 : vector<16xf32> to vector<1x1x16xf32>
        tpu.vector_store %arg4[%swap3A_318, %swap3A_319, %swap3A_320], %swap3A_323 {strides = array<i32>} : memref<16x50x128xf32, #tpu.memory_space<vmem>>, vector<1x1x16xf32>,
        %get3A_324 = arith.constant 1 : i32
        %get3A_325 = arith.index_cast %get3A_324 : i32 to index
        %get3A_326 = arith.constant 176 : index
        %get3A_327 = tpu.vector_load %arg5[%get3A_325, %get3A_326] {strides = array<i32>} : memref<16x256xf32, #tpu.memory_space<vmem>>, vector<1x16xf32>,
        %get3A_328 = vector.shape_cast %get3A_327 : vector<1x16xf32> to vector<16xf32>
        %swap3A_329 = arith.constant 1 : i32
        %swap3A_330 = arith.constant 25 : i32
        %swap3A_331 = arith.index_cast %swap3A_329 : i32 to index
        %swap3A_332 = arith.index_cast %swap3A_330 : i32 to index
        %swap3A_333 = arith.constant 48 : index
        %swap3A_334 = tpu.vector_load %arg4[%swap3A_331, %swap3A_332, %swap3A_333] {strides = array<i32>} : memref<16x50x128xf32, #tpu.memory_space<vmem>>, vector<1x1x16xf32>,
        %swap3A_335 = vector.shape_cast %swap3A_334 : vector<1x1x16xf32> to vector<16xf32>
        %swap3A_336 = vector.shape_cast %get3A_328 : vector<16xf32> to vector<1x1x16xf32>
        tpu.vector_store %arg4[%swap3A_331, %swap3A_332, %swap3A_333], %swap3A_336 {strides = array<i32>} : memref<16x50x128xf32, #tpu.memory_space<vmem>>, vector<1x1x16xf32>,
        %get3A_337 = arith.constant 1 : i32
        %get3A_338 = arith.index_cast %get3A_337 : i32 to index
        %get3A_339 = arith.constant 64 : index
        %get3A_340 = tpu.vector_load %arg5[%get3A_338, %get3A_339] {strides = array<i32>} : memref<16x256xf32, #tpu.memory_space<vmem>>, vector<1x16xf32>,
        %get3A_341 = vector.shape_cast %get3A_340 : vector<1x16xf32> to vector<16xf32>
        %swap3A_342 = arith.constant 1 : i32
        %swap3A_343 = arith.constant 0 : i32
        %swap3A_344 = arith.index_cast %swap3A_342 : i32 to index
        %swap3A_345 = arith.index_cast %swap3A_343 : i32 to index
        %swap3A_346 = arith.constant 64 : index
        %swap3A_347 = tpu.vector_load %arg4[%swap3A_344, %swap3A_345, %swap3A_346] {strides = array<i32>} : memref<16x50x128xf32, #tpu.memory_space<vmem>>, vector<1x1x16xf32>,
        %swap3A_348 = vector.shape_cast %swap3A_347 : vector<1x1x16xf32> to vector<16xf32>
        %swap3A_349 = vector.shape_cast %get3A_341 : vector<16xf32> to vector<1x1x16xf32>
        tpu.vector_store %arg4[%swap3A_344, %swap3A_345, %swap3A_346], %swap3A_349 {strides = array<i32>} : memref<16x50x128xf32, #tpu.memory_space<vmem>>, vector<1x1x16xf32>,
        %get3A_350 = arith.constant 1 : i32
        %get3A_351 = arith.index_cast %get3A_350 : i32 to index
        %get3A_352 = arith.constant 192 : index
        %get3A_353 = tpu.vector_load %arg5[%get3A_351, %get3A_352] {strides = array<i32>} : memref<16x256xf32, #tpu.memory_space<vmem>>, vector<1x16xf32>,
        %get3A_354 = vector.shape_cast %get3A_353 : vector<1x16xf32> to vector<16xf32>
        %swap3A_355 = arith.constant 1 : i32
        %swap3A_356 = arith.constant 25 : i32
        %swap3A_357 = arith.index_cast %swap3A_355 : i32 to index
        %swap3A_358 = arith.index_cast %swap3A_356 : i32 to index
        %swap3A_359 = arith.constant 64 : index
        %swap3A_360 = tpu.vector_load %arg4[%swap3A_357, %swap3A_358, %swap3A_359] {strides = array<i32>} : memref<16x50x128xf32, #tpu.memory_space<vmem>>, vector<1x1x16xf32>,
        %swap3A_361 = vector.shape_cast %swap3A_360 : vector<1x1x16xf32> to vector<16xf32>
        %swap3A_362 = vector.shape_cast %get3A_354 : vector<16xf32> to vector<1x1x16xf32>
        tpu.vector_store %arg4[%swap3A_357, %swap3A_358, %swap3A_359], %swap3A_362 {strides = array<i32>} : memref<16x50x128xf32, #tpu.memory_space<vmem>>, vector<1x1x16xf32>,
        %get3A_363 = arith.constant 1 : i32
        %get3A_364 = arith.index_cast %get3A_363 : i32 to index
        %get3A_365 = arith.constant 80 : index
        %get3A_366 = tpu.vector_load %arg5[%get3A_364, %get3A_365] {strides = array<i32>} : memref<16x256xf32, #tpu.memory_space<vmem>>, vector<1x16xf32>,
        %get3A_367 = vector.shape_cast %get3A_366 : vector<1x16xf32> to vector<16xf32>
        %swap3A_368 = arith.constant 1 : i32
        %swap3A_369 = arith.constant 0 : i32
        %swap3A_370 = arith.index_cast %swap3A_368 : i32 to index
        %swap3A_371 = arith.index_cast %swap3A_369 : i32 to index
        %swap3A_372 = arith.constant 80 : index
        %swap3A_373 = tpu.vector_load %arg4[%swap3A_370, %swap3A_371, %swap3A_372] {strides = array<i32>} : memref<16x50x128xf32, #tpu.memory_space<vmem>>, vector<1x1x16xf32>,
        %swap3A_374 = vector.shape_cast %swap3A_373 : vector<1x1x16xf32> to vector<16xf32>
        %swap3A_375 = vector.shape_cast %get3A_367 : vector<16xf32> to vector<1x1x16xf32>
        tpu.vector_store %arg4[%swap3A_370, %swap3A_371, %swap3A_372], %swap3A_375 {strides = array<i32>} : memref<16x50x128xf32, #tpu.memory_space<vmem>>, vector<1x1x16xf32>,
        %get3A_376 = arith.constant 1 : i32
        %get3A_377 = arith.index_cast %get3A_376 : i32 to index
        %get3A_378 = arith.constant 208 : index
        %get3A_379 = tpu.vector_load %arg5[%get3A_377, %get3A_378] {strides = array<i32>} : memref<16x256xf32, #tpu.memory_space<vmem>>, vector<1x16xf32>,
        %get3A_380 = vector.shape_cast %get3A_379 : vector<1x16xf32> to vector<16xf32>
        %swap3A_381 = arith.constant 1 : i32
        %swap3A_382 = arith.constant 25 : i32
        %swap3A_383 = arith.index_cast %swap3A_381 : i32 to index
        %swap3A_384 = arith.index_cast %swap3A_382 : i32 to index
        %swap3A_385 = arith.constant 80 : index
        %swap3A_386 = tpu.vector_load %arg4[%swap3A_383, %swap3A_384, %swap3A_385] {strides = array<i32>} : memref<16x50x128xf32, #tpu.memory_space<vmem>>, vector<1x1x16xf32>,
        %swap3A_387 = vector.shape_cast %swap3A_386 : vector<1x1x16xf32> to vector<16xf32>
        %swap3A_388 = vector.shape_cast %get3A_380 : vector<16xf32> to vector<1x1x16xf32>
        tpu.vector_store %arg4[%swap3A_383, %swap3A_384, %swap3A_385], %swap3A_388 {strides = array<i32>} : memref<16x50x128xf32, #tpu.memory_space<vmem>>, vector<1x1x16xf32>,
        %get3A_389 = arith.constant 1 : i32
        %get3A_390 = arith.index_cast %get3A_389 : i32 to index
        %get3A_391 = arith.constant 96 : index
        %get3A_392 = tpu.vector_load %arg5[%get3A_390, %get3A_391] {strides = array<i32>} : memref<16x256xf32, #tpu.memory_space<vmem>>, vector<1x16xf32>,
        %get3A_393 = vector.shape_cast %get3A_392 : vector<1x16xf32> to vector<16xf32>
        %swap3A_394 = arith.constant 1 : i32
        %swap3A_395 = arith.constant 0 : i32
        %swap3A_396 = arith.index_cast %swap3A_394 : i32 to index
        %swap3A_397 = arith.index_cast %swap3A_395 : i32 to index
        %swap3A_398 = arith.constant 96 : index
        %swap3A_399 = tpu.vector_load %arg4[%swap3A_396, %swap3A_397, %swap3A_398] {strides = array<i32>} : memref<16x50x128xf32, #tpu.memory_space<vmem>>, vector<1x1x16xf32>,
        %swap3A_400 = vector.shape_cast %swap3A_399 : vector<1x1x16xf32> to vector<16xf32>
        %swap3A_401 = vector.shape_cast %get3A_393 : vector<16xf32> to vector<1x1x16xf32>
        tpu.vector_store %arg4[%swap3A_396, %swap3A_397, %swap3A_398], %swap3A_401 {strides = array<i32>} : memref<16x50x128xf32, #tpu.memory_space<vmem>>, vector<1x1x16xf32>,
        %get3A_402 = arith.constant 1 : i32
        %get3A_403 = arith.index_cast %get3A_402 : i32 to index
        %get3A_404 = arith.constant 224 : index
        %get3A_405 = tpu.vector_load %arg5[%get3A_403, %get3A_404] {strides = array<i32>} : memref<16x256xf32, #tpu.memory_space<vmem>>, vector<1x16xf32>,
        %get3A_406 = vector.shape_cast %get3A_405 : vector<1x16xf32> to vector<16xf32>
        %swap3A_407 = arith.constant 1 : i32
        %swap3A_408 = arith.constant 25 : i32
        %swap3A_409 = arith.index_cast %swap3A_407 : i32 to index
        %swap3A_410 = arith.index_cast %swap3A_408 : i32 to index
        %swap3A_411 = arith.constant 96 : index
        %swap3A_412 = tpu.vector_load %arg4[%swap3A_409, %swap3A_410, %swap3A_411] {strides = array<i32>} : memref<16x50x128xf32, #tpu.memory_space<vmem>>, vector<1x1x16xf32>,
        %swap3A_413 = vector.shape_cast %swap3A_412 : vector<1x1x16xf32> to vector<16xf32>
        %swap3A_414 = vector.shape_cast %get3A_406 : vector<16xf32> to vector<1x1x16xf32>
        tpu.vector_store %arg4[%swap3A_409, %swap3A_410, %swap3A_411], %swap3A_414 {strides = array<i32>} : memref<16x50x128xf32, #tpu.memory_space<vmem>>, vector<1x1x16xf32>,
        %get3A_415 = arith.constant 1 : i32
        %get3A_416 = arith.index_cast %get3A_415 : i32 to index
        %get3A_417 = arith.constant 112 : index
        %get3A_418 = tpu.vector_load %arg5[%get3A_416, %get3A_417] {strides = array<i32>} : memref<16x256xf32, #tpu.memory_space<vmem>>, vector<1x16xf32>,
        %get3A_419 = vector.shape_cast %get3A_418 : vector<1x16xf32> to vector<16xf32>
        %swap3A_420 = arith.constant 1 : i32
        %swap3A_421 = arith.constant 0 : i32
        %swap3A_422 = arith.index_cast %swap3A_420 : i32 to index
        %swap3A_423 = arith.index_cast %swap3A_421 : i32 to index
        %swap3A_424 = arith.constant 112 : index
        %swap3A_425 = tpu.vector_load %arg4[%swap3A_422, %swap3A_423, %swap3A_424] {strides = array<i32>} : memref<16x50x128xf32, #tpu.memory_space<vmem>>, vector<1x1x16xf32>,
        %swap3A_426 = vector.shape_cast %swap3A_425 : vector<1x1x16xf32> to vector<16xf32>
        %swap3A_427 = vector.shape_cast %get3A_419 : vector<16xf32> to vector<1x1x16xf32>
        tpu.vector_store %arg4[%swap3A_422, %swap3A_423, %swap3A_424], %swap3A_427 {strides = array<i32>} : memref<16x50x128xf32, #tpu.memory_space<vmem>>, vector<1x1x16xf32>,
        %get3A_428 = arith.constant 1 : i32
        %get3A_429 = arith.index_cast %get3A_428 : i32 to index
        %get3A_430 = arith.constant 240 : index
        %get3A_431 = tpu.vector_load %arg5[%get3A_429, %get3A_430] {strides = array<i32>} : memref<16x256xf32, #tpu.memory_space<vmem>>, vector<1x16xf32>,
        %get3A_432 = vector.shape_cast %get3A_431 : vector<1x16xf32> to vector<16xf32>
        %swap3A_433 = arith.constant 1 : i32
        %swap3A_434 = arith.constant 25 : i32
        %swap3A_435 = arith.index_cast %swap3A_433 : i32 to index
        %swap3A_436 = arith.index_cast %swap3A_434 : i32 to index
        %swap3A_437 = arith.constant 112 : index
        %swap3A_438 = tpu.vector_load %arg4[%swap3A_435, %swap3A_436, %swap3A_437] {strides = array<i32>} : memref<16x50x128xf32, #tpu.memory_space<vmem>>, vector<1x1x16xf32>,
        %swap3A_439 = vector.shape_cast %swap3A_438 : vector<1x1x16xf32> to vector<16xf32>
        %swap3A_440 = vector.shape_cast %get3A_432 : vector<16xf32> to vector<1x1x16xf32>
        tpu.vector_store %arg4[%swap3A_435, %swap3A_436, %swap3A_437], %swap3A_440 {strides = array<i32>} : memref<16x50x128xf32, #tpu.memory_space<vmem>>, vector<1x1x16xf32>,
        %get3A_441 = arith.constant 2 : i32
        %get3A_442 = arith.index_cast %get3A_441 : i32 to index
        %get3A_443 = arith.constant 0 : index
        %get3A_444 = tpu.vector_load %arg5[%get3A_442, %get3A_443] {strides = array<i32>} : memref<16x256xf32, #tpu.memory_space<vmem>>, vector<1x16xf32>,
        %get3A_445 = vector.shape_cast %get3A_444 : vector<1x16xf32> to vector<16xf32>
        %swap3A_446 = arith.constant 2 : i32
        %swap3A_447 = arith.constant 0 : i32
        %swap3A_448 = arith.index_cast %swap3A_446 : i32 to index
        %swap3A_449 = arith.index_cast %swap3A_447 : i32 to index
        %swap3A_450 = arith.constant 0 : index
        %swap3A_451 = tpu.vector_load %arg4[%swap3A_448, %swap3A_449, %swap3A_450] {strides = array<i32>} : memref<16x50x128xf32, #tpu.memory_space<vmem>>, vector<1x1x16xf32>,
        %swap3A_452 = vector.shape_cast %swap3A_451 : vector<1x1x16xf32> to vector<16xf32>
        %swap3A_453 = vector.shape_cast %get3A_445 : vector<16xf32> to vector<1x1x16xf32>
        tpu.vector_store %arg4[%swap3A_448, %swap3A_449, %swap3A_450], %swap3A_453 {strides = array<i32>} : memref<16x50x128xf32, #tpu.memory_space<vmem>>, vector<1x1x16xf32>,
        %get3A_454 = arith.constant 2 : i32
        %get3A_455 = arith.index_cast %get3A_454 : i32 to index
        %get3A_456 = arith.constant 128 : index
        %get3A_457 = tpu.vector_load %arg5[%get3A_455, %get3A_456] {strides = array<i32>} : memref<16x256xf32, #tpu.memory_space<vmem>>, vector<1x16xf32>,
        %get3A_458 = vector.shape_cast %get3A_457 : vector<1x16xf32> to vector<16xf32>
        %swap3A_459 = arith.constant 2 : i32
        %swap3A_460 = arith.constant 25 : i32
        %swap3A_461 = arith.index_cast %swap3A_459 : i32 to index
        %swap3A_462 = arith.index_cast %swap3A_460 : i32 to index
        %swap3A_463 = arith.constant 0 : index
        %swap3A_464 = tpu.vector_load %arg4[%swap3A_461, %swap3A_462, %swap3A_463] {strides = array<i32>} : memref<16x50x128xf32, #tpu.memory_space<vmem>>, vector<1x1x16xf32>,
        %swap3A_465 = vector.shape_cast %swap3A_464 : vector<1x1x16xf32> to vector<16xf32>
        %swap3A_466 = vector.shape_cast %get3A_458 : vector<16xf32> to vector<1x1x16xf32>
        tpu.vector_store %arg4[%swap3A_461, %swap3A_462, %swap3A_463], %swap3A_466 {strides = array<i32>} : memref<16x50x128xf32, #tpu.memory_space<vmem>>, vector<1x1x16xf32>,
        %get3A_467 = arith.constant 2 : i32
        %get3A_468 = arith.index_cast %get3A_467 : i32 to index
        %get3A_469 = arith.constant 16 : index
        %get3A_470 = tpu.vector_load %arg5[%get3A_468, %get3A_469] {strides = array<i32>} : memref<16x256xf32, #tpu.memory_space<vmem>>, vector<1x16xf32>,
        %get3A_471 = vector.shape_cast %get3A_470 : vector<1x16xf32> to vector<16xf32>
        %swap3A_472 = arith.constant 2 : i32
        %swap3A_473 = arith.constant 0 : i32
        %swap3A_474 = arith.index_cast %swap3A_472 : i32 to index
        %swap3A_475 = arith.index_cast %swap3A_473 : i32 to index
        %swap3A_476 = arith.constant 16 : index
        %swap3A_477 = tpu.vector_load %arg4[%swap3A_474, %swap3A_475, %swap3A_476] {strides = array<i32>} : memref<16x50x128xf32, #tpu.memory_space<vmem>>, vector<1x1x16xf32>,
        %swap3A_478 = vector.shape_cast %swap3A_477 : vector<1x1x16xf32> to vector<16xf32>
        %swap3A_479 = vector.shape_cast %get3A_471 : vector<16xf32> to vector<1x1x16xf32>
        tpu.vector_store %arg4[%swap3A_474, %swap3A_475, %swap3A_476], %swap3A_479 {strides = array<i32>} : memref<16x50x128xf32, #tpu.memory_space<vmem>>, vector<1x1x16xf32>,
        %get3A_480 = arith.constant 2 : i32
        %get3A_481 = arith.index_cast %get3A_480 : i32 to index
        %get3A_482 = arith.constant 144 : index
        %get3A_483 = tpu.vector_load %arg5[%get3A_481, %get3A_482] {strides = array<i32>} : memref<16x256xf32, #tpu.memory_space<vmem>>, vector<1x16xf32>,
        %get3A_484 = vector.shape_cast %get3A_483 : vector<1x16xf32> to vector<16xf32>
        %swap3A_485 = arith.constant 2 : i32
        %swap3A_486 = arith.constant 25 : i32
        %swap3A_487 = arith.index_cast %swap3A_485 : i32 to index
        %swap3A_488 = arith.index_cast %swap3A_486 : i32 to index
        %swap3A_489 = arith.constant 16 : index
        %swap3A_490 = tpu.vector_load %arg4[%swap3A_487, %swap3A_488, %swap3A_489] {strides = array<i32>} : memref<16x50x128xf32, #tpu.memory_space<vmem>>, vector<1x1x16xf32>,
        %swap3A_491 = vector.shape_cast %swap3A_490 : vector<1x1x16xf32> to vector<16xf32>
        %swap3A_492 = vector.shape_cast %get3A_484 : vector<16xf32> to vector<1x1x16xf32>
        tpu.vector_store %arg4[%swap3A_487, %swap3A_488, %swap3A_489], %swap3A_492 {strides = array<i32>} : memref<16x50x128xf32, #tpu.memory_space<vmem>>, vector<1x1x16xf32>,
        %get3A_493 = arith.constant 2 : i32
        %get3A_494 = arith.index_cast %get3A_493 : i32 to index
        %get3A_495 = arith.constant 32 : index
        %get3A_496 = tpu.vector_load %arg5[%get3A_494, %get3A_495] {strides = array<i32>} : memref<16x256xf32, #tpu.memory_space<vmem>>, vector<1x16xf32>,
        %get3A_497 = vector.shape_cast %get3A_496 : vector<1x16xf32> to vector<16xf32>
        %swap3A_498 = arith.constant 2 : i32
        %swap3A_499 = arith.constant 0 : i32
        %swap3A_500 = arith.index_cast %swap3A_498 : i32 to index
        %swap3A_501 = arith.index_cast %swap3A_499 : i32 to index
        %swap3A_502 = arith.constant 32 : index
        %swap3A_503 = tpu.vector_load %arg4[%swap3A_500, %swap3A_501, %swap3A_502] {strides = array<i32>} : memref<16x50x128xf32, #tpu.memory_space<vmem>>, vector<1x1x16xf32>,
        %swap3A_504 = vector.shape_cast %swap3A_503 : vector<1x1x16xf32> to vector<16xf32>
        %swap3A_505 = vector.shape_cast %get3A_497 : vector<16xf32> to vector<1x1x16xf32>
        tpu.vector_store %arg4[%swap3A_500, %swap3A_501, %swap3A_502], %swap3A_505 {strides = array<i32>} : memref<16x50x128xf32, #tpu.memory_space<vmem>>, vector<1x1x16xf32>,
        %get3A_506 = arith.constant 2 : i32
        %get3A_507 = arith.index_cast %get3A_506 : i32 to index
        %get3A_508 = arith.constant 160 : index
        %get3A_509 = tpu.vector_load %arg5[%get3A_507, %get3A_508] {strides = array<i32>} : memref<16x256xf32, #tpu.memory_space<vmem>>, vector<1x16xf32>,
        %get3A_510 = vector.shape_cast %get3A_509 : vector<1x16xf32> to vector<16xf32>
        %swap3A_511 = arith.constant 2 : i32
        %swap3A_512 = arith.constant 25 : i32
        %swap3A_513 = arith.index_cast %swap3A_511 : i32 to index
        %swap3A_514 = arith.index_cast %swap3A_512 : i32 to index
        %swap3A_515 = arith.constant 32 : index
        %swap3A_516 = tpu.vector_load %arg4[%swap3A_513, %swap3A_514, %swap3A_515] {strides = array<i32>} : memref<16x50x128xf32, #tpu.memory_space<vmem>>, vector<1x1x16xf32>,
        %swap3A_517 = vector.shape_cast %swap3A_516 : vector<1x1x16xf32> to vector<16xf32>
        %swap3A_518 = vector.shape_cast %get3A_510 : vector<16xf32> to vector<1x1x16xf32>
        tpu.vector_store %arg4[%swap3A_513, %swap3A_514, %swap3A_515], %swap3A_518 {strides = array<i32>} : memref<16x50x128xf32, #tpu.memory_space<vmem>>, vector<1x1x16xf32>,
        %get3A_519 = arith.constant 2 : i32
        %get3A_520 = arith.index_cast %get3A_519 : i32 to index
        %get3A_521 = arith.constant 48 : index
        %get3A_522 = tpu.vector_load %arg5[%get3A_520, %get3A_521] {strides = array<i32>} : memref<16x256xf32, #tpu.memory_space<vmem>>, vector<1x16xf32>,
        %get3A_523 = vector.shape_cast %get3A_522 : vector<1x16xf32> to vector<16xf32>
        %swap3A_524 = arith.constant 2 : i32
        %swap3A_525 = arith.constant 0 : i32
        %swap3A_526 = arith.index_cast %swap3A_524 : i32 to index
        %swap3A_527 = arith.index_cast %swap3A_525 : i32 to index
        %swap3A_528 = arith.constant 48 : index
        %swap3A_529 = tpu.vector_load %arg4[%swap3A_526, %swap3A_527, %swap3A_528] {strides = array<i32>} : memref<16x50x128xf32, #tpu.memory_space<vmem>>, vector<1x1x16xf32>,
        %swap3A_530 = vector.shape_cast %swap3A_529 : vector<1x1x16xf32> to vector<16xf32>
        %swap3A_531 = vector.shape_cast %get3A_523 : vector<16xf32> to vector<1x1x16xf32>
        tpu.vector_store %arg4[%swap3A_526, %swap3A_527, %swap3A_528], %swap3A_531 {strides = array<i32>} : memref<16x50x128xf32, #tpu.memory_space<vmem>>, vector<1x1x16xf32>,
        %get3A_532 = arith.constant 2 : i32
        %get3A_533 = arith.index_cast %get3A_532 : i32 to index
        %get3A_534 = arith.constant 176 : index
        %get3A_535 = tpu.vector_load %arg5[%get3A_533, %get3A_534] {strides = array<i32>} : memref<16x256xf32, #tpu.memory_space<vmem>>, vector<1x16xf32>,
        %get3A_536 = vector.shape_cast %get3A_535 : vector<1x16xf32> to vector<16xf32>
        %swap3A_537 = arith.constant 2 : i32
        %swap3A_538 = arith.constant 25 : i32
        %swap3A_539 = arith.index_cast %swap3A_537 : i32 to index
        %swap3A_540 = arith.index_cast %swap3A_538 : i32 to index
        %swap3A_541 = arith.constant 48 : index
        %swap3A_542 = tpu.vector_load %arg4[%swap3A_539, %swap3A_540, %swap3A_541] {strides = array<i32>} : memref<16x50x128xf32, #tpu.memory_space<vmem>>, vector<1x1x16xf32>,
        %swap3A_543 = vector.shape_cast %swap3A_542 : vector<1x1x16xf32> to vector<16xf32>
        %swap3A_544 = vector.shape_cast %get3A_536 : vector<16xf32> to vector<1x1x16xf32>
        tpu.vector_store %arg4[%swap3A_539, %swap3A_540, %swap3A_541], %swap3A_544 {strides = array<i32>} : memref<16x50x128xf32, #tpu.memory_space<vmem>>, vector<1x1x16xf32>,
        %get3A_545 = arith.constant 2 : i32
        %get3A_546 = arith.index_cast %get3A_545 : i32 to index
        %get3A_547 = arith.constant 64 : index
        %get3A_548 = tpu.vector_load %arg5[%get3A_546, %get3A_547] {strides = array<i32>} : memref<16x256xf32, #tpu.memory_space<vmem>>, vector<1x16xf32>,
        %get3A_549 = vector.shape_cast %get3A_548 : vector<1x16xf32> to vector<16xf32>
        %swap3A_550 = arith.constant 2 : i32
        %swap3A_551 = arith.constant 0 : i32
        %swap3A_552 = arith.index_cast %swap3A_550 : i32 to index
        %swap3A_553 = arith.index_cast %swap3A_551 : i32 to index
        %swap3A_554 = arith.constant 64 : index
        %swap3A_555 = tpu.vector_load %arg4[%swap3A_552, %swap3A_553, %swap3A_554] {strides = array<i32>} : memref<16x50x128xf32, #tpu.memory_space<vmem>>, vector<1x1x16xf32>,
        %swap3A_556 = vector.shape_cast %swap3A_555 : vector<1x1x16xf32> to vector<16xf32>
        %swap3A_557 = vector.shape_cast %get3A_549 : vector<16xf32> to vector<1x1x16xf32>
        tpu.vector_store %arg4[%swap3A_552, %swap3A_553, %swap3A_554], %swap3A_557 {strides = array<i32>} : memref<16x50x128xf32, #tpu.memory_space<vmem>>, vector<1x1x16xf32>,
        %get3A_558 = arith.constant 2 : i32
        %get3A_559 = arith.index_cast %get3A_558 : i32 to index
        %get3A_560 = arith.constant 192 : index
        %get3A_561 = tpu.vector_load %arg5[%get3A_559, %get3A_560] {strides = array<i32>} : memref<16x256xf32, #tpu.memory_space<vmem>>, vector<1x16xf32>,
        %get3A_562 = vector.shape_cast %get3A_561 : vector<1x16xf32> to vector<16xf32>
        %swap3A_563 = arith.constant 2 : i32
        %swap3A_564 = arith.constant 25 : i32
        %swap3A_565 = arith.index_cast %swap3A_563 : i32 to index
        %swap3A_566 = arith.index_cast %swap3A_564 : i32 to index
        %swap3A_567 = arith.constant 64 : index
        %swap3A_568 = tpu.vector_load %arg4[%swap3A_565, %swap3A_566, %swap3A_567] {strides = array<i32>} : memref<16x50x128xf32, #tpu.memory_space<vmem>>, vector<1x1x16xf32>,
        %swap3A_569 = vector.shape_cast %swap3A_568 : vector<1x1x16xf32> to vector<16xf32>
        %swap3A_570 = vector.shape_cast %get3A_562 : vector<16xf32> to vector<1x1x16xf32>
        tpu.vector_store %arg4[%swap3A_565, %swap3A_566, %swap3A_567], %swap3A_570 {strides = array<i32>} : memref<16x50x128xf32, #tpu.memory_space<vmem>>, vector<1x1x16xf32>,
        %get3A_571 = arith.constant 2 : i32
        %get3A_572 = arith.index_cast %get3A_571 : i32 to index
        %get3A_573 = arith.constant 80 : index
        %get3A_574 = tpu.vector_load %arg5[%get3A_572, %get3A_573] {strides = array<i32>} : memref<16x256xf32, #tpu.memory_space<vmem>>, vector<1x16xf32>,
        %get3A_575 = vector.shape_cast %get3A_574 : vector<1x16xf32> to vector<16xf32>
        %swap3A_576 = arith.constant 2 : i32
        %swap3A_577 = arith.constant 0 : i32
        %swap3A_578 = arith.index_cast %swap3A_576 : i32 to index
        %swap3A_579 = arith.index_cast %swap3A_577 : i32 to index
        %swap3A_580 = arith.constant 80 : index
        %swap3A_581 = tpu.vector_load %arg4[%swap3A_578, %swap3A_579, %swap3A_580] {strides = array<i32>} : memref<16x50x128xf32, #tpu.memory_space<vmem>>, vector<1x1x16xf32>,
        %swap3A_582 = vector.shape_cast %swap3A_581 : vector<1x1x16xf32> to vector<16xf32>
        %swap3A_583 = vector.shape_cast %get3A_575 : vector<16xf32> to vector<1x1x16xf32>
        tpu.vector_store %arg4[%swap3A_578, %swap3A_579, %swap3A_580], %swap3A_583 {strides = array<i32>} : memref<16x50x128xf32, #tpu.memory_space<vmem>>, vector<1x1x16xf32>,
        %get3A_584 = arith.constant 2 : i32
        %get3A_585 = arith.index_cast %get3A_584 : i32 to index
        %get3A_586 = arith.constant 208 : index
        %get3A_587 = tpu.vector_load %arg5[%get3A_585, %get3A_586] {strides = array<i32>} : memref<16x256xf32, #tpu.memory_space<vmem>>, vector<1x16xf32>,
        %get3A_588 = vector.shape_cast %get3A_587 : vector<1x16xf32> to vector<16xf32>
        %swap3A_589 = arith.constant 2 : i32
        %swap3A_590 = arith.constant 25 : i32
        %swap3A_591 = arith.index_cast %swap3A_589 : i32 to index
        %swap3A_592 = arith.index_cast %swap3A_590 : i32 to index
        %swap3A_593 = arith.constant 80 : index
        %swap3A_594 = tpu.vector_load %arg4[%swap3A_591, %swap3A_592, %swap3A_593] {strides = array<i32>} : memref<16x50x128xf32, #tpu.memory_space<vmem>>, vector<1x1x16xf32>,
        %swap3A_595 = vector.shape_cast %swap3A_594 : vector<1x1x16xf32> to vector<16xf32>
        %swap3A_596 = vector.shape_cast %get3A_588 : vector<16xf32> to vector<1x1x16xf32>
        tpu.vector_store %arg4[%swap3A_591, %swap3A_592, %swap3A_593], %swap3A_596 {strides = array<i32>} : memref<16x50x128xf32, #tpu.memory_space<vmem>>, vector<1x1x16xf32>,
        %get3A_597 = arith.constant 2 : i32
        %get3A_598 = arith.index_cast %get3A_597 : i32 to index
        %get3A_599 = arith.constant 96 : index
        %get3A_600 = tpu.vector_load %arg5[%get3A_598, %get3A_599] {strides = array<i32>} : memref<16x256xf32, #tpu.memory_space<vmem>>, vector<1x16xf32>,
        %get3A_601 = vector.shape_cast %get3A_600 : vector<1x16xf32> to vector<16xf32>
        %swap3A_602 = arith.constant 2 : i32
        %swap3A_603 = arith.constant 0 : i32
        %swap3A_604 = arith.index_cast %swap3A_602 : i32 to index
        %swap3A_605 = arith.index_cast %swap3A_603 : i32 to index
        %swap3A_606 = arith.constant 96 : index
        %swap3A_607 = tpu.vector_load %arg4[%swap3A_604, %swap3A_605, %swap3A_606] {strides = array<i32>} : memref<16x50x128xf32, #tpu.memory_space<vmem>>, vector<1x1x16xf32>,
        %swap3A_608 = vector.shape_cast %swap3A_607 : vector<1x1x16xf32> to vector<16xf32>
        %swap3A_609 = vector.shape_cast %get3A_601 : vector<16xf32> to vector<1x1x16xf32>
        tpu.vector_store %arg4[%swap3A_604, %swap3A_605, %swap3A_606], %swap3A_609 {strides = array<i32>} : memref<16x50x128xf32, #tpu.memory_space<vmem>>, vector<1x1x16xf32>,
        %get3A_610 = arith.constant 2 : i32
        %get3A_611 = arith.index_cast %get3A_610 : i32 to index
        %get3A_612 = arith.constant 224 : index
        %get3A_613 = tpu.vector_load %arg5[%get3A_611, %get3A_612] {strides = array<i32>} : memref<16x256xf32, #tpu.memory_space<vmem>>, vector<1x16xf32>,
        %get3A_614 = vector.shape_cast %get3A_613 : vector<1x16xf32> to vector<16xf32>
        %swap3A_615 = arith.constant 2 : i32
        %swap3A_616 = arith.constant 25 : i32
        %swap3A_617 = arith.index_cast %swap3A_615 : i32 to index
        %swap3A_618 = arith.index_cast %swap3A_616 : i32 to index
        %swap3A_619 = arith.constant 96 : index
        %swap3A_620 = tpu.vector_load %arg4[%swap3A_617, %swap3A_618, %swap3A_619] {strides = array<i32>} : memref<16x50x128xf32, #tpu.memory_space<vmem>>, vector<1x1x16xf32>,
        %swap3A_621 = vector.shape_cast %swap3A_620 : vector<1x1x16xf32> to vector<16xf32>
        %swap3A_622 = vector.shape_cast %get3A_614 : vector<16xf32> to vector<1x1x16xf32>
        tpu.vector_store %arg4[%swap3A_617, %swap3A_618, %swap3A_619], %swap3A_622 {strides = array<i32>} : memref<16x50x128xf32, #tpu.memory_space<vmem>>, vector<1x1x16xf32>,
        %get3A_623 = arith.constant 2 : i32
        %get3A_624 = arith.index_cast %get3A_623 : i32 to index
        %get3A_625 = arith.constant 112 : index
        %get3A_626 = tpu.vector_load %arg5[%get3A_624, %get3A_625] {strides = array<i32>} : memref<16x256xf32, #tpu.memory_space<vmem>>, vector<1x16xf32>,
        %get3A_627 = vector.shape_cast %get3A_626 : vector<1x16xf32> to vector<16xf32>
        %swap3A_628 = arith.constant 2 : i32
        %swap3A_629 = arith.constant 0 : i32
        %swap3A_630 = arith.index_cast %swap3A_628 : i32 to index
        %swap3A_631 = arith.index_cast %swap3A_629 : i32 to index
        %swap3A_632 = arith.constant 112 : index
        %swap3A_633 = tpu.vector_load %arg4[%swap3A_630, %swap3A_631, %swap3A_632] {strides = array<i32>} : memref<16x50x128xf32, #tpu.memory_space<vmem>>, vector<1x1x16xf32>,
        %swap3A_634 = vector.shape_cast %swap3A_633 : vector<1x1x16xf32> to vector<16xf32>
        %swap3A_635 = vector.shape_cast %get3A_627 : vector<16xf32> to vector<1x1x16xf32>
        tpu.vector_store %arg4[%swap3A_630, %swap3A_631, %swap3A_632], %swap3A_635 {strides = array<i32>} : memref<16x50x128xf32, #tpu.memory_space<vmem>>, vector<1x1x16xf32>,
        %get3A_636 = arith.constant 2 : i32
        %get3A_637 = arith.index_cast %get3A_636 : i32 to index
        %get3A_638 = arith.constant 240 : index
        %get3A_639 = tpu.vector_load %arg5[%get3A_637, %get3A_638] {strides = array<i32>} : memref<16x256xf32, #tpu.memory_space<vmem>>, vector<1x16xf32>,
        %get3A_640 = vector.shape_cast %get3A_639 : vector<1x16xf32> to vector<16xf32>
        %swap3A_641 = arith.constant 2 : i32
        %swap3A_642 = arith.constant 25 : i32
        %swap3A_643 = arith.index_cast %swap3A_641 : i32 to index
        %swap3A_644 = arith.index_cast %swap3A_642 : i32 to index
        %swap3A_645 = arith.constant 112 : index
        %swap3A_646 = tpu.vector_load %arg4[%swap3A_643, %swap3A_644, %swap3A_645] {strides = array<i32>} : memref<16x50x128xf32, #tpu.memory_space<vmem>>, vector<1x1x16xf32>,
        %swap3A_647 = vector.shape_cast %swap3A_646 : vector<1x1x16xf32> to vector<16xf32>
        %swap3A_648 = vector.shape_cast %get3A_640 : vector<16xf32> to vector<1x1x16xf32>
        tpu.vector_store %arg4[%swap3A_643, %swap3A_644, %swap3A_645], %swap3A_648 {strides = array<i32>} : memref<16x50x128xf32, #tpu.memory_space<vmem>>, vector<1x1x16xf32>,
        %get3A_649 = arith.constant 3 : i32
        %get3A_650 = arith.index_cast %get3A_649 : i32 to index
        %get3A_651 = arith.constant 0 : index
        %get3A_652 = tpu.vector_load %arg5[%get3A_650, %get3A_651] {strides = array<i32>} : memref<16x256xf32, #tpu.memory_space<vmem>>, vector<1x16xf32>,
        %get3A_653 = vector.shape_cast %get3A_652 : vector<1x16xf32> to vector<16xf32>
        %swap3A_654 = arith.constant 3 : i32
        %swap3A_655 = arith.constant 0 : i32
        %swap3A_656 = arith.index_cast %swap3A_654 : i32 to index
        %swap3A_657 = arith.index_cast %swap3A_655 : i32 to index
        %swap3A_658 = arith.constant 0 : index
        %swap3A_659 = tpu.vector_load %arg4[%swap3A_656, %swap3A_657, %swap3A_658] {strides = array<i32>} : memref<16x50x128xf32, #tpu.memory_space<vmem>>, vector<1x1x16xf32>,
        %swap3A_660 = vector.shape_cast %swap3A_659 : vector<1x1x16xf32> to vector<16xf32>
        %swap3A_661 = vector.shape_cast %get3A_653 : vector<16xf32> to vector<1x1x16xf32>
        tpu.vector_store %arg4[%swap3A_656, %swap3A_657, %swap3A_658], %swap3A_661 {strides = array<i32>} : memref<16x50x128xf32, #tpu.memory_space<vmem>>, vector<1x1x16xf32>,
        %get3A_662 = arith.constant 3 : i32
        %get3A_663 = arith.index_cast %get3A_662 : i32 to index
        %get3A_664 = arith.constant 128 : index
        %get3A_665 = tpu.vector_load %arg5[%get3A_663, %get3A_664] {strides = array<i32>} : memref<16x256xf32, #tpu.memory_space<vmem>>, vector<1x16xf32>,
        %get3A_666 = vector.shape_cast %get3A_665 : vector<1x16xf32> to vector<16xf32>
        %swap3A_667 = arith.constant 3 : i32
        %swap3A_668 = arith.constant 25 : i32
        %swap3A_669 = arith.index_cast %swap3A_667 : i32 to index
        %swap3A_670 = arith.index_cast %swap3A_668 : i32 to index
        %swap3A_671 = arith.constant 0 : index
        %swap3A_672 = tpu.vector_load %arg4[%swap3A_669, %swap3A_670, %swap3A_671] {strides = array<i32>} : memref<16x50x128xf32, #tpu.memory_space<vmem>>, vector<1x1x16xf32>,
        %swap3A_673 = vector.shape_cast %swap3A_672 : vector<1x1x16xf32> to vector<16xf32>
        %swap3A_674 = vector.shape_cast %get3A_666 : vector<16xf32> to vector<1x1x16xf32>
        tpu.vector_store %arg4[%swap3A_669, %swap3A_670, %swap3A_671], %swap3A_674 {strides = array<i32>} : memref<16x50x128xf32, #tpu.memory_space<vmem>>, vector<1x1x16xf32>,
        %get3A_675 = arith.constant 3 : i32
        %get3A_676 = arith.index_cast %get3A_675 : i32 to index
        %get3A_677 = arith.constant 16 : index
        %get3A_678 = tpu.vector_load %arg5[%get3A_676, %get3A_677] {strides = array<i32>} : memref<16x256xf32, #tpu.memory_space<vmem>>, vector<1x16xf32>,
        %get3A_679 = vector.shape_cast %get3A_678 : vector<1x16xf32> to vector<16xf32>
        %swap3A_680 = arith.constant 3 : i32
        %swap3A_681 = arith.constant 0 : i32
        %swap3A_682 = arith.index_cast %swap3A_680 : i32 to index
        %swap3A_683 = arith.index_cast %swap3A_681 : i32 to index
        %swap3A_684 = arith.constant 16 : index
        %swap3A_685 = tpu.vector_load %arg4[%swap3A_682, %swap3A_683, %swap3A_684] {strides = array<i32>} : memref<16x50x128xf32, #tpu.memory_space<vmem>>, vector<1x1x16xf32>,
        %swap3A_686 = vector.shape_cast %swap3A_685 : vector<1x1x16xf32> to vector<16xf32>
        %swap3A_687 = vector.shape_cast %get3A_679 : vector<16xf32> to vector<1x1x16xf32>
        tpu.vector_store %arg4[%swap3A_682, %swap3A_683, %swap3A_684], %swap3A_687 {strides = array<i32>} : memref<16x50x128xf32, #tpu.memory_space<vmem>>, vector<1x1x16xf32>,
        %get3A_688 = arith.constant 3 : i32
        %get3A_689 = arith.index_cast %get3A_688 : i32 to index
        %get3A_690 = arith.constant 144 : index
        %get3A_691 = tpu.vector_load %arg5[%get3A_689, %get3A_690] {strides = array<i32>} : memref<16x256xf32, #tpu.memory_space<vmem>>, vector<1x16xf32>,
        %get3A_692 = vector.shape_cast %get3A_691 : vector<1x16xf32> to vector<16xf32>
        %swap3A_693 = arith.constant 3 : i32
        %swap3A_694 = arith.constant 25 : i32
        %swap3A_695 = arith.index_cast %swap3A_693 : i32 to index
        %swap3A_696 = arith.index_cast %swap3A_694 : i32 to index
        %swap3A_697 = arith.constant 16 : index
        %swap3A_698 = tpu.vector_load %arg4[%swap3A_695, %swap3A_696, %swap3A_697] {strides = array<i32>} : memref<16x50x128xf32, #tpu.memory_space<vmem>>, vector<1x1x16xf32>,
        %swap3A_699 = vector.shape_cast %swap3A_698 : vector<1x1x16xf32> to vector<16xf32>
        %swap3A_700 = vector.shape_cast %get3A_692 : vector<16xf32> to vector<1x1x16xf32>
        tpu.vector_store %arg4[%swap3A_695, %swap3A_696, %swap3A_697], %swap3A_700 {strides = array<i32>} : memref<16x50x128xf32, #tpu.memory_space<vmem>>, vector<1x1x16xf32>,
        %get3A_701 = arith.constant 3 : i32
        %get3A_702 = arith.index_cast %get3A_701 : i32 to index
        %get3A_703 = arith.constant 32 : index
        %get3A_704 = tpu.vector_load %arg5[%get3A_702, %get3A_703] {strides = array<i32>} : memref<16x256xf32, #tpu.memory_space<vmem>>, vector<1x16xf32>,
        %get3A_705 = vector.shape_cast %get3A_704 : vector<1x16xf32> to vector<16xf32>
        %swap3A_706 = arith.constant 3 : i32
        %swap3A_707 = arith.constant 0 : i32
        %swap3A_708 = arith.index_cast %swap3A_706 : i32 to index
        %swap3A_709 = arith.index_cast %swap3A_707 : i32 to index
        %swap3A_710 = arith.constant 32 : index
        %swap3A_711 = tpu.vector_load %arg4[%swap3A_708, %swap3A_709, %swap3A_710] {strides = array<i32>} : memref<16x50x128xf32, #tpu.memory_space<vmem>>, vector<1x1x16xf32>,
        %swap3A_712 = vector.shape_cast %swap3A_711 : vector<1x1x16xf32> to vector<16xf32>
        %swap3A_713 = vector.shape_cast %get3A_705 : vector<16xf32> to vector<1x1x16xf32>
        tpu.vector_store %arg4[%swap3A_708, %swap3A_709, %swap3A_710], %swap3A_713 {strides = array<i32>} : memref<16x50x128xf32, #tpu.memory_space<vmem>>, vector<1x1x16xf32>,
        %get3A_714 = arith.constant 3 : i32
        %get3A_715 = arith.index_cast %get3A_714 : i32 to index
        %get3A_716 = arith.constant 160 : index
        %get3A_717 = tpu.vector_load %arg5[%get3A_715, %get3A_716] {strides = array<i32>} : memref<16x256xf32, #tpu.memory_space<vmem>>, vector<1x16xf32>,
        %get3A_718 = vector.shape_cast %get3A_717 : vector<1x16xf32> to vector<16xf32>
        %swap3A_719 = arith.constant 3 : i32
        %swap3A_720 = arith.constant 25 : i32
        %swap3A_721 = arith.index_cast %swap3A_719 : i32 to index
        %swap3A_722 = arith.index_cast %swap3A_720 : i32 to index
        %swap3A_723 = arith.constant 32 : index
        %swap3A_724 = tpu.vector_load %arg4[%swap3A_721, %swap3A_722, %swap3A_723] {strides = array<i32>} : memref<16x50x128xf32, #tpu.memory_space<vmem>>, vector<1x1x16xf32>,
        %swap3A_725 = vector.shape_cast %swap3A_724 : vector<1x1x16xf32> to vector<16xf32>
        %swap3A_726 = vector.shape_cast %get3A_718 : vector<16xf32> to vector<1x1x16xf32>
        tpu.vector_store %arg4[%swap3A_721, %swap3A_722, %swap3A_723], %swap3A_726 {strides = array<i32>} : memref<16x50x128xf32, #tpu.memory_space<vmem>>, vector<1x1x16xf32>,
        %get3A_727 = arith.constant 3 : i32
        %get3A_728 = arith.index_cast %get3A_727 : i32 to index
        %get3A_729 = arith.constant 48 : index
        %get3A_730 = tpu.vector_load %arg5[%get3A_728, %get3A_729] {strides = array<i32>} : memref<16x256xf32, #tpu.memory_space<vmem>>, vector<1x16xf32>,
        %get3A_731 = vector.shape_cast %get3A_730 : vector<1x16xf32> to vector<16xf32>
        %swap3A_732 = arith.constant 3 : i32
        %swap3A_733 = arith.constant 0 : i32
        %swap3A_734 = arith.index_cast %swap3A_732 : i32 to index
        %swap3A_735 = arith.index_cast %swap3A_733 : i32 to index
        %swap3A_736 = arith.constant 48 : index
        %swap3A_737 = tpu.vector_load %arg4[%swap3A_734, %swap3A_735, %swap3A_736] {strides = array<i32>} : memref<16x50x128xf32, #tpu.memory_space<vmem>>, vector<1x1x16xf32>,
        %swap3A_738 = vector.shape_cast %swap3A_737 : vector<1x1x16xf32> to vector<16xf32>
        %swap3A_739 = vector.shape_cast %get3A_731 : vector<16xf32> to vector<1x1x16xf32>
        tpu.vector_store %arg4[%swap3A_734, %swap3A_735, %swap3A_736], %swap3A_739 {strides = array<i32>} : memref<16x50x128xf32, #tpu.memory_space<vmem>>, vector<1x1x16xf32>,
        %get3A_740 = arith.constant 3 : i32
        %get3A_741 = arith.index_cast %get3A_740 : i32 to index
        %get3A_742 = arith.constant 176 : index
        %get3A_743 = tpu.vector_load %arg5[%get3A_741, %get3A_742] {strides = array<i32>} : memref<16x256xf32, #tpu.memory_space<vmem>>, vector<1x16xf32>,
        %get3A_744 = vector.shape_cast %get3A_743 : vector<1x16xf32> to vector<16xf32>
        %swap3A_745 = arith.constant 3 : i32
        %swap3A_746 = arith.constant 25 : i32
        %swap3A_747 = arith.index_cast %swap3A_745 : i32 to index
        %swap3A_748 = arith.index_cast %swap3A_746 : i32 to index
        %swap3A_749 = arith.constant 48 : index
        %swap3A_750 = tpu.vector_load %arg4[%swap3A_747, %swap3A_748, %swap3A_749] {strides = array<i32>} : memref<16x50x128xf32, #tpu.memory_space<vmem>>, vector<1x1x16xf32>,
        %swap3A_751 = vector.shape_cast %swap3A_750 : vector<1x1x16xf32> to vector<16xf32>
        %swap3A_752 = vector.shape_cast %get3A_744 : vector<16xf32> to vector<1x1x16xf32>
        tpu.vector_store %arg4[%swap3A_747, %swap3A_748, %swap3A_749], %swap3A_752 {strides = array<i32>} : memref<16x50x128xf32, #tpu.memory_space<vmem>>, vector<1x1x16xf32>,
        %get3A_753 = arith.constant 3 : i32
        %get3A_754 = arith.index_cast %get3A_753 : i32 to index
        %get3A_755 = arith.constant 64 : index
        %get3A_756 = tpu.vector_load %arg5[%get3A_754, %get3A_755] {strides = array<i32>} : memref<16x256xf32, #tpu.memory_space<vmem>>, vector<1x16xf32>,
        %get3A_757 = vector.shape_cast %get3A_756 : vector<1x16xf32> to vector<16xf32>
        %swap3A_758 = arith.constant 3 : i32
        %swap3A_759 = arith.constant 0 : i32
        %swap3A_760 = arith.index_cast %swap3A_758 : i32 to index
        %swap3A_761 = arith.index_cast %swap3A_759 : i32 to index
        %swap3A_762 = arith.constant 64 : index
        %swap3A_763 = tpu.vector_load %arg4[%swap3A_760, %swap3A_761, %swap3A_762] {strides = array<i32>} : memref<16x50x128xf32, #tpu.memory_space<vmem>>, vector<1x1x16xf32>,
        %swap3A_764 = vector.shape_cast %swap3A_763 : vector<1x1x16xf32> to vector<16xf32>
        %swap3A_765 = vector.shape_cast %get3A_757 : vector<16xf32> to vector<1x1x16xf32>
        tpu.vector_store %arg4[%swap3A_760, %swap3A_761, %swap3A_762], %swap3A_765 {strides = array<i32>} : memref<16x50x128xf32, #tpu.memory_space<vmem>>, vector<1x1x16xf32>,
        %get3A_766 = arith.constant 3 : i32
        %get3A_767 = arith.index_cast %get3A_766 : i32 to index
        %get3A_768 = arith.constant 192 : index
        %get3A_769 = tpu.vector_load %arg5[%get3A_767, %get3A_768] {strides = array<i32>} : memref<16x256xf32, #tpu.memory_space<vmem>>, vector<1x16xf32>,
        %get3A_770 = vector.shape_cast %get3A_769 : vector<1x16xf32> to vector<16xf32>
        %swap3A_771 = arith.constant 3 : i32
        %swap3A_772 = arith.constant 25 : i32
        %swap3A_773 = arith.index_cast %swap3A_771 : i32 to index
        %swap3A_774 = arith.index_cast %swap3A_772 : i32 to index
        %swap3A_775 = arith.constant 64 : index
        %swap3A_776 = tpu.vector_load %arg4[%swap3A_773, %swap3A_774, %swap3A_775] {strides = array<i32>} : memref<16x50x128xf32, #tpu.memory_space<vmem>>, vector<1x1x16xf32>,
        %swap3A_777 = vector.shape_cast %swap3A_776 : vector<1x1x16xf32> to vector<16xf32>
        %swap3A_778 = vector.shape_cast %get3A_770 : vector<16xf32> to vector<1x1x16xf32>
        tpu.vector_store %arg4[%swap3A_773, %swap3A_774, %swap3A_775], %swap3A_778 {strides = array<i32>} : memref<16x50x128xf32, #tpu.memory_space<vmem>>, vector<1x1x16xf32>,
        %get3A_779 = arith.constant 3 : i32
        %get3A_780 = arith.index_cast %get3A_779 : i32 to index
        %get3A_781 = arith.constant 80 : index
        %get3A_782 = tpu.vector_load %arg5[%get3A_780, %get3A_781] {strides = array<i32>} : memref<16x256xf32, #tpu.memory_space<vmem>>, vector<1x16xf32>,
        %get3A_783 = vector.shape_cast %get3A_782 : vector<1x16xf32> to vector<16xf32>
        %swap3A_784 = arith.constant 3 : i32
        %swap3A_785 = arith.constant 0 : i32
        %swap3A_786 = arith.index_cast %swap3A_784 : i32 to index
        %swap3A_787 = arith.index_cast %swap3A_785 : i32 to index
        %swap3A_788 = arith.constant 80 : index
        %swap3A_789 = tpu.vector_load %arg4[%swap3A_786, %swap3A_787, %swap3A_788] {strides = array<i32>} : memref<16x50x128xf32, #tpu.memory_space<vmem>>, vector<1x1x16xf32>,
        %swap3A_790 = vector.shape_cast %swap3A_789 : vector<1x1x16xf32> to vector<16xf32>
        %swap3A_791 = vector.shape_cast %get3A_783 : vector<16xf32> to vector<1x1x16xf32>
        tpu.vector_store %arg4[%swap3A_786, %swap3A_787, %swap3A_788], %swap3A_791 {strides = array<i32>} : memref<16x50x128xf32, #tpu.memory_space<vmem>>, vector<1x1x16xf32>,
        %get3A_792 = arith.constant 3 : i32
        %get3A_793 = arith.index_cast %get3A_792 : i32 to index
        %get3A_794 = arith.constant 208 : index
        %get3A_795 = tpu.vector_load %arg5[%get3A_793, %get3A_794] {strides = array<i32>} : memref<16x256xf32, #tpu.memory_space<vmem>>, vector<1x16xf32>,
        %get3A_796 = vector.shape_cast %get3A_795 : vector<1x16xf32> to vector<16xf32>
        %swap3A_797 = arith.constant 3 : i32
        %swap3A_798 = arith.constant 25 : i32
        %swap3A_799 = arith.index_cast %swap3A_797 : i32 to index
        %swap3A_800 = arith.index_cast %swap3A_798 : i32 to index
        %swap3A_801 = arith.constant 80 : index
        %swap3A_802 = tpu.vector_load %arg4[%swap3A_799, %swap3A_800, %swap3A_801] {strides = array<i32>} : memref<16x50x128xf32, #tpu.memory_space<vmem>>, vector<1x1x16xf32>,
        %swap3A_803 = vector.shape_cast %swap3A_802 : vector<1x1x16xf32> to vector<16xf32>
        %swap3A_804 = vector.shape_cast %get3A_796 : vector<16xf32> to vector<1x1x16xf32>
        tpu.vector_store %arg4[%swap3A_799, %swap3A_800, %swap3A_801], %swap3A_804 {strides = array<i32>} : memref<16x50x128xf32, #tpu.memory_space<vmem>>, vector<1x1x16xf32>,
        %get3A_805 = arith.constant 3 : i32
        %get3A_806 = arith.index_cast %get3A_805 : i32 to index
        %get3A_807 = arith.constant 96 : index
        %get3A_808 = tpu.vector_load %arg5[%get3A_806, %get3A_807] {strides = array<i32>} : memref<16x256xf32, #tpu.memory_space<vmem>>, vector<1x16xf32>,
        %get3A_809 = vector.shape_cast %get3A_808 : vector<1x16xf32> to vector<16xf32>
        %swap3A_810 = arith.constant 3 : i32
        %swap3A_811 = arith.constant 0 : i32
        %swap3A_812 = arith.index_cast %swap3A_810 : i32 to index
        %swap3A_813 = arith.index_cast %swap3A_811 : i32 to index
        %swap3A_814 = arith.constant 96 : index
        %swap3A_815 = tpu.vector_load %arg4[%swap3A_812, %swap3A_813, %swap3A_814] {strides = array<i32>} : memref<16x50x128xf32, #tpu.memory_space<vmem>>, vector<1x1x16xf32>,
        %swap3A_816 = vector.shape_cast %swap3A_815 : vector<1x1x16xf32> to vector<16xf32>
        %swap3A_817 = vector.shape_cast %get3A_809 : vector<16xf32> to vector<1x1x16xf32>
        tpu.vector_store %arg4[%swap3A_812, %swap3A_813, %swap3A_814], %swap3A_817 {strides = array<i32>} : memref<16x50x128xf32, #tpu.memory_space<vmem>>, vector<1x1x16xf32>,
        %get3A_818 = arith.constant 3 : i32
        %get3A_819 = arith.index_cast %get3A_818 : i32 to index
        %get3A_820 = arith.constant 224 : index
        %get3A_821 = tpu.vector_load %arg5[%get3A_819, %get3A_820] {strides = array<i32>} : memref<16x256xf32, #tpu.memory_space<vmem>>, vector<1x16xf32>,
        %get3A_822 = vector.shape_cast %get3A_821 : vector<1x16xf32> to vector<16xf32>
        %swap3A_823 = arith.constant 3 : i32
        %swap3A_824 = arith.constant 25 : i32
        %swap3A_825 = arith.index_cast %swap3A_823 : i32 to index
        %swap3A_826 = arith.index_cast %swap3A_824 : i32 to index
        %swap3A_827 = arith.constant 96 : index
        %swap3A_828 = tpu.vector_load %arg4[%swap3A_825, %swap3A_826, %swap3A_827] {strides = array<i32>} : memref<16x50x128xf32, #tpu.memory_space<vmem>>, vector<1x1x16xf32>,
        %swap3A_829 = vector.shape_cast %swap3A_828 : vector<1x1x16xf32> to vector<16xf32>
        %swap3A_830 = vector.shape_cast %get3A_822 : vector<16xf32> to vector<1x1x16xf32>
        tpu.vector_store %arg4[%swap3A_825, %swap3A_826, %swap3A_827], %swap3A_830 {strides = array<i32>} : memref<16x50x128xf32, #tpu.memory_space<vmem>>, vector<1x1x16xf32>,
        %get3A_831 = arith.constant 3 : i32
        %get3A_832 = arith.index_cast %get3A_831 : i32 to index
        %get3A_833 = arith.constant 112 : index
        %get3A_834 = tpu.vector_load %arg5[%get3A_832, %get3A_833] {strides = array<i32>} : memref<16x256xf32, #tpu.memory_space<vmem>>, vector<1x16xf32>,
        %get3A_835 = vector.shape_cast %get3A_834 : vector<1x16xf32> to vector<16xf32>
        %swap3A_836 = arith.constant 3 : i32
        %swap3A_837 = arith.constant 0 : i32
        %swap3A_838 = arith.index_cast %swap3A_836 : i32 to index
        %swap3A_839 = arith.index_cast %swap3A_837 : i32 to index
        %swap3A_840 = arith.constant 112 : index
        %swap3A_841 = tpu.vector_load %arg4[%swap3A_838, %swap3A_839, %swap3A_840] {strides = array<i32>} : memref<16x50x128xf32, #tpu.memory_space<vmem>>, vector<1x1x16xf32>,
        %swap3A_842 = vector.shape_cast %swap3A_841 : vector<1x1x16xf32> to vector<16xf32>
        %swap3A_843 = vector.shape_cast %get3A_835 : vector<16xf32> to vector<1x1x16xf32>
        tpu.vector_store %arg4[%swap3A_838, %swap3A_839, %swap3A_840], %swap3A_843 {strides = array<i32>} : memref<16x50x128xf32, #tpu.memory_space<vmem>>, vector<1x1x16xf32>,
        %get3A_844 = arith.constant 3 : i32
        %get3A_845 = arith.index_cast %get3A_844 : i32 to index
        %get3A_846 = arith.constant 240 : index
        %get3A_847 = tpu.vector_load %arg5[%get3A_845, %get3A_846] {strides = array<i32>} : memref<16x256xf32, #tpu.memory_space<vmem>>, vector<1x16xf32>,
        %get3A_848 = vector.shape_cast %get3A_847 : vector<1x16xf32> to vector<16xf32>
        %swap3A_849 = arith.constant 3 : i32
        %swap3A_850 = arith.constant 25 : i32
        %swap3A_851 = arith.index_cast %swap3A_849 : i32 to index
        %swap3A_852 = arith.index_cast %swap3A_850 : i32 to index
        %swap3A_853 = arith.constant 112 : index
        %swap3A_854 = tpu.vector_load %arg4[%swap3A_851, %swap3A_852, %swap3A_853] {strides = array<i32>} : memref<16x50x128xf32, #tpu.memory_space<vmem>>, vector<1x1x16xf32>,
        %swap3A_855 = vector.shape_cast %swap3A_854 : vector<1x1x16xf32> to vector<16xf32>
        %swap3A_856 = vector.shape_cast %get3A_848 : vector<16xf32> to vector<1x1x16xf32>
        tpu.vector_store %arg4[%swap3A_851, %swap3A_852, %swap3A_853], %swap3A_856 {strides = array<i32>} : memref<16x50x128xf32, #tpu.memory_space<vmem>>, vector<1x1x16xf32>,
        %get3A_857 = arith.constant 4 : i32
        %get3A_858 = arith.index_cast %get3A_857 : i32 to index
        %get3A_859 = arith.constant 0 : index
        %get3A_860 = tpu.vector_load %arg5[%get3A_858, %get3A_859] {strides = array<i32>} : memref<16x256xf32, #tpu.memory_space<vmem>>, vector<1x16xf32>,
        %get3A_861 = vector.shape_cast %get3A_860 : vector<1x16xf32> to vector<16xf32>
        %swap3A_862 = arith.constant 4 : i32
        %swap3A_863 = arith.constant 0 : i32
        %swap3A_864 = arith.index_cast %swap3A_862 : i32 to index
        %swap3A_865 = arith.index_cast %swap3A_863 : i32 to index
        %swap3A_866 = arith.constant 0 : index
        %swap3A_867 = tpu.vector_load %arg4[%swap3A_864, %swap3A_865, %swap3A_866] {strides = array<i32>} : memref<16x50x128xf32, #tpu.memory_space<vmem>>, vector<1x1x16xf32>,
        %swap3A_868 = vector.shape_cast %swap3A_867 : vector<1x1x16xf32> to vector<16xf32>
        %swap3A_869 = vector.shape_cast %get3A_861 : vector<16xf32> to vector<1x1x16xf32>
        tpu.vector_store %arg4[%swap3A_864, %swap3A_865, %swap3A_866], %swap3A_869 {strides = array<i32>} : memref<16x50x128xf32, #tpu.memory_space<vmem>>, vector<1x1x16xf32>,
        %get3A_870 = arith.constant 4 : i32
        %get3A_871 = arith.index_cast %get3A_870 : i32 to index
        %get3A_872 = arith.constant 128 : index
        %get3A_873 = tpu.vector_load %arg5[%get3A_871, %get3A_872] {strides = array<i32>} : memref<16x256xf32, #tpu.memory_space<vmem>>, vector<1x16xf32>,
        %get3A_874 = vector.shape_cast %get3A_873 : vector<1x16xf32> to vector<16xf32>
        %swap3A_875 = arith.constant 4 : i32
        %swap3A_876 = arith.constant 25 : i32
        %swap3A_877 = arith.index_cast %swap3A_875 : i32 to index
        %swap3A_878 = arith.index_cast %swap3A_876 : i32 to index
        %swap3A_879 = arith.constant 0 : index
        %swap3A_880 = tpu.vector_load %arg4[%swap3A_877, %swap3A_878, %swap3A_879] {strides = array<i32>} : memref<16x50x128xf32, #tpu.memory_space<vmem>>, vector<1x1x16xf32>,
        %swap3A_881 = vector.shape_cast %swap3A_880 : vector<1x1x16xf32> to vector<16xf32>
        %swap3A_882 = vector.shape_cast %get3A_874 : vector<16xf32> to vector<1x1x16xf32>
        tpu.vector_store %arg4[%swap3A_877, %swap3A_878, %swap3A_879], %swap3A_882 {strides = array<i32>} : memref<16x50x128xf32, #tpu.memory_space<vmem>>, vector<1x1x16xf32>,
        %get3A_883 = arith.constant 4 : i32
        %get3A_884 = arith.index_cast %get3A_883 : i32 to index
        %get3A_885 = arith.constant 16 : index
        %get3A_886 = tpu.vector_load %arg5[%get3A_884, %get3A_885] {strides = array<i32>} : memref<16x256xf32, #tpu.memory_space<vmem>>, vector<1x16xf32>,
        %get3A_887 = vector.shape_cast %get3A_886 : vector<1x16xf32> to vector<16xf32>
        %swap3A_888 = arith.constant 4 : i32
        %swap3A_889 = arith.constant 0 : i32
        %swap3A_890 = arith.index_cast %swap3A_888 : i32 to index
        %swap3A_891 = arith.index_cast %swap3A_889 : i32 to index
        %swap3A_892 = arith.constant 16 : index
        %swap3A_893 = tpu.vector_load %arg4[%swap3A_890, %swap3A_891, %swap3A_892] {strides = array<i32>} : memref<16x50x128xf32, #tpu.memory_space<vmem>>, vector<1x1x16xf32>,
        %swap3A_894 = vector.shape_cast %swap3A_893 : vector<1x1x16xf32> to vector<16xf32>
        %swap3A_895 = vector.shape_cast %get3A_887 : vector<16xf32> to vector<1x1x16xf32>
        tpu.vector_store %arg4[%swap3A_890, %swap3A_891, %swap3A_892], %swap3A_895 {strides = array<i32>} : memref<16x50x128xf32, #tpu.memory_space<vmem>>, vector<1x1x16xf32>,
        %get3A_896 = arith.constant 4 : i32
        %get3A_897 = arith.index_cast %get3A_896 : i32 to index
        %get3A_898 = arith.constant 144 : index
        %get3A_899 = tpu.vector_load %arg5[%get3A_897, %get3A_898] {strides = array<i32>} : memref<16x256xf32, #tpu.memory_space<vmem>>, vector<1x16xf32>,
        %get3A_900 = vector.shape_cast %get3A_899 : vector<1x16xf32> to vector<16xf32>
        %swap3A_901 = arith.constant 4 : i32
        %swap3A_902 = arith.constant 25 : i32
        %swap3A_903 = arith.index_cast %swap3A_901 : i32 to index
        %swap3A_904 = arith.index_cast %swap3A_902 : i32 to index
        %swap3A_905 = arith.constant 16 : index
        %swap3A_906 = tpu.vector_load %arg4[%swap3A_903, %swap3A_904, %swap3A_905] {strides = array<i32>} : memref<16x50x128xf32, #tpu.memory_space<vmem>>, vector<1x1x16xf32>,
        %swap3A_907 = vector.shape_cast %swap3A_906 : vector<1x1x16xf32> to vector<16xf32>
        %swap3A_908 = vector.shape_cast %get3A_900 : vector<16xf32> to vector<1x1x16xf32>
        tpu.vector_store %arg4[%swap3A_903, %swap3A_904, %swap3A_905], %swap3A_908 {strides = array<i32>} : memref<16x50x128xf32, #tpu.memory_space<vmem>>, vector<1x1x16xf32>,
        %get3A_909 = arith.constant 4 : i32
        %get3A_910 = arith.index_cast %get3A_909 : i32 to index
        %get3A_911 = arith.constant 32 : index
        %get3A_912 = tpu.vector_load %arg5[%get3A_910, %get3A_911] {strides = array<i32>} : memref<16x256xf32, #tpu.memory_space<vmem>>, vector<1x16xf32>,
        %get3A_913 = vector.shape_cast %get3A_912 : vector<1x16xf32> to vector<16xf32>
        %swap3A_914 = arith.constant 4 : i32
        %swap3A_915 = arith.constant 0 : i32
        %swap3A_916 = arith.index_cast %swap3A_914 : i32 to index
        %swap3A_917 = arith.index_cast %swap3A_915 : i32 to index
        %swap3A_918 = arith.constant 32 : index
        %swap3A_919 = tpu.vector_load %arg4[%swap3A_916, %swap3A_917, %swap3A_918] {strides = array<i32>} : memref<16x50x128xf32, #tpu.memory_space<vmem>>, vector<1x1x16xf32>,
        %swap3A_920 = vector.shape_cast %swap3A_919 : vector<1x1x16xf32> to vector<16xf32>
        %swap3A_921 = vector.shape_cast %get3A_913 : vector<16xf32> to vector<1x1x16xf32>
        tpu.vector_store %arg4[%swap3A_916, %swap3A_917, %swap3A_918], %swap3A_921 {strides = array<i32>} : memref<16x50x128xf32, #tpu.memory_space<vmem>>, vector<1x1x16xf32>,
        %get3A_922 = arith.constant 4 : i32
        %get3A_923 = arith.index_cast %get3A_922 : i32 to index
        %get3A_924 = arith.constant 160 : index
        %get3A_925 = tpu.vector_load %arg5[%get3A_923, %get3A_924] {strides = array<i32>} : memref<16x256xf32, #tpu.memory_space<vmem>>, vector<1x16xf32>,
        %get3A_926 = vector.shape_cast %get3A_925 : vector<1x16xf32> to vector<16xf32>
        %swap3A_927 = arith.constant 4 : i32
        %swap3A_928 = arith.constant 25 : i32
        %swap3A_929 = arith.index_cast %swap3A_927 : i32 to index
        %swap3A_930 = arith.index_cast %swap3A_928 : i32 to index
        %swap3A_931 = arith.constant 32 : index
        %swap3A_932 = tpu.vector_load %arg4[%swap3A_929, %swap3A_930, %swap3A_931] {strides = array<i32>} : memref<16x50x128xf32, #tpu.memory_space<vmem>>, vector<1x1x16xf32>,
        %swap3A_933 = vector.shape_cast %swap3A_932 : vector<1x1x16xf32> to vector<16xf32>
        %swap3A_934 = vector.shape_cast %get3A_926 : vector<16xf32> to vector<1x1x16xf32>
        tpu.vector_store %arg4[%swap3A_929, %swap3A_930, %swap3A_931], %swap3A_934 {strides = array<i32>} : memref<16x50x128xf32, #tpu.memory_space<vmem>>, vector<1x1x16xf32>,
        %get3A_935 = arith.constant 4 : i32
        %get3A_936 = arith.index_cast %get3A_935 : i32 to index
        %get3A_937 = arith.constant 48 : index
        %get3A_938 = tpu.vector_load %arg5[%get3A_936, %get3A_937] {strides = array<i32>} : memref<16x256xf32, #tpu.memory_space<vmem>>, vector<1x16xf32>,
        %get3A_939 = vector.shape_cast %get3A_938 : vector<1x16xf32> to vector<16xf32>
        %swap3A_940 = arith.constant 4 : i32
        %swap3A_941 = arith.constant 0 : i32
        %swap3A_942 = arith.index_cast %swap3A_940 : i32 to index
        %swap3A_943 = arith.index_cast %swap3A_941 : i32 to index
        %swap3A_944 = arith.constant 48 : index
        %swap3A_945 = tpu.vector_load %arg4[%swap3A_942, %swap3A_943, %swap3A_944] {strides = array<i32>} : memref<16x50x128xf32, #tpu.memory_space<vmem>>, vector<1x1x16xf32>,
        %swap3A_946 = vector.shape_cast %swap3A_945 : vector<1x1x16xf32> to vector<16xf32>
        %swap3A_947 = vector.shape_cast %get3A_939 : vector<16xf32> to vector<1x1x16xf32>
        tpu.vector_store %arg4[%swap3A_942, %swap3A_943, %swap3A_944], %swap3A_947 {strides = array<i32>} : memref<16x50x128xf32, #tpu.memory_space<vmem>>, vector<1x1x16xf32>,
        %get3A_948 = arith.constant 4 : i32
        %get3A_949 = arith.index_cast %get3A_948 : i32 to index
        %get3A_950 = arith.constant 176 : index
        %get3A_951 = tpu.vector_load %arg5[%get3A_949, %get3A_950] {strides = array<i32>} : memref<16x256xf32, #tpu.memory_space<vmem>>, vector<1x16xf32>,
        %get3A_952 = vector.shape_cast %get3A_951 : vector<1x16xf32> to vector<16xf32>
        %swap3A_953 = arith.constant 4 : i32
        %swap3A_954 = arith.constant 25 : i32
        %swap3A_955 = arith.index_cast %swap3A_953 : i32 to index
        %swap3A_956 = arith.index_cast %swap3A_954 : i32 to index
        %swap3A_957 = arith.constant 48 : index
        %swap3A_958 = tpu.vector_load %arg4[%swap3A_955, %swap3A_956, %swap3A_957] {strides = array<i32>} : memref<16x50x128xf32, #tpu.memory_space<vmem>>, vector<1x1x16xf32>,
        %swap3A_959 = vector.shape_cast %swap3A_958 : vector<1x1x16xf32> to vector<16xf32>
        %swap3A_960 = vector.shape_cast %get3A_952 : vector<16xf32> to vector<1x1x16xf32>
        tpu.vector_store %arg4[%swap3A_955, %swap3A_956, %swap3A_957], %swap3A_960 {strides = array<i32>} : memref<16x50x128xf32, #tpu.memory_space<vmem>>, vector<1x1x16xf32>,
        %get3A_961 = arith.constant 4 : i32
        %get3A_962 = arith.index_cast %get3A_961 : i32 to index
        %get3A_963 = arith.constant 64 : index
        %get3A_964 = tpu.vector_load %arg5[%get3A_962, %get3A_963] {strides = array<i32>} : memref<16x256xf32, #tpu.memory_space<vmem>>, vector<1x16xf32>,
        %get3A_965 = vector.shape_cast %get3A_964 : vector<1x16xf32> to vector<16xf32>
        %swap3A_966 = arith.constant 4 : i32
        %swap3A_967 = arith.constant 0 : i32
        %swap3A_968 = arith.index_cast %swap3A_966 : i32 to index
        %swap3A_969 = arith.index_cast %swap3A_967 : i32 to index
        %swap3A_970 = arith.constant 64 : index
        %swap3A_971 = tpu.vector_load %arg4[%swap3A_968, %swap3A_969, %swap3A_970] {strides = array<i32>} : memref<16x50x128xf32, #tpu.memory_space<vmem>>, vector<1x1x16xf32>,
        %swap3A_972 = vector.shape_cast %swap3A_971 : vector<1x1x16xf32> to vector<16xf32>
        %swap3A_973 = vector.shape_cast %get3A_965 : vector<16xf32> to vector<1x1x16xf32>
        tpu.vector_store %arg4[%swap3A_968, %swap3A_969, %swap3A_970], %swap3A_973 {strides = array<i32>} : memref<16x50x128xf32, #tpu.memory_space<vmem>>, vector<1x1x16xf32>,
        %get3A_974 = arith.constant 4 : i32
        %get3A_975 = arith.index_cast %get3A_974 : i32 to index
        %get3A_976 = arith.constant 192 : index
        %get3A_977 = tpu.vector_load %arg5[%get3A_975, %get3A_976] {strides = array<i32>} : memref<16x256xf32, #tpu.memory_space<vmem>>, vector<1x16xf32>,
        %get3A_978 = vector.shape_cast %get3A_977 : vector<1x16xf32> to vector<16xf32>
        %swap3A_979 = arith.constant 4 : i32
        %swap3A_980 = arith.constant 25 : i32
        %swap3A_981 = arith.index_cast %swap3A_979 : i32 to index
        %swap3A_982 = arith.index_cast %swap3A_980 : i32 to index
        %swap3A_983 = arith.constant 64 : index
        %swap3A_984 = tpu.vector_load %arg4[%swap3A_981, %swap3A_982, %swap3A_983] {strides = array<i32>} : memref<16x50x128xf32, #tpu.memory_space<vmem>>, vector<1x1x16xf32>,
        %swap3A_985 = vector.shape_cast %swap3A_984 : vector<1x1x16xf32> to vector<16xf32>
        %swap3A_986 = vector.shape_cast %get3A_978 : vector<16xf32> to vector<1x1x16xf32>
        tpu.vector_store %arg4[%swap3A_981, %swap3A_982, %swap3A_983], %swap3A_986 {strides = array<i32>} : memref<16x50x128xf32, #tpu.memory_space<vmem>>, vector<1x1x16xf32>,
        %get3A_987 = arith.constant 4 : i32
        %get3A_988 = arith.index_cast %get3A_987 : i32 to index
        %get3A_989 = arith.constant 80 : index
        %get3A_990 = tpu.vector_load %arg5[%get3A_988, %get3A_989] {strides = array<i32>} : memref<16x256xf32, #tpu.memory_space<vmem>>, vector<1x16xf32>,
        %get3A_991 = vector.shape_cast %get3A_990 : vector<1x16xf32> to vector<16xf32>
        %swap3A_992 = arith.constant 4 : i32
        %swap3A_993 = arith.constant 0 : i32
        %swap3A_994 = arith.index_cast %swap3A_992 : i32 to index
        %swap3A_995 = arith.index_cast %swap3A_993 : i32 to index
        %swap3A_996 = arith.constant 80 : index
        %swap3A_997 = tpu.vector_load %arg4[%swap3A_994, %swap3A_995, %swap3A_996] {strides = array<i32>} : memref<16x50x128xf32, #tpu.memory_space<vmem>>, vector<1x1x16xf32>,
        %swap3A_998 = vector.shape_cast %swap3A_997 : vector<1x1x16xf32> to vector<16xf32>
        %swap3A_999 = vector.shape_cast %get3A_991 : vector<16xf32> to vector<1x1x16xf32>
        tpu.vector_store %arg4[%swap3A_994, %swap3A_995, %swap3A_996], %swap3A_999 {strides = array<i32>} : memref<16x50x128xf32, #tpu.memory_space<vmem>>, vector<1x1x16xf32>,
        %get3A_1000 = arith.constant 4 : i32
        %get3A_1001 = arith.index_cast %get3A_1000 : i32 to index
        %get3A_1002 = arith.constant 208 : index
        %get3A_1003 = tpu.vector_load %arg5[%get3A_1001, %get3A_1002] {strides = array<i32>} : memref<16x256xf32, #tpu.memory_space<vmem>>, vector<1x16xf32>,
        %get3A_1004 = vector.shape_cast %get3A_1003 : vector<1x16xf32> to vector<16xf32>
        %swap3A_1005 = arith.constant 4 : i32
        %swap3A_1006 = arith.constant 25 : i32
        %swap3A_1007 = arith.index_cast %swap3A_1005 : i32 to index
        %swap3A_1008 = arith.index_cast %swap3A_1006 : i32 to index
        %swap3A_1009 = arith.constant 80 : index
        %swap3A_1010 = tpu.vector_load %arg4[%swap3A_1007, %swap3A_1008, %swap3A_1009] {strides = array<i32>} : memref<16x50x128xf32, #tpu.memory_space<vmem>>, vector<1x1x16xf32>,
        %swap3A_1011 = vector.shape_cast %swap3A_1010 : vector<1x1x16xf32> to vector<16xf32>
        %swap3A_1012 = vector.shape_cast %get3A_1004 : vector<16xf32> to vector<1x1x16xf32>
        tpu.vector_store %arg4[%swap3A_1007, %swap3A_1008, %swap3A_1009], %swap3A_1012 {strides = array<i32>} : memref<16x50x128xf32, #tpu.memory_space<vmem>>, vector<1x1x16xf32>,
        %get3A_1013 = arith.constant 4 : i32
        %get3A_1014 = arith.index_cast %get3A_1013 : i32 to index
        %get3A_1015 = arith.constant 96 : index
        %get3A_1016 = tpu.vector_load %arg5[%get3A_1014, %get3A_1015] {strides = array<i32>} : memref<16x256xf32, #tpu.memory_space<vmem>>, vector<1x16xf32>,
        %get3A_1017 = vector.shape_cast %get3A_1016 : vector<1x16xf32> to vector<16xf32>
        %swap3A_1018 = arith.constant 4 : i32
        %swap3A_1019 = arith.constant 0 : i32
        %swap3A_1020 = arith.index_cast %swap3A_1018 : i32 to index
        %swap3A_1021 = arith.index_cast %swap3A_1019 : i32 to index
        %swap3A_1022 = arith.constant 96 : index
        %swap3A_1023 = tpu.vector_load %arg4[%swap3A_1020, %swap3A_1021, %swap3A_1022] {strides = array<i32>} : memref<16x50x128xf32, #tpu.memory_space<vmem>>, vector<1x1x16xf32>,
        %swap3A_1024 = vector.shape_cast %swap3A_1023 : vector<1x1x16xf32> to vector<16xf32>
        %swap3A_1025 = vector.shape_cast %get3A_1017 : vector<16xf32> to vector<1x1x16xf32>
        tpu.vector_store %arg4[%swap3A_1020, %swap3A_1021, %swap3A_1022], %swap3A_1025 {strides = array<i32>} : memref<16x50x128xf32, #tpu.memory_space<vmem>>, vector<1x1x16xf32>,
        %get3A_1026 = arith.constant 4 : i32
        %get3A_1027 = arith.index_cast %get3A_1026 : i32 to index
        %get3A_1028 = arith.constant 224 : index
        %get3A_1029 = tpu.vector_load %arg5[%get3A_1027, %get3A_1028] {strides = array<i32>} : memref<16x256xf32, #tpu.memory_space<vmem>>, vector<1x16xf32>,
        %get3A_1030 = vector.shape_cast %get3A_1029 : vector<1x16xf32> to vector<16xf32>
        %swap3A_1031 = arith.constant 4 : i32
        %swap3A_1032 = arith.constant 25 : i32
        %swap3A_1033 = arith.index_cast %swap3A_1031 : i32 to index
        %swap3A_1034 = arith.index_cast %swap3A_1032 : i32 to index
        %swap3A_1035 = arith.constant 96 : index
        %swap3A_1036 = tpu.vector_load %arg4[%swap3A_1033, %swap3A_1034, %swap3A_1035] {strides = array<i32>} : memref<16x50x128xf32, #tpu.memory_space<vmem>>, vector<1x1x16xf32>,
        %swap3A_1037 = vector.shape_cast %swap3A_1036 : vector<1x1x16xf32> to vector<16xf32>
        %swap3A_1038 = vector.shape_cast %get3A_1030 : vector<16xf32> to vector<1x1x16xf32>
        tpu.vector_store %arg4[%swap3A_1033, %swap3A_1034, %swap3A_1035], %swap3A_1038 {strides = array<i32>} : memref<16x50x128xf32, #tpu.memory_space<vmem>>, vector<1x1x16xf32>,
        %get3A_1039 = arith.constant 4 : i32
        %get3A_1040 = arith.index_cast %get3A_1039 : i32 to index
        %get3A_1041 = arith.constant 112 : index
        %get3A_1042 = tpu.vector_load %arg5[%get3A_1040, %get3A_1041] {strides = array<i32>} : memref<16x256xf32, #tpu.memory_space<vmem>>, vector<1x16xf32>,
        %get3A_1043 = vector.shape_cast %get3A_1042 : vector<1x16xf32> to vector<16xf32>
        %swap3A_1044 = arith.constant 4 : i32
        %swap3A_1045 = arith.constant 0 : i32
        %swap3A_1046 = arith.index_cast %swap3A_1044 : i32 to index
        %swap3A_1047 = arith.index_cast %swap3A_1045 : i32 to index
        %swap3A_1048 = arith.constant 112 : index
        %swap3A_1049 = tpu.vector_load %arg4[%swap3A_1046, %swap3A_1047, %swap3A_1048] {strides = array<i32>} : memref<16x50x128xf32, #tpu.memory_space<vmem>>, vector<1x1x16xf32>,
        %swap3A_1050 = vector.shape_cast %swap3A_1049 : vector<1x1x16xf32> to vector<16xf32>
        %swap3A_1051 = vector.shape_cast %get3A_1043 : vector<16xf32> to vector<1x1x16xf32>
        tpu.vector_store %arg4[%swap3A_1046, %swap3A_1047, %swap3A_1048], %swap3A_1051 {strides = array<i32>} : memref<16x50x128xf32, #tpu.memory_space<vmem>>, vector<1x1x16xf32>,
        %get3A_1052 = arith.constant 4 : i32
        %get3A_1053 = arith.index_cast %get3A_1052 : i32 to index
        %get3A_1054 = arith.constant 240 : index
        %get3A_1055 = tpu.vector_load %arg5[%get3A_1053, %get3A_1054] {strides = array<i32>} : memref<16x256xf32, #tpu.memory_space<vmem>>, vector<1x16xf32>,
        %get3A_1056 = vector.shape_cast %get3A_1055 : vector<1x16xf32> to vector<16xf32>
        %swap3A_1057 = arith.constant 4 : i32
        %swap3A_1058 = arith.constant 25 : i32
        %swap3A_1059 = arith.index_cast %swap3A_1057 : i32 to index
        %swap3A_1060 = arith.index_cast %swap3A_1058 : i32 to index
        %swap3A_1061 = arith.constant 112 : index
        %swap3A_1062 = tpu.vector_load %arg4[%swap3A_1059, %swap3A_1060, %swap3A_1061] {strides = array<i32>} : memref<16x50x128xf32, #tpu.memory_space<vmem>>, vector<1x1x16xf32>,
        %swap3A_1063 = vector.shape_cast %swap3A_1062 : vector<1x1x16xf32> to vector<16xf32>
        %swap3A_1064 = vector.shape_cast %get3A_1056 : vector<16xf32> to vector<1x1x16xf32>
        tpu.vector_store %arg4[%swap3A_1059, %swap3A_1060, %swap3A_1061], %swap3A_1064 {strides = array<i32>} : memref<16x50x128xf32, #tpu.memory_space<vmem>>, vector<1x1x16xf32>,
        %get3A_1065 = arith.constant 5 : i32
        %get3A_1066 = arith.index_cast %get3A_1065 : i32 to index
        %get3A_1067 = arith.constant 0 : index
        %get3A_1068 = tpu.vector_load %arg5[%get3A_1066, %get3A_1067] {strides = array<i32>} : memref<16x256xf32, #tpu.memory_space<vmem>>, vector<1x16xf32>,
        %get3A_1069 = vector.shape_cast %get3A_1068 : vector<1x16xf32> to vector<16xf32>
        %swap3A_1070 = arith.constant 5 : i32
        %swap3A_1071 = arith.constant 0 : i32
        %swap3A_1072 = arith.index_cast %swap3A_1070 : i32 to index
        %swap3A_1073 = arith.index_cast %swap3A_1071 : i32 to index
        %swap3A_1074 = arith.constant 0 : index
        %swap3A_1075 = tpu.vector_load %arg4[%swap3A_1072, %swap3A_1073, %swap3A_1074] {strides = array<i32>} : memref<16x50x128xf32, #tpu.memory_space<vmem>>, vector<1x1x16xf32>,
        %swap3A_1076 = vector.shape_cast %swap3A_1075 : vector<1x1x16xf32> to vector<16xf32>
        %swap3A_1077 = vector.shape_cast %get3A_1069 : vector<16xf32> to vector<1x1x16xf32>
        tpu.vector_store %arg4[%swap3A_1072, %swap3A_1073, %swap3A_1074], %swap3A_1077 {strides = array<i32>} : memref<16x50x128xf32, #tpu.memory_space<vmem>>, vector<1x1x16xf32>,
        %get3A_1078 = arith.constant 5 : i32
        %get3A_1079 = arith.index_cast %get3A_1078 : i32 to index
        %get3A_1080 = arith.constant 128 : index
        %get3A_1081 = tpu.vector_load %arg5[%get3A_1079, %get3A_1080] {strides = array<i32>} : memref<16x256xf32, #tpu.memory_space<vmem>>, vector<1x16xf32>,
        %get3A_1082 = vector.shape_cast %get3A_1081 : vector<1x16xf32> to vector<16xf32>
        %swap3A_1083 = arith.constant 5 : i32
        %swap3A_1084 = arith.constant 25 : i32
        %swap3A_1085 = arith.index_cast %swap3A_1083 : i32 to index
        %swap3A_1086 = arith.index_cast %swap3A_1084 : i32 to index
        %swap3A_1087 = arith.constant 0 : index
        %swap3A_1088 = tpu.vector_load %arg4[%swap3A_1085, %swap3A_1086, %swap3A_1087] {strides = array<i32>} : memref<16x50x128xf32, #tpu.memory_space<vmem>>, vector<1x1x16xf32>,
        %swap3A_1089 = vector.shape_cast %swap3A_1088 : vector<1x1x16xf32> to vector<16xf32>
        %swap3A_1090 = vector.shape_cast %get3A_1082 : vector<16xf32> to vector<1x1x16xf32>
        tpu.vector_store %arg4[%swap3A_1085, %swap3A_1086, %swap3A_1087], %swap3A_1090 {strides = array<i32>} : memref<16x50x128xf32, #tpu.memory_space<vmem>>, vector<1x1x16xf32>,
        %get3A_1091 = arith.constant 5 : i32
        %get3A_1092 = arith.index_cast %get3A_1091 : i32 to index
        %get3A_1093 = arith.constant 16 : index
        %get3A_1094 = tpu.vector_load %arg5[%get3A_1092, %get3A_1093] {strides = array<i32>} : memref<16x256xf32, #tpu.memory_space<vmem>>, vector<1x16xf32>,
        %get3A_1095 = vector.shape_cast %get3A_1094 : vector<1x16xf32> to vector<16xf32>
        %swap3A_1096 = arith.constant 5 : i32
        %swap3A_1097 = arith.constant 0 : i32
        %swap3A_1098 = arith.index_cast %swap3A_1096 : i32 to index
        %swap3A_1099 = arith.index_cast %swap3A_1097 : i32 to index
        %swap3A_1100 = arith.constant 16 : index
        %swap3A_1101 = tpu.vector_load %arg4[%swap3A_1098, %swap3A_1099, %swap3A_1100] {strides = array<i32>} : memref<16x50x128xf32, #tpu.memory_space<vmem>>, vector<1x1x16xf32>,
        %swap3A_1102 = vector.shape_cast %swap3A_1101 : vector<1x1x16xf32> to vector<16xf32>
        %swap3A_1103 = vector.shape_cast %get3A_1095 : vector<16xf32> to vector<1x1x16xf32>
        tpu.vector_store %arg4[%swap3A_1098, %swap3A_1099, %swap3A_1100], %swap3A_1103 {strides = array<i32>} : memref<16x50x128xf32, #tpu.memory_space<vmem>>, vector<1x1x16xf32>,
        %get3A_1104 = arith.constant 5 : i32
        %get3A_1105 = arith.index_cast %get3A_1104 : i32 to index
        %get3A_1106 = arith.constant 144 : index
        %get3A_1107 = tpu.vector_load %arg5[%get3A_1105, %get3A_1106] {strides = array<i32>} : memref<16x256xf32, #tpu.memory_space<vmem>>, vector<1x16xf32>,
        %get3A_1108 = vector.shape_cast %get3A_1107 : vector<1x16xf32> to vector<16xf32>
        %swap3A_1109 = arith.constant 5 : i32
        %swap3A_1110 = arith.constant 25 : i32
        %swap3A_1111 = arith.index_cast %swap3A_1109 : i32 to index
        %swap3A_1112 = arith.index_cast %swap3A_1110 : i32 to index
        %swap3A_1113 = arith.constant 16 : index
        %swap3A_1114 = tpu.vector_load %arg4[%swap3A_1111, %swap3A_1112, %swap3A_1113] {strides = array<i32>} : memref<16x50x128xf32, #tpu.memory_space<vmem>>, vector<1x1x16xf32>,
        %swap3A_1115 = vector.shape_cast %swap3A_1114 : vector<1x1x16xf32> to vector<16xf32>
        %swap3A_1116 = vector.shape_cast %get3A_1108 : vector<16xf32> to vector<1x1x16xf32>
        tpu.vector_store %arg4[%swap3A_1111, %swap3A_1112, %swap3A_1113], %swap3A_1116 {strides = array<i32>} : memref<16x50x128xf32, #tpu.memory_space<vmem>>, vector<1x1x16xf32>,
        %get3A_1117 = arith.constant 5 : i32
        %get3A_1118 = arith.index_cast %get3A_1117 : i32 to index
        %get3A_1119 = arith.constant 32 : index
        %get3A_1120 = tpu.vector_load %arg5[%get3A_1118, %get3A_1119] {strides = array<i32>} : memref<16x256xf32, #tpu.memory_space<vmem>>, vector<1x16xf32>,
        %get3A_1121 = vector.shape_cast %get3A_1120 : vector<1x16xf32> to vector<16xf32>
        %swap3A_1122 = arith.constant 5 : i32
        %swap3A_1123 = arith.constant 0 : i32
        %swap3A_1124 = arith.index_cast %swap3A_1122 : i32 to index
        %swap3A_1125 = arith.index_cast %swap3A_1123 : i32 to index
        %swap3A_1126 = arith.constant 32 : index
        %swap3A_1127 = tpu.vector_load %arg4[%swap3A_1124, %swap3A_1125, %swap3A_1126] {strides = array<i32>} : memref<16x50x128xf32, #tpu.memory_space<vmem>>, vector<1x1x16xf32>,
        %swap3A_1128 = vector.shape_cast %swap3A_1127 : vector<1x1x16xf32> to vector<16xf32>
        %swap3A_1129 = vector.shape_cast %get3A_1121 : vector<16xf32> to vector<1x1x16xf32>
        tpu.vector_store %arg4[%swap3A_1124, %swap3A_1125, %swap3A_1126], %swap3A_1129 {strides = array<i32>} : memref<16x50x128xf32, #tpu.memory_space<vmem>>, vector<1x1x16xf32>,
        %get3A_1130 = arith.constant 5 : i32
        %get3A_1131 = arith.index_cast %get3A_1130 : i32 to index
        %get3A_1132 = arith.constant 160 : index
        %get3A_1133 = tpu.vector_load %arg5[%get3A_1131, %get3A_1132] {strides = array<i32>} : memref<16x256xf32, #tpu.memory_space<vmem>>, vector<1x16xf32>,
        %get3A_1134 = vector.shape_cast %get3A_1133 : vector<1x16xf32> to vector<16xf32>
        %swap3A_1135 = arith.constant 5 : i32
        %swap3A_1136 = arith.constant 25 : i32
        %swap3A_1137 = arith.index_cast %swap3A_1135 : i32 to index
        %swap3A_1138 = arith.index_cast %swap3A_1136 : i32 to index
        %swap3A_1139 = arith.constant 32 : index
        %swap3A_1140 = tpu.vector_load %arg4[%swap3A_1137, %swap3A_1138, %swap3A_1139] {strides = array<i32>} : memref<16x50x128xf32, #tpu.memory_space<vmem>>, vector<1x1x16xf32>,
        %swap3A_1141 = vector.shape_cast %swap3A_1140 : vector<1x1x16xf32> to vector<16xf32>
        %swap3A_1142 = vector.shape_cast %get3A_1134 : vector<16xf32> to vector<1x1x16xf32>
        tpu.vector_store %arg4[%swap3A_1137, %swap3A_1138, %swap3A_1139], %swap3A_1142 {strides = array<i32>} : memref<16x50x128xf32, #tpu.memory_space<vmem>>, vector<1x1x16xf32>,
        %get3A_1143 = arith.constant 5 : i32
        %get3A_1144 = arith.index_cast %get3A_1143 : i32 to index
        %get3A_1145 = arith.constant 48 : index
        %get3A_1146 = tpu.vector_load %arg5[%get3A_1144, %get3A_1145] {strides = array<i32>} : memref<16x256xf32, #tpu.memory_space<vmem>>, vector<1x16xf32>,
        %get3A_1147 = vector.shape_cast %get3A_1146 : vector<1x16xf32> to vector<16xf32>
        %swap3A_1148 = arith.constant 5 : i32
        %swap3A_1149 = arith.constant 0 : i32
        %swap3A_1150 = arith.index_cast %swap3A_1148 : i32 to index
        %swap3A_1151 = arith.index_cast %swap3A_1149 : i32 to index
        %swap3A_1152 = arith.constant 48 : index
        %swap3A_1153 = tpu.vector_load %arg4[%swap3A_1150, %swap3A_1151, %swap3A_1152] {strides = array<i32>} : memref<16x50x128xf32, #tpu.memory_space<vmem>>, vector<1x1x16xf32>,
        %swap3A_1154 = vector.shape_cast %swap3A_1153 : vector<1x1x16xf32> to vector<16xf32>
        %swap3A_1155 = vector.shape_cast %get3A_1147 : vector<16xf32> to vector<1x1x16xf32>
        tpu.vector_store %arg4[%swap3A_1150, %swap3A_1151, %swap3A_1152], %swap3A_1155 {strides = array<i32>} : memref<16x50x128xf32, #tpu.memory_space<vmem>>, vector<1x1x16xf32>,
        %get3A_1156 = arith.constant 5 : i32
        %get3A_1157 = arith.index_cast %get3A_1156 : i32 to index
        %get3A_1158 = arith.constant 176 : index
        %get3A_1159 = tpu.vector_load %arg5[%get3A_1157, %get3A_1158] {strides = array<i32>} : memref<16x256xf32, #tpu.memory_space<vmem>>, vector<1x16xf32>,
        %get3A_1160 = vector.shape_cast %get3A_1159 : vector<1x16xf32> to vector<16xf32>
        %swap3A_1161 = arith.constant 5 : i32
        %swap3A_1162 = arith.constant 25 : i32
        %swap3A_1163 = arith.index_cast %swap3A_1161 : i32 to index
        %swap3A_1164 = arith.index_cast %swap3A_1162 : i32 to index
        %swap3A_1165 = arith.constant 48 : index
        %swap3A_1166 = tpu.vector_load %arg4[%swap3A_1163, %swap3A_1164, %swap3A_1165] {strides = array<i32>} : memref<16x50x128xf32, #tpu.memory_space<vmem>>, vector<1x1x16xf32>,
        %swap3A_1167 = vector.shape_cast %swap3A_1166 : vector<1x1x16xf32> to vector<16xf32>
        %swap3A_1168 = vector.shape_cast %get3A_1160 : vector<16xf32> to vector<1x1x16xf32>
        tpu.vector_store %arg4[%swap3A_1163, %swap3A_1164, %swap3A_1165], %swap3A_1168 {strides = array<i32>} : memref<16x50x128xf32, #tpu.memory_space<vmem>>, vector<1x1x16xf32>,
        %get3A_1169 = arith.constant 5 : i32
        %get3A_1170 = arith.index_cast %get3A_1169 : i32 to index
        %get3A_1171 = arith.constant 64 : index
        %get3A_1172 = tpu.vector_load %arg5[%get3A_1170, %get3A_1171] {strides = array<i32>} : memref<16x256xf32, #tpu.memory_space<vmem>>, vector<1x16xf32>,
        %get3A_1173 = vector.shape_cast %get3A_1172 : vector<1x16xf32> to vector<16xf32>
        %swap3A_1174 = arith.constant 5 : i32
        %swap3A_1175 = arith.constant 0 : i32
        %swap3A_1176 = arith.index_cast %swap3A_1174 : i32 to index
        %swap3A_1177 = arith.index_cast %swap3A_1175 : i32 to index
        %swap3A_1178 = arith.constant 64 : index
        %swap3A_1179 = tpu.vector_load %arg4[%swap3A_1176, %swap3A_1177, %swap3A_1178] {strides = array<i32>} : memref<16x50x128xf32, #tpu.memory_space<vmem>>, vector<1x1x16xf32>,
        %swap3A_1180 = vector.shape_cast %swap3A_1179 : vector<1x1x16xf32> to vector<16xf32>
        %swap3A_1181 = vector.shape_cast %get3A_1173 : vector<16xf32> to vector<1x1x16xf32>
        tpu.vector_store %arg4[%swap3A_1176, %swap3A_1177, %swap3A_1178], %swap3A_1181 {strides = array<i32>} : memref<16x50x128xf32, #tpu.memory_space<vmem>>, vector<1x1x16xf32>,
        %get3A_1182 = arith.constant 5 : i32
        %get3A_1183 = arith.index_cast %get3A_1182 : i32 to index
        %get3A_1184 = arith.constant 192 : index
        %get3A_1185 = tpu.vector_load %arg5[%get3A_1183, %get3A_1184] {strides = array<i32>} : memref<16x256xf32, #tpu.memory_space<vmem>>, vector<1x16xf32>,
        %get3A_1186 = vector.shape_cast %get3A_1185 : vector<1x16xf32> to vector<16xf32>
        %swap3A_1187 = arith.constant 5 : i32
        %swap3A_1188 = arith.constant 25 : i32
        %swap3A_1189 = arith.index_cast %swap3A_1187 : i32 to index
        %swap3A_1190 = arith.index_cast %swap3A_1188 : i32 to index
        %swap3A_1191 = arith.constant 64 : index
        %swap3A_1192 = tpu.vector_load %arg4[%swap3A_1189, %swap3A_1190, %swap3A_1191] {strides = array<i32>} : memref<16x50x128xf32, #tpu.memory_space<vmem>>, vector<1x1x16xf32>,
        %swap3A_1193 = vector.shape_cast %swap3A_1192 : vector<1x1x16xf32> to vector<16xf32>
        %swap3A_1194 = vector.shape_cast %get3A_1186 : vector<16xf32> to vector<1x1x16xf32>
        tpu.vector_store %arg4[%swap3A_1189, %swap3A_1190, %swap3A_1191], %swap3A_1194 {strides = array<i32>} : memref<16x50x128xf32, #tpu.memory_space<vmem>>, vector<1x1x16xf32>,
        %get3A_1195 = arith.constant 5 : i32
        %get3A_1196 = arith.index_cast %get3A_1195 : i32 to index
        %get3A_1197 = arith.constant 80 : index
        %get3A_1198 = tpu.vector_load %arg5[%get3A_1196, %get3A_1197] {strides = array<i32>} : memref<16x256xf32, #tpu.memory_space<vmem>>, vector<1x16xf32>,
        %get3A_1199 = vector.shape_cast %get3A_1198 : vector<1x16xf32> to vector<16xf32>
        %swap3A_1200 = arith.constant 5 : i32
        %swap3A_1201 = arith.constant 0 : i32
        %swap3A_1202 = arith.index_cast %swap3A_1200 : i32 to index
        %swap3A_1203 = arith.index_cast %swap3A_1201 : i32 to index
        %swap3A_1204 = arith.constant 80 : index
        %swap3A_1205 = tpu.vector_load %arg4[%swap3A_1202, %swap3A_1203, %swap3A_1204] {strides = array<i32>} : memref<16x50x128xf32, #tpu.memory_space<vmem>>, vector<1x1x16xf32>,
        %swap3A_1206 = vector.shape_cast %swap3A_1205 : vector<1x1x16xf32> to vector<16xf32>
        %swap3A_1207 = vector.shape_cast %get3A_1199 : vector<16xf32> to vector<1x1x16xf32>
        tpu.vector_store %arg4[%swap3A_1202, %swap3A_1203, %swap3A_1204], %swap3A_1207 {strides = array<i32>} : memref<16x50x128xf32, #tpu.memory_space<vmem>>, vector<1x1x16xf32>,
        %get3A_1208 = arith.constant 5 : i32
        %get3A_1209 = arith.index_cast %get3A_1208 : i32 to index
        %get3A_1210 = arith.constant 208 : index
        %get3A_1211 = tpu.vector_load %arg5[%get3A_1209, %get3A_1210] {strides = array<i32>} : memref<16x256xf32, #tpu.memory_space<vmem>>, vector<1x16xf32>,
        %get3A_1212 = vector.shape_cast %get3A_1211 : vector<1x16xf32> to vector<16xf32>
        %swap3A_1213 = arith.constant 5 : i32
        %swap3A_1214 = arith.constant 25 : i32
        %swap3A_1215 = arith.index_cast %swap3A_1213 : i32 to index
        %swap3A_1216 = arith.index_cast %swap3A_1214 : i32 to index
        %swap3A_1217 = arith.constant 80 : index
        %swap3A_1218 = tpu.vector_load %arg4[%swap3A_1215, %swap3A_1216, %swap3A_1217] {strides = array<i32>} : memref<16x50x128xf32, #tpu.memory_space<vmem>>, vector<1x1x16xf32>,
        %swap3A_1219 = vector.shape_cast %swap3A_1218 : vector<1x1x16xf32> to vector<16xf32>
        %swap3A_1220 = vector.shape_cast %get3A_1212 : vector<16xf32> to vector<1x1x16xf32>
        tpu.vector_store %arg4[%swap3A_1215, %swap3A_1216, %swap3A_1217], %swap3A_1220 {strides = array<i32>} : memref<16x50x128xf32, #tpu.memory_space<vmem>>, vector<1x1x16xf32>,
        %get3A_1221 = arith.constant 5 : i32
        %get3A_1222 = arith.index_cast %get3A_1221 : i32 to index
        %get3A_1223 = arith.constant 96 : index
        %get3A_1224 = tpu.vector_load %arg5[%get3A_1222, %get3A_1223] {strides = array<i32>} : memref<16x256xf32, #tpu.memory_space<vmem>>, vector<1x16xf32>,
        %get3A_1225 = vector.shape_cast %get3A_1224 : vector<1x16xf32> to vector<16xf32>
        %swap3A_1226 = arith.constant 5 : i32
        %swap3A_1227 = arith.constant 0 : i32
        %swap3A_1228 = arith.index_cast %swap3A_1226 : i32 to index
        %swap3A_1229 = arith.index_cast %swap3A_1227 : i32 to index
        %swap3A_1230 = arith.constant 96 : index
        %swap3A_1231 = tpu.vector_load %arg4[%swap3A_1228, %swap3A_1229, %swap3A_1230] {strides = array<i32>} : memref<16x50x128xf32, #tpu.memory_space<vmem>>, vector<1x1x16xf32>,
        %swap3A_1232 = vector.shape_cast %swap3A_1231 : vector<1x1x16xf32> to vector<16xf32>
        %swap3A_1233 = vector.shape_cast %get3A_1225 : vector<16xf32> to vector<1x1x16xf32>
        tpu.vector_store %arg4[%swap3A_1228, %swap3A_1229, %swap3A_1230], %swap3A_1233 {strides = array<i32>} : memref<16x50x128xf32, #tpu.memory_space<vmem>>, vector<1x1x16xf32>,
        %get3A_1234 = arith.constant 5 : i32
        %get3A_1235 = arith.index_cast %get3A_1234 : i32 to index
        %get3A_1236 = arith.constant 224 : index
        %get3A_1237 = tpu.vector_load %arg5[%get3A_1235, %get3A_1236] {strides = array<i32>} : memref<16x256xf32, #tpu.memory_space<vmem>>, vector<1x16xf32>,
        %get3A_1238 = vector.shape_cast %get3A_1237 : vector<1x16xf32> to vector<16xf32>
        %swap3A_1239 = arith.constant 5 : i32
        %swap3A_1240 = arith.constant 25 : i32
        %swap3A_1241 = arith.index_cast %swap3A_1239 : i32 to index
        %swap3A_1242 = arith.index_cast %swap3A_1240 : i32 to index
        %swap3A_1243 = arith.constant 96 : index
        %swap3A_1244 = tpu.vector_load %arg4[%swap3A_1241, %swap3A_1242, %swap3A_1243] {strides = array<i32>} : memref<16x50x128xf32, #tpu.memory_space<vmem>>, vector<1x1x16xf32>,
        %swap3A_1245 = vector.shape_cast %swap3A_1244 : vector<1x1x16xf32> to vector<16xf32>
        %swap3A_1246 = vector.shape_cast %get3A_1238 : vector<16xf32> to vector<1x1x16xf32>
        tpu.vector_store %arg4[%swap3A_1241, %swap3A_1242, %swap3A_1243], %swap3A_1246 {strides = array<i32>} : memref<16x50x128xf32, #tpu.memory_space<vmem>>, vector<1x1x16xf32>,
        %get3A_1247 = arith.constant 5 : i32
        %get3A_1248 = arith.index_cast %get3A_1247 : i32 to index
        %get3A_1249 = arith.constant 112 : index
        %get3A_1250 = tpu.vector_load %arg5[%get3A_1248, %get3A_1249] {strides = array<i32>} : memref<16x256xf32, #tpu.memory_space<vmem>>, vector<1x16xf32>,
        %get3A_1251 = vector.shape_cast %get3A_1250 : vector<1x16xf32> to vector<16xf32>
        %swap3A_1252 = arith.constant 5 : i32
        %swap3A_1253 = arith.constant 0 : i32
        %swap3A_1254 = arith.index_cast %swap3A_1252 : i32 to index
        %swap3A_1255 = arith.index_cast %swap3A_1253 : i32 to index
        %swap3A_1256 = arith.constant 112 : index
        %swap3A_1257 = tpu.vector_load %arg4[%swap3A_1254, %swap3A_1255, %swap3A_1256] {strides = array<i32>} : memref<16x50x128xf32, #tpu.memory_space<vmem>>, vector<1x1x16xf32>,
        %swap3A_1258 = vector.shape_cast %swap3A_1257 : vector<1x1x16xf32> to vector<16xf32>
        %swap3A_1259 = vector.shape_cast %get3A_1251 : vector<16xf32> to vector<1x1x16xf32>
        tpu.vector_store %arg4[%swap3A_1254, %swap3A_1255, %swap3A_1256], %swap3A_1259 {strides = array<i32>} : memref<16x50x128xf32, #tpu.memory_space<vmem>>, vector<1x1x16xf32>,
        %get3A_1260 = arith.constant 5 : i32
        %get3A_1261 = arith.index_cast %get3A_1260 : i32 to index
        %get3A_1262 = arith.constant 240 : index
        %get3A_1263 = tpu.vector_load %arg5[%get3A_1261, %get3A_1262] {strides = array<i32>} : memref<16x256xf32, #tpu.memory_space<vmem>>, vector<1x16xf32>,
        %get3A_1264 = vector.shape_cast %get3A_1263 : vector<1x16xf32> to vector<16xf32>
        %swap3A_1265 = arith.constant 5 : i32
        %swap3A_1266 = arith.constant 25 : i32
        %swap3A_1267 = arith.index_cast %swap3A_1265 : i32 to index
        %swap3A_1268 = arith.index_cast %swap3A_1266 : i32 to index
        %swap3A_1269 = arith.constant 112 : index
        %swap3A_1270 = tpu.vector_load %arg4[%swap3A_1267, %swap3A_1268, %swap3A_1269] {strides = array<i32>} : memref<16x50x128xf32, #tpu.memory_space<vmem>>, vector<1x1x16xf32>,
        %swap3A_1271 = vector.shape_cast %swap3A_1270 : vector<1x1x16xf32> to vector<16xf32>
        %swap3A_1272 = vector.shape_cast %get3A_1264 : vector<16xf32> to vector<1x1x16xf32>
        tpu.vector_store %arg4[%swap3A_1267, %swap3A_1268, %swap3A_1269], %swap3A_1272 {strides = array<i32>} : memref<16x50x128xf32, #tpu.memory_space<vmem>>, vector<1x1x16xf32>,
        %get3A_1273 = arith.constant 6 : i32
        %get3A_1274 = arith.index_cast %get3A_1273 : i32 to index
        %get3A_1275 = arith.constant 0 : index
        %get3A_1276 = tpu.vector_load %arg5[%get3A_1274, %get3A_1275] {strides = array<i32>} : memref<16x256xf32, #tpu.memory_space<vmem>>, vector<1x16xf32>,
        %get3A_1277 = vector.shape_cast %get3A_1276 : vector<1x16xf32> to vector<16xf32>
        %swap3A_1278 = arith.constant 6 : i32
        %swap3A_1279 = arith.constant 0 : i32
        %swap3A_1280 = arith.index_cast %swap3A_1278 : i32 to index
        %swap3A_1281 = arith.index_cast %swap3A_1279 : i32 to index
        %swap3A_1282 = arith.constant 0 : index
        %swap3A_1283 = tpu.vector_load %arg4[%swap3A_1280, %swap3A_1281, %swap3A_1282] {strides = array<i32>} : memref<16x50x128xf32, #tpu.memory_space<vmem>>, vector<1x1x16xf32>,
        %swap3A_1284 = vector.shape_cast %swap3A_1283 : vector<1x1x16xf32> to vector<16xf32>
        %swap3A_1285 = vector.shape_cast %get3A_1277 : vector<16xf32> to vector<1x1x16xf32>
        tpu.vector_store %arg4[%swap3A_1280, %swap3A_1281, %swap3A_1282], %swap3A_1285 {strides = array<i32>} : memref<16x50x128xf32, #tpu.memory_space<vmem>>, vector<1x1x16xf32>,
        %get3A_1286 = arith.constant 6 : i32
        %get3A_1287 = arith.index_cast %get3A_1286 : i32 to index
        %get3A_1288 = arith.constant 128 : index
        %get3A_1289 = tpu.vector_load %arg5[%get3A_1287, %get3A_1288] {strides = array<i32>} : memref<16x256xf32, #tpu.memory_space<vmem>>, vector<1x16xf32>,
        %get3A_1290 = vector.shape_cast %get3A_1289 : vector<1x16xf32> to vector<16xf32>
        %swap3A_1291 = arith.constant 6 : i32
        %swap3A_1292 = arith.constant 25 : i32
        %swap3A_1293 = arith.index_cast %swap3A_1291 : i32 to index
        %swap3A_1294 = arith.index_cast %swap3A_1292 : i32 to index
        %swap3A_1295 = arith.constant 0 : index
        %swap3A_1296 = tpu.vector_load %arg4[%swap3A_1293, %swap3A_1294, %swap3A_1295] {strides = array<i32>} : memref<16x50x128xf32, #tpu.memory_space<vmem>>, vector<1x1x16xf32>,
        %swap3A_1297 = vector.shape_cast %swap3A_1296 : vector<1x1x16xf32> to vector<16xf32>
        %swap3A_1298 = vector.shape_cast %get3A_1290 : vector<16xf32> to vector<1x1x16xf32>
        tpu.vector_store %arg4[%swap3A_1293, %swap3A_1294, %swap3A_1295], %swap3A_1298 {strides = array<i32>} : memref<16x50x128xf32, #tpu.memory_space<vmem>>, vector<1x1x16xf32>,
        %get3A_1299 = arith.constant 6 : i32
        %get3A_1300 = arith.index_cast %get3A_1299 : i32 to index
        %get3A_1301 = arith.constant 16 : index
        %get3A_1302 = tpu.vector_load %arg5[%get3A_1300, %get3A_1301] {strides = array<i32>} : memref<16x256xf32, #tpu.memory_space<vmem>>, vector<1x16xf32>,
        %get3A_1303 = vector.shape_cast %get3A_1302 : vector<1x16xf32> to vector<16xf32>
        %swap3A_1304 = arith.constant 6 : i32
        %swap3A_1305 = arith.constant 0 : i32
        %swap3A_1306 = arith.index_cast %swap3A_1304 : i32 to index
        %swap3A_1307 = arith.index_cast %swap3A_1305 : i32 to index
        %swap3A_1308 = arith.constant 16 : index
        %swap3A_1309 = tpu.vector_load %arg4[%swap3A_1306, %swap3A_1307, %swap3A_1308] {strides = array<i32>} : memref<16x50x128xf32, #tpu.memory_space<vmem>>, vector<1x1x16xf32>,
        %swap3A_1310 = vector.shape_cast %swap3A_1309 : vector<1x1x16xf32> to vector<16xf32>
        %swap3A_1311 = vector.shape_cast %get3A_1303 : vector<16xf32> to vector<1x1x16xf32>
        tpu.vector_store %arg4[%swap3A_1306, %swap3A_1307, %swap3A_1308], %swap3A_1311 {strides = array<i32>} : memref<16x50x128xf32, #tpu.memory_space<vmem>>, vector<1x1x16xf32>,
        %get3A_1312 = arith.constant 6 : i32
        %get3A_1313 = arith.index_cast %get3A_1312 : i32 to index
        %get3A_1314 = arith.constant 144 : index
        %get3A_1315 = tpu.vector_load %arg5[%get3A_1313, %get3A_1314] {strides = array<i32>} : memref<16x256xf32, #tpu.memory_space<vmem>>, vector<1x16xf32>,
        %get3A_1316 = vector.shape_cast %get3A_1315 : vector<1x16xf32> to vector<16xf32>
        %swap3A_1317 = arith.constant 6 : i32
        %swap3A_1318 = arith.constant 25 : i32
        %swap3A_1319 = arith.index_cast %swap3A_1317 : i32 to index
        %swap3A_1320 = arith.index_cast %swap3A_1318 : i32 to index
        %swap3A_1321 = arith.constant 16 : index
        %swap3A_1322 = tpu.vector_load %arg4[%swap3A_1319, %swap3A_1320, %swap3A_1321] {strides = array<i32>} : memref<16x50x128xf32, #tpu.memory_space<vmem>>, vector<1x1x16xf32>,
        %swap3A_1323 = vector.shape_cast %swap3A_1322 : vector<1x1x16xf32> to vector<16xf32>
        %swap3A_1324 = vector.shape_cast %get3A_1316 : vector<16xf32> to vector<1x1x16xf32>
        tpu.vector_store %arg4[%swap3A_1319, %swap3A_1320, %swap3A_1321], %swap3A_1324 {strides = array<i32>} : memref<16x50x128xf32, #tpu.memory_space<vmem>>, vector<1x1x16xf32>,
        %get3A_1325 = arith.constant 6 : i32
        %get3A_1326 = arith.index_cast %get3A_1325 : i32 to index
        %get3A_1327 = arith.constant 32 : index
        %get3A_1328 = tpu.vector_load %arg5[%get3A_1326, %get3A_1327] {strides = array<i32>} : memref<16x256xf32, #tpu.memory_space<vmem>>, vector<1x16xf32>,
        %get3A_1329 = vector.shape_cast %get3A_1328 : vector<1x16xf32> to vector<16xf32>
        %swap3A_1330 = arith.constant 6 : i32
        %swap3A_1331 = arith.constant 0 : i32
        %swap3A_1332 = arith.index_cast %swap3A_1330 : i32 to index
        %swap3A_1333 = arith.index_cast %swap3A_1331 : i32 to index
        %swap3A_1334 = arith.constant 32 : index
        %swap3A_1335 = tpu.vector_load %arg4[%swap3A_1332, %swap3A_1333, %swap3A_1334] {strides = array<i32>} : memref<16x50x128xf32, #tpu.memory_space<vmem>>, vector<1x1x16xf32>,
        %swap3A_1336 = vector.shape_cast %swap3A_1335 : vector<1x1x16xf32> to vector<16xf32>
        %swap3A_1337 = vector.shape_cast %get3A_1329 : vector<16xf32> to vector<1x1x16xf32>
        tpu.vector_store %arg4[%swap3A_1332, %swap3A_1333, %swap3A_1334], %swap3A_1337 {strides = array<i32>} : memref<16x50x128xf32, #tpu.memory_space<vmem>>, vector<1x1x16xf32>,
        %get3A_1338 = arith.constant 6 : i32
        %get3A_1339 = arith.index_cast %get3A_1338 : i32 to index
        %get3A_1340 = arith.constant 160 : index
        %get3A_1341 = tpu.vector_load %arg5[%get3A_1339, %get3A_1340] {strides = array<i32>} : memref<16x256xf32, #tpu.memory_space<vmem>>, vector<1x16xf32>,
        %get3A_1342 = vector.shape_cast %get3A_1341 : vector<1x16xf32> to vector<16xf32>
        %swap3A_1343 = arith.constant 6 : i32
        %swap3A_1344 = arith.constant 25 : i32
        %swap3A_1345 = arith.index_cast %swap3A_1343 : i32 to index
        %swap3A_1346 = arith.index_cast %swap3A_1344 : i32 to index
        %swap3A_1347 = arith.constant 32 : index
        %swap3A_1348 = tpu.vector_load %arg4[%swap3A_1345, %swap3A_1346, %swap3A_1347] {strides = array<i32>} : memref<16x50x128xf32, #tpu.memory_space<vmem>>, vector<1x1x16xf32>,
        %swap3A_1349 = vector.shape_cast %swap3A_1348 : vector<1x1x16xf32> to vector<16xf32>
        %swap3A_1350 = vector.shape_cast %get3A_1342 : vector<16xf32> to vector<1x1x16xf32>
        tpu.vector_store %arg4[%swap3A_1345, %swap3A_1346, %swap3A_1347], %swap3A_1350 {strides = array<i32>} : memref<16x50x128xf32, #tpu.memory_space<vmem>>, vector<1x1x16xf32>,
        %get3A_1351 = arith.constant 6 : i32
        %get3A_1352 = arith.index_cast %get3A_1351 : i32 to index
        %get3A_1353 = arith.constant 48 : index
        %get3A_1354 = tpu.vector_load %arg5[%get3A_1352, %get3A_1353] {strides = array<i32>} : memref<16x256xf32, #tpu.memory_space<vmem>>, vector<1x16xf32>,
        %get3A_1355 = vector.shape_cast %get3A_1354 : vector<1x16xf32> to vector<16xf32>
        %swap3A_1356 = arith.constant 6 : i32
        %swap3A_1357 = arith.constant 0 : i32
        %swap3A_1358 = arith.index_cast %swap3A_1356 : i32 to index
        %swap3A_1359 = arith.index_cast %swap3A_1357 : i32 to index
        %swap3A_1360 = arith.constant 48 : index
        %swap3A_1361 = tpu.vector_load %arg4[%swap3A_1358, %swap3A_1359, %swap3A_1360] {strides = array<i32>} : memref<16x50x128xf32, #tpu.memory_space<vmem>>, vector<1x1x16xf32>,
        %swap3A_1362 = vector.shape_cast %swap3A_1361 : vector<1x1x16xf32> to vector<16xf32>
        %swap3A_1363 = vector.shape_cast %get3A_1355 : vector<16xf32> to vector<1x1x16xf32>
        tpu.vector_store %arg4[%swap3A_1358, %swap3A_1359, %swap3A_1360], %swap3A_1363 {strides = array<i32>} : memref<16x50x128xf32, #tpu.memory_space<vmem>>, vector<1x1x16xf32>,
        %get3A_1364 = arith.constant 6 : i32
        %get3A_1365 = arith.index_cast %get3A_1364 : i32 to index
        %get3A_1366 = arith.constant 176 : index
        %get3A_1367 = tpu.vector_load %arg5[%get3A_1365, %get3A_1366] {strides = array<i32>} : memref<16x256xf32, #tpu.memory_space<vmem>>, vector<1x16xf32>,
        %get3A_1368 = vector.shape_cast %get3A_1367 : vector<1x16xf32> to vector<16xf32>
        %swap3A_1369 = arith.constant 6 : i32
        %swap3A_1370 = arith.constant 25 : i32
        %swap3A_1371 = arith.index_cast %swap3A_1369 : i32 to index
        %swap3A_1372 = arith.index_cast %swap3A_1370 : i32 to index
        %swap3A_1373 = arith.constant 48 : index
        %swap3A_1374 = tpu.vector_load %arg4[%swap3A_1371, %swap3A_1372, %swap3A_1373] {strides = array<i32>} : memref<16x50x128xf32, #tpu.memory_space<vmem>>, vector<1x1x16xf32>,
        %swap3A_1375 = vector.shape_cast %swap3A_1374 : vector<1x1x16xf32> to vector<16xf32>
        %swap3A_1376 = vector.shape_cast %get3A_1368 : vector<16xf32> to vector<1x1x16xf32>
        tpu.vector_store %arg4[%swap3A_1371, %swap3A_1372, %swap3A_1373], %swap3A_1376 {strides = array<i32>} : memref<16x50x128xf32, #tpu.memory_space<vmem>>, vector<1x1x16xf32>,
        %get3A_1377 = arith.constant 6 : i32
        %get3A_1378 = arith.index_cast %get3A_1377 : i32 to index
        %get3A_1379 = arith.constant 64 : index
        %get3A_1380 = tpu.vector_load %arg5[%get3A_1378, %get3A_1379] {strides = array<i32>} : memref<16x256xf32, #tpu.memory_space<vmem>>, vector<1x16xf32>,
        %get3A_1381 = vector.shape_cast %get3A_1380 : vector<1x16xf32> to vector<16xf32>
        %swap3A_1382 = arith.constant 6 : i32
        %swap3A_1383 = arith.constant 0 : i32
        %swap3A_1384 = arith.index_cast %swap3A_1382 : i32 to index
        %swap3A_1385 = arith.index_cast %swap3A_1383 : i32 to index
        %swap3A_1386 = arith.constant 64 : index
        %swap3A_1387 = tpu.vector_load %arg4[%swap3A_1384, %swap3A_1385, %swap3A_1386] {strides = array<i32>} : memref<16x50x128xf32, #tpu.memory_space<vmem>>, vector<1x1x16xf32>,
        %swap3A_1388 = vector.shape_cast %swap3A_1387 : vector<1x1x16xf32> to vector<16xf32>
        %swap3A_1389 = vector.shape_cast %get3A_1381 : vector<16xf32> to vector<1x1x16xf32>
        tpu.vector_store %arg4[%swap3A_1384, %swap3A_1385, %swap3A_1386], %swap3A_1389 {strides = array<i32>} : memref<16x50x128xf32, #tpu.memory_space<vmem>>, vector<1x1x16xf32>,
        %get3A_1390 = arith.constant 6 : i32
        %get3A_1391 = arith.index_cast %get3A_1390 : i32 to index
        %get3A_1392 = arith.constant 192 : index
        %get3A_1393 = tpu.vector_load %arg5[%get3A_1391, %get3A_1392] {strides = array<i32>} : memref<16x256xf32, #tpu.memory_space<vmem>>, vector<1x16xf32>,
        %get3A_1394 = vector.shape_cast %get3A_1393 : vector<1x16xf32> to vector<16xf32>
        %swap3A_1395 = arith.constant 6 : i32
        %swap3A_1396 = arith.constant 25 : i32
        %swap3A_1397 = arith.index_cast %swap3A_1395 : i32 to index
        %swap3A_1398 = arith.index_cast %swap3A_1396 : i32 to index
        %swap3A_1399 = arith.constant 64 : index
        %swap3A_1400 = tpu.vector_load %arg4[%swap3A_1397, %swap3A_1398, %swap3A_1399] {strides = array<i32>} : memref<16x50x128xf32, #tpu.memory_space<vmem>>, vector<1x1x16xf32>,
        %swap3A_1401 = vector.shape_cast %swap3A_1400 : vector<1x1x16xf32> to vector<16xf32>
        %swap3A_1402 = vector.shape_cast %get3A_1394 : vector<16xf32> to vector<1x1x16xf32>
        tpu.vector_store %arg4[%swap3A_1397, %swap3A_1398, %swap3A_1399], %swap3A_1402 {strides = array<i32>} : memref<16x50x128xf32, #tpu.memory_space<vmem>>, vector<1x1x16xf32>,
        %get3A_1403 = arith.constant 6 : i32
        %get3A_1404 = arith.index_cast %get3A_1403 : i32 to index
        %get3A_1405 = arith.constant 80 : index
        %get3A_1406 = tpu.vector_load %arg5[%get3A_1404, %get3A_1405] {strides = array<i32>} : memref<16x256xf32, #tpu.memory_space<vmem>>, vector<1x16xf32>,
        %get3A_1407 = vector.shape_cast %get3A_1406 : vector<1x16xf32> to vector<16xf32>
        %swap3A_1408 = arith.constant 6 : i32
        %swap3A_1409 = arith.constant 0 : i32
        %swap3A_1410 = arith.index_cast %swap3A_1408 : i32 to index
        %swap3A_1411 = arith.index_cast %swap3A_1409 : i32 to index
        %swap3A_1412 = arith.constant 80 : index
        %swap3A_1413 = tpu.vector_load %arg4[%swap3A_1410, %swap3A_1411, %swap3A_1412] {strides = array<i32>} : memref<16x50x128xf32, #tpu.memory_space<vmem>>, vector<1x1x16xf32>,
        %swap3A_1414 = vector.shape_cast %swap3A_1413 : vector<1x1x16xf32> to vector<16xf32>
        %swap3A_1415 = vector.shape_cast %get3A_1407 : vector<16xf32> to vector<1x1x16xf32>
        tpu.vector_store %arg4[%swap3A_1410, %swap3A_1411, %swap3A_1412], %swap3A_1415 {strides = array<i32>} : memref<16x50x128xf32, #tpu.memory_space<vmem>>, vector<1x1x16xf32>,
        %get3A_1416 = arith.constant 6 : i32
        %get3A_1417 = arith.index_cast %get3A_1416 : i32 to index
        %get3A_1418 = arith.constant 208 : index
        %get3A_1419 = tpu.vector_load %arg5[%get3A_1417, %get3A_1418] {strides = array<i32>} : memref<16x256xf32, #tpu.memory_space<vmem>>, vector<1x16xf32>,
        %get3A_1420 = vector.shape_cast %get3A_1419 : vector<1x16xf32> to vector<16xf32>
        %swap3A_1421 = arith.constant 6 : i32
        %swap3A_1422 = arith.constant 25 : i32
        %swap3A_1423 = arith.index_cast %swap3A_1421 : i32 to index
        %swap3A_1424 = arith.index_cast %swap3A_1422 : i32 to index
        %swap3A_1425 = arith.constant 80 : index
        %swap3A_1426 = tpu.vector_load %arg4[%swap3A_1423, %swap3A_1424, %swap3A_1425] {strides = array<i32>} : memref<16x50x128xf32, #tpu.memory_space<vmem>>, vector<1x1x16xf32>,
        %swap3A_1427 = vector.shape_cast %swap3A_1426 : vector<1x1x16xf32> to vector<16xf32>
        %swap3A_1428 = vector.shape_cast %get3A_1420 : vector<16xf32> to vector<1x1x16xf32>
        tpu.vector_store %arg4[%swap3A_1423, %swap3A_1424, %swap3A_1425], %swap3A_1428 {strides = array<i32>} : memref<16x50x128xf32, #tpu.memory_space<vmem>>, vector<1x1x16xf32>,
        %get3A_1429 = arith.constant 6 : i32
        %get3A_1430 = arith.index_cast %get3A_1429 : i32 to index
        %get3A_1431 = arith.constant 96 : index
        %get3A_1432 = tpu.vector_load %arg5[%get3A_1430, %get3A_1431] {strides = array<i32>} : memref<16x256xf32, #tpu.memory_space<vmem>>, vector<1x16xf32>,
        %get3A_1433 = vector.shape_cast %get3A_1432 : vector<1x16xf32> to vector<16xf32>
        %swap3A_1434 = arith.constant 6 : i32
        %swap3A_1435 = arith.constant 0 : i32
        %swap3A_1436 = arith.index_cast %swap3A_1434 : i32 to index
        %swap3A_1437 = arith.index_cast %swap3A_1435 : i32 to index
        %swap3A_1438 = arith.constant 96 : index
        %swap3A_1439 = tpu.vector_load %arg4[%swap3A_1436, %swap3A_1437, %swap3A_1438] {strides = array<i32>} : memref<16x50x128xf32, #tpu.memory_space<vmem>>, vector<1x1x16xf32>,
        %swap3A_1440 = vector.shape_cast %swap3A_1439 : vector<1x1x16xf32> to vector<16xf32>
        %swap3A_1441 = vector.shape_cast %get3A_1433 : vector<16xf32> to vector<1x1x16xf32>
        tpu.vector_store %arg4[%swap3A_1436, %swap3A_1437, %swap3A_1438], %swap3A_1441 {strides = array<i32>} : memref<16x50x128xf32, #tpu.memory_space<vmem>>, vector<1x1x16xf32>,
        %get3A_1442 = arith.constant 6 : i32
        %get3A_1443 = arith.index_cast %get3A_1442 : i32 to index
        %get3A_1444 = arith.constant 224 : index
        %get3A_1445 = tpu.vector_load %arg5[%get3A_1443, %get3A_1444] {strides = array<i32>} : memref<16x256xf32, #tpu.memory_space<vmem>>, vector<1x16xf32>,
        %get3A_1446 = vector.shape_cast %get3A_1445 : vector<1x16xf32> to vector<16xf32>
        %swap3A_1447 = arith.constant 6 : i32
        %swap3A_1448 = arith.constant 25 : i32
        %swap3A_1449 = arith.index_cast %swap3A_1447 : i32 to index
        %swap3A_1450 = arith.index_cast %swap3A_1448 : i32 to index
        %swap3A_1451 = arith.constant 96 : index
        %swap3A_1452 = tpu.vector_load %arg4[%swap3A_1449, %swap3A_1450, %swap3A_1451] {strides = array<i32>} : memref<16x50x128xf32, #tpu.memory_space<vmem>>, vector<1x1x16xf32>,
        %swap3A_1453 = vector.shape_cast %swap3A_1452 : vector<1x1x16xf32> to vector<16xf32>
        %swap3A_1454 = vector.shape_cast %get3A_1446 : vector<16xf32> to vector<1x1x16xf32>
        tpu.vector_store %arg4[%swap3A_1449, %swap3A_1450, %swap3A_1451], %swap3A_1454 {strides = array<i32>} : memref<16x50x128xf32, #tpu.memory_space<vmem>>, vector<1x1x16xf32>,
        %get3A_1455 = arith.constant 6 : i32
        %get3A_1456 = arith.index_cast %get3A_1455 : i32 to index
        %get3A_1457 = arith.constant 112 : index
        %get3A_1458 = tpu.vector_load %arg5[%get3A_1456, %get3A_1457] {strides = array<i32>} : memref<16x256xf32, #tpu.memory_space<vmem>>, vector<1x16xf32>,
        %get3A_1459 = vector.shape_cast %get3A_1458 : vector<1x16xf32> to vector<16xf32>
        %swap3A_1460 = arith.constant 6 : i32
        %swap3A_1461 = arith.constant 0 : i32
        %swap3A_1462 = arith.index_cast %swap3A_1460 : i32 to index
        %swap3A_1463 = arith.index_cast %swap3A_1461 : i32 to index
        %swap3A_1464 = arith.constant 112 : index
        %swap3A_1465 = tpu.vector_load %arg4[%swap3A_1462, %swap3A_1463, %swap3A_1464] {strides = array<i32>} : memref<16x50x128xf32, #tpu.memory_space<vmem>>, vector<1x1x16xf32>,
        %swap3A_1466 = vector.shape_cast %swap3A_1465 : vector<1x1x16xf32> to vector<16xf32>
        %swap3A_1467 = vector.shape_cast %get3A_1459 : vector<16xf32> to vector<1x1x16xf32>
        tpu.vector_store %arg4[%swap3A_1462, %swap3A_1463, %swap3A_1464], %swap3A_1467 {strides = array<i32>} : memref<16x50x128xf32, #tpu.memory_space<vmem>>, vector<1x1x16xf32>,
        %get3A_1468 = arith.constant 6 : i32
        %get3A_1469 = arith.index_cast %get3A_1468 : i32 to index
        %get3A_1470 = arith.constant 240 : index
        %get3A_1471 = tpu.vector_load %arg5[%get3A_1469, %get3A_1470] {strides = array<i32>} : memref<16x256xf32, #tpu.memory_space<vmem>>, vector<1x16xf32>,
        %get3A_1472 = vector.shape_cast %get3A_1471 : vector<1x16xf32> to vector<16xf32>
        %swap3A_1473 = arith.constant 6 : i32
        %swap3A_1474 = arith.constant 25 : i32
        %swap3A_1475 = arith.index_cast %swap3A_1473 : i32 to index
        %swap3A_1476 = arith.index_cast %swap3A_1474 : i32 to index
        %swap3A_1477 = arith.constant 112 : index
        %swap3A_1478 = tpu.vector_load %arg4[%swap3A_1475, %swap3A_1476, %swap3A_1477] {strides = array<i32>} : memref<16x50x128xf32, #tpu.memory_space<vmem>>, vector<1x1x16xf32>,
        %swap3A_1479 = vector.shape_cast %swap3A_1478 : vector<1x1x16xf32> to vector<16xf32>
        %swap3A_1480 = vector.shape_cast %get3A_1472 : vector<16xf32> to vector<1x1x16xf32>
        tpu.vector_store %arg4[%swap3A_1475, %swap3A_1476, %swap3A_1477], %swap3A_1480 {strides = array<i32>} : memref<16x50x128xf32, #tpu.memory_space<vmem>>, vector<1x1x16xf32>,
        %get3A_1481 = arith.constant 7 : i32
        %get3A_1482 = arith.index_cast %get3A_1481 : i32 to index
        %get3A_1483 = arith.constant 0 : index
        %get3A_1484 = tpu.vector_load %arg5[%get3A_1482, %get3A_1483] {strides = array<i32>} : memref<16x256xf32, #tpu.memory_space<vmem>>, vector<1x16xf32>,
        %get3A_1485 = vector.shape_cast %get3A_1484 : vector<1x16xf32> to vector<16xf32>
        %swap3A_1486 = arith.constant 7 : i32
        %swap3A_1487 = arith.constant 0 : i32
        %swap3A_1488 = arith.index_cast %swap3A_1486 : i32 to index
        %swap3A_1489 = arith.index_cast %swap3A_1487 : i32 to index
        %swap3A_1490 = arith.constant 0 : index
        %swap3A_1491 = tpu.vector_load %arg4[%swap3A_1488, %swap3A_1489, %swap3A_1490] {strides = array<i32>} : memref<16x50x128xf32, #tpu.memory_space<vmem>>, vector<1x1x16xf32>,
        %swap3A_1492 = vector.shape_cast %swap3A_1491 : vector<1x1x16xf32> to vector<16xf32>
        %swap3A_1493 = vector.shape_cast %get3A_1485 : vector<16xf32> to vector<1x1x16xf32>
        tpu.vector_store %arg4[%swap3A_1488, %swap3A_1489, %swap3A_1490], %swap3A_1493 {strides = array<i32>} : memref<16x50x128xf32, #tpu.memory_space<vmem>>, vector<1x1x16xf32>,
        %get3A_1494 = arith.constant 7 : i32
        %get3A_1495 = arith.index_cast %get3A_1494 : i32 to index
        %get3A_1496 = arith.constant 128 : index
        %get3A_1497 = tpu.vector_load %arg5[%get3A_1495, %get3A_1496] {strides = array<i32>} : memref<16x256xf32, #tpu.memory_space<vmem>>, vector<1x16xf32>,
        %get3A_1498 = vector.shape_cast %get3A_1497 : vector<1x16xf32> to vector<16xf32>
        %swap3A_1499 = arith.constant 7 : i32
        %swap3A_1500 = arith.constant 25 : i32
        %swap3A_1501 = arith.index_cast %swap3A_1499 : i32 to index
        %swap3A_1502 = arith.index_cast %swap3A_1500 : i32 to index
        %swap3A_1503 = arith.constant 0 : index
        %swap3A_1504 = tpu.vector_load %arg4[%swap3A_1501, %swap3A_1502, %swap3A_1503] {strides = array<i32>} : memref<16x50x128xf32, #tpu.memory_space<vmem>>, vector<1x1x16xf32>,
        %swap3A_1505 = vector.shape_cast %swap3A_1504 : vector<1x1x16xf32> to vector<16xf32>
        %swap3A_1506 = vector.shape_cast %get3A_1498 : vector<16xf32> to vector<1x1x16xf32>
        tpu.vector_store %arg4[%swap3A_1501, %swap3A_1502, %swap3A_1503], %swap3A_1506 {strides = array<i32>} : memref<16x50x128xf32, #tpu.memory_space<vmem>>, vector<1x1x16xf32>,
        %get3A_1507 = arith.constant 7 : i32
        %get3A_1508 = arith.index_cast %get3A_1507 : i32 to index
        %get3A_1509 = arith.constant 16 : index
        %get3A_1510 = tpu.vector_load %arg5[%get3A_1508, %get3A_1509] {strides = array<i32>} : memref<16x256xf32, #tpu.memory_space<vmem>>, vector<1x16xf32>,
        %get3A_1511 = vector.shape_cast %get3A_1510 : vector<1x16xf32> to vector<16xf32>
        %swap3A_1512 = arith.constant 7 : i32
        %swap3A_1513 = arith.constant 0 : i32
        %swap3A_1514 = arith.index_cast %swap3A_1512 : i32 to index
        %swap3A_1515 = arith.index_cast %swap3A_1513 : i32 to index
        %swap3A_1516 = arith.constant 16 : index
        %swap3A_1517 = tpu.vector_load %arg4[%swap3A_1514, %swap3A_1515, %swap3A_1516] {strides = array<i32>} : memref<16x50x128xf32, #tpu.memory_space<vmem>>, vector<1x1x16xf32>,
        %swap3A_1518 = vector.shape_cast %swap3A_1517 : vector<1x1x16xf32> to vector<16xf32>
        %swap3A_1519 = vector.shape_cast %get3A_1511 : vector<16xf32> to vector<1x1x16xf32>
        tpu.vector_store %arg4[%swap3A_1514, %swap3A_1515, %swap3A_1516], %swap3A_1519 {strides = array<i32>} : memref<16x50x128xf32, #tpu.memory_space<vmem>>, vector<1x1x16xf32>,
        %get3A_1520 = arith.constant 7 : i32
        %get3A_1521 = arith.index_cast %get3A_1520 : i32 to index
        %get3A_1522 = arith.constant 144 : index
        %get3A_1523 = tpu.vector_load %arg5[%get3A_1521, %get3A_1522] {strides = array<i32>} : memref<16x256xf32, #tpu.memory_space<vmem>>, vector<1x16xf32>,
        %get3A_1524 = vector.shape_cast %get3A_1523 : vector<1x16xf32> to vector<16xf32>
        %swap3A_1525 = arith.constant 7 : i32
        %swap3A_1526 = arith.constant 25 : i32
        %swap3A_1527 = arith.index_cast %swap3A_1525 : i32 to index
        %swap3A_1528 = arith.index_cast %swap3A_1526 : i32 to index
        %swap3A_1529 = arith.constant 16 : index
        %swap3A_1530 = tpu.vector_load %arg4[%swap3A_1527, %swap3A_1528, %swap3A_1529] {strides = array<i32>} : memref<16x50x128xf32, #tpu.memory_space<vmem>>, vector<1x1x16xf32>,
        %swap3A_1531 = vector.shape_cast %swap3A_1530 : vector<1x1x16xf32> to vector<16xf32>
        %swap3A_1532 = vector.shape_cast %get3A_1524 : vector<16xf32> to vector<1x1x16xf32>
        tpu.vector_store %arg4[%swap3A_1527, %swap3A_1528, %swap3A_1529], %swap3A_1532 {strides = array<i32>} : memref<16x50x128xf32, #tpu.memory_space<vmem>>, vector<1x1x16xf32>,
        %get3A_1533 = arith.constant 7 : i32
        %get3A_1534 = arith.index_cast %get3A_1533 : i32 to index
        %get3A_1535 = arith.constant 32 : index
        %get3A_1536 = tpu.vector_load %arg5[%get3A_1534, %get3A_1535] {strides = array<i32>} : memref<16x256xf32, #tpu.memory_space<vmem>>, vector<1x16xf32>,
        %get3A_1537 = vector.shape_cast %get3A_1536 : vector<1x16xf32> to vector<16xf32>
        %swap3A_1538 = arith.constant 7 : i32
        %swap3A_1539 = arith.constant 0 : i32
        %swap3A_1540 = arith.index_cast %swap3A_1538 : i32 to index
        %swap3A_1541 = arith.index_cast %swap3A_1539 : i32 to index
        %swap3A_1542 = arith.constant 32 : index
        %swap3A_1543 = tpu.vector_load %arg4[%swap3A_1540, %swap3A_1541, %swap3A_1542] {strides = array<i32>} : memref<16x50x128xf32, #tpu.memory_space<vmem>>, vector<1x1x16xf32>,
        %swap3A_1544 = vector.shape_cast %swap3A_1543 : vector<1x1x16xf32> to vector<16xf32>
        %swap3A_1545 = vector.shape_cast %get3A_1537 : vector<16xf32> to vector<1x1x16xf32>
        tpu.vector_store %arg4[%swap3A_1540, %swap3A_1541, %swap3A_1542], %swap3A_1545 {strides = array<i32>} : memref<16x50x128xf32, #tpu.memory_space<vmem>>, vector<1x1x16xf32>,
        %get3A_1546 = arith.constant 7 : i32
        %get3A_1547 = arith.index_cast %get3A_1546 : i32 to index
        %get3A_1548 = arith.constant 160 : index
        %get3A_1549 = tpu.vector_load %arg5[%get3A_1547, %get3A_1548] {strides = array<i32>} : memref<16x256xf32, #tpu.memory_space<vmem>>, vector<1x16xf32>,
        %get3A_1550 = vector.shape_cast %get3A_1549 : vector<1x16xf32> to vector<16xf32>
        %swap3A_1551 = arith.constant 7 : i32
        %swap3A_1552 = arith.constant 25 : i32
        %swap3A_1553 = arith.index_cast %swap3A_1551 : i32 to index
        %swap3A_1554 = arith.index_cast %swap3A_1552 : i32 to index
        %swap3A_1555 = arith.constant 32 : index
        %swap3A_1556 = tpu.vector_load %arg4[%swap3A_1553, %swap3A_1554, %swap3A_1555] {strides = array<i32>} : memref<16x50x128xf32, #tpu.memory_space<vmem>>, vector<1x1x16xf32>,
        %swap3A_1557 = vector.shape_cast %swap3A_1556 : vector<1x1x16xf32> to vector<16xf32>
        %swap3A_1558 = vector.shape_cast %get3A_1550 : vector<16xf32> to vector<1x1x16xf32>
        tpu.vector_store %arg4[%swap3A_1553, %swap3A_1554, %swap3A_1555], %swap3A_1558 {strides = array<i32>} : memref<16x50x128xf32, #tpu.memory_space<vmem>>, vector<1x1x16xf32>,
        %get3A_1559 = arith.constant 7 : i32
        %get3A_1560 = arith.index_cast %get3A_1559 : i32 to index
        %get3A_1561 = arith.constant 48 : index
        %get3A_1562 = tpu.vector_load %arg5[%get3A_1560, %get3A_1561] {strides = array<i32>} : memref<16x256xf32, #tpu.memory_space<vmem>>, vector<1x16xf32>,
        %get3A_1563 = vector.shape_cast %get3A_1562 : vector<1x16xf32> to vector<16xf32>
        %swap3A_1564 = arith.constant 7 : i32
        %swap3A_1565 = arith.constant 0 : i32
        %swap3A_1566 = arith.index_cast %swap3A_1564 : i32 to index
        %swap3A_1567 = arith.index_cast %swap3A_1565 : i32 to index
        %swap3A_1568 = arith.constant 48 : index
        %swap3A_1569 = tpu.vector_load %arg4[%swap3A_1566, %swap3A_1567, %swap3A_1568] {strides = array<i32>} : memref<16x50x128xf32, #tpu.memory_space<vmem>>, vector<1x1x16xf32>,
        %swap3A_1570 = vector.shape_cast %swap3A_1569 : vector<1x1x16xf32> to vector<16xf32>
        %swap3A_1571 = vector.shape_cast %get3A_1563 : vector<16xf32> to vector<1x1x16xf32>
        tpu.vector_store %arg4[%swap3A_1566, %swap3A_1567, %swap3A_1568], %swap3A_1571 {strides = array<i32>} : memref<16x50x128xf32, #tpu.memory_space<vmem>>, vector<1x1x16xf32>,
        %get3A_1572 = arith.constant 7 : i32
        %get3A_1573 = arith.index_cast %get3A_1572 : i32 to index
        %get3A_1574 = arith.constant 176 : index
        %get3A_1575 = tpu.vector_load %arg5[%get3A_1573, %get3A_1574] {strides = array<i32>} : memref<16x256xf32, #tpu.memory_space<vmem>>, vector<1x16xf32>,
        %get3A_1576 = vector.shape_cast %get3A_1575 : vector<1x16xf32> to vector<16xf32>
        %swap3A_1577 = arith.constant 7 : i32
        %swap3A_1578 = arith.constant 25 : i32
        %swap3A_1579 = arith.index_cast %swap3A_1577 : i32 to index
        %swap3A_1580 = arith.index_cast %swap3A_1578 : i32 to index
        %swap3A_1581 = arith.constant 48 : index
        %swap3A_1582 = tpu.vector_load %arg4[%swap3A_1579, %swap3A_1580, %swap3A_1581] {strides = array<i32>} : memref<16x50x128xf32, #tpu.memory_space<vmem>>, vector<1x1x16xf32>,
        %swap3A_1583 = vector.shape_cast %swap3A_1582 : vector<1x1x16xf32> to vector<16xf32>
        %swap3A_1584 = vector.shape_cast %get3A_1576 : vector<16xf32> to vector<1x1x16xf32>
        tpu.vector_store %arg4[%swap3A_1579, %swap3A_1580, %swap3A_1581], %swap3A_1584 {strides = array<i32>} : memref<16x50x128xf32, #tpu.memory_space<vmem>>, vector<1x1x16xf32>,
        %get3A_1585 = arith.constant 7 : i32
        %get3A_1586 = arith.index_cast %get3A_1585 : i32 to index
        %get3A_1587 = arith.constant 64 : index
        %get3A_1588 = tpu.vector_load %arg5[%get3A_1586, %get3A_1587] {strides = array<i32>} : memref<16x256xf32, #tpu.memory_space<vmem>>, vector<1x16xf32>,
        %get3A_1589 = vector.shape_cast %get3A_1588 : vector<1x16xf32> to vector<16xf32>
        %swap3A_1590 = arith.constant 7 : i32
        %swap3A_1591 = arith.constant 0 : i32
        %swap3A_1592 = arith.index_cast %swap3A_1590 : i32 to index
        %swap3A_1593 = arith.index_cast %swap3A_1591 : i32 to index
        %swap3A_1594 = arith.constant 64 : index
        %swap3A_1595 = tpu.vector_load %arg4[%swap3A_1592, %swap3A_1593, %swap3A_1594] {strides = array<i32>} : memref<16x50x128xf32, #tpu.memory_space<vmem>>, vector<1x1x16xf32>,
        %swap3A_1596 = vector.shape_cast %swap3A_1595 : vector<1x1x16xf32> to vector<16xf32>
        %swap3A_1597 = vector.shape_cast %get3A_1589 : vector<16xf32> to vector<1x1x16xf32>
        tpu.vector_store %arg4[%swap3A_1592, %swap3A_1593, %swap3A_1594], %swap3A_1597 {strides = array<i32>} : memref<16x50x128xf32, #tpu.memory_space<vmem>>, vector<1x1x16xf32>,
        %get3A_1598 = arith.constant 7 : i32
        %get3A_1599 = arith.index_cast %get3A_1598 : i32 to index
        %get3A_1600 = arith.constant 192 : index
        %get3A_1601 = tpu.vector_load %arg5[%get3A_1599, %get3A_1600] {strides = array<i32>} : memref<16x256xf32, #tpu.memory_space<vmem>>, vector<1x16xf32>,
        %get3A_1602 = vector.shape_cast %get3A_1601 : vector<1x16xf32> to vector<16xf32>
        %swap3A_1603 = arith.constant 7 : i32
        %swap3A_1604 = arith.constant 25 : i32
        %swap3A_1605 = arith.index_cast %swap3A_1603 : i32 to index
        %swap3A_1606 = arith.index_cast %swap3A_1604 : i32 to index
        %swap3A_1607 = arith.constant 64 : index
        %swap3A_1608 = tpu.vector_load %arg4[%swap3A_1605, %swap3A_1606, %swap3A_1607] {strides = array<i32>} : memref<16x50x128xf32, #tpu.memory_space<vmem>>, vector<1x1x16xf32>,
        %swap3A_1609 = vector.shape_cast %swap3A_1608 : vector<1x1x16xf32> to vector<16xf32>
        %swap3A_1610 = vector.shape_cast %get3A_1602 : vector<16xf32> to vector<1x1x16xf32>
        tpu.vector_store %arg4[%swap3A_1605, %swap3A_1606, %swap3A_1607], %swap3A_1610 {strides = array<i32>} : memref<16x50x128xf32, #tpu.memory_space<vmem>>, vector<1x1x16xf32>,
        %get3A_1611 = arith.constant 7 : i32
        %get3A_1612 = arith.index_cast %get3A_1611 : i32 to index
        %get3A_1613 = arith.constant 80 : index
        %get3A_1614 = tpu.vector_load %arg5[%get3A_1612, %get3A_1613] {strides = array<i32>} : memref<16x256xf32, #tpu.memory_space<vmem>>, vector<1x16xf32>,
        %get3A_1615 = vector.shape_cast %get3A_1614 : vector<1x16xf32> to vector<16xf32>
        %swap3A_1616 = arith.constant 7 : i32
        %swap3A_1617 = arith.constant 0 : i32
        %swap3A_1618 = arith.index_cast %swap3A_1616 : i32 to index
        %swap3A_1619 = arith.index_cast %swap3A_1617 : i32 to index
        %swap3A_1620 = arith.constant 80 : index
        %swap3A_1621 = tpu.vector_load %arg4[%swap3A_1618, %swap3A_1619, %swap3A_1620] {strides = array<i32>} : memref<16x50x128xf32, #tpu.memory_space<vmem>>, vector<1x1x16xf32>,
        %swap3A_1622 = vector.shape_cast %swap3A_1621 : vector<1x1x16xf32> to vector<16xf32>
        %swap3A_1623 = vector.shape_cast %get3A_1615 : vector<16xf32> to vector<1x1x16xf32>
        tpu.vector_store %arg4[%swap3A_1618, %swap3A_1619, %swap3A_1620], %swap3A_1623 {strides = array<i32>} : memref<16x50x128xf32, #tpu.memory_space<vmem>>, vector<1x1x16xf32>,
        %get3A_1624 = arith.constant 7 : i32
        %get3A_1625 = arith.index_cast %get3A_1624 : i32 to index
        %get3A_1626 = arith.constant 208 : index
        %get3A_1627 = tpu.vector_load %arg5[%get3A_1625, %get3A_1626] {strides = array<i32>} : memref<16x256xf32, #tpu.memory_space<vmem>>, vector<1x16xf32>,
        %get3A_1628 = vector.shape_cast %get3A_1627 : vector<1x16xf32> to vector<16xf32>
        %swap3A_1629 = arith.constant 7 : i32
        %swap3A_1630 = arith.constant 25 : i32
        %swap3A_1631 = arith.index_cast %swap3A_1629 : i32 to index
        %swap3A_1632 = arith.index_cast %swap3A_1630 : i32 to index
        %swap3A_1633 = arith.constant 80 : index
        %swap3A_1634 = tpu.vector_load %arg4[%swap3A_1631, %swap3A_1632, %swap3A_1633] {strides = array<i32>} : memref<16x50x128xf32, #tpu.memory_space<vmem>>, vector<1x1x16xf32>,
        %swap3A_1635 = vector.shape_cast %swap3A_1634 : vector<1x1x16xf32> to vector<16xf32>
        %swap3A_1636 = vector.shape_cast %get3A_1628 : vector<16xf32> to vector<1x1x16xf32>
        tpu.vector_store %arg4[%swap3A_1631, %swap3A_1632, %swap3A_1633], %swap3A_1636 {strides = array<i32>} : memref<16x50x128xf32, #tpu.memory_space<vmem>>, vector<1x1x16xf32>,
        %get3A_1637 = arith.constant 7 : i32
        %get3A_1638 = arith.index_cast %get3A_1637 : i32 to index
        %get3A_1639 = arith.constant 96 : index
        %get3A_1640 = tpu.vector_load %arg5[%get3A_1638, %get3A_1639] {strides = array<i32>} : memref<16x256xf32, #tpu.memory_space<vmem>>, vector<1x16xf32>,
        %get3A_1641 = vector.shape_cast %get3A_1640 : vector<1x16xf32> to vector<16xf32>
        %swap3A_1642 = arith.constant 7 : i32
        %swap3A_1643 = arith.constant 0 : i32
        %swap3A_1644 = arith.index_cast %swap3A_1642 : i32 to index
        %swap3A_1645 = arith.index_cast %swap3A_1643 : i32 to index
        %swap3A_1646 = arith.constant 96 : index
        %swap3A_1647 = tpu.vector_load %arg4[%swap3A_1644, %swap3A_1645, %swap3A_1646] {strides = array<i32>} : memref<16x50x128xf32, #tpu.memory_space<vmem>>, vector<1x1x16xf32>,
        %swap3A_1648 = vector.shape_cast %swap3A_1647 : vector<1x1x16xf32> to vector<16xf32>
        %swap3A_1649 = vector.shape_cast %get3A_1641 : vector<16xf32> to vector<1x1x16xf32>
        tpu.vector_store %arg4[%swap3A_1644, %swap3A_1645, %swap3A_1646], %swap3A_1649 {strides = array<i32>} : memref<16x50x128xf32, #tpu.memory_space<vmem>>, vector<1x1x16xf32>,
        %get3A_1650 = arith.constant 7 : i32
        %get3A_1651 = arith.index_cast %get3A_1650 : i32 to index
        %get3A_1652 = arith.constant 224 : index
        %get3A_1653 = tpu.vector_load %arg5[%get3A_1651, %get3A_1652] {strides = array<i32>} : memref<16x256xf32, #tpu.memory_space<vmem>>, vector<1x16xf32>,
        %get3A_1654 = vector.shape_cast %get3A_1653 : vector<1x16xf32> to vector<16xf32>
        %swap3A_1655 = arith.constant 7 : i32
        %swap3A_1656 = arith.constant 25 : i32
        %swap3A_1657 = arith.index_cast %swap3A_1655 : i32 to index
        %swap3A_1658 = arith.index_cast %swap3A_1656 : i32 to index
        %swap3A_1659 = arith.constant 96 : index
        %swap3A_1660 = tpu.vector_load %arg4[%swap3A_1657, %swap3A_1658, %swap3A_1659] {strides = array<i32>} : memref<16x50x128xf32, #tpu.memory_space<vmem>>, vector<1x1x16xf32>,
        %swap3A_1661 = vector.shape_cast %swap3A_1660 : vector<1x1x16xf32> to vector<16xf32>
        %swap3A_1662 = vector.shape_cast %get3A_1654 : vector<16xf32> to vector<1x1x16xf32>
        tpu.vector_store %arg4[%swap3A_1657, %swap3A_1658, %swap3A_1659], %swap3A_1662 {strides = array<i32>} : memref<16x50x128xf32, #tpu.memory_space<vmem>>, vector<1x1x16xf32>,
        %get3A_1663 = arith.constant 7 : i32
        %get3A_1664 = arith.index_cast %get3A_1663 : i32 to index
        %get3A_1665 = arith.constant 112 : index
        %get3A_1666 = tpu.vector_load %arg5[%get3A_1664, %get3A_1665] {strides = array<i32>} : memref<16x256xf32, #tpu.memory_space<vmem>>, vector<1x16xf32>,
        %get3A_1667 = vector.shape_cast %get3A_1666 : vector<1x16xf32> to vector<16xf32>
        %swap3A_1668 = arith.constant 7 : i32
        %swap3A_1669 = arith.constant 0 : i32
        %swap3A_1670 = arith.index_cast %swap3A_1668 : i32 to index
        %swap3A_1671 = arith.index_cast %swap3A_1669 : i32 to index
        %swap3A_1672 = arith.constant 112 : index
        %swap3A_1673 = tpu.vector_load %arg4[%swap3A_1670, %swap3A_1671, %swap3A_1672] {strides = array<i32>} : memref<16x50x128xf32, #tpu.memory_space<vmem>>, vector<1x1x16xf32>,
        %swap3A_1674 = vector.shape_cast %swap3A_1673 : vector<1x1x16xf32> to vector<16xf32>
        %swap3A_1675 = vector.shape_cast %get3A_1667 : vector<16xf32> to vector<1x1x16xf32>
        tpu.vector_store %arg4[%swap3A_1670, %swap3A_1671, %swap3A_1672], %swap3A_1675 {strides = array<i32>} : memref<16x50x128xf32, #tpu.memory_space<vmem>>, vector<1x1x16xf32>,
        %get3A_1676 = arith.constant 7 : i32
        %get3A_1677 = arith.index_cast %get3A_1676 : i32 to index
        %get3A_1678 = arith.constant 240 : index
        %get3A_1679 = tpu.vector_load %arg5[%get3A_1677, %get3A_1678] {strides = array<i32>} : memref<16x256xf32, #tpu.memory_space<vmem>>, vector<1x16xf32>,
        %get3A_1680 = vector.shape_cast %get3A_1679 : vector<1x16xf32> to vector<16xf32>
        %swap3A_1681 = arith.constant 7 : i32
        %swap3A_1682 = arith.constant 25 : i32
        %swap3A_1683 = arith.index_cast %swap3A_1681 : i32 to index
        %swap3A_1684 = arith.index_cast %swap3A_1682 : i32 to index
        %swap3A_1685 = arith.constant 112 : index
        %swap3A_1686 = tpu.vector_load %arg4[%swap3A_1683, %swap3A_1684, %swap3A_1685] {strides = array<i32>} : memref<16x50x128xf32, #tpu.memory_space<vmem>>, vector<1x1x16xf32>,
        %swap3A_1687 = vector.shape_cast %swap3A_1686 : vector<1x1x16xf32> to vector<16xf32>
        %swap3A_1688 = vector.shape_cast %get3A_1680 : vector<16xf32> to vector<1x1x16xf32>
        tpu.vector_store %arg4[%swap3A_1683, %swap3A_1684, %swap3A_1685], %swap3A_1688 {strides = array<i32>} : memref<16x50x128xf32, #tpu.memory_space<vmem>>, vector<1x1x16xf32>,
        %get3A_1689 = arith.constant 8 : i32
        %get3A_1690 = arith.index_cast %get3A_1689 : i32 to index
        %get3A_1691 = arith.constant 0 : index
        %get3A_1692 = tpu.vector_load %arg5[%get3A_1690, %get3A_1691] {strides = array<i32>} : memref<16x256xf32, #tpu.memory_space<vmem>>, vector<1x16xf32>,
        %get3A_1693 = vector.shape_cast %get3A_1692 : vector<1x16xf32> to vector<16xf32>
        %swap3A_1694 = arith.constant 8 : i32
        %swap3A_1695 = arith.constant 0 : i32
        %swap3A_1696 = arith.index_cast %swap3A_1694 : i32 to index
        %swap3A_1697 = arith.index_cast %swap3A_1695 : i32 to index
        %swap3A_1698 = arith.constant 0 : index
        %swap3A_1699 = tpu.vector_load %arg4[%swap3A_1696, %swap3A_1697, %swap3A_1698] {strides = array<i32>} : memref<16x50x128xf32, #tpu.memory_space<vmem>>, vector<1x1x16xf32>,
        %swap3A_1700 = vector.shape_cast %swap3A_1699 : vector<1x1x16xf32> to vector<16xf32>
        %swap3A_1701 = vector.shape_cast %get3A_1693 : vector<16xf32> to vector<1x1x16xf32>
        tpu.vector_store %arg4[%swap3A_1696, %swap3A_1697, %swap3A_1698], %swap3A_1701 {strides = array<i32>} : memref<16x50x128xf32, #tpu.memory_space<vmem>>, vector<1x1x16xf32>,
        %get3A_1702 = arith.constant 8 : i32
        %get3A_1703 = arith.index_cast %get3A_1702 : i32 to index
        %get3A_1704 = arith.constant 128 : index
        %get3A_1705 = tpu.vector_load %arg5[%get3A_1703, %get3A_1704] {strides = array<i32>} : memref<16x256xf32, #tpu.memory_space<vmem>>, vector<1x16xf32>,
        %get3A_1706 = vector.shape_cast %get3A_1705 : vector<1x16xf32> to vector<16xf32>
        %swap3A_1707 = arith.constant 8 : i32
        %swap3A_1708 = arith.constant 25 : i32
        %swap3A_1709 = arith.index_cast %swap3A_1707 : i32 to index
        %swap3A_1710 = arith.index_cast %swap3A_1708 : i32 to index
        %swap3A_1711 = arith.constant 0 : index
        %swap3A_1712 = tpu.vector_load %arg4[%swap3A_1709, %swap3A_1710, %swap3A_1711] {strides = array<i32>} : memref<16x50x128xf32, #tpu.memory_space<vmem>>, vector<1x1x16xf32>,
        %swap3A_1713 = vector.shape_cast %swap3A_1712 : vector<1x1x16xf32> to vector<16xf32>
        %swap3A_1714 = vector.shape_cast %get3A_1706 : vector<16xf32> to vector<1x1x16xf32>
        tpu.vector_store %arg4[%swap3A_1709, %swap3A_1710, %swap3A_1711], %swap3A_1714 {strides = array<i32>} : memref<16x50x128xf32, #tpu.memory_space<vmem>>, vector<1x1x16xf32>,
        %get3A_1715 = arith.constant 8 : i32
        %get3A_1716 = arith.index_cast %get3A_1715 : i32 to index
        %get3A_1717 = arith.constant 16 : index
        %get3A_1718 = tpu.vector_load %arg5[%get3A_1716, %get3A_1717] {strides = array<i32>} : memref<16x256xf32, #tpu.memory_space<vmem>>, vector<1x16xf32>,
        %get3A_1719 = vector.shape_cast %get3A_1718 : vector<1x16xf32> to vector<16xf32>
        %swap3A_1720 = arith.constant 8 : i32
        %swap3A_1721 = arith.constant 0 : i32
        %swap3A_1722 = arith.index_cast %swap3A_1720 : i32 to index
        %swap3A_1723 = arith.index_cast %swap3A_1721 : i32 to index
        %swap3A_1724 = arith.constant 16 : index
        %swap3A_1725 = tpu.vector_load %arg4[%swap3A_1722, %swap3A_1723, %swap3A_1724] {strides = array<i32>} : memref<16x50x128xf32, #tpu.memory_space<vmem>>, vector<1x1x16xf32>,
        %swap3A_1726 = vector.shape_cast %swap3A_1725 : vector<1x1x16xf32> to vector<16xf32>
        %swap3A_1727 = vector.shape_cast %get3A_1719 : vector<16xf32> to vector<1x1x16xf32>
        tpu.vector_store %arg4[%swap3A_1722, %swap3A_1723, %swap3A_1724], %swap3A_1727 {strides = array<i32>} : memref<16x50x128xf32, #tpu.memory_space<vmem>>, vector<1x1x16xf32>,
        %get3A_1728 = arith.constant 8 : i32
        %get3A_1729 = arith.index_cast %get3A_1728 : i32 to index
        %get3A_1730 = arith.constant 144 : index
        %get3A_1731 = tpu.vector_load %arg5[%get3A_1729, %get3A_1730] {strides = array<i32>} : memref<16x256xf32, #tpu.memory_space<vmem>>, vector<1x16xf32>,
        %get3A_1732 = vector.shape_cast %get3A_1731 : vector<1x16xf32> to vector<16xf32>
        %swap3A_1733 = arith.constant 8 : i32
        %swap3A_1734 = arith.constant 25 : i32
        %swap3A_1735 = arith.index_cast %swap3A_1733 : i32 to index
        %swap3A_1736 = arith.index_cast %swap3A_1734 : i32 to index
        %swap3A_1737 = arith.constant 16 : index
        %swap3A_1738 = tpu.vector_load %arg4[%swap3A_1735, %swap3A_1736, %swap3A_1737] {strides = array<i32>} : memref<16x50x128xf32, #tpu.memory_space<vmem>>, vector<1x1x16xf32>,
        %swap3A_1739 = vector.shape_cast %swap3A_1738 : vector<1x1x16xf32> to vector<16xf32>
        %swap3A_1740 = vector.shape_cast %get3A_1732 : vector<16xf32> to vector<1x1x16xf32>
        tpu.vector_store %arg4[%swap3A_1735, %swap3A_1736, %swap3A_1737], %swap3A_1740 {strides = array<i32>} : memref<16x50x128xf32, #tpu.memory_space<vmem>>, vector<1x1x16xf32>,
        %get3A_1741 = arith.constant 8 : i32
        %get3A_1742 = arith.index_cast %get3A_1741 : i32 to index
        %get3A_1743 = arith.constant 32 : index
        %get3A_1744 = tpu.vector_load %arg5[%get3A_1742, %get3A_1743] {strides = array<i32>} : memref<16x256xf32, #tpu.memory_space<vmem>>, vector<1x16xf32>,
        %get3A_1745 = vector.shape_cast %get3A_1744 : vector<1x16xf32> to vector<16xf32>
        %swap3A_1746 = arith.constant 8 : i32
        %swap3A_1747 = arith.constant 0 : i32
        %swap3A_1748 = arith.index_cast %swap3A_1746 : i32 to index
        %swap3A_1749 = arith.index_cast %swap3A_1747 : i32 to index
        %swap3A_1750 = arith.constant 32 : index
        %swap3A_1751 = tpu.vector_load %arg4[%swap3A_1748, %swap3A_1749, %swap3A_1750] {strides = array<i32>} : memref<16x50x128xf32, #tpu.memory_space<vmem>>, vector<1x1x16xf32>,
        %swap3A_1752 = vector.shape_cast %swap3A_1751 : vector<1x1x16xf32> to vector<16xf32>
        %swap3A_1753 = vector.shape_cast %get3A_1745 : vector<16xf32> to vector<1x1x16xf32>
        tpu.vector_store %arg4[%swap3A_1748, %swap3A_1749, %swap3A_1750], %swap3A_1753 {strides = array<i32>} : memref<16x50x128xf32, #tpu.memory_space<vmem>>, vector<1x1x16xf32>,
        %get3A_1754 = arith.constant 8 : i32
        %get3A_1755 = arith.index_cast %get3A_1754 : i32 to index
        %get3A_1756 = arith.constant 160 : index
        %get3A_1757 = tpu.vector_load %arg5[%get3A_1755, %get3A_1756] {strides = array<i32>} : memref<16x256xf32, #tpu.memory_space<vmem>>, vector<1x16xf32>,
        %get3A_1758 = vector.shape_cast %get3A_1757 : vector<1x16xf32> to vector<16xf32>
        %swap3A_1759 = arith.constant 8 : i32
        %swap3A_1760 = arith.constant 25 : i32
        %swap3A_1761 = arith.index_cast %swap3A_1759 : i32 to index
        %swap3A_1762 = arith.index_cast %swap3A_1760 : i32 to index
        %swap3A_1763 = arith.constant 32 : index
        %swap3A_1764 = tpu.vector_load %arg4[%swap3A_1761, %swap3A_1762, %swap3A_1763] {strides = array<i32>} : memref<16x50x128xf32, #tpu.memory_space<vmem>>, vector<1x1x16xf32>,
        %swap3A_1765 = vector.shape_cast %swap3A_1764 : vector<1x1x16xf32> to vector<16xf32>
        %swap3A_1766 = vector.shape_cast %get3A_1758 : vector<16xf32> to vector<1x1x16xf32>
        tpu.vector_store %arg4[%swap3A_1761, %swap3A_1762, %swap3A_1763], %swap3A_1766 {strides = array<i32>} : memref<16x50x128xf32, #tpu.memory_space<vmem>>, vector<1x1x16xf32>,
        %get3A_1767 = arith.constant 8 : i32
        %get3A_1768 = arith.index_cast %get3A_1767 : i32 to index
        %get3A_1769 = arith.constant 48 : index
        %get3A_1770 = tpu.vector_load %arg5[%get3A_1768, %get3A_1769] {strides = array<i32>} : memref<16x256xf32, #tpu.memory_space<vmem>>, vector<1x16xf32>,
        %get3A_1771 = vector.shape_cast %get3A_1770 : vector<1x16xf32> to vector<16xf32>
        %swap3A_1772 = arith.constant 8 : i32
        %swap3A_1773 = arith.constant 0 : i32
        %swap3A_1774 = arith.index_cast %swap3A_1772 : i32 to index
        %swap3A_1775 = arith.index_cast %swap3A_1773 : i32 to index
        %swap3A_1776 = arith.constant 48 : index
        %swap3A_1777 = tpu.vector_load %arg4[%swap3A_1774, %swap3A_1775, %swap3A_1776] {strides = array<i32>} : memref<16x50x128xf32, #tpu.memory_space<vmem>>, vector<1x1x16xf32>,
        %swap3A_1778 = vector.shape_cast %swap3A_1777 : vector<1x1x16xf32> to vector<16xf32>
        %swap3A_1779 = vector.shape_cast %get3A_1771 : vector<16xf32> to vector<1x1x16xf32>
        tpu.vector_store %arg4[%swap3A_1774, %swap3A_1775, %swap3A_1776], %swap3A_1779 {strides = array<i32>} : memref<16x50x128xf32, #tpu.memory_space<vmem>>, vector<1x1x16xf32>,
        %get3A_1780 = arith.constant 8 : i32
        %get3A_1781 = arith.index_cast %get3A_1780 : i32 to index
        %get3A_1782 = arith.constant 176 : index
        %get3A_1783 = tpu.vector_load %arg5[%get3A_1781, %get3A_1782] {strides = array<i32>} : memref<16x256xf32, #tpu.memory_space<vmem>>, vector<1x16xf32>,
        %get3A_1784 = vector.shape_cast %get3A_1783 : vector<1x16xf32> to vector<16xf32>
        %swap3A_1785 = arith.constant 8 : i32
        %swap3A_1786 = arith.constant 25 : i32
        %swap3A_1787 = arith.index_cast %swap3A_1785 : i32 to index
        %swap3A_1788 = arith.index_cast %swap3A_1786 : i32 to index
        %swap3A_1789 = arith.constant 48 : index
        %swap3A_1790 = tpu.vector_load %arg4[%swap3A_1787, %swap3A_1788, %swap3A_1789] {strides = array<i32>} : memref<16x50x128xf32, #tpu.memory_space<vmem>>, vector<1x1x16xf32>,
        %swap3A_1791 = vector.shape_cast %swap3A_1790 : vector<1x1x16xf32> to vector<16xf32>
        %swap3A_1792 = vector.shape_cast %get3A_1784 : vector<16xf32> to vector<1x1x16xf32>
        tpu.vector_store %arg4[%swap3A_1787, %swap3A_1788, %swap3A_1789], %swap3A_1792 {strides = array<i32>} : memref<16x50x128xf32, #tpu.memory_space<vmem>>, vector<1x1x16xf32>,
        %get3A_1793 = arith.constant 8 : i32
        %get3A_1794 = arith.index_cast %get3A_1793 : i32 to index
        %get3A_1795 = arith.constant 64 : index
        %get3A_1796 = tpu.vector_load %arg5[%get3A_1794, %get3A_1795] {strides = array<i32>} : memref<16x256xf32, #tpu.memory_space<vmem>>, vector<1x16xf32>,
        %get3A_1797 = vector.shape_cast %get3A_1796 : vector<1x16xf32> to vector<16xf32>
        %swap3A_1798 = arith.constant 8 : i32
        %swap3A_1799 = arith.constant 0 : i32
        %swap3A_1800 = arith.index_cast %swap3A_1798 : i32 to index
        %swap3A_1801 = arith.index_cast %swap3A_1799 : i32 to index
        %swap3A_1802 = arith.constant 64 : index
        %swap3A_1803 = tpu.vector_load %arg4[%swap3A_1800, %swap3A_1801, %swap3A_1802] {strides = array<i32>} : memref<16x50x128xf32, #tpu.memory_space<vmem>>, vector<1x1x16xf32>,
        %swap3A_1804 = vector.shape_cast %swap3A_1803 : vector<1x1x16xf32> to vector<16xf32>
        %swap3A_1805 = vector.shape_cast %get3A_1797 : vector<16xf32> to vector<1x1x16xf32>
        tpu.vector_store %arg4[%swap3A_1800, %swap3A_1801, %swap3A_1802], %swap3A_1805 {strides = array<i32>} : memref<16x50x128xf32, #tpu.memory_space<vmem>>, vector<1x1x16xf32>,
        %get3A_1806 = arith.constant 8 : i32
        %get3A_1807 = arith.index_cast %get3A_1806 : i32 to index
        %get3A_1808 = arith.constant 192 : index
        %get3A_1809 = tpu.vector_load %arg5[%get3A_1807, %get3A_1808] {strides = array<i32>} : memref<16x256xf32, #tpu.memory_space<vmem>>, vector<1x16xf32>,
        %get3A_1810 = vector.shape_cast %get3A_1809 : vector<1x16xf32> to vector<16xf32>
        %swap3A_1811 = arith.constant 8 : i32
        %swap3A_1812 = arith.constant 25 : i32
        %swap3A_1813 = arith.index_cast %swap3A_1811 : i32 to index
        %swap3A_1814 = arith.index_cast %swap3A_1812 : i32 to index
        %swap3A_1815 = arith.constant 64 : index
        %swap3A_1816 = tpu.vector_load %arg4[%swap3A_1813, %swap3A_1814, %swap3A_1815] {strides = array<i32>} : memref<16x50x128xf32, #tpu.memory_space<vmem>>, vector<1x1x16xf32>,
        %swap3A_1817 = vector.shape_cast %swap3A_1816 : vector<1x1x16xf32> to vector<16xf32>
        %swap3A_1818 = vector.shape_cast %get3A_1810 : vector<16xf32> to vector<1x1x16xf32>
        tpu.vector_store %arg4[%swap3A_1813, %swap3A_1814, %swap3A_1815], %swap3A_1818 {strides = array<i32>} : memref<16x50x128xf32, #tpu.memory_space<vmem>>, vector<1x1x16xf32>,
        %get3A_1819 = arith.constant 8 : i32
        %get3A_1820 = arith.index_cast %get3A_1819 : i32 to index
        %get3A_1821 = arith.constant 80 : index
        %get3A_1822 = tpu.vector_load %arg5[%get3A_1820, %get3A_1821] {strides = array<i32>} : memref<16x256xf32, #tpu.memory_space<vmem>>, vector<1x16xf32>,
        %get3A_1823 = vector.shape_cast %get3A_1822 : vector<1x16xf32> to vector<16xf32>
        %swap3A_1824 = arith.constant 8 : i32
        %swap3A_1825 = arith.constant 0 : i32
        %swap3A_1826 = arith.index_cast %swap3A_1824 : i32 to index
        %swap3A_1827 = arith.index_cast %swap3A_1825 : i32 to index
        %swap3A_1828 = arith.constant 80 : index
        %swap3A_1829 = tpu.vector_load %arg4[%swap3A_1826, %swap3A_1827, %swap3A_1828] {strides = array<i32>} : memref<16x50x128xf32, #tpu.memory_space<vmem>>, vector<1x1x16xf32>,
        %swap3A_1830 = vector.shape_cast %swap3A_1829 : vector<1x1x16xf32> to vector<16xf32>
        %swap3A_1831 = vector.shape_cast %get3A_1823 : vector<16xf32> to vector<1x1x16xf32>
        tpu.vector_store %arg4[%swap3A_1826, %swap3A_1827, %swap3A_1828], %swap3A_1831 {strides = array<i32>} : memref<16x50x128xf32, #tpu.memory_space<vmem>>, vector<1x1x16xf32>,
        %get3A_1832 = arith.constant 8 : i32
        %get3A_1833 = arith.index_cast %get3A_1832 : i32 to index
        %get3A_1834 = arith.constant 208 : index
        %get3A_1835 = tpu.vector_load %arg5[%get3A_1833, %get3A_1834] {strides = array<i32>} : memref<16x256xf32, #tpu.memory_space<vmem>>, vector<1x16xf32>,
        %get3A_1836 = vector.shape_cast %get3A_1835 : vector<1x16xf32> to vector<16xf32>
        %swap3A_1837 = arith.constant 8 : i32
        %swap3A_1838 = arith.constant 25 : i32
        %swap3A_1839 = arith.index_cast %swap3A_1837 : i32 to index
        %swap3A_1840 = arith.index_cast %swap3A_1838 : i32 to index
        %swap3A_1841 = arith.constant 80 : index
        %swap3A_1842 = tpu.vector_load %arg4[%swap3A_1839, %swap3A_1840, %swap3A_1841] {strides = array<i32>} : memref<16x50x128xf32, #tpu.memory_space<vmem>>, vector<1x1x16xf32>,
        %swap3A_1843 = vector.shape_cast %swap3A_1842 : vector<1x1x16xf32> to vector<16xf32>
        %swap3A_1844 = vector.shape_cast %get3A_1836 : vector<16xf32> to vector<1x1x16xf32>
        tpu.vector_store %arg4[%swap3A_1839, %swap3A_1840, %swap3A_1841], %swap3A_1844 {strides = array<i32>} : memref<16x50x128xf32, #tpu.memory_space<vmem>>, vector<1x1x16xf32>,
        %get3A_1845 = arith.constant 8 : i32
        %get3A_1846 = arith.index_cast %get3A_1845 : i32 to index
        %get3A_1847 = arith.constant 96 : index
        %get3A_1848 = tpu.vector_load %arg5[%get3A_1846, %get3A_1847] {strides = array<i32>} : memref<16x256xf32, #tpu.memory_space<vmem>>, vector<1x16xf32>,
        %get3A_1849 = vector.shape_cast %get3A_1848 : vector<1x16xf32> to vector<16xf32>
        %swap3A_1850 = arith.constant 8 : i32
        %swap3A_1851 = arith.constant 0 : i32
        %swap3A_1852 = arith.index_cast %swap3A_1850 : i32 to index
        %swap3A_1853 = arith.index_cast %swap3A_1851 : i32 to index
        %swap3A_1854 = arith.constant 96 : index
        %swap3A_1855 = tpu.vector_load %arg4[%swap3A_1852, %swap3A_1853, %swap3A_1854] {strides = array<i32>} : memref<16x50x128xf32, #tpu.memory_space<vmem>>, vector<1x1x16xf32>,
        %swap3A_1856 = vector.shape_cast %swap3A_1855 : vector<1x1x16xf32> to vector<16xf32>
        %swap3A_1857 = vector.shape_cast %get3A_1849 : vector<16xf32> to vector<1x1x16xf32>
        tpu.vector_store %arg4[%swap3A_1852, %swap3A_1853, %swap3A_1854], %swap3A_1857 {strides = array<i32>} : memref<16x50x128xf32, #tpu.memory_space<vmem>>, vector<1x1x16xf32>,
        %get3A_1858 = arith.constant 8 : i32
        %get3A_1859 = arith.index_cast %get3A_1858 : i32 to index
        %get3A_1860 = arith.constant 224 : index
        %get3A_1861 = tpu.vector_load %arg5[%get3A_1859, %get3A_1860] {strides = array<i32>} : memref<16x256xf32, #tpu.memory_space<vmem>>, vector<1x16xf32>,
        %get3A_1862 = vector.shape_cast %get3A_1861 : vector<1x16xf32> to vector<16xf32>
        %swap3A_1863 = arith.constant 8 : i32
        %swap3A_1864 = arith.constant 25 : i32
        %swap3A_1865 = arith.index_cast %swap3A_1863 : i32 to index
        %swap3A_1866 = arith.index_cast %swap3A_1864 : i32 to index
        %swap3A_1867 = arith.constant 96 : index
        %swap3A_1868 = tpu.vector_load %arg4[%swap3A_1865, %swap3A_1866, %swap3A_1867] {strides = array<i32>} : memref<16x50x128xf32, #tpu.memory_space<vmem>>, vector<1x1x16xf32>,
        %swap3A_1869 = vector.shape_cast %swap3A_1868 : vector<1x1x16xf32> to vector<16xf32>
        %swap3A_1870 = vector.shape_cast %get3A_1862 : vector<16xf32> to vector<1x1x16xf32>
        tpu.vector_store %arg4[%swap3A_1865, %swap3A_1866, %swap3A_1867], %swap3A_1870 {strides = array<i32>} : memref<16x50x128xf32, #tpu.memory_space<vmem>>, vector<1x1x16xf32>,
        %get3A_1871 = arith.constant 8 : i32
        %get3A_1872 = arith.index_cast %get3A_1871 : i32 to index
        %get3A_1873 = arith.constant 112 : index
        %get3A_1874 = tpu.vector_load %arg5[%get3A_1872, %get3A_1873] {strides = array<i32>} : memref<16x256xf32, #tpu.memory_space<vmem>>, vector<1x16xf32>,
        %get3A_1875 = vector.shape_cast %get3A_1874 : vector<1x16xf32> to vector<16xf32>
        %swap3A_1876 = arith.constant 8 : i32
        %swap3A_1877 = arith.constant 0 : i32
        %swap3A_1878 = arith.index_cast %swap3A_1876 : i32 to index
        %swap3A_1879 = arith.index_cast %swap3A_1877 : i32 to index
        %swap3A_1880 = arith.constant 112 : index
        %swap3A_1881 = tpu.vector_load %arg4[%swap3A_1878, %swap3A_1879, %swap3A_1880] {strides = array<i32>} : memref<16x50x128xf32, #tpu.memory_space<vmem>>, vector<1x1x16xf32>,
        %swap3A_1882 = vector.shape_cast %swap3A_1881 : vector<1x1x16xf32> to vector<16xf32>
        %swap3A_1883 = vector.shape_cast %get3A_1875 : vector<16xf32> to vector<1x1x16xf32>
        tpu.vector_store %arg4[%swap3A_1878, %swap3A_1879, %swap3A_1880], %swap3A_1883 {strides = array<i32>} : memref<16x50x128xf32, #tpu.memory_space<vmem>>, vector<1x1x16xf32>,
        %get3A_1884 = arith.constant 8 : i32
        %get3A_1885 = arith.index_cast %get3A_1884 : i32 to index
        %get3A_1886 = arith.constant 240 : index
        %get3A_1887 = tpu.vector_load %arg5[%get3A_1885, %get3A_1886] {strides = array<i32>} : memref<16x256xf32, #tpu.memory_space<vmem>>, vector<1x16xf32>,
        %get3A_1888 = vector.shape_cast %get3A_1887 : vector<1x16xf32> to vector<16xf32>
        %swap3A_1889 = arith.constant 8 : i32
        %swap3A_1890 = arith.constant 25 : i32
        %swap3A_1891 = arith.index_cast %swap3A_1889 : i32 to index
        %swap3A_1892 = arith.index_cast %swap3A_1890 : i32 to index
        %swap3A_1893 = arith.constant 112 : index
        %swap3A_1894 = tpu.vector_load %arg4[%swap3A_1891, %swap3A_1892, %swap3A_1893] {strides = array<i32>} : memref<16x50x128xf32, #tpu.memory_space<vmem>>, vector<1x1x16xf32>,
        %swap3A_1895 = vector.shape_cast %swap3A_1894 : vector<1x1x16xf32> to vector<16xf32>
        %swap3A_1896 = vector.shape_cast %get3A_1888 : vector<16xf32> to vector<1x1x16xf32>
        tpu.vector_store %arg4[%swap3A_1891, %swap3A_1892, %swap3A_1893], %swap3A_1896 {strides = array<i32>} : memref<16x50x128xf32, #tpu.memory_space<vmem>>, vector<1x1x16xf32>,
        %get3A_1897 = arith.constant 9 : i32
        %get3A_1898 = arith.index_cast %get3A_1897 : i32 to index
        %get3A_1899 = arith.constant 0 : index
        %get3A_1900 = tpu.vector_load %arg5[%get3A_1898, %get3A_1899] {strides = array<i32>} : memref<16x256xf32, #tpu.memory_space<vmem>>, vector<1x16xf32>,
        %get3A_1901 = vector.shape_cast %get3A_1900 : vector<1x16xf32> to vector<16xf32>
        %swap3A_1902 = arith.constant 9 : i32
        %swap3A_1903 = arith.constant 0 : i32
        %swap3A_1904 = arith.index_cast %swap3A_1902 : i32 to index
        %swap3A_1905 = arith.index_cast %swap3A_1903 : i32 to index
        %swap3A_1906 = arith.constant 0 : index
        %swap3A_1907 = tpu.vector_load %arg4[%swap3A_1904, %swap3A_1905, %swap3A_1906] {strides = array<i32>} : memref<16x50x128xf32, #tpu.memory_space<vmem>>, vector<1x1x16xf32>,
        %swap3A_1908 = vector.shape_cast %swap3A_1907 : vector<1x1x16xf32> to vector<16xf32>
        %swap3A_1909 = vector.shape_cast %get3A_1901 : vector<16xf32> to vector<1x1x16xf32>
        tpu.vector_store %arg4[%swap3A_1904, %swap3A_1905, %swap3A_1906], %swap3A_1909 {strides = array<i32>} : memref<16x50x128xf32, #tpu.memory_space<vmem>>, vector<1x1x16xf32>,
        %get3A_1910 = arith.constant 9 : i32
        %get3A_1911 = arith.index_cast %get3A_1910 : i32 to index
        %get3A_1912 = arith.constant 128 : index
        %get3A_1913 = tpu.vector_load %arg5[%get3A_1911, %get3A_1912] {strides = array<i32>} : memref<16x256xf32, #tpu.memory_space<vmem>>, vector<1x16xf32>,
        %get3A_1914 = vector.shape_cast %get3A_1913 : vector<1x16xf32> to vector<16xf32>
        %swap3A_1915 = arith.constant 9 : i32
        %swap3A_1916 = arith.constant 25 : i32
        %swap3A_1917 = arith.index_cast %swap3A_1915 : i32 to index
        %swap3A_1918 = arith.index_cast %swap3A_1916 : i32 to index
        %swap3A_1919 = arith.constant 0 : index
        %swap3A_1920 = tpu.vector_load %arg4[%swap3A_1917, %swap3A_1918, %swap3A_1919] {strides = array<i32>} : memref<16x50x128xf32, #tpu.memory_space<vmem>>, vector<1x1x16xf32>,
        %swap3A_1921 = vector.shape_cast %swap3A_1920 : vector<1x1x16xf32> to vector<16xf32>
        %swap3A_1922 = vector.shape_cast %get3A_1914 : vector<16xf32> to vector<1x1x16xf32>
        tpu.vector_store %arg4[%swap3A_1917, %swap3A_1918, %swap3A_1919], %swap3A_1922 {strides = array<i32>} : memref<16x50x128xf32, #tpu.memory_space<vmem>>, vector<1x1x16xf32>,
        %get3A_1923 = arith.constant 9 : i32
        %get3A_1924 = arith.index_cast %get3A_1923 : i32 to index
        %get3A_1925 = arith.constant 16 : index
        %get3A_1926 = tpu.vector_load %arg5[%get3A_1924, %get3A_1925] {strides = array<i32>} : memref<16x256xf32, #tpu.memory_space<vmem>>, vector<1x16xf32>,
        %get3A_1927 = vector.shape_cast %get3A_1926 : vector<1x16xf32> to vector<16xf32>
        %swap3A_1928 = arith.constant 9 : i32
        %swap3A_1929 = arith.constant 0 : i32
        %swap3A_1930 = arith.index_cast %swap3A_1928 : i32 to index
        %swap3A_1931 = arith.index_cast %swap3A_1929 : i32 to index
        %swap3A_1932 = arith.constant 16 : index
        %swap3A_1933 = tpu.vector_load %arg4[%swap3A_1930, %swap3A_1931, %swap3A_1932] {strides = array<i32>} : memref<16x50x128xf32, #tpu.memory_space<vmem>>, vector<1x1x16xf32>,
        %swap3A_1934 = vector.shape_cast %swap3A_1933 : vector<1x1x16xf32> to vector<16xf32>
        %swap3A_1935 = vector.shape_cast %get3A_1927 : vector<16xf32> to vector<1x1x16xf32>
        tpu.vector_store %arg4[%swap3A_1930, %swap3A_1931, %swap3A_1932], %swap3A_1935 {strides = array<i32>} : memref<16x50x128xf32, #tpu.memory_space<vmem>>, vector<1x1x16xf32>,
        %get3A_1936 = arith.constant 9 : i32
        %get3A_1937 = arith.index_cast %get3A_1936 : i32 to index
        %get3A_1938 = arith.constant 144 : index
        %get3A_1939 = tpu.vector_load %arg5[%get3A_1937, %get3A_1938] {strides = array<i32>} : memref<16x256xf32, #tpu.memory_space<vmem>>, vector<1x16xf32>,
        %get3A_1940 = vector.shape_cast %get3A_1939 : vector<1x16xf32> to vector<16xf32>
        %swap3A_1941 = arith.constant 9 : i32
        %swap3A_1942 = arith.constant 25 : i32
        %swap3A_1943 = arith.index_cast %swap3A_1941 : i32 to index
        %swap3A_1944 = arith.index_cast %swap3A_1942 : i32 to index
        %swap3A_1945 = arith.constant 16 : index
        %swap3A_1946 = tpu.vector_load %arg4[%swap3A_1943, %swap3A_1944, %swap3A_1945] {strides = array<i32>} : memref<16x50x128xf32, #tpu.memory_space<vmem>>, vector<1x1x16xf32>,
        %swap3A_1947 = vector.shape_cast %swap3A_1946 : vector<1x1x16xf32> to vector<16xf32>
        %swap3A_1948 = vector.shape_cast %get3A_1940 : vector<16xf32> to vector<1x1x16xf32>
        tpu.vector_store %arg4[%swap3A_1943, %swap3A_1944, %swap3A_1945], %swap3A_1948 {strides = array<i32>} : memref<16x50x128xf32, #tpu.memory_space<vmem>>, vector<1x1x16xf32>,
        %get3A_1949 = arith.constant 9 : i32
        %get3A_1950 = arith.index_cast %get3A_1949 : i32 to index
        %get3A_1951 = arith.constant 32 : index
        %get3A_1952 = tpu.vector_load %arg5[%get3A_1950, %get3A_1951] {strides = array<i32>} : memref<16x256xf32, #tpu.memory_space<vmem>>, vector<1x16xf32>,
        %get3A_1953 = vector.shape_cast %get3A_1952 : vector<1x16xf32> to vector<16xf32>
        %swap3A_1954 = arith.constant 9 : i32
        %swap3A_1955 = arith.constant 0 : i32
        %swap3A_1956 = arith.index_cast %swap3A_1954 : i32 to index
        %swap3A_1957 = arith.index_cast %swap3A_1955 : i32 to index
        %swap3A_1958 = arith.constant 32 : index
        %swap3A_1959 = tpu.vector_load %arg4[%swap3A_1956, %swap3A_1957, %swap3A_1958] {strides = array<i32>} : memref<16x50x128xf32, #tpu.memory_space<vmem>>, vector<1x1x16xf32>,
        %swap3A_1960 = vector.shape_cast %swap3A_1959 : vector<1x1x16xf32> to vector<16xf32>
        %swap3A_1961 = vector.shape_cast %get3A_1953 : vector<16xf32> to vector<1x1x16xf32>
        tpu.vector_store %arg4[%swap3A_1956, %swap3A_1957, %swap3A_1958], %swap3A_1961 {strides = array<i32>} : memref<16x50x128xf32, #tpu.memory_space<vmem>>, vector<1x1x16xf32>,
        %get3A_1962 = arith.constant 9 : i32
        %get3A_1963 = arith.index_cast %get3A_1962 : i32 to index
        %get3A_1964 = arith.constant 160 : index
        %get3A_1965 = tpu.vector_load %arg5[%get3A_1963, %get3A_1964] {strides = array<i32>} : memref<16x256xf32, #tpu.memory_space<vmem>>, vector<1x16xf32>,
        %get3A_1966 = vector.shape_cast %get3A_1965 : vector<1x16xf32> to vector<16xf32>
        %swap3A_1967 = arith.constant 9 : i32
        %swap3A_1968 = arith.constant 25 : i32
        %swap3A_1969 = arith.index_cast %swap3A_1967 : i32 to index
        %swap3A_1970 = arith.index_cast %swap3A_1968 : i32 to index
        %swap3A_1971 = arith.constant 32 : index
        %swap3A_1972 = tpu.vector_load %arg4[%swap3A_1969, %swap3A_1970, %swap3A_1971] {strides = array<i32>} : memref<16x50x128xf32, #tpu.memory_space<vmem>>, vector<1x1x16xf32>,
        %swap3A_1973 = vector.shape_cast %swap3A_1972 : vector<1x1x16xf32> to vector<16xf32>
        %swap3A_1974 = vector.shape_cast %get3A_1966 : vector<16xf32> to vector<1x1x16xf32>
        tpu.vector_store %arg4[%swap3A_1969, %swap3A_1970, %swap3A_1971], %swap3A_1974 {strides = array<i32>} : memref<16x50x128xf32, #tpu.memory_space<vmem>>, vector<1x1x16xf32>,
        %get3A_1975 = arith.constant 9 : i32
        %get3A_1976 = arith.index_cast %get3A_1975 : i32 to index
        %get3A_1977 = arith.constant 48 : index
        %get3A_1978 = tpu.vector_load %arg5[%get3A_1976, %get3A_1977] {strides = array<i32>} : memref<16x256xf32, #tpu.memory_space<vmem>>, vector<1x16xf32>,
        %get3A_1979 = vector.shape_cast %get3A_1978 : vector<1x16xf32> to vector<16xf32>
        %swap3A_1980 = arith.constant 9 : i32
        %swap3A_1981 = arith.constant 0 : i32
        %swap3A_1982 = arith.index_cast %swap3A_1980 : i32 to index
        %swap3A_1983 = arith.index_cast %swap3A_1981 : i32 to index
        %swap3A_1984 = arith.constant 48 : index
        %swap3A_1985 = tpu.vector_load %arg4[%swap3A_1982, %swap3A_1983, %swap3A_1984] {strides = array<i32>} : memref<16x50x128xf32, #tpu.memory_space<vmem>>, vector<1x1x16xf32>,
        %swap3A_1986 = vector.shape_cast %swap3A_1985 : vector<1x1x16xf32> to vector<16xf32>
        %swap3A_1987 = vector.shape_cast %get3A_1979 : vector<16xf32> to vector<1x1x16xf32>
        tpu.vector_store %arg4[%swap3A_1982, %swap3A_1983, %swap3A_1984], %swap3A_1987 {strides = array<i32>} : memref<16x50x128xf32, #tpu.memory_space<vmem>>, vector<1x1x16xf32>,
        %get3A_1988 = arith.constant 9 : i32
        %get3A_1989 = arith.index_cast %get3A_1988 : i32 to index
        %get3A_1990 = arith.constant 176 : index
        %get3A_1991 = tpu.vector_load %arg5[%get3A_1989, %get3A_1990] {strides = array<i32>} : memref<16x256xf32, #tpu.memory_space<vmem>>, vector<1x16xf32>,
        %get3A_1992 = vector.shape_cast %get3A_1991 : vector<1x16xf32> to vector<16xf32>
        %swap3A_1993 = arith.constant 9 : i32
        %swap3A_1994 = arith.constant 25 : i32
        %swap3A_1995 = arith.index_cast %swap3A_1993 : i32 to index
        %swap3A_1996 = arith.index_cast %swap3A_1994 : i32 to index
        %swap3A_1997 = arith.constant 48 : index
        %swap3A_1998 = tpu.vector_load %arg4[%swap3A_1995, %swap3A_1996, %swap3A_1997] {strides = array<i32>} : memref<16x50x128xf32, #tpu.memory_space<vmem>>, vector<1x1x16xf32>,
        %swap3A_1999 = vector.shape_cast %swap3A_1998 : vector<1x1x16xf32> to vector<16xf32>
        %swap3A_2000 = vector.shape_cast %get3A_1992 : vector<16xf32> to vector<1x1x16xf32>
        tpu.vector_store %arg4[%swap3A_1995, %swap3A_1996, %swap3A_1997], %swap3A_2000 {strides = array<i32>} : memref<16x50x128xf32, #tpu.memory_space<vmem>>, vector<1x1x16xf32>,
        %get3A_2001 = arith.constant 9 : i32
        %get3A_2002 = arith.index_cast %get3A_2001 : i32 to index
        %get3A_2003 = arith.constant 64 : index
        %get3A_2004 = tpu.vector_load %arg5[%get3A_2002, %get3A_2003] {strides = array<i32>} : memref<16x256xf32, #tpu.memory_space<vmem>>, vector<1x16xf32>,
        %get3A_2005 = vector.shape_cast %get3A_2004 : vector<1x16xf32> to vector<16xf32>
        %swap3A_2006 = arith.constant 9 : i32
        %swap3A_2007 = arith.constant 0 : i32
        %swap3A_2008 = arith.index_cast %swap3A_2006 : i32 to index
        %swap3A_2009 = arith.index_cast %swap3A_2007 : i32 to index
        %swap3A_2010 = arith.constant 64 : index
        %swap3A_2011 = tpu.vector_load %arg4[%swap3A_2008, %swap3A_2009, %swap3A_2010] {strides = array<i32>} : memref<16x50x128xf32, #tpu.memory_space<vmem>>, vector<1x1x16xf32>,
        %swap3A_2012 = vector.shape_cast %swap3A_2011 : vector<1x1x16xf32> to vector<16xf32>
        %swap3A_2013 = vector.shape_cast %get3A_2005 : vector<16xf32> to vector<1x1x16xf32>
        tpu.vector_store %arg4[%swap3A_2008, %swap3A_2009, %swap3A_2010], %swap3A_2013 {strides = array<i32>} : memref<16x50x128xf32, #tpu.memory_space<vmem>>, vector<1x1x16xf32>,
        %get3A_2014 = arith.constant 9 : i32
        %get3A_2015 = arith.index_cast %get3A_2014 : i32 to index
        %get3A_2016 = arith.constant 192 : index
        %get3A_2017 = tpu.vector_load %arg5[%get3A_2015, %get3A_2016] {strides = array<i32>} : memref<16x256xf32, #tpu.memory_space<vmem>>, vector<1x16xf32>,
        %get3A_2018 = vector.shape_cast %get3A_2017 : vector<1x16xf32> to vector<16xf32>
        %swap3A_2019 = arith.constant 9 : i32
        %swap3A_2020 = arith.constant 25 : i32
        %swap3A_2021 = arith.index_cast %swap3A_2019 : i32 to index
        %swap3A_2022 = arith.index_cast %swap3A_2020 : i32 to index
        %swap3A_2023 = arith.constant 64 : index
        %swap3A_2024 = tpu.vector_load %arg4[%swap3A_2021, %swap3A_2022, %swap3A_2023] {strides = array<i32>} : memref<16x50x128xf32, #tpu.memory_space<vmem>>, vector<1x1x16xf32>,
        %swap3A_2025 = vector.shape_cast %swap3A_2024 : vector<1x1x16xf32> to vector<16xf32>
        %swap3A_2026 = vector.shape_cast %get3A_2018 : vector<16xf32> to vector<1x1x16xf32>
        tpu.vector_store %arg4[%swap3A_2021, %swap3A_2022, %swap3A_2023], %swap3A_2026 {strides = array<i32>} : memref<16x50x128xf32, #tpu.memory_space<vmem>>, vector<1x1x16xf32>,
        %get3A_2027 = arith.constant 9 : i32
        %get3A_2028 = arith.index_cast %get3A_2027 : i32 to index
        %get3A_2029 = arith.constant 80 : index
        %get3A_2030 = tpu.vector_load %arg5[%get3A_2028, %get3A_2029] {strides = array<i32>} : memref<16x256xf32, #tpu.memory_space<vmem>>, vector<1x16xf32>,
        %get3A_2031 = vector.shape_cast %get3A_2030 : vector<1x16xf32> to vector<16xf32>
        %swap3A_2032 = arith.constant 9 : i32
        %swap3A_2033 = arith.constant 0 : i32
        %swap3A_2034 = arith.index_cast %swap3A_2032 : i32 to index
        %swap3A_2035 = arith.index_cast %swap3A_2033 : i32 to index
        %swap3A_2036 = arith.constant 80 : index
        %swap3A_2037 = tpu.vector_load %arg4[%swap3A_2034, %swap3A_2035, %swap3A_2036] {strides = array<i32>} : memref<16x50x128xf32, #tpu.memory_space<vmem>>, vector<1x1x16xf32>,
        %swap3A_2038 = vector.shape_cast %swap3A_2037 : vector<1x1x16xf32> to vector<16xf32>
        %swap3A_2039 = vector.shape_cast %get3A_2031 : vector<16xf32> to vector<1x1x16xf32>
        tpu.vector_store %arg4[%swap3A_2034, %swap3A_2035, %swap3A_2036], %swap3A_2039 {strides = array<i32>} : memref<16x50x128xf32, #tpu.memory_space<vmem>>, vector<1x1x16xf32>,
        %get3A_2040 = arith.constant 9 : i32
        %get3A_2041 = arith.index_cast %get3A_2040 : i32 to index
        %get3A_2042 = arith.constant 208 : index
        %get3A_2043 = tpu.vector_load %arg5[%get3A_2041, %get3A_2042] {strides = array<i32>} : memref<16x256xf32, #tpu.memory_space<vmem>>, vector<1x16xf32>,
        %get3A_2044 = vector.shape_cast %get3A_2043 : vector<1x16xf32> to vector<16xf32>
        %swap3A_2045 = arith.constant 9 : i32
        %swap3A_2046 = arith.constant 25 : i32
        %swap3A_2047 = arith.index_cast %swap3A_2045 : i32 to index
        %swap3A_2048 = arith.index_cast %swap3A_2046 : i32 to index
        %swap3A_2049 = arith.constant 80 : index
        %swap3A_2050 = tpu.vector_load %arg4[%swap3A_2047, %swap3A_2048, %swap3A_2049] {strides = array<i32>} : memref<16x50x128xf32, #tpu.memory_space<vmem>>, vector<1x1x16xf32>,
        %swap3A_2051 = vector.shape_cast %swap3A_2050 : vector<1x1x16xf32> to vector<16xf32>
        %swap3A_2052 = vector.shape_cast %get3A_2044 : vector<16xf32> to vector<1x1x16xf32>
        tpu.vector_store %arg4[%swap3A_2047, %swap3A_2048, %swap3A_2049], %swap3A_2052 {strides = array<i32>} : memref<16x50x128xf32, #tpu.memory_space<vmem>>, vector<1x1x16xf32>,
        %get3A_2053 = arith.constant 9 : i32
        %get3A_2054 = arith.index_cast %get3A_2053 : i32 to index
        %get3A_2055 = arith.constant 96 : index
        %get3A_2056 = tpu.vector_load %arg5[%get3A_2054, %get3A_2055] {strides = array<i32>} : memref<16x256xf32, #tpu.memory_space<vmem>>, vector<1x16xf32>,
        %get3A_2057 = vector.shape_cast %get3A_2056 : vector<1x16xf32> to vector<16xf32>
        %swap3A_2058 = arith.constant 9 : i32
        %swap3A_2059 = arith.constant 0 : i32
        %swap3A_2060 = arith.index_cast %swap3A_2058 : i32 to index
        %swap3A_2061 = arith.index_cast %swap3A_2059 : i32 to index
        %swap3A_2062 = arith.constant 96 : index
        %swap3A_2063 = tpu.vector_load %arg4[%swap3A_2060, %swap3A_2061, %swap3A_2062] {strides = array<i32>} : memref<16x50x128xf32, #tpu.memory_space<vmem>>, vector<1x1x16xf32>,
        %swap3A_2064 = vector.shape_cast %swap3A_2063 : vector<1x1x16xf32> to vector<16xf32>
        %swap3A_2065 = vector.shape_cast %get3A_2057 : vector<16xf32> to vector<1x1x16xf32>
        tpu.vector_store %arg4[%swap3A_2060, %swap3A_2061, %swap3A_2062], %swap3A_2065 {strides = array<i32>} : memref<16x50x128xf32, #tpu.memory_space<vmem>>, vector<1x1x16xf32>,
        %get3A_2066 = arith.constant 9 : i32
        %get3A_2067 = arith.index_cast %get3A_2066 : i32 to index
        %get3A_2068 = arith.constant 224 : index
        %get3A_2069 = tpu.vector_load %arg5[%get3A_2067, %get3A_2068] {strides = array<i32>} : memref<16x256xf32, #tpu.memory_space<vmem>>, vector<1x16xf32>,
        %get3A_2070 = vector.shape_cast %get3A_2069 : vector<1x16xf32> to vector<16xf32>
        %swap3A_2071 = arith.constant 9 : i32
        %swap3A_2072 = arith.constant 25 : i32
        %swap3A_2073 = arith.index_cast %swap3A_2071 : i32 to index
        %swap3A_2074 = arith.index_cast %swap3A_2072 : i32 to index
        %swap3A_2075 = arith.constant 96 : index
        %swap3A_2076 = tpu.vector_load %arg4[%swap3A_2073, %swap3A_2074, %swap3A_2075] {strides = array<i32>} : memref<16x50x128xf32, #tpu.memory_space<vmem>>, vector<1x1x16xf32>,
        %swap3A_2077 = vector.shape_cast %swap3A_2076 : vector<1x1x16xf32> to vector<16xf32>
        %swap3A_2078 = vector.shape_cast %get3A_2070 : vector<16xf32> to vector<1x1x16xf32>
        tpu.vector_store %arg4[%swap3A_2073, %swap3A_2074, %swap3A_2075], %swap3A_2078 {strides = array<i32>} : memref<16x50x128xf32, #tpu.memory_space<vmem>>, vector<1x1x16xf32>,
        %get3A_2079 = arith.constant 9 : i32
        %get3A_2080 = arith.index_cast %get3A_2079 : i32 to index
        %get3A_2081 = arith.constant 112 : index
        %get3A_2082 = tpu.vector_load %arg5[%get3A_2080, %get3A_2081] {strides = array<i32>} : memref<16x256xf32, #tpu.memory_space<vmem>>, vector<1x16xf32>,
        %get3A_2083 = vector.shape_cast %get3A_2082 : vector<1x16xf32> to vector<16xf32>
        %swap3A_2084 = arith.constant 9 : i32
        %swap3A_2085 = arith.constant 0 : i32
        %swap3A_2086 = arith.index_cast %swap3A_2084 : i32 to index
        %swap3A_2087 = arith.index_cast %swap3A_2085 : i32 to index
        %swap3A_2088 = arith.constant 112 : index
        %swap3A_2089 = tpu.vector_load %arg4[%swap3A_2086, %swap3A_2087, %swap3A_2088] {strides = array<i32>} : memref<16x50x128xf32, #tpu.memory_space<vmem>>, vector<1x1x16xf32>,
        %swap3A_2090 = vector.shape_cast %swap3A_2089 : vector<1x1x16xf32> to vector<16xf32>
        %swap3A_2091 = vector.shape_cast %get3A_2083 : vector<16xf32> to vector<1x1x16xf32>
        tpu.vector_store %arg4[%swap3A_2086, %swap3A_2087, %swap3A_2088], %swap3A_2091 {strides = array<i32>} : memref<16x50x128xf32, #tpu.memory_space<vmem>>, vector<1x1x16xf32>,
        %get3A_2092 = arith.constant 9 : i32
        %get3A_2093 = arith.index_cast %get3A_2092 : i32 to index
        %get3A_2094 = arith.constant 240 : index
        %get3A_2095 = tpu.vector_load %arg5[%get3A_2093, %get3A_2094] {strides = array<i32>} : memref<16x256xf32, #tpu.memory_space<vmem>>, vector<1x16xf32>,
        %get3A_2096 = vector.shape_cast %get3A_2095 : vector<1x16xf32> to vector<16xf32>
        %swap3A_2097 = arith.constant 9 : i32
        %swap3A_2098 = arith.constant 25 : i32
        %swap3A_2099 = arith.index_cast %swap3A_2097 : i32 to index
        %swap3A_2100 = arith.index_cast %swap3A_2098 : i32 to index
        %swap3A_2101 = arith.constant 112 : index
        %swap3A_2102 = tpu.vector_load %arg4[%swap3A_2099, %swap3A_2100, %swap3A_2101] {strides = array<i32>} : memref<16x50x128xf32, #tpu.memory_space<vmem>>, vector<1x1x16xf32>,
        %swap3A_2103 = vector.shape_cast %swap3A_2102 : vector<1x1x16xf32> to vector<16xf32>
        %swap3A_2104 = vector.shape_cast %get3A_2096 : vector<16xf32> to vector<1x1x16xf32>
        tpu.vector_store %arg4[%swap3A_2099, %swap3A_2100, %swap3A_2101], %swap3A_2104 {strides = array<i32>} : memref<16x50x128xf32, #tpu.memory_space<vmem>>, vector<1x1x16xf32>,
        %get3A_2105 = arith.constant 10 : i32
        %get3A_2106 = arith.index_cast %get3A_2105 : i32 to index
        %get3A_2107 = arith.constant 0 : index
        %get3A_2108 = tpu.vector_load %arg5[%get3A_2106, %get3A_2107] {strides = array<i32>} : memref<16x256xf32, #tpu.memory_space<vmem>>, vector<1x16xf32>,
        %get3A_2109 = vector.shape_cast %get3A_2108 : vector<1x16xf32> to vector<16xf32>
        %swap3A_2110 = arith.constant 10 : i32
        %swap3A_2111 = arith.constant 0 : i32
        %swap3A_2112 = arith.index_cast %swap3A_2110 : i32 to index
        %swap3A_2113 = arith.index_cast %swap3A_2111 : i32 to index
        %swap3A_2114 = arith.constant 0 : index
        %swap3A_2115 = tpu.vector_load %arg4[%swap3A_2112, %swap3A_2113, %swap3A_2114] {strides = array<i32>} : memref<16x50x128xf32, #tpu.memory_space<vmem>>, vector<1x1x16xf32>,
        %swap3A_2116 = vector.shape_cast %swap3A_2115 : vector<1x1x16xf32> to vector<16xf32>
        %swap3A_2117 = vector.shape_cast %get3A_2109 : vector<16xf32> to vector<1x1x16xf32>
        tpu.vector_store %arg4[%swap3A_2112, %swap3A_2113, %swap3A_2114], %swap3A_2117 {strides = array<i32>} : memref<16x50x128xf32, #tpu.memory_space<vmem>>, vector<1x1x16xf32>,
        %get3A_2118 = arith.constant 10 : i32
        %get3A_2119 = arith.index_cast %get3A_2118 : i32 to index
        %get3A_2120 = arith.constant 128 : index
        %get3A_2121 = tpu.vector_load %arg5[%get3A_2119, %get3A_2120] {strides = array<i32>} : memref<16x256xf32, #tpu.memory_space<vmem>>, vector<1x16xf32>,
        %get3A_2122 = vector.shape_cast %get3A_2121 : vector<1x16xf32> to vector<16xf32>
        %swap3A_2123 = arith.constant 10 : i32
        %swap3A_2124 = arith.constant 25 : i32
        %swap3A_2125 = arith.index_cast %swap3A_2123 : i32 to index
        %swap3A_2126 = arith.index_cast %swap3A_2124 : i32 to index
        %swap3A_2127 = arith.constant 0 : index
        %swap3A_2128 = tpu.vector_load %arg4[%swap3A_2125, %swap3A_2126, %swap3A_2127] {strides = array<i32>} : memref<16x50x128xf32, #tpu.memory_space<vmem>>, vector<1x1x16xf32>,
        %swap3A_2129 = vector.shape_cast %swap3A_2128 : vector<1x1x16xf32> to vector<16xf32>
        %swap3A_2130 = vector.shape_cast %get3A_2122 : vector<16xf32> to vector<1x1x16xf32>
        tpu.vector_store %arg4[%swap3A_2125, %swap3A_2126, %swap3A_2127], %swap3A_2130 {strides = array<i32>} : memref<16x50x128xf32, #tpu.memory_space<vmem>>, vector<1x1x16xf32>,
        %get3A_2131 = arith.constant 10 : i32
        %get3A_2132 = arith.index_cast %get3A_2131 : i32 to index
        %get3A_2133 = arith.constant 16 : index
        %get3A_2134 = tpu.vector_load %arg5[%get3A_2132, %get3A_2133] {strides = array<i32>} : memref<16x256xf32, #tpu.memory_space<vmem>>, vector<1x16xf32>,
        %get3A_2135 = vector.shape_cast %get3A_2134 : vector<1x16xf32> to vector<16xf32>
        %swap3A_2136 = arith.constant 10 : i32
        %swap3A_2137 = arith.constant 0 : i32
        %swap3A_2138 = arith.index_cast %swap3A_2136 : i32 to index
        %swap3A_2139 = arith.index_cast %swap3A_2137 : i32 to index
        %swap3A_2140 = arith.constant 16 : index
        %swap3A_2141 = tpu.vector_load %arg4[%swap3A_2138, %swap3A_2139, %swap3A_2140] {strides = array<i32>} : memref<16x50x128xf32, #tpu.memory_space<vmem>>, vector<1x1x16xf32>,
        %swap3A_2142 = vector.shape_cast %swap3A_2141 : vector<1x1x16xf32> to vector<16xf32>
        %swap3A_2143 = vector.shape_cast %get3A_2135 : vector<16xf32> to vector<1x1x16xf32>
        tpu.vector_store %arg4[%swap3A_2138, %swap3A_2139, %swap3A_2140], %swap3A_2143 {strides = array<i32>} : memref<16x50x128xf32, #tpu.memory_space<vmem>>, vector<1x1x16xf32>,
        %get3A_2144 = arith.constant 10 : i32
        %get3A_2145 = arith.index_cast %get3A_2144 : i32 to index
        %get3A_2146 = arith.constant 144 : index
        %get3A_2147 = tpu.vector_load %arg5[%get3A_2145, %get3A_2146] {strides = array<i32>} : memref<16x256xf32, #tpu.memory_space<vmem>>, vector<1x16xf32>,
        %get3A_2148 = vector.shape_cast %get3A_2147 : vector<1x16xf32> to vector<16xf32>
        %swap3A_2149 = arith.constant 10 : i32
        %swap3A_2150 = arith.constant 25 : i32
        %swap3A_2151 = arith.index_cast %swap3A_2149 : i32 to index
        %swap3A_2152 = arith.index_cast %swap3A_2150 : i32 to index
        %swap3A_2153 = arith.constant 16 : index
        %swap3A_2154 = tpu.vector_load %arg4[%swap3A_2151, %swap3A_2152, %swap3A_2153] {strides = array<i32>} : memref<16x50x128xf32, #tpu.memory_space<vmem>>, vector<1x1x16xf32>,
        %swap3A_2155 = vector.shape_cast %swap3A_2154 : vector<1x1x16xf32> to vector<16xf32>
        %swap3A_2156 = vector.shape_cast %get3A_2148 : vector<16xf32> to vector<1x1x16xf32>
        tpu.vector_store %arg4[%swap3A_2151, %swap3A_2152, %swap3A_2153], %swap3A_2156 {strides = array<i32>} : memref<16x50x128xf32, #tpu.memory_space<vmem>>, vector<1x1x16xf32>,
        %get3A_2157 = arith.constant 10 : i32
        %get3A_2158 = arith.index_cast %get3A_2157 : i32 to index
        %get3A_2159 = arith.constant 32 : index
        %get3A_2160 = tpu.vector_load %arg5[%get3A_2158, %get3A_2159] {strides = array<i32>} : memref<16x256xf32, #tpu.memory_space<vmem>>, vector<1x16xf32>,
        %get3A_2161 = vector.shape_cast %get3A_2160 : vector<1x16xf32> to vector<16xf32>
        %swap3A_2162 = arith.constant 10 : i32
        %swap3A_2163 = arith.constant 0 : i32
        %swap3A_2164 = arith.index_cast %swap3A_2162 : i32 to index
        %swap3A_2165 = arith.index_cast %swap3A_2163 : i32 to index
        %swap3A_2166 = arith.constant 32 : index
        %swap3A_2167 = tpu.vector_load %arg4[%swap3A_2164, %swap3A_2165, %swap3A_2166] {strides = array<i32>} : memref<16x50x128xf32, #tpu.memory_space<vmem>>, vector<1x1x16xf32>,
        %swap3A_2168 = vector.shape_cast %swap3A_2167 : vector<1x1x16xf32> to vector<16xf32>
        %swap3A_2169 = vector.shape_cast %get3A_2161 : vector<16xf32> to vector<1x1x16xf32>
        tpu.vector_store %arg4[%swap3A_2164, %swap3A_2165, %swap3A_2166], %swap3A_2169 {strides = array<i32>} : memref<16x50x128xf32, #tpu.memory_space<vmem>>, vector<1x1x16xf32>,
        %get3A_2170 = arith.constant 10 : i32
        %get3A_2171 = arith.index_cast %get3A_2170 : i32 to index
        %get3A_2172 = arith.constant 160 : index
        %get3A_2173 = tpu.vector_load %arg5[%get3A_2171, %get3A_2172] {strides = array<i32>} : memref<16x256xf32, #tpu.memory_space<vmem>>, vector<1x16xf32>,
        %get3A_2174 = vector.shape_cast %get3A_2173 : vector<1x16xf32> to vector<16xf32>
        %swap3A_2175 = arith.constant 10 : i32
        %swap3A_2176 = arith.constant 25 : i32
        %swap3A_2177 = arith.index_cast %swap3A_2175 : i32 to index
        %swap3A_2178 = arith.index_cast %swap3A_2176 : i32 to index
        %swap3A_2179 = arith.constant 32 : index
        %swap3A_2180 = tpu.vector_load %arg4[%swap3A_2177, %swap3A_2178, %swap3A_2179] {strides = array<i32>} : memref<16x50x128xf32, #tpu.memory_space<vmem>>, vector<1x1x16xf32>,
        %swap3A_2181 = vector.shape_cast %swap3A_2180 : vector<1x1x16xf32> to vector<16xf32>
        %swap3A_2182 = vector.shape_cast %get3A_2174 : vector<16xf32> to vector<1x1x16xf32>
        tpu.vector_store %arg4[%swap3A_2177, %swap3A_2178, %swap3A_2179], %swap3A_2182 {strides = array<i32>} : memref<16x50x128xf32, #tpu.memory_space<vmem>>, vector<1x1x16xf32>,
        %get3A_2183 = arith.constant 10 : i32
        %get3A_2184 = arith.index_cast %get3A_2183 : i32 to index
        %get3A_2185 = arith.constant 48 : index
        %get3A_2186 = tpu.vector_load %arg5[%get3A_2184, %get3A_2185] {strides = array<i32>} : memref<16x256xf32, #tpu.memory_space<vmem>>, vector<1x16xf32>,
        %get3A_2187 = vector.shape_cast %get3A_2186 : vector<1x16xf32> to vector<16xf32>
        %swap3A_2188 = arith.constant 10 : i32
        %swap3A_2189 = arith.constant 0 : i32
        %swap3A_2190 = arith.index_cast %swap3A_2188 : i32 to index
        %swap3A_2191 = arith.index_cast %swap3A_2189 : i32 to index
        %swap3A_2192 = arith.constant 48 : index
        %swap3A_2193 = tpu.vector_load %arg4[%swap3A_2190, %swap3A_2191, %swap3A_2192] {strides = array<i32>} : memref<16x50x128xf32, #tpu.memory_space<vmem>>, vector<1x1x16xf32>,
        %swap3A_2194 = vector.shape_cast %swap3A_2193 : vector<1x1x16xf32> to vector<16xf32>
        %swap3A_2195 = vector.shape_cast %get3A_2187 : vector<16xf32> to vector<1x1x16xf32>
        tpu.vector_store %arg4[%swap3A_2190, %swap3A_2191, %swap3A_2192], %swap3A_2195 {strides = array<i32>} : memref<16x50x128xf32, #tpu.memory_space<vmem>>, vector<1x1x16xf32>,
        %get3A_2196 = arith.constant 10 : i32
        %get3A_2197 = arith.index_cast %get3A_2196 : i32 to index
        %get3A_2198 = arith.constant 176 : index
        %get3A_2199 = tpu.vector_load %arg5[%get3A_2197, %get3A_2198] {strides = array<i32>} : memref<16x256xf32, #tpu.memory_space<vmem>>, vector<1x16xf32>,
        %get3A_2200 = vector.shape_cast %get3A_2199 : vector<1x16xf32> to vector<16xf32>
        %swap3A_2201 = arith.constant 10 : i32
        %swap3A_2202 = arith.constant 25 : i32
        %swap3A_2203 = arith.index_cast %swap3A_2201 : i32 to index
        %swap3A_2204 = arith.index_cast %swap3A_2202 : i32 to index
        %swap3A_2205 = arith.constant 48 : index
        %swap3A_2206 = tpu.vector_load %arg4[%swap3A_2203, %swap3A_2204, %swap3A_2205] {strides = array<i32>} : memref<16x50x128xf32, #tpu.memory_space<vmem>>, vector<1x1x16xf32>,
        %swap3A_2207 = vector.shape_cast %swap3A_2206 : vector<1x1x16xf32> to vector<16xf32>
        %swap3A_2208 = vector.shape_cast %get3A_2200 : vector<16xf32> to vector<1x1x16xf32>
        tpu.vector_store %arg4[%swap3A_2203, %swap3A_2204, %swap3A_2205], %swap3A_2208 {strides = array<i32>} : memref<16x50x128xf32, #tpu.memory_space<vmem>>, vector<1x1x16xf32>,
        %get3A_2209 = arith.constant 10 : i32
        %get3A_2210 = arith.index_cast %get3A_2209 : i32 to index
        %get3A_2211 = arith.constant 64 : index
        %get3A_2212 = tpu.vector_load %arg5[%get3A_2210, %get3A_2211] {strides = array<i32>} : memref<16x256xf32, #tpu.memory_space<vmem>>, vector<1x16xf32>,
        %get3A_2213 = vector.shape_cast %get3A_2212 : vector<1x16xf32> to vector<16xf32>
        %swap3A_2214 = arith.constant 10 : i32
        %swap3A_2215 = arith.constant 0 : i32
        %swap3A_2216 = arith.index_cast %swap3A_2214 : i32 to index
        %swap3A_2217 = arith.index_cast %swap3A_2215 : i32 to index
        %swap3A_2218 = arith.constant 64 : index
        %swap3A_2219 = tpu.vector_load %arg4[%swap3A_2216, %swap3A_2217, %swap3A_2218] {strides = array<i32>} : memref<16x50x128xf32, #tpu.memory_space<vmem>>, vector<1x1x16xf32>,
        %swap3A_2220 = vector.shape_cast %swap3A_2219 : vector<1x1x16xf32> to vector<16xf32>
        %swap3A_2221 = vector.shape_cast %get3A_2213 : vector<16xf32> to vector<1x1x16xf32>
        tpu.vector_store %arg4[%swap3A_2216, %swap3A_2217, %swap3A_2218], %swap3A_2221 {strides = array<i32>} : memref<16x50x128xf32, #tpu.memory_space<vmem>>, vector<1x1x16xf32>,
        %get3A_2222 = arith.constant 10 : i32
        %get3A_2223 = arith.index_cast %get3A_2222 : i32 to index
        %get3A_2224 = arith.constant 192 : index
        %get3A_2225 = tpu.vector_load %arg5[%get3A_2223, %get3A_2224] {strides = array<i32>} : memref<16x256xf32, #tpu.memory_space<vmem>>, vector<1x16xf32>,
        %get3A_2226 = vector.shape_cast %get3A_2225 : vector<1x16xf32> to vector<16xf32>
        %swap3A_2227 = arith.constant 10 : i32
        %swap3A_2228 = arith.constant 25 : i32
        %swap3A_2229 = arith.index_cast %swap3A_2227 : i32 to index
        %swap3A_2230 = arith.index_cast %swap3A_2228 : i32 to index
        %swap3A_2231 = arith.constant 64 : index
        %swap3A_2232 = tpu.vector_load %arg4[%swap3A_2229, %swap3A_2230, %swap3A_2231] {strides = array<i32>} : memref<16x50x128xf32, #tpu.memory_space<vmem>>, vector<1x1x16xf32>,
        %swap3A_2233 = vector.shape_cast %swap3A_2232 : vector<1x1x16xf32> to vector<16xf32>
        %swap3A_2234 = vector.shape_cast %get3A_2226 : vector<16xf32> to vector<1x1x16xf32>
        tpu.vector_store %arg4[%swap3A_2229, %swap3A_2230, %swap3A_2231], %swap3A_2234 {strides = array<i32>} : memref<16x50x128xf32, #tpu.memory_space<vmem>>, vector<1x1x16xf32>,
        %get3A_2235 = arith.constant 10 : i32
        %get3A_2236 = arith.index_cast %get3A_2235 : i32 to index
        %get3A_2237 = arith.constant 80 : index
        %get3A_2238 = tpu.vector_load %arg5[%get3A_2236, %get3A_2237] {strides = array<i32>} : memref<16x256xf32, #tpu.memory_space<vmem>>, vector<1x16xf32>,
        %get3A_2239 = vector.shape_cast %get3A_2238 : vector<1x16xf32> to vector<16xf32>
        %swap3A_2240 = arith.constant 10 : i32
        %swap3A_2241 = arith.constant 0 : i32
        %swap3A_2242 = arith.index_cast %swap3A_2240 : i32 to index
        %swap3A_2243 = arith.index_cast %swap3A_2241 : i32 to index
        %swap3A_2244 = arith.constant 80 : index
        %swap3A_2245 = tpu.vector_load %arg4[%swap3A_2242, %swap3A_2243, %swap3A_2244] {strides = array<i32>} : memref<16x50x128xf32, #tpu.memory_space<vmem>>, vector<1x1x16xf32>,
        %swap3A_2246 = vector.shape_cast %swap3A_2245 : vector<1x1x16xf32> to vector<16xf32>
        %swap3A_2247 = vector.shape_cast %get3A_2239 : vector<16xf32> to vector<1x1x16xf32>
        tpu.vector_store %arg4[%swap3A_2242, %swap3A_2243, %swap3A_2244], %swap3A_2247 {strides = array<i32>} : memref<16x50x128xf32, #tpu.memory_space<vmem>>, vector<1x1x16xf32>,
        %get3A_2248 = arith.constant 10 : i32
        %get3A_2249 = arith.index_cast %get3A_2248 : i32 to index
        %get3A_2250 = arith.constant 208 : index
        %get3A_2251 = tpu.vector_load %arg5[%get3A_2249, %get3A_2250] {strides = array<i32>} : memref<16x256xf32, #tpu.memory_space<vmem>>, vector<1x16xf32>,
        %get3A_2252 = vector.shape_cast %get3A_2251 : vector<1x16xf32> to vector<16xf32>
        %swap3A_2253 = arith.constant 10 : i32
        %swap3A_2254 = arith.constant 25 : i32
        %swap3A_2255 = arith.index_cast %swap3A_2253 : i32 to index
        %swap3A_2256 = arith.index_cast %swap3A_2254 : i32 to index
        %swap3A_2257 = arith.constant 80 : index
        %swap3A_2258 = tpu.vector_load %arg4[%swap3A_2255, %swap3A_2256, %swap3A_2257] {strides = array<i32>} : memref<16x50x128xf32, #tpu.memory_space<vmem>>, vector<1x1x16xf32>,
        %swap3A_2259 = vector.shape_cast %swap3A_2258 : vector<1x1x16xf32> to vector<16xf32>
        %swap3A_2260 = vector.shape_cast %get3A_2252 : vector<16xf32> to vector<1x1x16xf32>
        tpu.vector_store %arg4[%swap3A_2255, %swap3A_2256, %swap3A_2257], %swap3A_2260 {strides = array<i32>} : memref<16x50x128xf32, #tpu.memory_space<vmem>>, vector<1x1x16xf32>,
        %get3A_2261 = arith.constant 10 : i32
        %get3A_2262 = arith.index_cast %get3A_2261 : i32 to index
        %get3A_2263 = arith.constant 96 : index
        %get3A_2264 = tpu.vector_load %arg5[%get3A_2262, %get3A_2263] {strides = array<i32>} : memref<16x256xf32, #tpu.memory_space<vmem>>, vector<1x16xf32>,
        %get3A_2265 = vector.shape_cast %get3A_2264 : vector<1x16xf32> to vector<16xf32>
        %swap3A_2266 = arith.constant 10 : i32
        %swap3A_2267 = arith.constant 0 : i32
        %swap3A_2268 = arith.index_cast %swap3A_2266 : i32 to index
        %swap3A_2269 = arith.index_cast %swap3A_2267 : i32 to index
        %swap3A_2270 = arith.constant 96 : index
        %swap3A_2271 = tpu.vector_load %arg4[%swap3A_2268, %swap3A_2269, %swap3A_2270] {strides = array<i32>} : memref<16x50x128xf32, #tpu.memory_space<vmem>>, vector<1x1x16xf32>,
        %swap3A_2272 = vector.shape_cast %swap3A_2271 : vector<1x1x16xf32> to vector<16xf32>
        %swap3A_2273 = vector.shape_cast %get3A_2265 : vector<16xf32> to vector<1x1x16xf32>
        tpu.vector_store %arg4[%swap3A_2268, %swap3A_2269, %swap3A_2270], %swap3A_2273 {strides = array<i32>} : memref<16x50x128xf32, #tpu.memory_space<vmem>>, vector<1x1x16xf32>,
        %get3A_2274 = arith.constant 10 : i32
        %get3A_2275 = arith.index_cast %get3A_2274 : i32 to index
        %get3A_2276 = arith.constant 224 : index
        %get3A_2277 = tpu.vector_load %arg5[%get3A_2275, %get3A_2276] {strides = array<i32>} : memref<16x256xf32, #tpu.memory_space<vmem>>, vector<1x16xf32>,
        %get3A_2278 = vector.shape_cast %get3A_2277 : vector<1x16xf32> to vector<16xf32>
        %swap3A_2279 = arith.constant 10 : i32
        %swap3A_2280 = arith.constant 25 : i32
        %swap3A_2281 = arith.index_cast %swap3A_2279 : i32 to index
        %swap3A_2282 = arith.index_cast %swap3A_2280 : i32 to index
        %swap3A_2283 = arith.constant 96 : index
        %swap3A_2284 = tpu.vector_load %arg4[%swap3A_2281, %swap3A_2282, %swap3A_2283] {strides = array<i32>} : memref<16x50x128xf32, #tpu.memory_space<vmem>>, vector<1x1x16xf32>,
        %swap3A_2285 = vector.shape_cast %swap3A_2284 : vector<1x1x16xf32> to vector<16xf32>
        %swap3A_2286 = vector.shape_cast %get3A_2278 : vector<16xf32> to vector<1x1x16xf32>
        tpu.vector_store %arg4[%swap3A_2281, %swap3A_2282, %swap3A_2283], %swap3A_2286 {strides = array<i32>} : memref<16x50x128xf32, #tpu.memory_space<vmem>>, vector<1x1x16xf32>,
        %get3A_2287 = arith.constant 10 : i32
        %get3A_2288 = arith.index_cast %get3A_2287 : i32 to index
        %get3A_2289 = arith.constant 112 : index
        %get3A_2290 = tpu.vector_load %arg5[%get3A_2288, %get3A_2289] {strides = array<i32>} : memref<16x256xf32, #tpu.memory_space<vmem>>, vector<1x16xf32>,
        %get3A_2291 = vector.shape_cast %get3A_2290 : vector<1x16xf32> to vector<16xf32>
        %swap3A_2292 = arith.constant 10 : i32
        %swap3A_2293 = arith.constant 0 : i32
        %swap3A_2294 = arith.index_cast %swap3A_2292 : i32 to index
        %swap3A_2295 = arith.index_cast %swap3A_2293 : i32 to index
        %swap3A_2296 = arith.constant 112 : index
        %swap3A_2297 = tpu.vector_load %arg4[%swap3A_2294, %swap3A_2295, %swap3A_2296] {strides = array<i32>} : memref<16x50x128xf32, #tpu.memory_space<vmem>>, vector<1x1x16xf32>,
        %swap3A_2298 = vector.shape_cast %swap3A_2297 : vector<1x1x16xf32> to vector<16xf32>
        %swap3A_2299 = vector.shape_cast %get3A_2291 : vector<16xf32> to vector<1x1x16xf32>
        tpu.vector_store %arg4[%swap3A_2294, %swap3A_2295, %swap3A_2296], %swap3A_2299 {strides = array<i32>} : memref<16x50x128xf32, #tpu.memory_space<vmem>>, vector<1x1x16xf32>,
        %get3A_2300 = arith.constant 10 : i32
        %get3A_2301 = arith.index_cast %get3A_2300 : i32 to index
        %get3A_2302 = arith.constant 240 : index
        %get3A_2303 = tpu.vector_load %arg5[%get3A_2301, %get3A_2302] {strides = array<i32>} : memref<16x256xf32, #tpu.memory_space<vmem>>, vector<1x16xf32>,
        %get3A_2304 = vector.shape_cast %get3A_2303 : vector<1x16xf32> to vector<16xf32>
        %swap3A_2305 = arith.constant 10 : i32
        %swap3A_2306 = arith.constant 25 : i32
        %swap3A_2307 = arith.index_cast %swap3A_2305 : i32 to index
        %swap3A_2308 = arith.index_cast %swap3A_2306 : i32 to index
        %swap3A_2309 = arith.constant 112 : index
        %swap3A_2310 = tpu.vector_load %arg4[%swap3A_2307, %swap3A_2308, %swap3A_2309] {strides = array<i32>} : memref<16x50x128xf32, #tpu.memory_space<vmem>>, vector<1x1x16xf32>,
        %swap3A_2311 = vector.shape_cast %swap3A_2310 : vector<1x1x16xf32> to vector<16xf32>
        %swap3A_2312 = vector.shape_cast %get3A_2304 : vector<16xf32> to vector<1x1x16xf32>
        tpu.vector_store %arg4[%swap3A_2307, %swap3A_2308, %swap3A_2309], %swap3A_2312 {strides = array<i32>} : memref<16x50x128xf32, #tpu.memory_space<vmem>>, vector<1x1x16xf32>,
        %get3A_2313 = arith.constant 11 : i32
        %get3A_2314 = arith.index_cast %get3A_2313 : i32 to index
        %get3A_2315 = arith.constant 0 : index
        %get3A_2316 = tpu.vector_load %arg5[%get3A_2314, %get3A_2315] {strides = array<i32>} : memref<16x256xf32, #tpu.memory_space<vmem>>, vector<1x16xf32>,
        %get3A_2317 = vector.shape_cast %get3A_2316 : vector<1x16xf32> to vector<16xf32>
        %swap3A_2318 = arith.constant 11 : i32
        %swap3A_2319 = arith.constant 0 : i32
        %swap3A_2320 = arith.index_cast %swap3A_2318 : i32 to index
        %swap3A_2321 = arith.index_cast %swap3A_2319 : i32 to index
        %swap3A_2322 = arith.constant 0 : index
        %swap3A_2323 = tpu.vector_load %arg4[%swap3A_2320, %swap3A_2321, %swap3A_2322] {strides = array<i32>} : memref<16x50x128xf32, #tpu.memory_space<vmem>>, vector<1x1x16xf32>,
        %swap3A_2324 = vector.shape_cast %swap3A_2323 : vector<1x1x16xf32> to vector<16xf32>
        %swap3A_2325 = vector.shape_cast %get3A_2317 : vector<16xf32> to vector<1x1x16xf32>
        tpu.vector_store %arg4[%swap3A_2320, %swap3A_2321, %swap3A_2322], %swap3A_2325 {strides = array<i32>} : memref<16x50x128xf32, #tpu.memory_space<vmem>>, vector<1x1x16xf32>,
        %get3A_2326 = arith.constant 11 : i32
        %get3A_2327 = arith.index_cast %get3A_2326 : i32 to index
        %get3A_2328 = arith.constant 128 : index
        %get3A_2329 = tpu.vector_load %arg5[%get3A_2327, %get3A_2328] {strides = array<i32>} : memref<16x256xf32, #tpu.memory_space<vmem>>, vector<1x16xf32>,
        %get3A_2330 = vector.shape_cast %get3A_2329 : vector<1x16xf32> to vector<16xf32>
        %swap3A_2331 = arith.constant 11 : i32
        %swap3A_2332 = arith.constant 25 : i32
        %swap3A_2333 = arith.index_cast %swap3A_2331 : i32 to index
        %swap3A_2334 = arith.index_cast %swap3A_2332 : i32 to index
        %swap3A_2335 = arith.constant 0 : index
        %swap3A_2336 = tpu.vector_load %arg4[%swap3A_2333, %swap3A_2334, %swap3A_2335] {strides = array<i32>} : memref<16x50x128xf32, #tpu.memory_space<vmem>>, vector<1x1x16xf32>,
        %swap3A_2337 = vector.shape_cast %swap3A_2336 : vector<1x1x16xf32> to vector<16xf32>
        %swap3A_2338 = vector.shape_cast %get3A_2330 : vector<16xf32> to vector<1x1x16xf32>
        tpu.vector_store %arg4[%swap3A_2333, %swap3A_2334, %swap3A_2335], %swap3A_2338 {strides = array<i32>} : memref<16x50x128xf32, #tpu.memory_space<vmem>>, vector<1x1x16xf32>,
        %get3A_2339 = arith.constant 11 : i32
        %get3A_2340 = arith.index_cast %get3A_2339 : i32 to index
        %get3A_2341 = arith.constant 16 : index
        %get3A_2342 = tpu.vector_load %arg5[%get3A_2340, %get3A_2341] {strides = array<i32>} : memref<16x256xf32, #tpu.memory_space<vmem>>, vector<1x16xf32>,
        %get3A_2343 = vector.shape_cast %get3A_2342 : vector<1x16xf32> to vector<16xf32>
        %swap3A_2344 = arith.constant 11 : i32
        %swap3A_2345 = arith.constant 0 : i32
        %swap3A_2346 = arith.index_cast %swap3A_2344 : i32 to index
        %swap3A_2347 = arith.index_cast %swap3A_2345 : i32 to index
        %swap3A_2348 = arith.constant 16 : index
        %swap3A_2349 = tpu.vector_load %arg4[%swap3A_2346, %swap3A_2347, %swap3A_2348] {strides = array<i32>} : memref<16x50x128xf32, #tpu.memory_space<vmem>>, vector<1x1x16xf32>,
        %swap3A_2350 = vector.shape_cast %swap3A_2349 : vector<1x1x16xf32> to vector<16xf32>
        %swap3A_2351 = vector.shape_cast %get3A_2343 : vector<16xf32> to vector<1x1x16xf32>
        tpu.vector_store %arg4[%swap3A_2346, %swap3A_2347, %swap3A_2348], %swap3A_2351 {strides = array<i32>} : memref<16x50x128xf32, #tpu.memory_space<vmem>>, vector<1x1x16xf32>,
        %get3A_2352 = arith.constant 11 : i32
        %get3A_2353 = arith.index_cast %get3A_2352 : i32 to index
        %get3A_2354 = arith.constant 144 : index
        %get3A_2355 = tpu.vector_load %arg5[%get3A_2353, %get3A_2354] {strides = array<i32>} : memref<16x256xf32, #tpu.memory_space<vmem>>, vector<1x16xf32>,
        %get3A_2356 = vector.shape_cast %get3A_2355 : vector<1x16xf32> to vector<16xf32>
        %swap3A_2357 = arith.constant 11 : i32
        %swap3A_2358 = arith.constant 25 : i32
        %swap3A_2359 = arith.index_cast %swap3A_2357 : i32 to index
        %swap3A_2360 = arith.index_cast %swap3A_2358 : i32 to index
        %swap3A_2361 = arith.constant 16 : index
        %swap3A_2362 = tpu.vector_load %arg4[%swap3A_2359, %swap3A_2360, %swap3A_2361] {strides = array<i32>} : memref<16x50x128xf32, #tpu.memory_space<vmem>>, vector<1x1x16xf32>,
        %swap3A_2363 = vector.shape_cast %swap3A_2362 : vector<1x1x16xf32> to vector<16xf32>
        %swap3A_2364 = vector.shape_cast %get3A_2356 : vector<16xf32> to vector<1x1x16xf32>
        tpu.vector_store %arg4[%swap3A_2359, %swap3A_2360, %swap3A_2361], %swap3A_2364 {strides = array<i32>} : memref<16x50x128xf32, #tpu.memory_space<vmem>>, vector<1x1x16xf32>,
        %get3A_2365 = arith.constant 11 : i32
        %get3A_2366 = arith.index_cast %get3A_2365 : i32 to index
        %get3A_2367 = arith.constant 32 : index
        %get3A_2368 = tpu.vector_load %arg5[%get3A_2366, %get3A_2367] {strides = array<i32>} : memref<16x256xf32, #tpu.memory_space<vmem>>, vector<1x16xf32>,
        %get3A_2369 = vector.shape_cast %get3A_2368 : vector<1x16xf32> to vector<16xf32>
        %swap3A_2370 = arith.constant 11 : i32
        %swap3A_2371 = arith.constant 0 : i32
        %swap3A_2372 = arith.index_cast %swap3A_2370 : i32 to index
        %swap3A_2373 = arith.index_cast %swap3A_2371 : i32 to index
        %swap3A_2374 = arith.constant 32 : index
        %swap3A_2375 = tpu.vector_load %arg4[%swap3A_2372, %swap3A_2373, %swap3A_2374] {strides = array<i32>} : memref<16x50x128xf32, #tpu.memory_space<vmem>>, vector<1x1x16xf32>,
        %swap3A_2376 = vector.shape_cast %swap3A_2375 : vector<1x1x16xf32> to vector<16xf32>
        %swap3A_2377 = vector.shape_cast %get3A_2369 : vector<16xf32> to vector<1x1x16xf32>
        tpu.vector_store %arg4[%swap3A_2372, %swap3A_2373, %swap3A_2374], %swap3A_2377 {strides = array<i32>} : memref<16x50x128xf32, #tpu.memory_space<vmem>>, vector<1x1x16xf32>,
        %get3A_2378 = arith.constant 11 : i32
        %get3A_2379 = arith.index_cast %get3A_2378 : i32 to index
        %get3A_2380 = arith.constant 160 : index
        %get3A_2381 = tpu.vector_load %arg5[%get3A_2379, %get3A_2380] {strides = array<i32>} : memref<16x256xf32, #tpu.memory_space<vmem>>, vector<1x16xf32>,
        %get3A_2382 = vector.shape_cast %get3A_2381 : vector<1x16xf32> to vector<16xf32>
        %swap3A_2383 = arith.constant 11 : i32
        %swap3A_2384 = arith.constant 25 : i32
        %swap3A_2385 = arith.index_cast %swap3A_2383 : i32 to index
        %swap3A_2386 = arith.index_cast %swap3A_2384 : i32 to index
        %swap3A_2387 = arith.constant 32 : index
        %swap3A_2388 = tpu.vector_load %arg4[%swap3A_2385, %swap3A_2386, %swap3A_2387] {strides = array<i32>} : memref<16x50x128xf32, #tpu.memory_space<vmem>>, vector<1x1x16xf32>,
        %swap3A_2389 = vector.shape_cast %swap3A_2388 : vector<1x1x16xf32> to vector<16xf32>
        %swap3A_2390 = vector.shape_cast %get3A_2382 : vector<16xf32> to vector<1x1x16xf32>
        tpu.vector_store %arg4[%swap3A_2385, %swap3A_2386, %swap3A_2387], %swap3A_2390 {strides = array<i32>} : memref<16x50x128xf32, #tpu.memory_space<vmem>>, vector<1x1x16xf32>,
        %get3A_2391 = arith.constant 11 : i32
        %get3A_2392 = arith.index_cast %get3A_2391 : i32 to index
        %get3A_2393 = arith.constant 48 : index
        %get3A_2394 = tpu.vector_load %arg5[%get3A_2392, %get3A_2393] {strides = array<i32>} : memref<16x256xf32, #tpu.memory_space<vmem>>, vector<1x16xf32>,
        %get3A_2395 = vector.shape_cast %get3A_2394 : vector<1x16xf32> to vector<16xf32>
        %swap3A_2396 = arith.constant 11 : i32
        %swap3A_2397 = arith.constant 0 : i32
        %swap3A_2398 = arith.index_cast %swap3A_2396 : i32 to index
        %swap3A_2399 = arith.index_cast %swap3A_2397 : i32 to index
        %swap3A_2400 = arith.constant 48 : index
        %swap3A_2401 = tpu.vector_load %arg4[%swap3A_2398, %swap3A_2399, %swap3A_2400] {strides = array<i32>} : memref<16x50x128xf32, #tpu.memory_space<vmem>>, vector<1x1x16xf32>,
        %swap3A_2402 = vector.shape_cast %swap3A_2401 : vector<1x1x16xf32> to vector<16xf32>
        %swap3A_2403 = vector.shape_cast %get3A_2395 : vector<16xf32> to vector<1x1x16xf32>
        tpu.vector_store %arg4[%swap3A_2398, %swap3A_2399, %swap3A_2400], %swap3A_2403 {strides = array<i32>} : memref<16x50x128xf32, #tpu.memory_space<vmem>>, vector<1x1x16xf32>,
        %get3A_2404 = arith.constant 11 : i32
        %get3A_2405 = arith.index_cast %get3A_2404 : i32 to index
        %get3A_2406 = arith.constant 176 : index
        %get3A_2407 = tpu.vector_load %arg5[%get3A_2405, %get3A_2406] {strides = array<i32>} : memref<16x256xf32, #tpu.memory_space<vmem>>, vector<1x16xf32>,
        %get3A_2408 = vector.shape_cast %get3A_2407 : vector<1x16xf32> to vector<16xf32>
        %swap3A_2409 = arith.constant 11 : i32
        %swap3A_2410 = arith.constant 25 : i32
        %swap3A_2411 = arith.index_cast %swap3A_2409 : i32 to index
        %swap3A_2412 = arith.index_cast %swap3A_2410 : i32 to index
        %swap3A_2413 = arith.constant 48 : index
        %swap3A_2414 = tpu.vector_load %arg4[%swap3A_2411, %swap3A_2412, %swap3A_2413] {strides = array<i32>} : memref<16x50x128xf32, #tpu.memory_space<vmem>>, vector<1x1x16xf32>,
        %swap3A_2415 = vector.shape_cast %swap3A_2414 : vector<1x1x16xf32> to vector<16xf32>
        %swap3A_2416 = vector.shape_cast %get3A_2408 : vector<16xf32> to vector<1x1x16xf32>
        tpu.vector_store %arg4[%swap3A_2411, %swap3A_2412, %swap3A_2413], %swap3A_2416 {strides = array<i32>} : memref<16x50x128xf32, #tpu.memory_space<vmem>>, vector<1x1x16xf32>,
        %get3A_2417 = arith.constant 11 : i32
        %get3A_2418 = arith.index_cast %get3A_2417 : i32 to index
        %get3A_2419 = arith.constant 64 : index
        %get3A_2420 = tpu.vector_load %arg5[%get3A_2418, %get3A_2419] {strides = array<i32>} : memref<16x256xf32, #tpu.memory_space<vmem>>, vector<1x16xf32>,
        %get3A_2421 = vector.shape_cast %get3A_2420 : vector<1x16xf32> to vector<16xf32>
        %swap3A_2422 = arith.constant 11 : i32
        %swap3A_2423 = arith.constant 0 : i32
        %swap3A_2424 = arith.index_cast %swap3A_2422 : i32 to index
        %swap3A_2425 = arith.index_cast %swap3A_2423 : i32 to index
        %swap3A_2426 = arith.constant 64 : index
        %swap3A_2427 = tpu.vector_load %arg4[%swap3A_2424, %swap3A_2425, %swap3A_2426] {strides = array<i32>} : memref<16x50x128xf32, #tpu.memory_space<vmem>>, vector<1x1x16xf32>,
        %swap3A_2428 = vector.shape_cast %swap3A_2427 : vector<1x1x16xf32> to vector<16xf32>
        %swap3A_2429 = vector.shape_cast %get3A_2421 : vector<16xf32> to vector<1x1x16xf32>
        tpu.vector_store %arg4[%swap3A_2424, %swap3A_2425, %swap3A_2426], %swap3A_2429 {strides = array<i32>} : memref<16x50x128xf32, #tpu.memory_space<vmem>>, vector<1x1x16xf32>,
        %get3A_2430 = arith.constant 11 : i32
        %get3A_2431 = arith.index_cast %get3A_2430 : i32 to index
        %get3A_2432 = arith.constant 192 : index
        %get3A_2433 = tpu.vector_load %arg5[%get3A_2431, %get3A_2432] {strides = array<i32>} : memref<16x256xf32, #tpu.memory_space<vmem>>, vector<1x16xf32>,
        %get3A_2434 = vector.shape_cast %get3A_2433 : vector<1x16xf32> to vector<16xf32>
        %swap3A_2435 = arith.constant 11 : i32
        %swap3A_2436 = arith.constant 25 : i32
        %swap3A_2437 = arith.index_cast %swap3A_2435 : i32 to index
        %swap3A_2438 = arith.index_cast %swap3A_2436 : i32 to index
        %swap3A_2439 = arith.constant 64 : index
        %swap3A_2440 = tpu.vector_load %arg4[%swap3A_2437, %swap3A_2438, %swap3A_2439] {strides = array<i32>} : memref<16x50x128xf32, #tpu.memory_space<vmem>>, vector<1x1x16xf32>,
        %swap3A_2441 = vector.shape_cast %swap3A_2440 : vector<1x1x16xf32> to vector<16xf32>
        %swap3A_2442 = vector.shape_cast %get3A_2434 : vector<16xf32> to vector<1x1x16xf32>
        tpu.vector_store %arg4[%swap3A_2437, %swap3A_2438, %swap3A_2439], %swap3A_2442 {strides = array<i32>} : memref<16x50x128xf32, #tpu.memory_space<vmem>>, vector<1x1x16xf32>,
        %get3A_2443 = arith.constant 11 : i32
        %get3A_2444 = arith.index_cast %get3A_2443 : i32 to index
        %get3A_2445 = arith.constant 80 : index
        %get3A_2446 = tpu.vector_load %arg5[%get3A_2444, %get3A_2445] {strides = array<i32>} : memref<16x256xf32, #tpu.memory_space<vmem>>, vector<1x16xf32>,
        %get3A_2447 = vector.shape_cast %get3A_2446 : vector<1x16xf32> to vector<16xf32>
        %swap3A_2448 = arith.constant 11 : i32
        %swap3A_2449 = arith.constant 0 : i32
        %swap3A_2450 = arith.index_cast %swap3A_2448 : i32 to index
        %swap3A_2451 = arith.index_cast %swap3A_2449 : i32 to index
        %swap3A_2452 = arith.constant 80 : index
        %swap3A_2453 = tpu.vector_load %arg4[%swap3A_2450, %swap3A_2451, %swap3A_2452] {strides = array<i32>} : memref<16x50x128xf32, #tpu.memory_space<vmem>>, vector<1x1x16xf32>,
        %swap3A_2454 = vector.shape_cast %swap3A_2453 : vector<1x1x16xf32> to vector<16xf32>
        %swap3A_2455 = vector.shape_cast %get3A_2447 : vector<16xf32> to vector<1x1x16xf32>
        tpu.vector_store %arg4[%swap3A_2450, %swap3A_2451, %swap3A_2452], %swap3A_2455 {strides = array<i32>} : memref<16x50x128xf32, #tpu.memory_space<vmem>>, vector<1x1x16xf32>,
        %get3A_2456 = arith.constant 11 : i32
        %get3A_2457 = arith.index_cast %get3A_2456 : i32 to index
        %get3A_2458 = arith.constant 208 : index
        %get3A_2459 = tpu.vector_load %arg5[%get3A_2457, %get3A_2458] {strides = array<i32>} : memref<16x256xf32, #tpu.memory_space<vmem>>, vector<1x16xf32>,
        %get3A_2460 = vector.shape_cast %get3A_2459 : vector<1x16xf32> to vector<16xf32>
        %swap3A_2461 = arith.constant 11 : i32
        %swap3A_2462 = arith.constant 25 : i32
        %swap3A_2463 = arith.index_cast %swap3A_2461 : i32 to index
        %swap3A_2464 = arith.index_cast %swap3A_2462 : i32 to index
        %swap3A_2465 = arith.constant 80 : index
        %swap3A_2466 = tpu.vector_load %arg4[%swap3A_2463, %swap3A_2464, %swap3A_2465] {strides = array<i32>} : memref<16x50x128xf32, #tpu.memory_space<vmem>>, vector<1x1x16xf32>,
        %swap3A_2467 = vector.shape_cast %swap3A_2466 : vector<1x1x16xf32> to vector<16xf32>
        %swap3A_2468 = vector.shape_cast %get3A_2460 : vector<16xf32> to vector<1x1x16xf32>
        tpu.vector_store %arg4[%swap3A_2463, %swap3A_2464, %swap3A_2465], %swap3A_2468 {strides = array<i32>} : memref<16x50x128xf32, #tpu.memory_space<vmem>>, vector<1x1x16xf32>,
        %get3A_2469 = arith.constant 11 : i32
        %get3A_2470 = arith.index_cast %get3A_2469 : i32 to index
        %get3A_2471 = arith.constant 96 : index
        %get3A_2472 = tpu.vector_load %arg5[%get3A_2470, %get3A_2471] {strides = array<i32>} : memref<16x256xf32, #tpu.memory_space<vmem>>, vector<1x16xf32>,
        %get3A_2473 = vector.shape_cast %get3A_2472 : vector<1x16xf32> to vector<16xf32>
        %swap3A_2474 = arith.constant 11 : i32
        %swap3A_2475 = arith.constant 0 : i32
        %swap3A_2476 = arith.index_cast %swap3A_2474 : i32 to index
        %swap3A_2477 = arith.index_cast %swap3A_2475 : i32 to index
        %swap3A_2478 = arith.constant 96 : index
        %swap3A_2479 = tpu.vector_load %arg4[%swap3A_2476, %swap3A_2477, %swap3A_2478] {strides = array<i32>} : memref<16x50x128xf32, #tpu.memory_space<vmem>>, vector<1x1x16xf32>,
        %swap3A_2480 = vector.shape_cast %swap3A_2479 : vector<1x1x16xf32> to vector<16xf32>
        %swap3A_2481 = vector.shape_cast %get3A_2473 : vector<16xf32> to vector<1x1x16xf32>
        tpu.vector_store %arg4[%swap3A_2476, %swap3A_2477, %swap3A_2478], %swap3A_2481 {strides = array<i32>} : memref<16x50x128xf32, #tpu.memory_space<vmem>>, vector<1x1x16xf32>,
        %get3A_2482 = arith.constant 11 : i32
        %get3A_2483 = arith.index_cast %get3A_2482 : i32 to index
        %get3A_2484 = arith.constant 224 : index
        %get3A_2485 = tpu.vector_load %arg5[%get3A_2483, %get3A_2484] {strides = array<i32>} : memref<16x256xf32, #tpu.memory_space<vmem>>, vector<1x16xf32>,
        %get3A_2486 = vector.shape_cast %get3A_2485 : vector<1x16xf32> to vector<16xf32>
        %swap3A_2487 = arith.constant 11 : i32
        %swap3A_2488 = arith.constant 25 : i32
        %swap3A_2489 = arith.index_cast %swap3A_2487 : i32 to index
        %swap3A_2490 = arith.index_cast %swap3A_2488 : i32 to index
        %swap3A_2491 = arith.constant 96 : index
        %swap3A_2492 = tpu.vector_load %arg4[%swap3A_2489, %swap3A_2490, %swap3A_2491] {strides = array<i32>} : memref<16x50x128xf32, #tpu.memory_space<vmem>>, vector<1x1x16xf32>,
        %swap3A_2493 = vector.shape_cast %swap3A_2492 : vector<1x1x16xf32> to vector<16xf32>
        %swap3A_2494 = vector.shape_cast %get3A_2486 : vector<16xf32> to vector<1x1x16xf32>
        tpu.vector_store %arg4[%swap3A_2489, %swap3A_2490, %swap3A_2491], %swap3A_2494 {strides = array<i32>} : memref<16x50x128xf32, #tpu.memory_space<vmem>>, vector<1x1x16xf32>,
        %get3A_2495 = arith.constant 11 : i32
        %get3A_2496 = arith.index_cast %get3A_2495 : i32 to index
        %get3A_2497 = arith.constant 112 : index
        %get3A_2498 = tpu.vector_load %arg5[%get3A_2496, %get3A_2497] {strides = array<i32>} : memref<16x256xf32, #tpu.memory_space<vmem>>, vector<1x16xf32>,
        %get3A_2499 = vector.shape_cast %get3A_2498 : vector<1x16xf32> to vector<16xf32>
        %swap3A_2500 = arith.constant 11 : i32
        %swap3A_2501 = arith.constant 0 : i32
        %swap3A_2502 = arith.index_cast %swap3A_2500 : i32 to index
        %swap3A_2503 = arith.index_cast %swap3A_2501 : i32 to index
        %swap3A_2504 = arith.constant 112 : index
        %swap3A_2505 = tpu.vector_load %arg4[%swap3A_2502, %swap3A_2503, %swap3A_2504] {strides = array<i32>} : memref<16x50x128xf32, #tpu.memory_space<vmem>>, vector<1x1x16xf32>,
        %swap3A_2506 = vector.shape_cast %swap3A_2505 : vector<1x1x16xf32> to vector<16xf32>
        %swap3A_2507 = vector.shape_cast %get3A_2499 : vector<16xf32> to vector<1x1x16xf32>
        tpu.vector_store %arg4[%swap3A_2502, %swap3A_2503, %swap3A_2504], %swap3A_2507 {strides = array<i32>} : memref<16x50x128xf32, #tpu.memory_space<vmem>>, vector<1x1x16xf32>,
        %get3A_2508 = arith.constant 11 : i32
        %get3A_2509 = arith.index_cast %get3A_2508 : i32 to index
        %get3A_2510 = arith.constant 240 : index
        %get3A_2511 = tpu.vector_load %arg5[%get3A_2509, %get3A_2510] {strides = array<i32>} : memref<16x256xf32, #tpu.memory_space<vmem>>, vector<1x16xf32>,
        %get3A_2512 = vector.shape_cast %get3A_2511 : vector<1x16xf32> to vector<16xf32>
        %swap3A_2513 = arith.constant 11 : i32
        %swap3A_2514 = arith.constant 25 : i32
        %swap3A_2515 = arith.index_cast %swap3A_2513 : i32 to index
        %swap3A_2516 = arith.index_cast %swap3A_2514 : i32 to index
        %swap3A_2517 = arith.constant 112 : index
        %swap3A_2518 = tpu.vector_load %arg4[%swap3A_2515, %swap3A_2516, %swap3A_2517] {strides = array<i32>} : memref<16x50x128xf32, #tpu.memory_space<vmem>>, vector<1x1x16xf32>,
        %swap3A_2519 = vector.shape_cast %swap3A_2518 : vector<1x1x16xf32> to vector<16xf32>
        %swap3A_2520 = vector.shape_cast %get3A_2512 : vector<16xf32> to vector<1x1x16xf32>
        tpu.vector_store %arg4[%swap3A_2515, %swap3A_2516, %swap3A_2517], %swap3A_2520 {strides = array<i32>} : memref<16x50x128xf32, #tpu.memory_space<vmem>>, vector<1x1x16xf32>,
        %get3A_2521 = arith.constant 12 : i32
        %get3A_2522 = arith.index_cast %get3A_2521 : i32 to index
        %get3A_2523 = arith.constant 0 : index
        %get3A_2524 = tpu.vector_load %arg5[%get3A_2522, %get3A_2523] {strides = array<i32>} : memref<16x256xf32, #tpu.memory_space<vmem>>, vector<1x16xf32>,
        %get3A_2525 = vector.shape_cast %get3A_2524 : vector<1x16xf32> to vector<16xf32>
        %swap3A_2526 = arith.constant 12 : i32
        %swap3A_2527 = arith.constant 0 : i32
        %swap3A_2528 = arith.index_cast %swap3A_2526 : i32 to index
        %swap3A_2529 = arith.index_cast %swap3A_2527 : i32 to index
        %swap3A_2530 = arith.constant 0 : index
        %swap3A_2531 = tpu.vector_load %arg4[%swap3A_2528, %swap3A_2529, %swap3A_2530] {strides = array<i32>} : memref<16x50x128xf32, #tpu.memory_space<vmem>>, vector<1x1x16xf32>,
        %swap3A_2532 = vector.shape_cast %swap3A_2531 : vector<1x1x16xf32> to vector<16xf32>
        %swap3A_2533 = vector.shape_cast %get3A_2525 : vector<16xf32> to vector<1x1x16xf32>
        tpu.vector_store %arg4[%swap3A_2528, %swap3A_2529, %swap3A_2530], %swap3A_2533 {strides = array<i32>} : memref<16x50x128xf32, #tpu.memory_space<vmem>>, vector<1x1x16xf32>,
        %get3A_2534 = arith.constant 12 : i32
        %get3A_2535 = arith.index_cast %get3A_2534 : i32 to index
        %get3A_2536 = arith.constant 128 : index
        %get3A_2537 = tpu.vector_load %arg5[%get3A_2535, %get3A_2536] {strides = array<i32>} : memref<16x256xf32, #tpu.memory_space<vmem>>, vector<1x16xf32>,
        %get3A_2538 = vector.shape_cast %get3A_2537 : vector<1x16xf32> to vector<16xf32>
        %swap3A_2539 = arith.constant 12 : i32
        %swap3A_2540 = arith.constant 25 : i32
        %swap3A_2541 = arith.index_cast %swap3A_2539 : i32 to index
        %swap3A_2542 = arith.index_cast %swap3A_2540 : i32 to index
        %swap3A_2543 = arith.constant 0 : index
        %swap3A_2544 = tpu.vector_load %arg4[%swap3A_2541, %swap3A_2542, %swap3A_2543] {strides = array<i32>} : memref<16x50x128xf32, #tpu.memory_space<vmem>>, vector<1x1x16xf32>,
        %swap3A_2545 = vector.shape_cast %swap3A_2544 : vector<1x1x16xf32> to vector<16xf32>
        %swap3A_2546 = vector.shape_cast %get3A_2538 : vector<16xf32> to vector<1x1x16xf32>
        tpu.vector_store %arg4[%swap3A_2541, %swap3A_2542, %swap3A_2543], %swap3A_2546 {strides = array<i32>} : memref<16x50x128xf32, #tpu.memory_space<vmem>>, vector<1x1x16xf32>,
        %get3A_2547 = arith.constant 12 : i32
        %get3A_2548 = arith.index_cast %get3A_2547 : i32 to index
        %get3A_2549 = arith.constant 16 : index
        %get3A_2550 = tpu.vector_load %arg5[%get3A_2548, %get3A_2549] {strides = array<i32>} : memref<16x256xf32, #tpu.memory_space<vmem>>, vector<1x16xf32>,
        %get3A_2551 = vector.shape_cast %get3A_2550 : vector<1x16xf32> to vector<16xf32>
        %swap3A_2552 = arith.constant 12 : i32
        %swap3A_2553 = arith.constant 0 : i32
        %swap3A_2554 = arith.index_cast %swap3A_2552 : i32 to index
        %swap3A_2555 = arith.index_cast %swap3A_2553 : i32 to index
        %swap3A_2556 = arith.constant 16 : index
        %swap3A_2557 = tpu.vector_load %arg4[%swap3A_2554, %swap3A_2555, %swap3A_2556] {strides = array<i32>} : memref<16x50x128xf32, #tpu.memory_space<vmem>>, vector<1x1x16xf32>,
        %swap3A_2558 = vector.shape_cast %swap3A_2557 : vector<1x1x16xf32> to vector<16xf32>
        %swap3A_2559 = vector.shape_cast %get3A_2551 : vector<16xf32> to vector<1x1x16xf32>
        tpu.vector_store %arg4[%swap3A_2554, %swap3A_2555, %swap3A_2556], %swap3A_2559 {strides = array<i32>} : memref<16x50x128xf32, #tpu.memory_space<vmem>>, vector<1x1x16xf32>,
        %get3A_2560 = arith.constant 12 : i32
        %get3A_2561 = arith.index_cast %get3A_2560 : i32 to index
        %get3A_2562 = arith.constant 144 : index
        %get3A_2563 = tpu.vector_load %arg5[%get3A_2561, %get3A_2562] {strides = array<i32>} : memref<16x256xf32, #tpu.memory_space<vmem>>, vector<1x16xf32>,
        %get3A_2564 = vector.shape_cast %get3A_2563 : vector<1x16xf32> to vector<16xf32>
        %swap3A_2565 = arith.constant 12 : i32
        %swap3A_2566 = arith.constant 25 : i32
        %swap3A_2567 = arith.index_cast %swap3A_2565 : i32 to index
        %swap3A_2568 = arith.index_cast %swap3A_2566 : i32 to index
        %swap3A_2569 = arith.constant 16 : index
        %swap3A_2570 = tpu.vector_load %arg4[%swap3A_2567, %swap3A_2568, %swap3A_2569] {strides = array<i32>} : memref<16x50x128xf32, #tpu.memory_space<vmem>>, vector<1x1x16xf32>,
        %swap3A_2571 = vector.shape_cast %swap3A_2570 : vector<1x1x16xf32> to vector<16xf32>
        %swap3A_2572 = vector.shape_cast %get3A_2564 : vector<16xf32> to vector<1x1x16xf32>
        tpu.vector_store %arg4[%swap3A_2567, %swap3A_2568, %swap3A_2569], %swap3A_2572 {strides = array<i32>} : memref<16x50x128xf32, #tpu.memory_space<vmem>>, vector<1x1x16xf32>,
        %get3A_2573 = arith.constant 12 : i32
        %get3A_2574 = arith.index_cast %get3A_2573 : i32 to index
        %get3A_2575 = arith.constant 32 : index
        %get3A_2576 = tpu.vector_load %arg5[%get3A_2574, %get3A_2575] {strides = array<i32>} : memref<16x256xf32, #tpu.memory_space<vmem>>, vector<1x16xf32>,
        %get3A_2577 = vector.shape_cast %get3A_2576 : vector<1x16xf32> to vector<16xf32>
        %swap3A_2578 = arith.constant 12 : i32
        %swap3A_2579 = arith.constant 0 : i32
        %swap3A_2580 = arith.index_cast %swap3A_2578 : i32 to index
        %swap3A_2581 = arith.index_cast %swap3A_2579 : i32 to index
        %swap3A_2582 = arith.constant 32 : index
        %swap3A_2583 = tpu.vector_load %arg4[%swap3A_2580, %swap3A_2581, %swap3A_2582] {strides = array<i32>} : memref<16x50x128xf32, #tpu.memory_space<vmem>>, vector<1x1x16xf32>,
        %swap3A_2584 = vector.shape_cast %swap3A_2583 : vector<1x1x16xf32> to vector<16xf32>
        %swap3A_2585 = vector.shape_cast %get3A_2577 : vector<16xf32> to vector<1x1x16xf32>
        tpu.vector_store %arg4[%swap3A_2580, %swap3A_2581, %swap3A_2582], %swap3A_2585 {strides = array<i32>} : memref<16x50x128xf32, #tpu.memory_space<vmem>>, vector<1x1x16xf32>,
        %get3A_2586 = arith.constant 12 : i32
        %get3A_2587 = arith.index_cast %get3A_2586 : i32 to index
        %get3A_2588 = arith.constant 160 : index
        %get3A_2589 = tpu.vector_load %arg5[%get3A_2587, %get3A_2588] {strides = array<i32>} : memref<16x256xf32, #tpu.memory_space<vmem>>, vector<1x16xf32>,
        %get3A_2590 = vector.shape_cast %get3A_2589 : vector<1x16xf32> to vector<16xf32>
        %swap3A_2591 = arith.constant 12 : i32
        %swap3A_2592 = arith.constant 25 : i32
        %swap3A_2593 = arith.index_cast %swap3A_2591 : i32 to index
        %swap3A_2594 = arith.index_cast %swap3A_2592 : i32 to index
        %swap3A_2595 = arith.constant 32 : index
        %swap3A_2596 = tpu.vector_load %arg4[%swap3A_2593, %swap3A_2594, %swap3A_2595] {strides = array<i32>} : memref<16x50x128xf32, #tpu.memory_space<vmem>>, vector<1x1x16xf32>,
        %swap3A_2597 = vector.shape_cast %swap3A_2596 : vector<1x1x16xf32> to vector<16xf32>
        %swap3A_2598 = vector.shape_cast %get3A_2590 : vector<16xf32> to vector<1x1x16xf32>
        tpu.vector_store %arg4[%swap3A_2593, %swap3A_2594, %swap3A_2595], %swap3A_2598 {strides = array<i32>} : memref<16x50x128xf32, #tpu.memory_space<vmem>>, vector<1x1x16xf32>,
        %get3A_2599 = arith.constant 12 : i32
        %get3A_2600 = arith.index_cast %get3A_2599 : i32 to index
        %get3A_2601 = arith.constant 48 : index
        %get3A_2602 = tpu.vector_load %arg5[%get3A_2600, %get3A_2601] {strides = array<i32>} : memref<16x256xf32, #tpu.memory_space<vmem>>, vector<1x16xf32>,
        %get3A_2603 = vector.shape_cast %get3A_2602 : vector<1x16xf32> to vector<16xf32>
        %swap3A_2604 = arith.constant 12 : i32
        %swap3A_2605 = arith.constant 0 : i32
        %swap3A_2606 = arith.index_cast %swap3A_2604 : i32 to index
        %swap3A_2607 = arith.index_cast %swap3A_2605 : i32 to index
        %swap3A_2608 = arith.constant 48 : index
        %swap3A_2609 = tpu.vector_load %arg4[%swap3A_2606, %swap3A_2607, %swap3A_2608] {strides = array<i32>} : memref<16x50x128xf32, #tpu.memory_space<vmem>>, vector<1x1x16xf32>,
        %swap3A_2610 = vector.shape_cast %swap3A_2609 : vector<1x1x16xf32> to vector<16xf32>
        %swap3A_2611 = vector.shape_cast %get3A_2603 : vector<16xf32> to vector<1x1x16xf32>
        tpu.vector_store %arg4[%swap3A_2606, %swap3A_2607, %swap3A_2608], %swap3A_2611 {strides = array<i32>} : memref<16x50x128xf32, #tpu.memory_space<vmem>>, vector<1x1x16xf32>,
        %get3A_2612 = arith.constant 12 : i32
        %get3A_2613 = arith.index_cast %get3A_2612 : i32 to index
        %get3A_2614 = arith.constant 176 : index
        %get3A_2615 = tpu.vector_load %arg5[%get3A_2613, %get3A_2614] {strides = array<i32>} : memref<16x256xf32, #tpu.memory_space<vmem>>, vector<1x16xf32>,
        %get3A_2616 = vector.shape_cast %get3A_2615 : vector<1x16xf32> to vector<16xf32>
        %swap3A_2617 = arith.constant 12 : i32
        %swap3A_2618 = arith.constant 25 : i32
        %swap3A_2619 = arith.index_cast %swap3A_2617 : i32 to index
        %swap3A_2620 = arith.index_cast %swap3A_2618 : i32 to index
        %swap3A_2621 = arith.constant 48 : index
        %swap3A_2622 = tpu.vector_load %arg4[%swap3A_2619, %swap3A_2620, %swap3A_2621] {strides = array<i32>} : memref<16x50x128xf32, #tpu.memory_space<vmem>>, vector<1x1x16xf32>,
        %swap3A_2623 = vector.shape_cast %swap3A_2622 : vector<1x1x16xf32> to vector<16xf32>
        %swap3A_2624 = vector.shape_cast %get3A_2616 : vector<16xf32> to vector<1x1x16xf32>
        tpu.vector_store %arg4[%swap3A_2619, %swap3A_2620, %swap3A_2621], %swap3A_2624 {strides = array<i32>} : memref<16x50x128xf32, #tpu.memory_space<vmem>>, vector<1x1x16xf32>,
        %get3A_2625 = arith.constant 12 : i32
        %get3A_2626 = arith.index_cast %get3A_2625 : i32 to index
        %get3A_2627 = arith.constant 64 : index
        %get3A_2628 = tpu.vector_load %arg5[%get3A_2626, %get3A_2627] {strides = array<i32>} : memref<16x256xf32, #tpu.memory_space<vmem>>, vector<1x16xf32>,
        %get3A_2629 = vector.shape_cast %get3A_2628 : vector<1x16xf32> to vector<16xf32>
        %swap3A_2630 = arith.constant 12 : i32
        %swap3A_2631 = arith.constant 0 : i32
        %swap3A_2632 = arith.index_cast %swap3A_2630 : i32 to index
        %swap3A_2633 = arith.index_cast %swap3A_2631 : i32 to index
        %swap3A_2634 = arith.constant 64 : index
        %swap3A_2635 = tpu.vector_load %arg4[%swap3A_2632, %swap3A_2633, %swap3A_2634] {strides = array<i32>} : memref<16x50x128xf32, #tpu.memory_space<vmem>>, vector<1x1x16xf32>,
        %swap3A_2636 = vector.shape_cast %swap3A_2635 : vector<1x1x16xf32> to vector<16xf32>
        %swap3A_2637 = vector.shape_cast %get3A_2629 : vector<16xf32> to vector<1x1x16xf32>
        tpu.vector_store %arg4[%swap3A_2632, %swap3A_2633, %swap3A_2634], %swap3A_2637 {strides = array<i32>} : memref<16x50x128xf32, #tpu.memory_space<vmem>>, vector<1x1x16xf32>,
        %get3A_2638 = arith.constant 12 : i32
        %get3A_2639 = arith.index_cast %get3A_2638 : i32 to index
        %get3A_2640 = arith.constant 192 : index
        %get3A_2641 = tpu.vector_load %arg5[%get3A_2639, %get3A_2640] {strides = array<i32>} : memref<16x256xf32, #tpu.memory_space<vmem>>, vector<1x16xf32>,
        %get3A_2642 = vector.shape_cast %get3A_2641 : vector<1x16xf32> to vector<16xf32>
        %swap3A_2643 = arith.constant 12 : i32
        %swap3A_2644 = arith.constant 25 : i32
        %swap3A_2645 = arith.index_cast %swap3A_2643 : i32 to index
        %swap3A_2646 = arith.index_cast %swap3A_2644 : i32 to index
        %swap3A_2647 = arith.constant 64 : index
        %swap3A_2648 = tpu.vector_load %arg4[%swap3A_2645, %swap3A_2646, %swap3A_2647] {strides = array<i32>} : memref<16x50x128xf32, #tpu.memory_space<vmem>>, vector<1x1x16xf32>,
        %swap3A_2649 = vector.shape_cast %swap3A_2648 : vector<1x1x16xf32> to vector<16xf32>
        %swap3A_2650 = vector.shape_cast %get3A_2642 : vector<16xf32> to vector<1x1x16xf32>
        tpu.vector_store %arg4[%swap3A_2645, %swap3A_2646, %swap3A_2647], %swap3A_2650 {strides = array<i32>} : memref<16x50x128xf32, #tpu.memory_space<vmem>>, vector<1x1x16xf32>,
        %get3A_2651 = arith.constant 12 : i32
        %get3A_2652 = arith.index_cast %get3A_2651 : i32 to index
        %get3A_2653 = arith.constant 80 : index
        %get3A_2654 = tpu.vector_load %arg5[%get3A_2652, %get3A_2653] {strides = array<i32>} : memref<16x256xf32, #tpu.memory_space<vmem>>, vector<1x16xf32>,
        %get3A_2655 = vector.shape_cast %get3A_2654 : vector<1x16xf32> to vector<16xf32>
        %swap3A_2656 = arith.constant 12 : i32
        %swap3A_2657 = arith.constant 0 : i32
        %swap3A_2658 = arith.index_cast %swap3A_2656 : i32 to index
        %swap3A_2659 = arith.index_cast %swap3A_2657 : i32 to index
        %swap3A_2660 = arith.constant 80 : index
        %swap3A_2661 = tpu.vector_load %arg4[%swap3A_2658, %swap3A_2659, %swap3A_2660] {strides = array<i32>} : memref<16x50x128xf32, #tpu.memory_space<vmem>>, vector<1x1x16xf32>,
        %swap3A_2662 = vector.shape_cast %swap3A_2661 : vector<1x1x16xf32> to vector<16xf32>
        %swap3A_2663 = vector.shape_cast %get3A_2655 : vector<16xf32> to vector<1x1x16xf32>
        tpu.vector_store %arg4[%swap3A_2658, %swap3A_2659, %swap3A_2660], %swap3A_2663 {strides = array<i32>} : memref<16x50x128xf32, #tpu.memory_space<vmem>>, vector<1x1x16xf32>,
        %get3A_2664 = arith.constant 12 : i32
        %get3A_2665 = arith.index_cast %get3A_2664 : i32 to index
        %get3A_2666 = arith.constant 208 : index
        %get3A_2667 = tpu.vector_load %arg5[%get3A_2665, %get3A_2666] {strides = array<i32>} : memref<16x256xf32, #tpu.memory_space<vmem>>, vector<1x16xf32>,
        %get3A_2668 = vector.shape_cast %get3A_2667 : vector<1x16xf32> to vector<16xf32>
        %swap3A_2669 = arith.constant 12 : i32
        %swap3A_2670 = arith.constant 25 : i32
        %swap3A_2671 = arith.index_cast %swap3A_2669 : i32 to index
        %swap3A_2672 = arith.index_cast %swap3A_2670 : i32 to index
        %swap3A_2673 = arith.constant 80 : index
        %swap3A_2674 = tpu.vector_load %arg4[%swap3A_2671, %swap3A_2672, %swap3A_2673] {strides = array<i32>} : memref<16x50x128xf32, #tpu.memory_space<vmem>>, vector<1x1x16xf32>,
        %swap3A_2675 = vector.shape_cast %swap3A_2674 : vector<1x1x16xf32> to vector<16xf32>
        %swap3A_2676 = vector.shape_cast %get3A_2668 : vector<16xf32> to vector<1x1x16xf32>
        tpu.vector_store %arg4[%swap3A_2671, %swap3A_2672, %swap3A_2673], %swap3A_2676 {strides = array<i32>} : memref<16x50x128xf32, #tpu.memory_space<vmem>>, vector<1x1x16xf32>,
        %get3A_2677 = arith.constant 12 : i32
        %get3A_2678 = arith.index_cast %get3A_2677 : i32 to index
        %get3A_2679 = arith.constant 96 : index
        %get3A_2680 = tpu.vector_load %arg5[%get3A_2678, %get3A_2679] {strides = array<i32>} : memref<16x256xf32, #tpu.memory_space<vmem>>, vector<1x16xf32>,
        %get3A_2681 = vector.shape_cast %get3A_2680 : vector<1x16xf32> to vector<16xf32>
        %swap3A_2682 = arith.constant 12 : i32
        %swap3A_2683 = arith.constant 0 : i32
        %swap3A_2684 = arith.index_cast %swap3A_2682 : i32 to index
        %swap3A_2685 = arith.index_cast %swap3A_2683 : i32 to index
        %swap3A_2686 = arith.constant 96 : index
        %swap3A_2687 = tpu.vector_load %arg4[%swap3A_2684, %swap3A_2685, %swap3A_2686] {strides = array<i32>} : memref<16x50x128xf32, #tpu.memory_space<vmem>>, vector<1x1x16xf32>,
        %swap3A_2688 = vector.shape_cast %swap3A_2687 : vector<1x1x16xf32> to vector<16xf32>
        %swap3A_2689 = vector.shape_cast %get3A_2681 : vector<16xf32> to vector<1x1x16xf32>
        tpu.vector_store %arg4[%swap3A_2684, %swap3A_2685, %swap3A_2686], %swap3A_2689 {strides = array<i32>} : memref<16x50x128xf32, #tpu.memory_space<vmem>>, vector<1x1x16xf32>,
        %get3A_2690 = arith.constant 12 : i32
        %get3A_2691 = arith.index_cast %get3A_2690 : i32 to index
        %get3A_2692 = arith.constant 224 : index
        %get3A_2693 = tpu.vector_load %arg5[%get3A_2691, %get3A_2692] {strides = array<i32>} : memref<16x256xf32, #tpu.memory_space<vmem>>, vector<1x16xf32>,
        %get3A_2694 = vector.shape_cast %get3A_2693 : vector<1x16xf32> to vector<16xf32>
        %swap3A_2695 = arith.constant 12 : i32
        %swap3A_2696 = arith.constant 25 : i32
        %swap3A_2697 = arith.index_cast %swap3A_2695 : i32 to index
        %swap3A_2698 = arith.index_cast %swap3A_2696 : i32 to index
        %swap3A_2699 = arith.constant 96 : index
        %swap3A_2700 = tpu.vector_load %arg4[%swap3A_2697, %swap3A_2698, %swap3A_2699] {strides = array<i32>} : memref<16x50x128xf32, #tpu.memory_space<vmem>>, vector<1x1x16xf32>,
        %swap3A_2701 = vector.shape_cast %swap3A_2700 : vector<1x1x16xf32> to vector<16xf32>
        %swap3A_2702 = vector.shape_cast %get3A_2694 : vector<16xf32> to vector<1x1x16xf32>
        tpu.vector_store %arg4[%swap3A_2697, %swap3A_2698, %swap3A_2699], %swap3A_2702 {strides = array<i32>} : memref<16x50x128xf32, #tpu.memory_space<vmem>>, vector<1x1x16xf32>,
        %get3A_2703 = arith.constant 12 : i32
        %get3A_2704 = arith.index_cast %get3A_2703 : i32 to index
        %get3A_2705 = arith.constant 112 : index
        %get3A_2706 = tpu.vector_load %arg5[%get3A_2704, %get3A_2705] {strides = array<i32>} : memref<16x256xf32, #tpu.memory_space<vmem>>, vector<1x16xf32>,
        %get3A_2707 = vector.shape_cast %get3A_2706 : vector<1x16xf32> to vector<16xf32>
        %swap3A_2708 = arith.constant 12 : i32
        %swap3A_2709 = arith.constant 0 : i32
        %swap3A_2710 = arith.index_cast %swap3A_2708 : i32 to index
        %swap3A_2711 = arith.index_cast %swap3A_2709 : i32 to index
        %swap3A_2712 = arith.constant 112 : index
        %swap3A_2713 = tpu.vector_load %arg4[%swap3A_2710, %swap3A_2711, %swap3A_2712] {strides = array<i32>} : memref<16x50x128xf32, #tpu.memory_space<vmem>>, vector<1x1x16xf32>,
        %swap3A_2714 = vector.shape_cast %swap3A_2713 : vector<1x1x16xf32> to vector<16xf32>
        %swap3A_2715 = vector.shape_cast %get3A_2707 : vector<16xf32> to vector<1x1x16xf32>
        tpu.vector_store %arg4[%swap3A_2710, %swap3A_2711, %swap3A_2712], %swap3A_2715 {strides = array<i32>} : memref<16x50x128xf32, #tpu.memory_space<vmem>>, vector<1x1x16xf32>,
        %get3A_2716 = arith.constant 12 : i32
        %get3A_2717 = arith.index_cast %get3A_2716 : i32 to index
        %get3A_2718 = arith.constant 240 : index
        %get3A_2719 = tpu.vector_load %arg5[%get3A_2717, %get3A_2718] {strides = array<i32>} : memref<16x256xf32, #tpu.memory_space<vmem>>, vector<1x16xf32>,
        %get3A_2720 = vector.shape_cast %get3A_2719 : vector<1x16xf32> to vector<16xf32>
        %swap3A_2721 = arith.constant 12 : i32
        %swap3A_2722 = arith.constant 25 : i32
        %swap3A_2723 = arith.index_cast %swap3A_2721 : i32 to index
        %swap3A_2724 = arith.index_cast %swap3A_2722 : i32 to index
        %swap3A_2725 = arith.constant 112 : index
        %swap3A_2726 = tpu.vector_load %arg4[%swap3A_2723, %swap3A_2724, %swap3A_2725] {strides = array<i32>} : memref<16x50x128xf32, #tpu.memory_space<vmem>>, vector<1x1x16xf32>,
        %swap3A_2727 = vector.shape_cast %swap3A_2726 : vector<1x1x16xf32> to vector<16xf32>
        %swap3A_2728 = vector.shape_cast %get3A_2720 : vector<16xf32> to vector<1x1x16xf32>
        tpu.vector_store %arg4[%swap3A_2723, %swap3A_2724, %swap3A_2725], %swap3A_2728 {strides = array<i32>} : memref<16x50x128xf32, #tpu.memory_space<vmem>>, vector<1x1x16xf32>,
        %get3A_2729 = arith.constant 13 : i32
        %get3A_2730 = arith.index_cast %get3A_2729 : i32 to index
        %get3A_2731 = arith.constant 0 : index
        %get3A_2732 = tpu.vector_load %arg5[%get3A_2730, %get3A_2731] {strides = array<i32>} : memref<16x256xf32, #tpu.memory_space<vmem>>, vector<1x16xf32>,
        %get3A_2733 = vector.shape_cast %get3A_2732 : vector<1x16xf32> to vector<16xf32>
        %swap3A_2734 = arith.constant 13 : i32
        %swap3A_2735 = arith.constant 0 : i32
        %swap3A_2736 = arith.index_cast %swap3A_2734 : i32 to index
        %swap3A_2737 = arith.index_cast %swap3A_2735 : i32 to index
        %swap3A_2738 = arith.constant 0 : index
        %swap3A_2739 = tpu.vector_load %arg4[%swap3A_2736, %swap3A_2737, %swap3A_2738] {strides = array<i32>} : memref<16x50x128xf32, #tpu.memory_space<vmem>>, vector<1x1x16xf32>,
        %swap3A_2740 = vector.shape_cast %swap3A_2739 : vector<1x1x16xf32> to vector<16xf32>
        %swap3A_2741 = vector.shape_cast %get3A_2733 : vector<16xf32> to vector<1x1x16xf32>
        tpu.vector_store %arg4[%swap3A_2736, %swap3A_2737, %swap3A_2738], %swap3A_2741 {strides = array<i32>} : memref<16x50x128xf32, #tpu.memory_space<vmem>>, vector<1x1x16xf32>,
        %get3A_2742 = arith.constant 13 : i32
        %get3A_2743 = arith.index_cast %get3A_2742 : i32 to index
        %get3A_2744 = arith.constant 128 : index
        %get3A_2745 = tpu.vector_load %arg5[%get3A_2743, %get3A_2744] {strides = array<i32>} : memref<16x256xf32, #tpu.memory_space<vmem>>, vector<1x16xf32>,
        %get3A_2746 = vector.shape_cast %get3A_2745 : vector<1x16xf32> to vector<16xf32>
        %swap3A_2747 = arith.constant 13 : i32
        %swap3A_2748 = arith.constant 25 : i32
        %swap3A_2749 = arith.index_cast %swap3A_2747 : i32 to index
        %swap3A_2750 = arith.index_cast %swap3A_2748 : i32 to index
        %swap3A_2751 = arith.constant 0 : index
        %swap3A_2752 = tpu.vector_load %arg4[%swap3A_2749, %swap3A_2750, %swap3A_2751] {strides = array<i32>} : memref<16x50x128xf32, #tpu.memory_space<vmem>>, vector<1x1x16xf32>,
        %swap3A_2753 = vector.shape_cast %swap3A_2752 : vector<1x1x16xf32> to vector<16xf32>
        %swap3A_2754 = vector.shape_cast %get3A_2746 : vector<16xf32> to vector<1x1x16xf32>
        tpu.vector_store %arg4[%swap3A_2749, %swap3A_2750, %swap3A_2751], %swap3A_2754 {strides = array<i32>} : memref<16x50x128xf32, #tpu.memory_space<vmem>>, vector<1x1x16xf32>,
        %get3A_2755 = arith.constant 13 : i32
        %get3A_2756 = arith.index_cast %get3A_2755 : i32 to index
        %get3A_2757 = arith.constant 16 : index
        %get3A_2758 = tpu.vector_load %arg5[%get3A_2756, %get3A_2757] {strides = array<i32>} : memref<16x256xf32, #tpu.memory_space<vmem>>, vector<1x16xf32>,
        %get3A_2759 = vector.shape_cast %get3A_2758 : vector<1x16xf32> to vector<16xf32>
        %swap3A_2760 = arith.constant 13 : i32
        %swap3A_2761 = arith.constant 0 : i32
        %swap3A_2762 = arith.index_cast %swap3A_2760 : i32 to index
        %swap3A_2763 = arith.index_cast %swap3A_2761 : i32 to index
        %swap3A_2764 = arith.constant 16 : index
        %swap3A_2765 = tpu.vector_load %arg4[%swap3A_2762, %swap3A_2763, %swap3A_2764] {strides = array<i32>} : memref<16x50x128xf32, #tpu.memory_space<vmem>>, vector<1x1x16xf32>,
        %swap3A_2766 = vector.shape_cast %swap3A_2765 : vector<1x1x16xf32> to vector<16xf32>
        %swap3A_2767 = vector.shape_cast %get3A_2759 : vector<16xf32> to vector<1x1x16xf32>
        tpu.vector_store %arg4[%swap3A_2762, %swap3A_2763, %swap3A_2764], %swap3A_2767 {strides = array<i32>} : memref<16x50x128xf32, #tpu.memory_space<vmem>>, vector<1x1x16xf32>,
        %get3A_2768 = arith.constant 13 : i32
        %get3A_2769 = arith.index_cast %get3A_2768 : i32 to index
        %get3A_2770 = arith.constant 144 : index
        %get3A_2771 = tpu.vector_load %arg5[%get3A_2769, %get3A_2770] {strides = array<i32>} : memref<16x256xf32, #tpu.memory_space<vmem>>, vector<1x16xf32>,
        %get3A_2772 = vector.shape_cast %get3A_2771 : vector<1x16xf32> to vector<16xf32>
        %swap3A_2773 = arith.constant 13 : i32
        %swap3A_2774 = arith.constant 25 : i32
        %swap3A_2775 = arith.index_cast %swap3A_2773 : i32 to index
        %swap3A_2776 = arith.index_cast %swap3A_2774 : i32 to index
        %swap3A_2777 = arith.constant 16 : index
        %swap3A_2778 = tpu.vector_load %arg4[%swap3A_2775, %swap3A_2776, %swap3A_2777] {strides = array<i32>} : memref<16x50x128xf32, #tpu.memory_space<vmem>>, vector<1x1x16xf32>,
        %swap3A_2779 = vector.shape_cast %swap3A_2778 : vector<1x1x16xf32> to vector<16xf32>
        %swap3A_2780 = vector.shape_cast %get3A_2772 : vector<16xf32> to vector<1x1x16xf32>
        tpu.vector_store %arg4[%swap3A_2775, %swap3A_2776, %swap3A_2777], %swap3A_2780 {strides = array<i32>} : memref<16x50x128xf32, #tpu.memory_space<vmem>>, vector<1x1x16xf32>,
        %get3A_2781 = arith.constant 13 : i32
        %get3A_2782 = arith.index_cast %get3A_2781 : i32 to index
        %get3A_2783 = arith.constant 32 : index
        %get3A_2784 = tpu.vector_load %arg5[%get3A_2782, %get3A_2783] {strides = array<i32>} : memref<16x256xf32, #tpu.memory_space<vmem>>, vector<1x16xf32>,
        %get3A_2785 = vector.shape_cast %get3A_2784 : vector<1x16xf32> to vector<16xf32>
        %swap3A_2786 = arith.constant 13 : i32
        %swap3A_2787 = arith.constant 0 : i32
        %swap3A_2788 = arith.index_cast %swap3A_2786 : i32 to index
        %swap3A_2789 = arith.index_cast %swap3A_2787 : i32 to index
        %swap3A_2790 = arith.constant 32 : index
        %swap3A_2791 = tpu.vector_load %arg4[%swap3A_2788, %swap3A_2789, %swap3A_2790] {strides = array<i32>} : memref<16x50x128xf32, #tpu.memory_space<vmem>>, vector<1x1x16xf32>,
        %swap3A_2792 = vector.shape_cast %swap3A_2791 : vector<1x1x16xf32> to vector<16xf32>
        %swap3A_2793 = vector.shape_cast %get3A_2785 : vector<16xf32> to vector<1x1x16xf32>
        tpu.vector_store %arg4[%swap3A_2788, %swap3A_2789, %swap3A_2790], %swap3A_2793 {strides = array<i32>} : memref<16x50x128xf32, #tpu.memory_space<vmem>>, vector<1x1x16xf32>,
        %get3A_2794 = arith.constant 13 : i32
        %get3A_2795 = arith.index_cast %get3A_2794 : i32 to index
        %get3A_2796 = arith.constant 160 : index
        %get3A_2797 = tpu.vector_load %arg5[%get3A_2795, %get3A_2796] {strides = array<i32>} : memref<16x256xf32, #tpu.memory_space<vmem>>, vector<1x16xf32>,
        %get3A_2798 = vector.shape_cast %get3A_2797 : vector<1x16xf32> to vector<16xf32>
        %swap3A_2799 = arith.constant 13 : i32
        %swap3A_2800 = arith.constant 25 : i32
        %swap3A_2801 = arith.index_cast %swap3A_2799 : i32 to index
        %swap3A_2802 = arith.index_cast %swap3A_2800 : i32 to index
        %swap3A_2803 = arith.constant 32 : index
        %swap3A_2804 = tpu.vector_load %arg4[%swap3A_2801, %swap3A_2802, %swap3A_2803] {strides = array<i32>} : memref<16x50x128xf32, #tpu.memory_space<vmem>>, vector<1x1x16xf32>,
        %swap3A_2805 = vector.shape_cast %swap3A_2804 : vector<1x1x16xf32> to vector<16xf32>
        %swap3A_2806 = vector.shape_cast %get3A_2798 : vector<16xf32> to vector<1x1x16xf32>
        tpu.vector_store %arg4[%swap3A_2801, %swap3A_2802, %swap3A_2803], %swap3A_2806 {strides = array<i32>} : memref<16x50x128xf32, #tpu.memory_space<vmem>>, vector<1x1x16xf32>,
        %get3A_2807 = arith.constant 13 : i32
        %get3A_2808 = arith.index_cast %get3A_2807 : i32 to index
        %get3A_2809 = arith.constant 48 : index
        %get3A_2810 = tpu.vector_load %arg5[%get3A_2808, %get3A_2809] {strides = array<i32>} : memref<16x256xf32, #tpu.memory_space<vmem>>, vector<1x16xf32>,
        %get3A_2811 = vector.shape_cast %get3A_2810 : vector<1x16xf32> to vector<16xf32>
        %swap3A_2812 = arith.constant 13 : i32
        %swap3A_2813 = arith.constant 0 : i32
        %swap3A_2814 = arith.index_cast %swap3A_2812 : i32 to index
        %swap3A_2815 = arith.index_cast %swap3A_2813 : i32 to index
        %swap3A_2816 = arith.constant 48 : index
        %swap3A_2817 = tpu.vector_load %arg4[%swap3A_2814, %swap3A_2815, %swap3A_2816] {strides = array<i32>} : memref<16x50x128xf32, #tpu.memory_space<vmem>>, vector<1x1x16xf32>,
        %swap3A_2818 = vector.shape_cast %swap3A_2817 : vector<1x1x16xf32> to vector<16xf32>
        %swap3A_2819 = vector.shape_cast %get3A_2811 : vector<16xf32> to vector<1x1x16xf32>
        tpu.vector_store %arg4[%swap3A_2814, %swap3A_2815, %swap3A_2816], %swap3A_2819 {strides = array<i32>} : memref<16x50x128xf32, #tpu.memory_space<vmem>>, vector<1x1x16xf32>,
        %get3A_2820 = arith.constant 13 : i32
        %get3A_2821 = arith.index_cast %get3A_2820 : i32 to index
        %get3A_2822 = arith.constant 176 : index
        %get3A_2823 = tpu.vector_load %arg5[%get3A_2821, %get3A_2822] {strides = array<i32>} : memref<16x256xf32, #tpu.memory_space<vmem>>, vector<1x16xf32>,
        %get3A_2824 = vector.shape_cast %get3A_2823 : vector<1x16xf32> to vector<16xf32>
        %swap3A_2825 = arith.constant 13 : i32
        %swap3A_2826 = arith.constant 25 : i32
        %swap3A_2827 = arith.index_cast %swap3A_2825 : i32 to index
        %swap3A_2828 = arith.index_cast %swap3A_2826 : i32 to index
        %swap3A_2829 = arith.constant 48 : index
        %swap3A_2830 = tpu.vector_load %arg4[%swap3A_2827, %swap3A_2828, %swap3A_2829] {strides = array<i32>} : memref<16x50x128xf32, #tpu.memory_space<vmem>>, vector<1x1x16xf32>,
        %swap3A_2831 = vector.shape_cast %swap3A_2830 : vector<1x1x16xf32> to vector<16xf32>
        %swap3A_2832 = vector.shape_cast %get3A_2824 : vector<16xf32> to vector<1x1x16xf32>
        tpu.vector_store %arg4[%swap3A_2827, %swap3A_2828, %swap3A_2829], %swap3A_2832 {strides = array<i32>} : memref<16x50x128xf32, #tpu.memory_space<vmem>>, vector<1x1x16xf32>,
        %get3A_2833 = arith.constant 13 : i32
        %get3A_2834 = arith.index_cast %get3A_2833 : i32 to index
        %get3A_2835 = arith.constant 64 : index
        %get3A_2836 = tpu.vector_load %arg5[%get3A_2834, %get3A_2835] {strides = array<i32>} : memref<16x256xf32, #tpu.memory_space<vmem>>, vector<1x16xf32>,
        %get3A_2837 = vector.shape_cast %get3A_2836 : vector<1x16xf32> to vector<16xf32>
        %swap3A_2838 = arith.constant 13 : i32
        %swap3A_2839 = arith.constant 0 : i32
        %swap3A_2840 = arith.index_cast %swap3A_2838 : i32 to index
        %swap3A_2841 = arith.index_cast %swap3A_2839 : i32 to index
        %swap3A_2842 = arith.constant 64 : index
        %swap3A_2843 = tpu.vector_load %arg4[%swap3A_2840, %swap3A_2841, %swap3A_2842] {strides = array<i32>} : memref<16x50x128xf32, #tpu.memory_space<vmem>>, vector<1x1x16xf32>,
        %swap3A_2844 = vector.shape_cast %swap3A_2843 : vector<1x1x16xf32> to vector<16xf32>
        %swap3A_2845 = vector.shape_cast %get3A_2837 : vector<16xf32> to vector<1x1x16xf32>
        tpu.vector_store %arg4[%swap3A_2840, %swap3A_2841, %swap3A_2842], %swap3A_2845 {strides = array<i32>} : memref<16x50x128xf32, #tpu.memory_space<vmem>>, vector<1x1x16xf32>,
        %get3A_2846 = arith.constant 13 : i32
        %get3A_2847 = arith.index_cast %get3A_2846 : i32 to index
        %get3A_2848 = arith.constant 192 : index
        %get3A_2849 = tpu.vector_load %arg5[%get3A_2847, %get3A_2848] {strides = array<i32>} : memref<16x256xf32, #tpu.memory_space<vmem>>, vector<1x16xf32>,
        %get3A_2850 = vector.shape_cast %get3A_2849 : vector<1x16xf32> to vector<16xf32>
        %swap3A_2851 = arith.constant 13 : i32
        %swap3A_2852 = arith.constant 25 : i32
        %swap3A_2853 = arith.index_cast %swap3A_2851 : i32 to index
        %swap3A_2854 = arith.index_cast %swap3A_2852 : i32 to index
        %swap3A_2855 = arith.constant 64 : index
        %swap3A_2856 = tpu.vector_load %arg4[%swap3A_2853, %swap3A_2854, %swap3A_2855] {strides = array<i32>} : memref<16x50x128xf32, #tpu.memory_space<vmem>>, vector<1x1x16xf32>,
        %swap3A_2857 = vector.shape_cast %swap3A_2856 : vector<1x1x16xf32> to vector<16xf32>
        %swap3A_2858 = vector.shape_cast %get3A_2850 : vector<16xf32> to vector<1x1x16xf32>
        tpu.vector_store %arg4[%swap3A_2853, %swap3A_2854, %swap3A_2855], %swap3A_2858 {strides = array<i32>} : memref<16x50x128xf32, #tpu.memory_space<vmem>>, vector<1x1x16xf32>,
        %get3A_2859 = arith.constant 13 : i32
        %get3A_2860 = arith.index_cast %get3A_2859 : i32 to index
        %get3A_2861 = arith.constant 80 : index
        %get3A_2862 = tpu.vector_load %arg5[%get3A_2860, %get3A_2861] {strides = array<i32>} : memref<16x256xf32, #tpu.memory_space<vmem>>, vector<1x16xf32>,
        %get3A_2863 = vector.shape_cast %get3A_2862 : vector<1x16xf32> to vector<16xf32>
        %swap3A_2864 = arith.constant 13 : i32
        %swap3A_2865 = arith.constant 0 : i32
        %swap3A_2866 = arith.index_cast %swap3A_2864 : i32 to index
        %swap3A_2867 = arith.index_cast %swap3A_2865 : i32 to index
        %swap3A_2868 = arith.constant 80 : index
        %swap3A_2869 = tpu.vector_load %arg4[%swap3A_2866, %swap3A_2867, %swap3A_2868] {strides = array<i32>} : memref<16x50x128xf32, #tpu.memory_space<vmem>>, vector<1x1x16xf32>,
        %swap3A_2870 = vector.shape_cast %swap3A_2869 : vector<1x1x16xf32> to vector<16xf32>
        %swap3A_2871 = vector.shape_cast %get3A_2863 : vector<16xf32> to vector<1x1x16xf32>
        tpu.vector_store %arg4[%swap3A_2866, %swap3A_2867, %swap3A_2868], %swap3A_2871 {strides = array<i32>} : memref<16x50x128xf32, #tpu.memory_space<vmem>>, vector<1x1x16xf32>,
        %get3A_2872 = arith.constant 13 : i32
        %get3A_2873 = arith.index_cast %get3A_2872 : i32 to index
        %get3A_2874 = arith.constant 208 : index
        %get3A_2875 = tpu.vector_load %arg5[%get3A_2873, %get3A_2874] {strides = array<i32>} : memref<16x256xf32, #tpu.memory_space<vmem>>, vector<1x16xf32>,
        %get3A_2876 = vector.shape_cast %get3A_2875 : vector<1x16xf32> to vector<16xf32>
        %swap3A_2877 = arith.constant 13 : i32
        %swap3A_2878 = arith.constant 25 : i32
        %swap3A_2879 = arith.index_cast %swap3A_2877 : i32 to index
        %swap3A_2880 = arith.index_cast %swap3A_2878 : i32 to index
        %swap3A_2881 = arith.constant 80 : index
        %swap3A_2882 = tpu.vector_load %arg4[%swap3A_2879, %swap3A_2880, %swap3A_2881] {strides = array<i32>} : memref<16x50x128xf32, #tpu.memory_space<vmem>>, vector<1x1x16xf32>,
        %swap3A_2883 = vector.shape_cast %swap3A_2882 : vector<1x1x16xf32> to vector<16xf32>
        %swap3A_2884 = vector.shape_cast %get3A_2876 : vector<16xf32> to vector<1x1x16xf32>
        tpu.vector_store %arg4[%swap3A_2879, %swap3A_2880, %swap3A_2881], %swap3A_2884 {strides = array<i32>} : memref<16x50x128xf32, #tpu.memory_space<vmem>>, vector<1x1x16xf32>,
        %get3A_2885 = arith.constant 13 : i32
        %get3A_2886 = arith.index_cast %get3A_2885 : i32 to index
        %get3A_2887 = arith.constant 96 : index
        %get3A_2888 = tpu.vector_load %arg5[%get3A_2886, %get3A_2887] {strides = array<i32>} : memref<16x256xf32, #tpu.memory_space<vmem>>, vector<1x16xf32>,
        %get3A_2889 = vector.shape_cast %get3A_2888 : vector<1x16xf32> to vector<16xf32>
        %swap3A_2890 = arith.constant 13 : i32
        %swap3A_2891 = arith.constant 0 : i32
        %swap3A_2892 = arith.index_cast %swap3A_2890 : i32 to index
        %swap3A_2893 = arith.index_cast %swap3A_2891 : i32 to index
        %swap3A_2894 = arith.constant 96 : index
        %swap3A_2895 = tpu.vector_load %arg4[%swap3A_2892, %swap3A_2893, %swap3A_2894] {strides = array<i32>} : memref<16x50x128xf32, #tpu.memory_space<vmem>>, vector<1x1x16xf32>,
        %swap3A_2896 = vector.shape_cast %swap3A_2895 : vector<1x1x16xf32> to vector<16xf32>
        %swap3A_2897 = vector.shape_cast %get3A_2889 : vector<16xf32> to vector<1x1x16xf32>
        tpu.vector_store %arg4[%swap3A_2892, %swap3A_2893, %swap3A_2894], %swap3A_2897 {strides = array<i32>} : memref<16x50x128xf32, #tpu.memory_space<vmem>>, vector<1x1x16xf32>,
        %get3A_2898 = arith.constant 13 : i32
        %get3A_2899 = arith.index_cast %get3A_2898 : i32 to index
        %get3A_2900 = arith.constant 224 : index
        %get3A_2901 = tpu.vector_load %arg5[%get3A_2899, %get3A_2900] {strides = array<i32>} : memref<16x256xf32, #tpu.memory_space<vmem>>, vector<1x16xf32>,
        %get3A_2902 = vector.shape_cast %get3A_2901 : vector<1x16xf32> to vector<16xf32>
        %swap3A_2903 = arith.constant 13 : i32
        %swap3A_2904 = arith.constant 25 : i32
        %swap3A_2905 = arith.index_cast %swap3A_2903 : i32 to index
        %swap3A_2906 = arith.index_cast %swap3A_2904 : i32 to index
        %swap3A_2907 = arith.constant 96 : index
        %swap3A_2908 = tpu.vector_load %arg4[%swap3A_2905, %swap3A_2906, %swap3A_2907] {strides = array<i32>} : memref<16x50x128xf32, #tpu.memory_space<vmem>>, vector<1x1x16xf32>,
        %swap3A_2909 = vector.shape_cast %swap3A_2908 : vector<1x1x16xf32> to vector<16xf32>
        %swap3A_2910 = vector.shape_cast %get3A_2902 : vector<16xf32> to vector<1x1x16xf32>
        tpu.vector_store %arg4[%swap3A_2905, %swap3A_2906, %swap3A_2907], %swap3A_2910 {strides = array<i32>} : memref<16x50x128xf32, #tpu.memory_space<vmem>>, vector<1x1x16xf32>,
        %get3A_2911 = arith.constant 13 : i32
        %get3A_2912 = arith.index_cast %get3A_2911 : i32 to index
        %get3A_2913 = arith.constant 112 : index
        %get3A_2914 = tpu.vector_load %arg5[%get3A_2912, %get3A_2913] {strides = array<i32>} : memref<16x256xf32, #tpu.memory_space<vmem>>, vector<1x16xf32>,
        %get3A_2915 = vector.shape_cast %get3A_2914 : vector<1x16xf32> to vector<16xf32>
        %swap3A_2916 = arith.constant 13 : i32
        %swap3A_2917 = arith.constant 0 : i32
        %swap3A_2918 = arith.index_cast %swap3A_2916 : i32 to index
        %swap3A_2919 = arith.index_cast %swap3A_2917 : i32 to index
        %swap3A_2920 = arith.constant 112 : index
        %swap3A_2921 = tpu.vector_load %arg4[%swap3A_2918, %swap3A_2919, %swap3A_2920] {strides = array<i32>} : memref<16x50x128xf32, #tpu.memory_space<vmem>>, vector<1x1x16xf32>,
        %swap3A_2922 = vector.shape_cast %swap3A_2921 : vector<1x1x16xf32> to vector<16xf32>
        %swap3A_2923 = vector.shape_cast %get3A_2915 : vector<16xf32> to vector<1x1x16xf32>
        tpu.vector_store %arg4[%swap3A_2918, %swap3A_2919, %swap3A_2920], %swap3A_2923 {strides = array<i32>} : memref<16x50x128xf32, #tpu.memory_space<vmem>>, vector<1x1x16xf32>,
        %get3A_2924 = arith.constant 13 : i32
        %get3A_2925 = arith.index_cast %get3A_2924 : i32 to index
        %get3A_2926 = arith.constant 240 : index
        %get3A_2927 = tpu.vector_load %arg5[%get3A_2925, %get3A_2926] {strides = array<i32>} : memref<16x256xf32, #tpu.memory_space<vmem>>, vector<1x16xf32>,
        %get3A_2928 = vector.shape_cast %get3A_2927 : vector<1x16xf32> to vector<16xf32>
        %swap3A_2929 = arith.constant 13 : i32
        %swap3A_2930 = arith.constant 25 : i32
        %swap3A_2931 = arith.index_cast %swap3A_2929 : i32 to index
        %swap3A_2932 = arith.index_cast %swap3A_2930 : i32 to index
        %swap3A_2933 = arith.constant 112 : index
        %swap3A_2934 = tpu.vector_load %arg4[%swap3A_2931, %swap3A_2932, %swap3A_2933] {strides = array<i32>} : memref<16x50x128xf32, #tpu.memory_space<vmem>>, vector<1x1x16xf32>,
        %swap3A_2935 = vector.shape_cast %swap3A_2934 : vector<1x1x16xf32> to vector<16xf32>
        %swap3A_2936 = vector.shape_cast %get3A_2928 : vector<16xf32> to vector<1x1x16xf32>
        tpu.vector_store %arg4[%swap3A_2931, %swap3A_2932, %swap3A_2933], %swap3A_2936 {strides = array<i32>} : memref<16x50x128xf32, #tpu.memory_space<vmem>>, vector<1x1x16xf32>,
        %get3A_2937 = arith.constant 14 : i32
        %get3A_2938 = arith.index_cast %get3A_2937 : i32 to index
        %get3A_2939 = arith.constant 0 : index
        %get3A_2940 = tpu.vector_load %arg5[%get3A_2938, %get3A_2939] {strides = array<i32>} : memref<16x256xf32, #tpu.memory_space<vmem>>, vector<1x16xf32>,
        %get3A_2941 = vector.shape_cast %get3A_2940 : vector<1x16xf32> to vector<16xf32>
        %swap3A_2942 = arith.constant 14 : i32
        %swap3A_2943 = arith.constant 0 : i32
        %swap3A_2944 = arith.index_cast %swap3A_2942 : i32 to index
        %swap3A_2945 = arith.index_cast %swap3A_2943 : i32 to index
        %swap3A_2946 = arith.constant 0 : index
        %swap3A_2947 = tpu.vector_load %arg4[%swap3A_2944, %swap3A_2945, %swap3A_2946] {strides = array<i32>} : memref<16x50x128xf32, #tpu.memory_space<vmem>>, vector<1x1x16xf32>,
        %swap3A_2948 = vector.shape_cast %swap3A_2947 : vector<1x1x16xf32> to vector<16xf32>
        %swap3A_2949 = vector.shape_cast %get3A_2941 : vector<16xf32> to vector<1x1x16xf32>
        tpu.vector_store %arg4[%swap3A_2944, %swap3A_2945, %swap3A_2946], %swap3A_2949 {strides = array<i32>} : memref<16x50x128xf32, #tpu.memory_space<vmem>>, vector<1x1x16xf32>,
        %get3A_2950 = arith.constant 14 : i32
        %get3A_2951 = arith.index_cast %get3A_2950 : i32 to index
        %get3A_2952 = arith.constant 128 : index
        %get3A_2953 = tpu.vector_load %arg5[%get3A_2951, %get3A_2952] {strides = array<i32>} : memref<16x256xf32, #tpu.memory_space<vmem>>, vector<1x16xf32>,
        %get3A_2954 = vector.shape_cast %get3A_2953 : vector<1x16xf32> to vector<16xf32>
        %swap3A_2955 = arith.constant 14 : i32
        %swap3A_2956 = arith.constant 25 : i32
        %swap3A_2957 = arith.index_cast %swap3A_2955 : i32 to index
        %swap3A_2958 = arith.index_cast %swap3A_2956 : i32 to index
        %swap3A_2959 = arith.constant 0 : index
        %swap3A_2960 = tpu.vector_load %arg4[%swap3A_2957, %swap3A_2958, %swap3A_2959] {strides = array<i32>} : memref<16x50x128xf32, #tpu.memory_space<vmem>>, vector<1x1x16xf32>,
        %swap3A_2961 = vector.shape_cast %swap3A_2960 : vector<1x1x16xf32> to vector<16xf32>
        %swap3A_2962 = vector.shape_cast %get3A_2954 : vector<16xf32> to vector<1x1x16xf32>
        tpu.vector_store %arg4[%swap3A_2957, %swap3A_2958, %swap3A_2959], %swap3A_2962 {strides = array<i32>} : memref<16x50x128xf32, #tpu.memory_space<vmem>>, vector<1x1x16xf32>,
        %get3A_2963 = arith.constant 14 : i32
        %get3A_2964 = arith.index_cast %get3A_2963 : i32 to index
        %get3A_2965 = arith.constant 16 : index
        %get3A_2966 = tpu.vector_load %arg5[%get3A_2964, %get3A_2965] {strides = array<i32>} : memref<16x256xf32, #tpu.memory_space<vmem>>, vector<1x16xf32>,
        %get3A_2967 = vector.shape_cast %get3A_2966 : vector<1x16xf32> to vector<16xf32>
        %swap3A_2968 = arith.constant 14 : i32
        %swap3A_2969 = arith.constant 0 : i32
        %swap3A_2970 = arith.index_cast %swap3A_2968 : i32 to index
        %swap3A_2971 = arith.index_cast %swap3A_2969 : i32 to index
        %swap3A_2972 = arith.constant 16 : index
        %swap3A_2973 = tpu.vector_load %arg4[%swap3A_2970, %swap3A_2971, %swap3A_2972] {strides = array<i32>} : memref<16x50x128xf32, #tpu.memory_space<vmem>>, vector<1x1x16xf32>,
        %swap3A_2974 = vector.shape_cast %swap3A_2973 : vector<1x1x16xf32> to vector<16xf32>
        %swap3A_2975 = vector.shape_cast %get3A_2967 : vector<16xf32> to vector<1x1x16xf32>
        tpu.vector_store %arg4[%swap3A_2970, %swap3A_2971, %swap3A_2972], %swap3A_2975 {strides = array<i32>} : memref<16x50x128xf32, #tpu.memory_space<vmem>>, vector<1x1x16xf32>,
        %get3A_2976 = arith.constant 14 : i32
        %get3A_2977 = arith.index_cast %get3A_2976 : i32 to index
        %get3A_2978 = arith.constant 144 : index
        %get3A_2979 = tpu.vector_load %arg5[%get3A_2977, %get3A_2978] {strides = array<i32>} : memref<16x256xf32, #tpu.memory_space<vmem>>, vector<1x16xf32>,
        %get3A_2980 = vector.shape_cast %get3A_2979 : vector<1x16xf32> to vector<16xf32>
        %swap3A_2981 = arith.constant 14 : i32
        %swap3A_2982 = arith.constant 25 : i32
        %swap3A_2983 = arith.index_cast %swap3A_2981 : i32 to index
        %swap3A_2984 = arith.index_cast %swap3A_2982 : i32 to index
        %swap3A_2985 = arith.constant 16 : index
        %swap3A_2986 = tpu.vector_load %arg4[%swap3A_2983, %swap3A_2984, %swap3A_2985] {strides = array<i32>} : memref<16x50x128xf32, #tpu.memory_space<vmem>>, vector<1x1x16xf32>,
        %swap3A_2987 = vector.shape_cast %swap3A_2986 : vector<1x1x16xf32> to vector<16xf32>
        %swap3A_2988 = vector.shape_cast %get3A_2980 : vector<16xf32> to vector<1x1x16xf32>
        tpu.vector_store %arg4[%swap3A_2983, %swap3A_2984, %swap3A_2985], %swap3A_2988 {strides = array<i32>} : memref<16x50x128xf32, #tpu.memory_space<vmem>>, vector<1x1x16xf32>,
        %get3A_2989 = arith.constant 14 : i32
        %get3A_2990 = arith.index_cast %get3A_2989 : i32 to index
        %get3A_2991 = arith.constant 32 : index
        %get3A_2992 = tpu.vector_load %arg5[%get3A_2990, %get3A_2991] {strides = array<i32>} : memref<16x256xf32, #tpu.memory_space<vmem>>, vector<1x16xf32>,
        %get3A_2993 = vector.shape_cast %get3A_2992 : vector<1x16xf32> to vector<16xf32>
        %swap3A_2994 = arith.constant 14 : i32
        %swap3A_2995 = arith.constant 0 : i32
        %swap3A_2996 = arith.index_cast %swap3A_2994 : i32 to index
        %swap3A_2997 = arith.index_cast %swap3A_2995 : i32 to index
        %swap3A_2998 = arith.constant 32 : index
        %swap3A_2999 = tpu.vector_load %arg4[%swap3A_2996, %swap3A_2997, %swap3A_2998] {strides = array<i32>} : memref<16x50x128xf32, #tpu.memory_space<vmem>>, vector<1x1x16xf32>,
        %swap3A_3000 = vector.shape_cast %swap3A_2999 : vector<1x1x16xf32> to vector<16xf32>
        %swap3A_3001 = vector.shape_cast %get3A_2993 : vector<16xf32> to vector<1x1x16xf32>
        tpu.vector_store %arg4[%swap3A_2996, %swap3A_2997, %swap3A_2998], %swap3A_3001 {strides = array<i32>} : memref<16x50x128xf32, #tpu.memory_space<vmem>>, vector<1x1x16xf32>,
        %get3A_3002 = arith.constant 14 : i32
        %get3A_3003 = arith.index_cast %get3A_3002 : i32 to index
        %get3A_3004 = arith.constant 160 : index
        %get3A_3005 = tpu.vector_load %arg5[%get3A_3003, %get3A_3004] {strides = array<i32>} : memref<16x256xf32, #tpu.memory_space<vmem>>, vector<1x16xf32>,
        %get3A_3006 = vector.shape_cast %get3A_3005 : vector<1x16xf32> to vector<16xf32>
        %swap3A_3007 = arith.constant 14 : i32
        %swap3A_3008 = arith.constant 25 : i32
        %swap3A_3009 = arith.index_cast %swap3A_3007 : i32 to index
        %swap3A_3010 = arith.index_cast %swap3A_3008 : i32 to index
        %swap3A_3011 = arith.constant 32 : index
        %swap3A_3012 = tpu.vector_load %arg4[%swap3A_3009, %swap3A_3010, %swap3A_3011] {strides = array<i32>} : memref<16x50x128xf32, #tpu.memory_space<vmem>>, vector<1x1x16xf32>,
        %swap3A_3013 = vector.shape_cast %swap3A_3012 : vector<1x1x16xf32> to vector<16xf32>
        %swap3A_3014 = vector.shape_cast %get3A_3006 : vector<16xf32> to vector<1x1x16xf32>
        tpu.vector_store %arg4[%swap3A_3009, %swap3A_3010, %swap3A_3011], %swap3A_3014 {strides = array<i32>} : memref<16x50x128xf32, #tpu.memory_space<vmem>>, vector<1x1x16xf32>,
        %get3A_3015 = arith.constant 14 : i32
        %get3A_3016 = arith.index_cast %get3A_3015 : i32 to index
        %get3A_3017 = arith.constant 48 : index
        %get3A_3018 = tpu.vector_load %arg5[%get3A_3016, %get3A_3017] {strides = array<i32>} : memref<16x256xf32, #tpu.memory_space<vmem>>, vector<1x16xf32>,
        %get3A_3019 = vector.shape_cast %get3A_3018 : vector<1x16xf32> to vector<16xf32>
        %swap3A_3020 = arith.constant 14 : i32
        %swap3A_3021 = arith.constant 0 : i32
        %swap3A_3022 = arith.index_cast %swap3A_3020 : i32 to index
        %swap3A_3023 = arith.index_cast %swap3A_3021 : i32 to index
        %swap3A_3024 = arith.constant 48 : index
        %swap3A_3025 = tpu.vector_load %arg4[%swap3A_3022, %swap3A_3023, %swap3A_3024] {strides = array<i32>} : memref<16x50x128xf32, #tpu.memory_space<vmem>>, vector<1x1x16xf32>,
        %swap3A_3026 = vector.shape_cast %swap3A_3025 : vector<1x1x16xf32> to vector<16xf32>
        %swap3A_3027 = vector.shape_cast %get3A_3019 : vector<16xf32> to vector<1x1x16xf32>
        tpu.vector_store %arg4[%swap3A_3022, %swap3A_3023, %swap3A_3024], %swap3A_3027 {strides = array<i32>} : memref<16x50x128xf32, #tpu.memory_space<vmem>>, vector<1x1x16xf32>,
        %get3A_3028 = arith.constant 14 : i32
        %get3A_3029 = arith.index_cast %get3A_3028 : i32 to index
        %get3A_3030 = arith.constant 176 : index
        %get3A_3031 = tpu.vector_load %arg5[%get3A_3029, %get3A_3030] {strides = array<i32>} : memref<16x256xf32, #tpu.memory_space<vmem>>, vector<1x16xf32>,
        %get3A_3032 = vector.shape_cast %get3A_3031 : vector<1x16xf32> to vector<16xf32>
        %swap3A_3033 = arith.constant 14 : i32
        %swap3A_3034 = arith.constant 25 : i32
        %swap3A_3035 = arith.index_cast %swap3A_3033 : i32 to index
        %swap3A_3036 = arith.index_cast %swap3A_3034 : i32 to index
        %swap3A_3037 = arith.constant 48 : index
        %swap3A_3038 = tpu.vector_load %arg4[%swap3A_3035, %swap3A_3036, %swap3A_3037] {strides = array<i32>} : memref<16x50x128xf32, #tpu.memory_space<vmem>>, vector<1x1x16xf32>,
        %swap3A_3039 = vector.shape_cast %swap3A_3038 : vector<1x1x16xf32> to vector<16xf32>
        %swap3A_3040 = vector.shape_cast %get3A_3032 : vector<16xf32> to vector<1x1x16xf32>
        tpu.vector_store %arg4[%swap3A_3035, %swap3A_3036, %swap3A_3037], %swap3A_3040 {strides = array<i32>} : memref<16x50x128xf32, #tpu.memory_space<vmem>>, vector<1x1x16xf32>,
        %get3A_3041 = arith.constant 14 : i32
        %get3A_3042 = arith.index_cast %get3A_3041 : i32 to index
        %get3A_3043 = arith.constant 64 : index
        %get3A_3044 = tpu.vector_load %arg5[%get3A_3042, %get3A_3043] {strides = array<i32>} : memref<16x256xf32, #tpu.memory_space<vmem>>, vector<1x16xf32>,
        %get3A_3045 = vector.shape_cast %get3A_3044 : vector<1x16xf32> to vector<16xf32>
        %swap3A_3046 = arith.constant 14 : i32
        %swap3A_3047 = arith.constant 0 : i32
        %swap3A_3048 = arith.index_cast %swap3A_3046 : i32 to index
        %swap3A_3049 = arith.index_cast %swap3A_3047 : i32 to index
        %swap3A_3050 = arith.constant 64 : index
        %swap3A_3051 = tpu.vector_load %arg4[%swap3A_3048, %swap3A_3049, %swap3A_3050] {strides = array<i32>} : memref<16x50x128xf32, #tpu.memory_space<vmem>>, vector<1x1x16xf32>,
        %swap3A_3052 = vector.shape_cast %swap3A_3051 : vector<1x1x16xf32> to vector<16xf32>
        %swap3A_3053 = vector.shape_cast %get3A_3045 : vector<16xf32> to vector<1x1x16xf32>
        tpu.vector_store %arg4[%swap3A_3048, %swap3A_3049, %swap3A_3050], %swap3A_3053 {strides = array<i32>} : memref<16x50x128xf32, #tpu.memory_space<vmem>>, vector<1x1x16xf32>,
        %get3A_3054 = arith.constant 14 : i32
        %get3A_3055 = arith.index_cast %get3A_3054 : i32 to index
        %get3A_3056 = arith.constant 192 : index
        %get3A_3057 = tpu.vector_load %arg5[%get3A_3055, %get3A_3056] {strides = array<i32>} : memref<16x256xf32, #tpu.memory_space<vmem>>, vector<1x16xf32>,
        %get3A_3058 = vector.shape_cast %get3A_3057 : vector<1x16xf32> to vector<16xf32>
        %swap3A_3059 = arith.constant 14 : i32
        %swap3A_3060 = arith.constant 25 : i32
        %swap3A_3061 = arith.index_cast %swap3A_3059 : i32 to index
        %swap3A_3062 = arith.index_cast %swap3A_3060 : i32 to index
        %swap3A_3063 = arith.constant 64 : index
        %swap3A_3064 = tpu.vector_load %arg4[%swap3A_3061, %swap3A_3062, %swap3A_3063] {strides = array<i32>} : memref<16x50x128xf32, #tpu.memory_space<vmem>>, vector<1x1x16xf32>,
        %swap3A_3065 = vector.shape_cast %swap3A_3064 : vector<1x1x16xf32> to vector<16xf32>
        %swap3A_3066 = vector.shape_cast %get3A_3058 : vector<16xf32> to vector<1x1x16xf32>
        tpu.vector_store %arg4[%swap3A_3061, %swap3A_3062, %swap3A_3063], %swap3A_3066 {strides = array<i32>} : memref<16x50x128xf32, #tpu.memory_space<vmem>>, vector<1x1x16xf32>,
        %get3A_3067 = arith.constant 14 : i32
        %get3A_3068 = arith.index_cast %get3A_3067 : i32 to index
        %get3A_3069 = arith.constant 80 : index
        %get3A_3070 = tpu.vector_load %arg5[%get3A_3068, %get3A_3069] {strides = array<i32>} : memref<16x256xf32, #tpu.memory_space<vmem>>, vector<1x16xf32>,
        %get3A_3071 = vector.shape_cast %get3A_3070 : vector<1x16xf32> to vector<16xf32>
        %swap3A_3072 = arith.constant 14 : i32
        %swap3A_3073 = arith.constant 0 : i32
        %swap3A_3074 = arith.index_cast %swap3A_3072 : i32 to index
        %swap3A_3075 = arith.index_cast %swap3A_3073 : i32 to index
        %swap3A_3076 = arith.constant 80 : index
        %swap3A_3077 = tpu.vector_load %arg4[%swap3A_3074, %swap3A_3075, %swap3A_3076] {strides = array<i32>} : memref<16x50x128xf32, #tpu.memory_space<vmem>>, vector<1x1x16xf32>,
        %swap3A_3078 = vector.shape_cast %swap3A_3077 : vector<1x1x16xf32> to vector<16xf32>
        %swap3A_3079 = vector.shape_cast %get3A_3071 : vector<16xf32> to vector<1x1x16xf32>
        tpu.vector_store %arg4[%swap3A_3074, %swap3A_3075, %swap3A_3076], %swap3A_3079 {strides = array<i32>} : memref<16x50x128xf32, #tpu.memory_space<vmem>>, vector<1x1x16xf32>,
        %get3A_3080 = arith.constant 14 : i32
        %get3A_3081 = arith.index_cast %get3A_3080 : i32 to index
        %get3A_3082 = arith.constant 208 : index
        %get3A_3083 = tpu.vector_load %arg5[%get3A_3081, %get3A_3082] {strides = array<i32>} : memref<16x256xf32, #tpu.memory_space<vmem>>, vector<1x16xf32>,
        %get3A_3084 = vector.shape_cast %get3A_3083 : vector<1x16xf32> to vector<16xf32>
        %swap3A_3085 = arith.constant 14 : i32
        %swap3A_3086 = arith.constant 25 : i32
        %swap3A_3087 = arith.index_cast %swap3A_3085 : i32 to index
        %swap3A_3088 = arith.index_cast %swap3A_3086 : i32 to index
        %swap3A_3089 = arith.constant 80 : index
        %swap3A_3090 = tpu.vector_load %arg4[%swap3A_3087, %swap3A_3088, %swap3A_3089] {strides = array<i32>} : memref<16x50x128xf32, #tpu.memory_space<vmem>>, vector<1x1x16xf32>,
        %swap3A_3091 = vector.shape_cast %swap3A_3090 : vector<1x1x16xf32> to vector<16xf32>
        %swap3A_3092 = vector.shape_cast %get3A_3084 : vector<16xf32> to vector<1x1x16xf32>
        tpu.vector_store %arg4[%swap3A_3087, %swap3A_3088, %swap3A_3089], %swap3A_3092 {strides = array<i32>} : memref<16x50x128xf32, #tpu.memory_space<vmem>>, vector<1x1x16xf32>,
        %get3A_3093 = arith.constant 14 : i32
        %get3A_3094 = arith.index_cast %get3A_3093 : i32 to index
        %get3A_3095 = arith.constant 96 : index
        %get3A_3096 = tpu.vector_load %arg5[%get3A_3094, %get3A_3095] {strides = array<i32>} : memref<16x256xf32, #tpu.memory_space<vmem>>, vector<1x16xf32>,
        %get3A_3097 = vector.shape_cast %get3A_3096 : vector<1x16xf32> to vector<16xf32>
        %swap3A_3098 = arith.constant 14 : i32
        %swap3A_3099 = arith.constant 0 : i32
        %swap3A_3100 = arith.index_cast %swap3A_3098 : i32 to index
        %swap3A_3101 = arith.index_cast %swap3A_3099 : i32 to index
        %swap3A_3102 = arith.constant 96 : index
        %swap3A_3103 = tpu.vector_load %arg4[%swap3A_3100, %swap3A_3101, %swap3A_3102] {strides = array<i32>} : memref<16x50x128xf32, #tpu.memory_space<vmem>>, vector<1x1x16xf32>,
        %swap3A_3104 = vector.shape_cast %swap3A_3103 : vector<1x1x16xf32> to vector<16xf32>
        %swap3A_3105 = vector.shape_cast %get3A_3097 : vector<16xf32> to vector<1x1x16xf32>
        tpu.vector_store %arg4[%swap3A_3100, %swap3A_3101, %swap3A_3102], %swap3A_3105 {strides = array<i32>} : memref<16x50x128xf32, #tpu.memory_space<vmem>>, vector<1x1x16xf32>,
        %get3A_3106 = arith.constant 14 : i32
        %get3A_3107 = arith.index_cast %get3A_3106 : i32 to index
        %get3A_3108 = arith.constant 224 : index
        %get3A_3109 = tpu.vector_load %arg5[%get3A_3107, %get3A_3108] {strides = array<i32>} : memref<16x256xf32, #tpu.memory_space<vmem>>, vector<1x16xf32>,
        %get3A_3110 = vector.shape_cast %get3A_3109 : vector<1x16xf32> to vector<16xf32>
        %swap3A_3111 = arith.constant 14 : i32
        %swap3A_3112 = arith.constant 25 : i32
        %swap3A_3113 = arith.index_cast %swap3A_3111 : i32 to index
        %swap3A_3114 = arith.index_cast %swap3A_3112 : i32 to index
        %swap3A_3115 = arith.constant 96 : index
        %swap3A_3116 = tpu.vector_load %arg4[%swap3A_3113, %swap3A_3114, %swap3A_3115] {strides = array<i32>} : memref<16x50x128xf32, #tpu.memory_space<vmem>>, vector<1x1x16xf32>,
        %swap3A_3117 = vector.shape_cast %swap3A_3116 : vector<1x1x16xf32> to vector<16xf32>
        %swap3A_3118 = vector.shape_cast %get3A_3110 : vector<16xf32> to vector<1x1x16xf32>
        tpu.vector_store %arg4[%swap3A_3113, %swap3A_3114, %swap3A_3115], %swap3A_3118 {strides = array<i32>} : memref<16x50x128xf32, #tpu.memory_space<vmem>>, vector<1x1x16xf32>,
        %get3A_3119 = arith.constant 14 : i32
        %get3A_3120 = arith.index_cast %get3A_3119 : i32 to index
        %get3A_3121 = arith.constant 112 : index
        %get3A_3122 = tpu.vector_load %arg5[%get3A_3120, %get3A_3121] {strides = array<i32>} : memref<16x256xf32, #tpu.memory_space<vmem>>, vector<1x16xf32>,
        %get3A_3123 = vector.shape_cast %get3A_3122 : vector<1x16xf32> to vector<16xf32>
        %swap3A_3124 = arith.constant 14 : i32
        %swap3A_3125 = arith.constant 0 : i32
        %swap3A_3126 = arith.index_cast %swap3A_3124 : i32 to index
        %swap3A_3127 = arith.index_cast %swap3A_3125 : i32 to index
        %swap3A_3128 = arith.constant 112 : index
        %swap3A_3129 = tpu.vector_load %arg4[%swap3A_3126, %swap3A_3127, %swap3A_3128] {strides = array<i32>} : memref<16x50x128xf32, #tpu.memory_space<vmem>>, vector<1x1x16xf32>,
        %swap3A_3130 = vector.shape_cast %swap3A_3129 : vector<1x1x16xf32> to vector<16xf32>
        %swap3A_3131 = vector.shape_cast %get3A_3123 : vector<16xf32> to vector<1x1x16xf32>
        tpu.vector_store %arg4[%swap3A_3126, %swap3A_3127, %swap3A_3128], %swap3A_3131 {strides = array<i32>} : memref<16x50x128xf32, #tpu.memory_space<vmem>>, vector<1x1x16xf32>,
        %get3A_3132 = arith.constant 14 : i32
        %get3A_3133 = arith.index_cast %get3A_3132 : i32 to index
        %get3A_3134 = arith.constant 240 : index
        %get3A_3135 = tpu.vector_load %arg5[%get3A_3133, %get3A_3134] {strides = array<i32>} : memref<16x256xf32, #tpu.memory_space<vmem>>, vector<1x16xf32>,
        %get3A_3136 = vector.shape_cast %get3A_3135 : vector<1x16xf32> to vector<16xf32>
        %swap3A_3137 = arith.constant 14 : i32
        %swap3A_3138 = arith.constant 25 : i32
        %swap3A_3139 = arith.index_cast %swap3A_3137 : i32 to index
        %swap3A_3140 = arith.index_cast %swap3A_3138 : i32 to index
        %swap3A_3141 = arith.constant 112 : index
        %swap3A_3142 = tpu.vector_load %arg4[%swap3A_3139, %swap3A_3140, %swap3A_3141] {strides = array<i32>} : memref<16x50x128xf32, #tpu.memory_space<vmem>>, vector<1x1x16xf32>,
        %swap3A_3143 = vector.shape_cast %swap3A_3142 : vector<1x1x16xf32> to vector<16xf32>
        %swap3A_3144 = vector.shape_cast %get3A_3136 : vector<16xf32> to vector<1x1x16xf32>
        tpu.vector_store %arg4[%swap3A_3139, %swap3A_3140, %swap3A_3141], %swap3A_3144 {strides = array<i32>} : memref<16x50x128xf32, #tpu.memory_space<vmem>>, vector<1x1x16xf32>,
        %get3A_3145 = arith.constant 15 : i32
        %get3A_3146 = arith.index_cast %get3A_3145 : i32 to index
        %get3A_3147 = arith.constant 0 : index
        %get3A_3148 = tpu.vector_load %arg5[%get3A_3146, %get3A_3147] {strides = array<i32>} : memref<16x256xf32, #tpu.memory_space<vmem>>, vector<1x16xf32>,
        %get3A_3149 = vector.shape_cast %get3A_3148 : vector<1x16xf32> to vector<16xf32>
        %swap3A_3150 = arith.constant 15 : i32
        %swap3A_3151 = arith.constant 0 : i32
        %swap3A_3152 = arith.index_cast %swap3A_3150 : i32 to index
        %swap3A_3153 = arith.index_cast %swap3A_3151 : i32 to index
        %swap3A_3154 = arith.constant 0 : index
        %swap3A_3155 = tpu.vector_load %arg4[%swap3A_3152, %swap3A_3153, %swap3A_3154] {strides = array<i32>} : memref<16x50x128xf32, #tpu.memory_space<vmem>>, vector<1x1x16xf32>,
        %swap3A_3156 = vector.shape_cast %swap3A_3155 : vector<1x1x16xf32> to vector<16xf32>
        %swap3A_3157 = vector.shape_cast %get3A_3149 : vector<16xf32> to vector<1x1x16xf32>
        tpu.vector_store %arg4[%swap3A_3152, %swap3A_3153, %swap3A_3154], %swap3A_3157 {strides = array<i32>} : memref<16x50x128xf32, #tpu.memory_space<vmem>>, vector<1x1x16xf32>,
        %get3A_3158 = arith.constant 15 : i32
        %get3A_3159 = arith.index_cast %get3A_3158 : i32 to index
        %get3A_3160 = arith.constant 128 : index
        %get3A_3161 = tpu.vector_load %arg5[%get3A_3159, %get3A_3160] {strides = array<i32>} : memref<16x256xf32, #tpu.memory_space<vmem>>, vector<1x16xf32>,
        %get3A_3162 = vector.shape_cast %get3A_3161 : vector<1x16xf32> to vector<16xf32>
        %swap3A_3163 = arith.constant 15 : i32
        %swap3A_3164 = arith.constant 25 : i32
        %swap3A_3165 = arith.index_cast %swap3A_3163 : i32 to index
        %swap3A_3166 = arith.index_cast %swap3A_3164 : i32 to index
        %swap3A_3167 = arith.constant 0 : index
        %swap3A_3168 = tpu.vector_load %arg4[%swap3A_3165, %swap3A_3166, %swap3A_3167] {strides = array<i32>} : memref<16x50x128xf32, #tpu.memory_space<vmem>>, vector<1x1x16xf32>,
        %swap3A_3169 = vector.shape_cast %swap3A_3168 : vector<1x1x16xf32> to vector<16xf32>
        %swap3A_3170 = vector.shape_cast %get3A_3162 : vector<16xf32> to vector<1x1x16xf32>
        tpu.vector_store %arg4[%swap3A_3165, %swap3A_3166, %swap3A_3167], %swap3A_3170 {strides = array<i32>} : memref<16x50x128xf32, #tpu.memory_space<vmem>>, vector<1x1x16xf32>,
        %get3A_3171 = arith.constant 15 : i32
        %get3A_3172 = arith.index_cast %get3A_3171 : i32 to index
        %get3A_3173 = arith.constant 16 : index
        %get3A_3174 = tpu.vector_load %arg5[%get3A_3172, %get3A_3173] {strides = array<i32>} : memref<16x256xf32, #tpu.memory_space<vmem>>, vector<1x16xf32>,
        %get3A_3175 = vector.shape_cast %get3A_3174 : vector<1x16xf32> to vector<16xf32>
        %swap3A_3176 = arith.constant 15 : i32
        %swap3A_3177 = arith.constant 0 : i32
        %swap3A_3178 = arith.index_cast %swap3A_3176 : i32 to index
        %swap3A_3179 = arith.index_cast %swap3A_3177 : i32 to index
        %swap3A_3180 = arith.constant 16 : index
        %swap3A_3181 = tpu.vector_load %arg4[%swap3A_3178, %swap3A_3179, %swap3A_3180] {strides = array<i32>} : memref<16x50x128xf32, #tpu.memory_space<vmem>>, vector<1x1x16xf32>,
        %swap3A_3182 = vector.shape_cast %swap3A_3181 : vector<1x1x16xf32> to vector<16xf32>
        %swap3A_3183 = vector.shape_cast %get3A_3175 : vector<16xf32> to vector<1x1x16xf32>
        tpu.vector_store %arg4[%swap3A_3178, %swap3A_3179, %swap3A_3180], %swap3A_3183 {strides = array<i32>} : memref<16x50x128xf32, #tpu.memory_space<vmem>>, vector<1x1x16xf32>,
        %get3A_3184 = arith.constant 15 : i32
        %get3A_3185 = arith.index_cast %get3A_3184 : i32 to index
        %get3A_3186 = arith.constant 144 : index
        %get3A_3187 = tpu.vector_load %arg5[%get3A_3185, %get3A_3186] {strides = array<i32>} : memref<16x256xf32, #tpu.memory_space<vmem>>, vector<1x16xf32>,
        %get3A_3188 = vector.shape_cast %get3A_3187 : vector<1x16xf32> to vector<16xf32>
        %swap3A_3189 = arith.constant 15 : i32
        %swap3A_3190 = arith.constant 25 : i32
        %swap3A_3191 = arith.index_cast %swap3A_3189 : i32 to index
        %swap3A_3192 = arith.index_cast %swap3A_3190 : i32 to index
        %swap3A_3193 = arith.constant 16 : index
        %swap3A_3194 = tpu.vector_load %arg4[%swap3A_3191, %swap3A_3192, %swap3A_3193] {strides = array<i32>} : memref<16x50x128xf32, #tpu.memory_space<vmem>>, vector<1x1x16xf32>,
        %swap3A_3195 = vector.shape_cast %swap3A_3194 : vector<1x1x16xf32> to vector<16xf32>
        %swap3A_3196 = vector.shape_cast %get3A_3188 : vector<16xf32> to vector<1x1x16xf32>
        tpu.vector_store %arg4[%swap3A_3191, %swap3A_3192, %swap3A_3193], %swap3A_3196 {strides = array<i32>} : memref<16x50x128xf32, #tpu.memory_space<vmem>>, vector<1x1x16xf32>,
        %get3A_3197 = arith.constant 15 : i32
        %get3A_3198 = arith.index_cast %get3A_3197 : i32 to index
        %get3A_3199 = arith.constant 32 : index
        %get3A_3200 = tpu.vector_load %arg5[%get3A_3198, %get3A_3199] {strides = array<i32>} : memref<16x256xf32, #tpu.memory_space<vmem>>, vector<1x16xf32>,
        %get3A_3201 = vector.shape_cast %get3A_3200 : vector<1x16xf32> to vector<16xf32>
        %swap3A_3202 = arith.constant 15 : i32
        %swap3A_3203 = arith.constant 0 : i32
        %swap3A_3204 = arith.index_cast %swap3A_3202 : i32 to index
        %swap3A_3205 = arith.index_cast %swap3A_3203 : i32 to index
        %swap3A_3206 = arith.constant 32 : index
        %swap3A_3207 = tpu.vector_load %arg4[%swap3A_3204, %swap3A_3205, %swap3A_3206] {strides = array<i32>} : memref<16x50x128xf32, #tpu.memory_space<vmem>>, vector<1x1x16xf32>,
        %swap3A_3208 = vector.shape_cast %swap3A_3207 : vector<1x1x16xf32> to vector<16xf32>
        %swap3A_3209 = vector.shape_cast %get3A_3201 : vector<16xf32> to vector<1x1x16xf32>
        tpu.vector_store %arg4[%swap3A_3204, %swap3A_3205, %swap3A_3206], %swap3A_3209 {strides = array<i32>} : memref<16x50x128xf32, #tpu.memory_space<vmem>>, vector<1x1x16xf32>,
        %get3A_3210 = arith.constant 15 : i32
        %get3A_3211 = arith.index_cast %get3A_3210 : i32 to index
        %get3A_3212 = arith.constant 160 : index
        %get3A_3213 = tpu.vector_load %arg5[%get3A_3211, %get3A_3212] {strides = array<i32>} : memref<16x256xf32, #tpu.memory_space<vmem>>, vector<1x16xf32>,
        %get3A_3214 = vector.shape_cast %get3A_3213 : vector<1x16xf32> to vector<16xf32>
        %swap3A_3215 = arith.constant 15 : i32
        %swap3A_3216 = arith.constant 25 : i32
        %swap3A_3217 = arith.index_cast %swap3A_3215 : i32 to index
        %swap3A_3218 = arith.index_cast %swap3A_3216 : i32 to index
        %swap3A_3219 = arith.constant 32 : index
        %swap3A_3220 = tpu.vector_load %arg4[%swap3A_3217, %swap3A_3218, %swap3A_3219] {strides = array<i32>} : memref<16x50x128xf32, #tpu.memory_space<vmem>>, vector<1x1x16xf32>,
        %swap3A_3221 = vector.shape_cast %swap3A_3220 : vector<1x1x16xf32> to vector<16xf32>
        %swap3A_3222 = vector.shape_cast %get3A_3214 : vector<16xf32> to vector<1x1x16xf32>
        tpu.vector_store %arg4[%swap3A_3217, %swap3A_3218, %swap3A_3219], %swap3A_3222 {strides = array<i32>} : memref<16x50x128xf32, #tpu.memory_space<vmem>>, vector<1x1x16xf32>,
        %get3A_3223 = arith.constant 15 : i32
        %get3A_3224 = arith.index_cast %get3A_3223 : i32 to index
        %get3A_3225 = arith.constant 48 : index
        %get3A_3226 = tpu.vector_load %arg5[%get3A_3224, %get3A_3225] {strides = array<i32>} : memref<16x256xf32, #tpu.memory_space<vmem>>, vector<1x16xf32>,
        %get3A_3227 = vector.shape_cast %get3A_3226 : vector<1x16xf32> to vector<16xf32>
        %swap3A_3228 = arith.constant 15 : i32
        %swap3A_3229 = arith.constant 0 : i32
        %swap3A_3230 = arith.index_cast %swap3A_3228 : i32 to index
        %swap3A_3231 = arith.index_cast %swap3A_3229 : i32 to index
        %swap3A_3232 = arith.constant 48 : index
        %swap3A_3233 = tpu.vector_load %arg4[%swap3A_3230, %swap3A_3231, %swap3A_3232] {strides = array<i32>} : memref<16x50x128xf32, #tpu.memory_space<vmem>>, vector<1x1x16xf32>,
        %swap3A_3234 = vector.shape_cast %swap3A_3233 : vector<1x1x16xf32> to vector<16xf32>
        %swap3A_3235 = vector.shape_cast %get3A_3227 : vector<16xf32> to vector<1x1x16xf32>
        tpu.vector_store %arg4[%swap3A_3230, %swap3A_3231, %swap3A_3232], %swap3A_3235 {strides = array<i32>} : memref<16x50x128xf32, #tpu.memory_space<vmem>>, vector<1x1x16xf32>,
        %get3A_3236 = arith.constant 15 : i32
        %get3A_3237 = arith.index_cast %get3A_3236 : i32 to index
        %get3A_3238 = arith.constant 176 : index
        %get3A_3239 = tpu.vector_load %arg5[%get3A_3237, %get3A_3238] {strides = array<i32>} : memref<16x256xf32, #tpu.memory_space<vmem>>, vector<1x16xf32>,
        %get3A_3240 = vector.shape_cast %get3A_3239 : vector<1x16xf32> to vector<16xf32>
        %swap3A_3241 = arith.constant 15 : i32
        %swap3A_3242 = arith.constant 25 : i32
        %swap3A_3243 = arith.index_cast %swap3A_3241 : i32 to index
        %swap3A_3244 = arith.index_cast %swap3A_3242 : i32 to index
        %swap3A_3245 = arith.constant 48 : index
        %swap3A_3246 = tpu.vector_load %arg4[%swap3A_3243, %swap3A_3244, %swap3A_3245] {strides = array<i32>} : memref<16x50x128xf32, #tpu.memory_space<vmem>>, vector<1x1x16xf32>,
        %swap3A_3247 = vector.shape_cast %swap3A_3246 : vector<1x1x16xf32> to vector<16xf32>
        %swap3A_3248 = vector.shape_cast %get3A_3240 : vector<16xf32> to vector<1x1x16xf32>
        tpu.vector_store %arg4[%swap3A_3243, %swap3A_3244, %swap3A_3245], %swap3A_3248 {strides = array<i32>} : memref<16x50x128xf32, #tpu.memory_space<vmem>>, vector<1x1x16xf32>,
        %get3A_3249 = arith.constant 15 : i32
        %get3A_3250 = arith.index_cast %get3A_3249 : i32 to index
        %get3A_3251 = arith.constant 64 : index
        %get3A_3252 = tpu.vector_load %arg5[%get3A_3250, %get3A_3251] {strides = array<i32>} : memref<16x256xf32, #tpu.memory_space<vmem>>, vector<1x16xf32>,
        %get3A_3253 = vector.shape_cast %get3A_3252 : vector<1x16xf32> to vector<16xf32>
        %swap3A_3254 = arith.constant 15 : i32
        %swap3A_3255 = arith.constant 0 : i32
        %swap3A_3256 = arith.index_cast %swap3A_3254 : i32 to index
        %swap3A_3257 = arith.index_cast %swap3A_3255 : i32 to index
        %swap3A_3258 = arith.constant 64 : index
        %swap3A_3259 = tpu.vector_load %arg4[%swap3A_3256, %swap3A_3257, %swap3A_3258] {strides = array<i32>} : memref<16x50x128xf32, #tpu.memory_space<vmem>>, vector<1x1x16xf32>,
        %swap3A_3260 = vector.shape_cast %swap3A_3259 : vector<1x1x16xf32> to vector<16xf32>
        %swap3A_3261 = vector.shape_cast %get3A_3253 : vector<16xf32> to vector<1x1x16xf32>
        tpu.vector_store %arg4[%swap3A_3256, %swap3A_3257, %swap3A_3258], %swap3A_3261 {strides = array<i32>} : memref<16x50x128xf32, #tpu.memory_space<vmem>>, vector<1x1x16xf32>,
        %get3A_3262 = arith.constant 15 : i32
        %get3A_3263 = arith.index_cast %get3A_3262 : i32 to index
        %get3A_3264 = arith.constant 192 : index
        %get3A_3265 = tpu.vector_load %arg5[%get3A_3263, %get3A_3264] {strides = array<i32>} : memref<16x256xf32, #tpu.memory_space<vmem>>, vector<1x16xf32>,
        %get3A_3266 = vector.shape_cast %get3A_3265 : vector<1x16xf32> to vector<16xf32>
        %swap3A_3267 = arith.constant 15 : i32
        %swap3A_3268 = arith.constant 25 : i32
        %swap3A_3269 = arith.index_cast %swap3A_3267 : i32 to index
        %swap3A_3270 = arith.index_cast %swap3A_3268 : i32 to index
        %swap3A_3271 = arith.constant 64 : index
        %swap3A_3272 = tpu.vector_load %arg4[%swap3A_3269, %swap3A_3270, %swap3A_3271] {strides = array<i32>} : memref<16x50x128xf32, #tpu.memory_space<vmem>>, vector<1x1x16xf32>,
        %swap3A_3273 = vector.shape_cast %swap3A_3272 : vector<1x1x16xf32> to vector<16xf32>
        %swap3A_3274 = vector.shape_cast %get3A_3266 : vector<16xf32> to vector<1x1x16xf32>
        tpu.vector_store %arg4[%swap3A_3269, %swap3A_3270, %swap3A_3271], %swap3A_3274 {strides = array<i32>} : memref<16x50x128xf32, #tpu.memory_space<vmem>>, vector<1x1x16xf32>,
        %get3A_3275 = arith.constant 15 : i32
        %get3A_3276 = arith.index_cast %get3A_3275 : i32 to index
        %get3A_3277 = arith.constant 80 : index
        %get3A_3278 = tpu.vector_load %arg5[%get3A_3276, %get3A_3277] {strides = array<i32>} : memref<16x256xf32, #tpu.memory_space<vmem>>, vector<1x16xf32>,
        %get3A_3279 = vector.shape_cast %get3A_3278 : vector<1x16xf32> to vector<16xf32>
        %swap3A_3280 = arith.constant 15 : i32
        %swap3A_3281 = arith.constant 0 : i32
        %swap3A_3282 = arith.index_cast %swap3A_3280 : i32 to index
        %swap3A_3283 = arith.index_cast %swap3A_3281 : i32 to index
        %swap3A_3284 = arith.constant 80 : index
        %swap3A_3285 = tpu.vector_load %arg4[%swap3A_3282, %swap3A_3283, %swap3A_3284] {strides = array<i32>} : memref<16x50x128xf32, #tpu.memory_space<vmem>>, vector<1x1x16xf32>,
        %swap3A_3286 = vector.shape_cast %swap3A_3285 : vector<1x1x16xf32> to vector<16xf32>
        %swap3A_3287 = vector.shape_cast %get3A_3279 : vector<16xf32> to vector<1x1x16xf32>
        tpu.vector_store %arg4[%swap3A_3282, %swap3A_3283, %swap3A_3284], %swap3A_3287 {strides = array<i32>} : memref<16x50x128xf32, #tpu.memory_space<vmem>>, vector<1x1x16xf32>,
        %get3A_3288 = arith.constant 15 : i32
        %get3A_3289 = arith.index_cast %get3A_3288 : i32 to index
        %get3A_3290 = arith.constant 208 : index
        %get3A_3291 = tpu.vector_load %arg5[%get3A_3289, %get3A_3290] {strides = array<i32>} : memref<16x256xf32, #tpu.memory_space<vmem>>, vector<1x16xf32>,
        %get3A_3292 = vector.shape_cast %get3A_3291 : vector<1x16xf32> to vector<16xf32>
        %swap3A_3293 = arith.constant 15 : i32
        %swap3A_3294 = arith.constant 25 : i32
        %swap3A_3295 = arith.index_cast %swap3A_3293 : i32 to index
        %swap3A_3296 = arith.index_cast %swap3A_3294 : i32 to index
        %swap3A_3297 = arith.constant 80 : index
        %swap3A_3298 = tpu.vector_load %arg4[%swap3A_3295, %swap3A_3296, %swap3A_3297] {strides = array<i32>} : memref<16x50x128xf32, #tpu.memory_space<vmem>>, vector<1x1x16xf32>,
        %swap3A_3299 = vector.shape_cast %swap3A_3298 : vector<1x1x16xf32> to vector<16xf32>
        %swap3A_3300 = vector.shape_cast %get3A_3292 : vector<16xf32> to vector<1x1x16xf32>
        tpu.vector_store %arg4[%swap3A_3295, %swap3A_3296, %swap3A_3297], %swap3A_3300 {strides = array<i32>} : memref<16x50x128xf32, #tpu.memory_space<vmem>>, vector<1x1x16xf32>,
        %get3A_3301 = arith.constant 15 : i32
        %get3A_3302 = arith.index_cast %get3A_3301 : i32 to index
        %get3A_3303 = arith.constant 96 : index
        %get3A_3304 = tpu.vector_load %arg5[%get3A_3302, %get3A_3303] {strides = array<i32>} : memref<16x256xf32, #tpu.memory_space<vmem>>, vector<1x16xf32>,
        %get3A_3305 = vector.shape_cast %get3A_3304 : vector<1x16xf32> to vector<16xf32>
        %swap3A_3306 = arith.constant 15 : i32
        %swap3A_3307 = arith.constant 0 : i32
        %swap3A_3308 = arith.index_cast %swap3A_3306 : i32 to index
        %swap3A_3309 = arith.index_cast %swap3A_3307 : i32 to index
        %swap3A_3310 = arith.constant 96 : index
        %swap3A_3311 = tpu.vector_load %arg4[%swap3A_3308, %swap3A_3309, %swap3A_3310] {strides = array<i32>} : memref<16x50x128xf32, #tpu.memory_space<vmem>>, vector<1x1x16xf32>,
        %swap3A_3312 = vector.shape_cast %swap3A_3311 : vector<1x1x16xf32> to vector<16xf32>
        %swap3A_3313 = vector.shape_cast %get3A_3305 : vector<16xf32> to vector<1x1x16xf32>
        tpu.vector_store %arg4[%swap3A_3308, %swap3A_3309, %swap3A_3310], %swap3A_3313 {strides = array<i32>} : memref<16x50x128xf32, #tpu.memory_space<vmem>>, vector<1x1x16xf32>,
        %get3A_3314 = arith.constant 15 : i32
        %get3A_3315 = arith.index_cast %get3A_3314 : i32 to index
        %get3A_3316 = arith.constant 224 : index
        %get3A_3317 = tpu.vector_load %arg5[%get3A_3315, %get3A_3316] {strides = array<i32>} : memref<16x256xf32, #tpu.memory_space<vmem>>, vector<1x16xf32>,
        %get3A_3318 = vector.shape_cast %get3A_3317 : vector<1x16xf32> to vector<16xf32>
        %swap3A_3319 = arith.constant 15 : i32
        %swap3A_3320 = arith.constant 25 : i32
        %swap3A_3321 = arith.index_cast %swap3A_3319 : i32 to index
        %swap3A_3322 = arith.index_cast %swap3A_3320 : i32 to index
        %swap3A_3323 = arith.constant 96 : index
        %swap3A_3324 = tpu.vector_load %arg4[%swap3A_3321, %swap3A_3322, %swap3A_3323] {strides = array<i32>} : memref<16x50x128xf32, #tpu.memory_space<vmem>>, vector<1x1x16xf32>,
        %swap3A_3325 = vector.shape_cast %swap3A_3324 : vector<1x1x16xf32> to vector<16xf32>
        %swap3A_3326 = vector.shape_cast %get3A_3318 : vector<16xf32> to vector<1x1x16xf32>
        tpu.vector_store %arg4[%swap3A_3321, %swap3A_3322, %swap3A_3323], %swap3A_3326 {strides = array<i32>} : memref<16x50x128xf32, #tpu.memory_space<vmem>>, vector<1x1x16xf32>,
        %get3A_3327 = arith.constant 15 : i32
        %get3A_3328 = arith.index_cast %get3A_3327 : i32 to index
        %get3A_3329 = arith.constant 112 : index
        %get3A_3330 = tpu.vector_load %arg5[%get3A_3328, %get3A_3329] {strides = array<i32>} : memref<16x256xf32, #tpu.memory_space<vmem>>, vector<1x16xf32>,
        %get3A_3331 = vector.shape_cast %get3A_3330 : vector<1x16xf32> to vector<16xf32>
        %swap3A_3332 = arith.constant 15 : i32
        %swap3A_3333 = arith.constant 0 : i32
        %swap3A_3334 = arith.index_cast %swap3A_3332 : i32 to index
        %swap3A_3335 = arith.index_cast %swap3A_3333 : i32 to index
        %swap3A_3336 = arith.constant 112 : index
        %swap3A_3337 = tpu.vector_load %arg4[%swap3A_3334, %swap3A_3335, %swap3A_3336] {strides = array<i32>} : memref<16x50x128xf32, #tpu.memory_space<vmem>>, vector<1x1x16xf32>,
        %swap3A_3338 = vector.shape_cast %swap3A_3337 : vector<1x1x16xf32> to vector<16xf32>
        %swap3A_3339 = vector.shape_cast %get3A_3331 : vector<16xf32> to vector<1x1x16xf32>
        tpu.vector_store %arg4[%swap3A_3334, %swap3A_3335, %swap3A_3336], %swap3A_3339 {strides = array<i32>} : memref<16x50x128xf32, #tpu.memory_space<vmem>>, vector<1x1x16xf32>,
        %get3A_3340 = arith.constant 15 : i32
        %get3A_3341 = arith.index_cast %get3A_3340 : i32 to index
        %get3A_3342 = arith.constant 240 : index
        %get3A_3343 = tpu.vector_load %arg5[%get3A_3341, %get3A_3342] {strides = array<i32>} : memref<16x256xf32, #tpu.memory_space<vmem>>, vector<1x16xf32>,
        %get3A_3344 = vector.shape_cast %get3A_3343 : vector<1x16xf32> to vector<16xf32>
        %swap3A_3345 = arith.constant 15 : i32
        %swap3A_3346 = arith.constant 25 : i32
        %swap3A_3347 = arith.index_cast %swap3A_3345 : i32 to index
        %swap3A_3348 = arith.index_cast %swap3A_3346 : i32 to index
        %swap3A_3349 = arith.constant 112 : index
        %swap3A_3350 = tpu.vector_load %arg4[%swap3A_3347, %swap3A_3348, %swap3A_3349] {strides = array<i32>} : memref<16x50x128xf32, #tpu.memory_space<vmem>>, vector<1x1x16xf32>,
        %swap3A_3351 = vector.shape_cast %swap3A_3350 : vector<1x1x16xf32> to vector<16xf32>
        %swap3A_3352 = vector.shape_cast %get3A_3344 : vector<16xf32> to vector<1x1x16xf32>
        tpu.vector_store %arg4[%swap3A_3347, %swap3A_3348, %swap3A_3349], %swap3A_3352 {strides = array<i32>} : memref<16x50x128xf32, #tpu.memory_space<vmem>>, vector<1x1x16xf32>,
        %dma_start3A_3353 = arith.constant 0 : i32
        %dma_start3A_3354 = arith.constant 0 : i32
        %dma_start3A_3355 = tpu.memref_slice %arg3[%mul3A_20, %dma_start3A_3353, %dma_start3A_3354] : memref<10000x50x128xf32, #tpu.memory_space<hbm>> -> memref<16x50x128xf32, #tpu.memory_space<hbm>>
        %dma_start3A_3356 = arith.constant 0 : i32
        %dma_start3A_3357 = arith.constant 0 : i32
        %dma_start3A_3358 = tpu.memref_slice %arg3[%mul3A_20, %dma_start3A_3356, %dma_start3A_3357] : memref<10000x50x128xf32, #tpu.memory_space<hbm>> -> memref<16x50x128xf32, #tpu.memory_space<hbm>>
        tpu.enqueue_dma source(%arg4 : memref<16x50x128xf32, #tpu.memory_space<vmem>>) target(%dma_start3A_3358 : memref<16x50x128xf32, #tpu.memory_space<hbm>>) target_semaphore(%arg7 : memref<!tpu.dma_semaphore, #tpu.memory_space<semaphore_mem>>)
        %dma_wait3A_3359 = arith.constant 0 : i32
        %dma_wait3A_3360 = arith.constant 0 : i32
        %dma_wait3A_3361 = tpu.memref_slice %arg3[%mul3A_20, %dma_wait3A_3359, %dma_wait3A_3360] : memref<10000x50x128xf32, #tpu.memory_space<hbm>> -> memref<16x50x128xf32, #tpu.memory_space<hbm>>
        %dma_wait3A_3362 = arith.constant 0 : i32
        %dma_wait3A_3363 = arith.constant 0 : i32
        %dma_wait3A_3364 = tpu.memref_slice %arg3[%mul3A_20, %dma_wait3A_3362, %dma_wait3A_3363] : memref<10000x50x128xf32, #tpu.memory_space<hbm>> -> memref<16x50x128xf32, #tpu.memory_space<hbm>>
        tpu.wait_dma2 semaphore(%arg7 : memref<!tpu.dma_semaphore, #tpu.memory_space<semaphore_mem>>) src(%arg4 : memref<16x50x128xf32, #tpu.memory_space<vmem>>) dst(%dma_wait3A_3364 : memref<16x50x128xf32, #tpu.memory_space<hbm>>)
      } else {
      }
    }
    %scan3A_12 = arith.constant 20 : i32
    return
  }
}

</mosaic_0001>

<sc_bundles>
// kernel: kernel.3.cloned.1.call-start
scs
__scs_entry_jumppad:
0x0: {  	(pc) =	sbr.rel $0x88, $3  }
0x1: {  	(tag) =	ssettag $0x0;
	lr =	simm.s32 $0x1  }
0x2: {  	[smem:$0x3FA0] =	sst lr;
	_ =	strace $0xD0000000  }
0x3: {  	_ = 	snop  }
0x4: {  	_ = 	snop  }
0x5: {  	_ = 	snop  }
0x6: {  	_ = 	snop  }
0x7: {  	_ = 	snop  }
__scs_overlays_trampoline_lowered:
0x8: {  	[smem:$0x3FAF] =	sst s0  }
0x9: {  	[smem:$0x3FB0] =	sst s1  }
0xa: {  	[smem:$0x3FB1] =	sst s2  }
0xb: {  	[smem:$0x3FB2] =	sst s3  }
0xc: {  	[smem:$0x3FB3] =	sst s4  }
0xd: {  	[smem:$0x3FB4] =	sst s5  }
0xe: {  	[smem:$0x3FB5] =	sst s6  }
0xf: {  	[smem:$0x3FB6] =	sst s7  }
0x10: {  	[smem:$0x3FB7] =	sst s8  }
0x11: {  	[smem:$0x3FB8] =	sst s9;
	s0 =	simm.s32 @!p0 $0x0  }
0x12: {  	s1 =	sld [smem:$0x3F9E];
	s0 =	simm.s32 @p0 $0x1  }
0x13: {  	[smem:$0x3FB9] =	sst s0;
	s0 =	simm.s32 @!p1 $0x0  }
0x14: {  	s2 =	sld [smem:$0x3F9D];
	s0 =	simm.s32 @p1 $0x1  }
0x15: {  	[smem:$0x3FBA] =	sst s0;
	s0 =	simm.s32 @!p2 $0x0  }
0x16: {  	s3 =	sld [smem:$0x3FDB];
	s0 =	simm.s32 @p2 $0x1  }
0x17: {  	s4 =	simm.s32 $0x1BF5;
	[smem:$0x3FBC] =	sst s0  }
0x18: {  	s0 =	sld [smem:$0x3F9F];
	_ =	swait.ge [sflag:s4], $0x0  }
0x19: {  	s7 =	sld [smem:$0x3FA0]  }
0x1a: {  	s8 =	sadd.s32 $0xFFFFE003, lr  }
0x1b: {  	s9 =	sadd.s32 $0xFFFFFEF7, lr;
	s5 =	simm.s32 $0xFFFFFFFF;
	p2 =	slt.u32 s8, $0xFFFFF086  }
0x1c: {  	p1 =	slt.u32 s9, $0xF7A;
	s5 =	simm.s32 @!p2 $0x0  }
0x1d: {  	s5 =	simm.s32 @p1 $0x1;
	p0 =	seq.s32 s7, s2  }
0x1e: {  	s7 =	smul.u32 @!p0 $0xF7A, s2;
	p2 =	seq.s32 @!p0 s5, $0x0  }
0x1f: {  	s9 =	smul.u32 $0xF7A, s1;
	s8 =	simm.s32 @!p0 $0x1BF5;
	p2 =	por !p2, p0  }
0x20: {  	[sflag:s8] =	ssyncset.s32 @!p0 $0xFFFFF086;
	s6 =	sadd.s32 @!p0 s3, s7;
	s7 =	simm.s32 @!p0 $0x108  }
0x21: {  	s3 =	sadd.s32 s3, s9;
	s6 =	sadd.s32 @!p0 $0x88, s6;
	s7 =	simm.s32 @p2 $0x1082  }
0x22: {  	[simem:s7], [sflag:s8] =	dma.local @!p0 [hbm:s6], $0xF7A  }
0x23: {  	s9 =	sor.u32 $0xD0000000, s2;
	s6 =	simm.s32 $0x108;
	_ =	swait.ge @!p0 [sflag:s8], $0x0  }
0x24: {  	s3 =	sadd.s32 $0x88, s3;
	s6 =	simm.s32 @!p1 $0x1082;
	[sflag:s4] =	ssyncset.s32 $0xFFFFF086  }
0x25: {  	[simem:s6], [sflag:s4] =	dma.local [hbm:s3], $0xF7A  }
0x26: {  	[smem:$0x3FA0] =	sst s1;
	(tag) =	ssettag s2;
	_ =	strace s9  }
0x27: {  	s1 =	sld [smem:$0x3FB0]  }
0x28: {  	s2 =	sld [smem:$0x3FB1]  }
0x29: {  	s4 =	sld [smem:$0x3FB3]  }
0x2a: {  	p0 =	seq.s32 s5, $0x0;
	s5 =	sld [smem:$0x3FB4]  }
0x2b: {  	s6 =	sld [smem:$0x3FB5]  }
0x2c: {  	s7 =	sld [smem:$0x3FB6]  }
0x2d: {  	s3 =	simm.s32 $0x108;
	s8 =	sld [smem:$0x3FB7]  }
0x2e: {  	s3 =	simm.s32 @!p0 $0x1082;
	s9 =	sld [smem:$0x3FB8]  }
0x2f: {  	lr =	sadd.s32 s0, s3;
	s0 =	sld [smem:$0x3FAF]  }
0x30: {  	s3 =	sld [smem:$0x3FB2]  }
0x31: {  	[smem:$0x3FBB] =	sst s10  }
0x32: {  	s10 =	sld [smem:$0x3FB9];
	_ =	sdelay $0x3  }
0x33: {  	p0 =	seq.s32 s10, $0x1;
	s10 =	sld [smem:$0x3FBB];
	_ =	sdelay $0x3  }
0x34: {  	[smem:$0x3FBB] =	sst s10  }
0x35: {  	s10 =	sld [smem:$0x3FBA];
	_ =	sdelay $0x3  }
0x36: {  	p1 =	seq.s32 s10, $0x1;
	s10 =	sld [smem:$0x3FBB];
	_ =	sdelay $0x3  }
0x37: {  	[smem:$0x3FBB] =	sst s10  }
0x38: {  	s10 =	sld [smem:$0x3FBC]  }
0x39: {  	_ = 	snop;
	(pc) =	sbr.ind lr, $3  }
0x3a: {  	_ = 	snop  }
0x3b: {  	_ = 	snop  }
0x3c: {  	p2 =	seq.s32 s10, $0x1;
	s10 =	sld [smem:$0x3FBB]  }
0x3d: {  	_ =	shalt  }
0x3e: {  	_ =	shalt  }
0x3f: {  	_ =	shalt  }
0x40: {  	_ =	shalt  }
0x41: {  	_ =	shalt  }
0x42: {  	_ =	shalt  }
0x43: {  	_ =	shalt  }
0x44: {  	_ =	shalt  }
0x45: {  	_ =	shalt  }
0x46: {  	_ =	shalt  }
0x47: {  	_ =	shalt  }
0x48: {  	_ =	shalt  }
0x49: {  	_ =	shalt  }
0x4a: {  	_ =	shalt  }
0x4b: {  	_ =	shalt  }
0x4c: {  	_ =	shalt  }
0x4d: {  	_ =	shalt  }
0x4e: {  	_ =	shalt  }
0x4f: {  	_ =	shalt  }
0x50: {  	_ =	shalt  }
0x51: {  	_ =	shalt  }
0x52: {  	_ =	shalt  }
0x53: {  	_ =	shalt  }
0x54: {  	_ =	shalt  }
0x55: {  	_ =	shalt  }
0x56: {  	_ =	shalt  }
0x57: {  	_ =	shalt  }
0x58: {  	_ =	shalt  }
0x59: {  	_ =	shalt  }
0x5a: {  	_ =	shalt  }
0x5b: {  	_ =	shalt  }
0x5c: {  	_ =	shalt  }
0x5d: {  	_ =	shalt  }
0x5e: {  	_ =	shalt  }
0x5f: {  	_ =	shalt  }
0x60: {  	_ =	shalt  }
0x61: {  	_ =	shalt  }
0x62: {  	_ =	shalt  }
0x63: {  	_ =	shalt  }
0x64: {  	_ =	shalt  }
0x65: {  	_ =	shalt  }
0x66: {  	_ =	shalt  }
0x67: {  	_ =	shalt  }
0x68: {  	_ =	shalt  }
0x69: {  	_ =	shalt  }
0x6a: {  	_ =	shalt  }
0x6b: {  	_ =	shalt  }
0x6c: {  	_ =	shalt  }
0x6d: {  	_ =	shalt  }
0x6e: {  	_ =	shalt  }
0x6f: {  	_ =	shalt  }
0x70: {  	_ =	shalt  }
0x71: {  	_ =	shalt  }
0x72: {  	_ =	shalt  }
0x73: {  	_ =	shalt  }
0x74: {  	_ =	shalt  }
0x75: {  	_ =	shalt  }
0x76: {  	_ =	shalt  }
0x77: {  	_ =	shalt  }
0x78: {  	_ =	shalt  }
0x79: {  	_ =	shalt  }
0x7a: {  	_ =	shalt  }
0x7b: {  	_ =	shalt  }
0x7c: {  	_ =	shalt  }
0x7d: {  	_ =	shalt  }
0x7e: {  	_ =	shalt  }
0x7f: {  	_ =	shalt  }
0x80: {  	_ =	shalt  }
0x81: {  	_ =	shalt  }
0x82: {  	_ =	shalt  }
0x83: {  	_ =	shalt  }
0x84: {  	_ =	shalt  }
0x85: {  	_ =	shalt  }
0x86: {  	_ =	shalt  }
0x87: {  	_ =	shalt  }
.Lfunc_end0:
.L_simem_size_0:
called_computation_lowered:
.L_overlay_start_0:
0x88: {  	s2 =	sld [smem:$0x3FD9]  }
0x89: {  	s3 =	sld [smem:$0x3FFE];
	_ =	sdelay $0x1  }
0x8a: {  	s1 =	srdreg.scid  }
0x8b: {  	s0 =	sand.u32 $0x1, s1  }
0x8c: {  	s17 =	sshll.u32 s0, $0xA;
	s2 =	sadd.s32 s3, s2  }
0x8d: {  	s2 =	sadd.s32 s2, s17  }
0x8e: {  	[smem:$0x3FC7] =	sst s2  }
0x8f: {  	_ = 	snop  }
0x90: {  	s2 =	sld [smem:$0x3FC9];
	(tm) =	ssettm $0x1  }
0x91: {  	s18 =	sld [smem:$0x3FFB];
	_ =	sdelay $0x3  }
0x92: {  	_ =	strace s18  }
0x93: {  	s3 =	sld [smem:$0x3FFC];
	_ =	sdelay $0x3  }
0x94: {  	_ =	strace s3  }
0x95: {  	s3 =	sld [smem:$0x3FFD];
	_ =	sdelay $0x3  }
0x96: {  	_ =	strace s3  }
0x97: {  	_ =	strace $0x8FFFFFFF  }
0x98: {  	s19 =	sld [smem:$0x3FDB];
	_ =	sdelay $0x1  }
0x99: {  	s4 =	simm.s32 $_scs_section_size  }
0x9a: {  	s5 =	simm.s32 $_size__tile_overlayer_lowered;
	s6 =	simm.s32 $_tile_overlayer_lowered  }
0x9b: {  	s22 =	simm.s32 $0x1BFF;
	s21 =	sshll.u32 s6, $0x1;
	s3 =	sadd.s32 s4, s19  }
0x9c: {  	s7 =	simm.s32 $0x0;
	s20 =	sshll.u32 s5, $0x1;
	s5 =	sadd.s32 s21, s3  }
0x9d: {  	[timem:s7], [sflag:s22] =	dma.local [hbm:s5], s20  }
0x9e: {  	_ =	swait.ge [sflag:s22], s20  }
0x9f: {  	s4 =	ssub.s32 $0x0, s20;
	[sflag:s22] =	ssyncset.done $0x0  }
0xa0: {  	[sflag:s22] =	ssyncadd.s32 s4;
	_ =	sdelay $0x1  }
0xa1: {  	s23 =	simm.s32 $0x1B8B  }
0xa2: {  	_ =	swait.ge [sflag:s23], $0x1  }
0xa3: {  	[sflag:s23] =	ssyncset.done $0x0  }
0xa4: {  	s25 =	simm.s32 $0x1B8E;
	s24 =	sld [smem:$0x3FFE];
	[sflag:s23] =	ssyncadd.s32 $0xFFFFFFFF  }
0xa5: {  	s26 =	simm.s32 $execute0_lowered;
	[smem:$0x3FD2] =	sst s25  }
0xa6: {  	s5 =	sshll.u32 s26, $0x1;
	_ =	strace $0x80000046;
	[dreg:$0x1] =	wrdreg $0xFFFFFFFF  }
0xa7: {  	s28 =	simm.s32 $_size_execute0_lowered;
	s3 =	sadd.s32 s3, s5;
	[dreg:$0x0] =	wrdreg $0x0  }
0xa8: {  	s5 =	sshll.u32 s28, $0x1;
	[dreg:$0x2] =	wrdreg s3  }
0xa9: {  	[dreg:$0x3] =	wrdreg s5  }
0xaa: {  	[dreg:$0x4] =	wrdreg $0xC0  }
0xab: {  	_ =	task [dreg:s7], $0x5FFFF  }
0xac: {  	[dreg:$0x1] =	wrdreg $0xFFFFFFFF  }
0xad: {  	[dreg:$0x0] =	wrdreg $0x60  }
0xae: {  	[dreg:$0x2] =	wrdreg s2  }
0xaf: {  	[dreg:$0x3] =	wrdreg s24  }
0xb0: {  	[dreg:$0x4] =	wrdreg $0x9  }
0xb1: {  	_ =	task.clear_ibuf [dreg:s7], $0x5FFFF;
	_ =	strace $0x90000046  }
0xb2: {  	s29 =	simm.s32 $0x9;
	_ =	strace $0x80000048  }
0xb3: {  	_ =	swait.ge [sflag:s29], $0x1  }
0xb4: {  	[sflag:s29] =	ssyncadd.s32 $0xFFFFFFFF  }
0xb5: {  	_ =	strace $0x90000048  }
0xb6: {  	_ =	sfence  }
0xb7: {  	s30 =	sld [smem:$0x0];
	_ =	sdelay $0x2  }
0xb8: {  	s31 =	sshll.u32 s1, $0xD;
	s1 =	sshrl.u32 s1, $0x2  }
0xb9: {  	s3 =	sand.u32 $0x4000, s31;
	s1 =	sadd.s32 s1, s30  }
0xba: {  	s0 =	sor.u32 s3, s0;
	s1 =	sshll.u32 s1, $0x11  }
0xbb: {  	s0 =	sor.u32 s1, s0  }
0xbc: {  	s0 =	sadd.s32 $0x8F2B, s0  }
0xbd: {  	[sflag:s0] =	ssyncadd.remote.s32 $0x1  }
0xbe: {  	_ =	sfence.sel $0xFFFF  }
0xbf: {  	[dreg:$0x0] =	wrdreg $0xFFFFFFFF;
	(pc) =	sbr.abs _section_cstart, $3  }
0xc0: {  	[dreg:$0x1] =	wrdreg $0xFFFFFFFF  }
0xc1: {  	_ =	task.clear_ibuf [dreg:s7], $0x2FFFF;
	_ =	strace $0x9FFFFFFF  }
0xc2: {  	(tm) =	ssettm $0x7FFFFFFF  }
0xc3: {  	_ =	shalt  }
tec
execute0_lowered:
.L_overlay_start_1:
0x0: {  	(tag) =	ssettag $0x1  }
0x1: {  	s3 =	rddreg [dreg:$0x0]  }
0x2: {  	s4 =	rddreg [dreg:$0x1]  }
0x3: {  	s1 =	stileid.u32;
	s5 =	srdreg.scid  }
0x4: {  	s2 =	simm.s32 $0x0;
	s11 =	simm.s32 $0x5400;
	s12 =	simm.s32 $0x7000  }
0x5: {  	s13 =	simm.s32 $0x8C00;
	s14 =	simm.s32 $0xA800;
	s15 =	simm.s32 $0xC400  }
0x6: {  	s16 =	simm.s32 $0xE000;
	s17 =	simm.s32 $0xFC00;
	s18 =	simm.s32 $0x11800  }
0x7: {  	s19 =	simm.s32 $0x13400;
	s20 =	simm.s32 $0x15000;
	s21 =	simm.s32 $0x16C00  }
0x8: {  	s22 =	simm.s32 $0x18800;
	s23 =	simm.s32 $0x1A400;
	s24 =	simm.s32 $0x2  }
0x9: {  	s25 =	simm.s32 $0x0;
	s6 =	smul.u32 $0x7000, s1;
	s7 =	sand.u32 $0x1, s5  }
0xa: {  	[smem:$0x7FF] =	sst s2;
	s30 =	sshll.u32 s1, $0xA;
	s9 =	sshll.u32 s1, $0x1  }
0xb: {  	s5 =	ssub.s32 $0x2, s7;
	_ =	strace $0x80000047;
	s8 =	smul.u32 $0x3800, s7  }
.Ltmp0:
0xc: {  	s10 =	sshll.u32 s7, $0x9;
	s29 =	sshrl.u32 s5, $0x1;
	(pc) =	sbr.rel .LBB2_1-.Ltmp0, $4  }
0xd: {  	s6 =	sadd.s32 s6, s4;
	s4 =	ssub.s32 s5, s29;
	s5 =	sadd.s32 s30, s3  }
0xe: {  	s31 =	sadd.s32 s8, s6;
	s6 =	sor.u32 s7, s9;
	s7 =	simm.s32 $0x1C000  }
0xf: {  	s8 =	simm.s32 $0x1;
	s9 =	simm.s32 $0x1C00;
	s3 =	smax.u32 s4, $0x1  }
0x10: {  	v0 =	vimm.f32 $0.0e+00;
	s4 =	sadd.s32 s10, s5;
	s5 =	sadd.s32 $0x400, s31;
	s10 =	simm.s32 $0x3800  }
.LBB2_7:
0x11: {  	s25 =	sadd.s32 $0x1, s25  }
0x12: {  	p0 =	sne.s32 s25, s3  }
.Ltmp1:
0x13: {  	_ = 	snop;
	(pc) =	sbr.rel @!p0 .LBB2_8-.Ltmp1, $1  }
0x14: {  	_ =	sdelay $0x3  }
.LBB2_1:
0x15: {  	s26 =	smulhi.u32 $0x51EB851F, s2;
	_ =	sdelay $0x1  }
0x16: {  	s26 =	sshrl.u32 s26, $0x4  }
0x17: {  	s26 =	smul.u32 $0xC00, s26;
	_ =	sdelay $0x1  }
0x18: {  	s26 =	sshra.s32 s26, $0x2  }
0x19: {  	s26 =	sadd.s32 $0x0, s26  }
0x1a: {  	s29 =	simm.s32 $0x1;
	[tilespmem:s26+$0x70] =	vst v0  }
0x1b: {  	s28 =	simm.s32 $0x200;
	s30 =	simm.s32 $0x400;
	s31 =	smulhi.u32 $0x51EB851F, s29;
	[tilespmem:s26+$0x0] =	vst v0  }
.LBB2_2:
0x1c: {  	p0 =	sne.s32 s30, $0x63E00;
	[tilespmem:s26+$0x10] =	vst v0  }
0x1d: {  	s31 =	sshrl.u32 s31, $0x4;
	[tilespmem:s26+$0x20] =	vst v0  }
0x1e: {  	s31 =	smul.u32 $0xC00, s31;
	[tilespmem:s26+$0x30] =	vst v0  }
.Ltmp2:
0x1f: {  	[tilespmem:s26+$0x40] =	vst v0;
	(pc) =	sbr.rel @p0 .LBB2_2-.Ltmp2, $4  }
0x20: {  	s0 =	sshra.s32 s28, $0x2;
	s28 =	smov.u32 s30;
	s31 =	sshra.s32 s31, $0x2;
	[tilespmem:s26+$0x50] =	vst v0  }
0x21: {  	[tilespmem:s26+$0x60] =	vst v0;
	s26 =	sadd.s32 s0, s31  }
0x22: {  	s29 =	sadd.s32 $0x1, s29;
	[tilespmem:s26+$0x70] =	vst v0  }
0x23: {  	s30 =	sadd.s32 $0x200, s30;
	s31 =	smulhi.u32 $0x51EB851F, s29;
	[tilespmem:s26+$0x0] =	vst v0  }
0x24: {  	[tilespmem:s26+$0x10] =	vst v0  }
0x25: {  	[tilespmem:s26+$0x20] =	vst v0;
	s0 =	sshrl.u32 s31, $0x4  }
0x26: {  	[tilespmem:s26+$0x30] =	vst v0;
	s0 =	smul.u32 $0xC00, s0  }
0x27: {  	[tilespmem:s26+$0x40] =	vst v0  }
0x28: {  	s28 =	sshra.s32 s28, $0x2;
	[tilespmem:s26+$0x50] =	vst v0;
	s0 =	sshra.s32 s0, $0x2  }
0x29: {  	[tilespmem:s26+$0x60] =	vst v0;
	s0 =	sadd.s32 s28, s0  }
0x2a: {  	[tilespmem:s0+$0x70] =	vst v0  }
0x2b: {  	[tilespmem:s0+$0x0] =	vst v0  }
0x2c: {  	[tilespmem:s0+$0x10] =	vst v0  }
.Ltmp3:
0x2d: {  	[tilespmem:s0+$0x20] =	vst v0;
	(pc) =	sbr.rel .LBB2_4-.Ltmp3, $4  }
0x2e: {  	[tilespmem:s0+$0x30] =	vst v0  }
0x2f: {  	[tilespmem:s0+$0x40] =	vst v0  }
0x30: {  	[tilespmem:s0+$0x50] =	vst v0  }
0x31: {  	s26 =	simm.s32 $0x0;
	s29 =	smov.u32 s4;
	s28 =	smov.u32 s5;
	[tilespmem:s0+$0x60] =	vst v0  }
.LBB2_6:
0x32: {  	s26 =	sadd.s32 $0x20, s26  }
0x33: {  	p0 =	sne.s32 s26, $0x280  }
.Ltmp4:
0x34: {  	_ = 	snop;
	(pc) =	sbr.rel @!p0 .LBB2_7-.Ltmp4, $2  }
0x35: {  	_ =	sdelay $0x2  }
0x36: {  	s29 =	sadd.s32 $0x4000, s29;
	s28 =	sadd.s32 $0x70000, s28  }
.LBB2_4:
0x37: {  	s0 =	sadd.s32 s26, s6  }
0x38: {  	p0 =	sgt.u32 s0, $0x270  }
.Ltmp5:
0x39: {  	_ = 	snop;
	(pc) =	sbr.rel @p0 .LBB2_6-.Ltmp5, $1  }
0x3a: {  	_ =	sdelay $0x3  }
0x3b: {  	[tilespmem:s7], [sflag:$0x1] =	stream.linear.gather [hbm4b:s29+s2], $0x1000, $0x38;
	[tilespmem:$0x1D000] =	vst v63  }
0x3c: {  	_ =	swait.ge [sflag:s8], $0x1000  }
0x3d: {  	[sflag:s8] =	ssyncset.done $0x0  }
0x3e: {  	[sflag:s8] =	ssyncadd.s32 $0xFFFFF000  }
0x3f: {  	v1 =	vld [tilespmem:$0x1C000]  }
0x40: {  	v2 =	vld [tilespmem:$0x1C400]  }
0x41: {  	v3 =	vld [tilespmem:$0x1C010]  }
0x42: {  	v4 =	vld [tilespmem:$0x1C410]  }
0x43: {  	v5 =	vld [tilespmem:$0x1C020]  }
0x44: {  	v20 =	vld [tilespmem:$0x1C040];
	[tilespmem:$0x0] =	vst v1  }
0x45: {  	v21 =	vld [tilespmem:$0x1C440];
	[tilespmem:$0xC80] =	vst v2  }
0x46: {  	v1 =	vld [tilespmem:$0x1C420];
	[tilespmem:$0x10] =	vst v3  }
0x47: {  	v2 =	vld [tilespmem:$0x1C030];
	[tilespmem:$0xC90] =	vst v4  }
0x48: {  	v3 =	vld [tilespmem:$0x1C430];
	[tilespmem:$0x20] =	vst v5  }
0x49: {  	v22 =	vld [tilespmem:$0x1C460];
	[tilespmem:$0x40] =	vst v20  }
0x4a: {  	v23 =	vld [tilespmem:$0x1C070];
	[tilespmem:$0xCC0] =	vst v21  }
0x4b: {  	[tilespmem:$0xCA0] =	vst v1;
	v1 =	vld [tilespmem:$0x1C050]  }
0x4c: {  	[tilespmem:$0x30] =	vst v2;
	v2 =	vld [tilespmem:$0x1C450]  }
0x4d: {  	[tilespmem:$0xCB0] =	vst v3;
	v3 =	vld [tilespmem:$0x1C060]  }
0x4e: {  	[tilespmem:$0xCE0] =	vst v22  }
0x4f: {  	[tilespmem:$0x70] =	vst v23  }
0x50: {  	[tilespmem:$0x50] =	vst v1  }
0x51: {  	[tilespmem:$0xCD0] =	vst v2  }
0x52: {  	[tilespmem:$0x60] =	vst v3  }
0x53: {  	v1 =	vld [tilespmem:$0x1C470]  }
0x54: {  	v2 =	vld [tilespmem:$0x1C080]  }
0x55: {  	v3 =	vld [tilespmem:$0x1C480]  }
0x56: {  	v24 =	vld [tilespmem:$0x1C090]  }
0x57: {  	v25 =	vld [tilespmem:$0x1C490]  }
0x58: {  	[tilespmem:$0xCF0] =	vst v1;
	v1 =	vld [tilespmem:$0x1C0A0]  }
0x59: {  	v26 =	vld [tilespmem:$0x1C4B0];
	[tilespmem:$0x1C00] =	vst v2  }
0x5a: {  	v27 =	vld [tilespmem:$0x1C0C0];
	[tilespmem:$0x2880] =	vst v3  }
0x5b: {  	v2 =	vld [tilespmem:$0x1C4A0];
	[tilespmem:$0x1C10] =	vst v24  }
0x5c: {  	v3 =	vld [tilespmem:$0x1C0B0];
	[tilespmem:$0x2890] =	vst v25  }
0x5d: {  	[tilespmem:$0x1C20] =	vst v1;
	v1 =	vld [tilespmem:$0x1C4C0]  }
0x5e: {  	v28 =	vld [tilespmem:$0x1C0E0];
	[tilespmem:$0x28B0] =	vst v26  }
0x5f: {  	v29 =	vld [tilespmem:$0x1C4E0];
	[tilespmem:$0x1C40] =	vst v27  }
0x60: {  	[tilespmem:$0x28A0] =	vst v2;
	v2 =	vld [tilespmem:$0x1C0D0]  }
0x61: {  	[tilespmem:$0x1C30] =	vst v3;
	v3 =	vld [tilespmem:$0x1C4D0]  }
0x62: {  	[tilespmem:$0x28C0] =	vst v1;
	v1 =	vld [tilespmem:$0x1C0F0]  }
0x63: {  	v30 =	vld [tilespmem:$0x1C500];
	[tilespmem:$0x1C60] =	vst v28  }
0x64: {  	v31 =	vld [tilespmem:$0x1C110];
	[tilespmem:$0x28E0] =	vst v29  }
0x65: {  	[tilespmem:$0x1C50] =	vst v2;
	v2 =	vld [tilespmem:$0x1C4F0]  }
0x66: {  	[tilespmem:$0x28D0] =	vst v3;
	v3 =	vld [tilespmem:$0x1C100]  }
0x67: {  	[tilespmem:$0x1C70] =	vst v1;
	v1 =	vld [tilespmem:$0x1C510]  }
0x68: {  	v32 =	vld [tilespmem:$0x1C130];
	[tilespmem:$0x4480] =	vst v30  }
0x69: {  	v33 =	vld [tilespmem:$0x1C530];
	[tilespmem:$0x3810] =	vst v31  }
0x6a: {  	[tilespmem:$0x28F0] =	vst v2;
	v2 =	vld [tilespmem:$0x1C120]  }
0x6b: {  	[tilespmem:$0x3800] =	vst v3;
	v3 =	vld [tilespmem:$0x1C520]  }
0x6c: {  	[tilespmem:$0x4490] =	vst v1;
	v1 =	vld [tilespmem:$0x1C140]  }
0x6d: {  	v34 =	vld [tilespmem:$0x1C550];
	[tilespmem:$0x3830] =	vst v32  }
0x6e: {  	v35 =	vld [tilespmem:$0x1C160];
	[tilespmem:$0x44B0] =	vst v33  }
0x6f: {  	[tilespmem:$0x3820] =	vst v2;
	v2 =	vld [tilespmem:$0x1C540]  }
0x70: {  	[tilespmem:$0x44A0] =	vst v3;
	v3 =	vld [tilespmem:$0x1C150]  }
0x71: {  	[tilespmem:$0x3840] =	vst v1;
	v1 =	vld [tilespmem:$0x1C560]  }
0x72: {  	v36 =	vld [tilespmem:$0x1C180];
	[tilespmem:$0x44D0] =	vst v34  }
0x73: {  	v37 =	vld [tilespmem:$0x1C580];
	[tilespmem:$0x3860] =	vst v35  }
0x74: {  	[tilespmem:$0x44C0] =	vst v2;
	v2 =	vld [tilespmem:$0x1C170]  }
0x75: {  	[tilespmem:$0x3850] =	vst v3;
	v3 =	vld [tilespmem:$0x1C570]  }
0x76: {  	[tilespmem:$0x44E0] =	vst v1;
	v1 =	vld [tilespmem:$0x1C190]  }
0x77: {  	v38 =	vld [tilespmem:$0x1C5A0];
	[tilespmem:$0x5400] =	vst v36  }
0x78: {  	v39 =	vld [tilespmem:$0x1C1B0];
	[tilespmem:$0x6080] =	vst v37  }
0x79: {  	[tilespmem:$0x3870] =	vst v2;
	v2 =	vld [tilespmem:$0x1C590]  }
0x7a: {  	[tilespmem:$0x44F0] =	vst v3;
	v3 =	vld [tilespmem:$0x1C1A0]  }
0x7b: {  	[tilespmem:$0x5410] =	vst v1;
	v1 =	vld [tilespmem:$0x1C5B0]  }
0x7c: {  	v40 =	vld [tilespmem:$0x1C1D0];
	[tilespmem:$0x60A0] =	vst v38  }
0x7d: {  	v41 =	vld [tilespmem:$0x1C5D0];
	[tilespmem:$0x5430] =	vst v39  }
0x7e: {  	[tilespmem:$0x6090] =	vst v2;
	v2 =	vld [tilespmem:$0x1C1C0]  }
0x7f: {  	[tilespmem:$0x5420] =	vst v3;
	v3 =	vld [tilespmem:$0x1C5C0]  }
0x80: {  	[tilespmem:$0x60B0] =	vst v1;
	v1 =	vld [tilespmem:$0x1C1E0]  }
0x81: {  	v42 =	vld [tilespmem:$0x1C5F0];
	[tilespmem:$0x5450] =	vst v40  }
0x82: {  	v43 =	vld [tilespmem:$0x1C200];
	[tilespmem:$0x60D0] =	vst v41  }
0x83: {  	[tilespmem:$0x5440] =	vst v2;
	v2 =	vld [tilespmem:$0x1C5E0]  }
0x84: {  	[tilespmem:$0x60C0] =	vst v3;
	v3 =	vld [tilespmem:$0x1C1F0]  }
0x85: {  	[tilespmem:$0x5460] =	vst v1;
	v1 =	vld [tilespmem:$0x1C600]  }
0x86: {  	v44 =	vld [tilespmem:$0x1C220];
	[tilespmem:$0x60F0] =	vst v42  }
0x87: {  	v45 =	vld [tilespmem:$0x1C620];
	[tilespmem:$0x7000] =	vst v43  }
0x88: {  	[tilespmem:$0x60E0] =	vst v2;
	v2 =	vld [tilespmem:$0x1C210]  }
0x89: {  	[tilespmem:$0x5470] =	vst v3;
	v3 =	vld [tilespmem:$0x1C610]  }
0x8a: {  	[tilespmem:$0x7C80] =	vst v1;
	v1 =	vld [tilespmem:$0x1C230]  }
0x8b: {  	v46 =	vld [tilespmem:$0x1C640];
	[tilespmem:$0x7020] =	vst v44  }
0x8c: {  	v47 =	vld [tilespmem:$0x1C250];
	[tilespmem:$0x7CA0] =	vst v45  }
0x8d: {  	[tilespmem:$0x7010] =	vst v2;
	v2 =	vld [tilespmem:$0x1C630]  }
0x8e: {  	[tilespmem:$0x7C90] =	vst v3;
	v3 =	vld [tilespmem:$0x1C240]  }
0x8f: {  	[tilespmem:$0x7030] =	vst v1;
	v1 =	vld [tilespmem:$0x1C650]  }
0x90: {  	v48 =	vld [tilespmem:$0x1C270];
	[tilespmem:$0x7CC0] =	vst v46  }
0x91: {  	v49 =	vld [tilespmem:$0x1C670];
	[tilespmem:$0x7050] =	vst v47  }
0x92: {  	[tilespmem:$0x7CB0] =	vst v2;
	v2 =	vld [tilespmem:$0x1C260]  }
0x93: {  	[tilespmem:$0x7040] =	vst v3;
	v3 =	vld [tilespmem:$0x1C660]  }
0x94: {  	[tilespmem:$0x7CD0] =	vst v1;
	v1 =	vld [tilespmem:$0x1C280]  }
0x95: {  	v50 =	vld [tilespmem:$0x1C690];
	[tilespmem:$0x7070] =	vst v48  }
0x96: {  	v51 =	vld [tilespmem:$0x1C2A0];
	[tilespmem:$0x7CF0] =	vst v49  }
0x97: {  	[tilespmem:$0x7060] =	vst v2;
	v2 =	vld [tilespmem:$0x1C680]  }
0x98: {  	[tilespmem:$0x7CE0] =	vst v3;
	v3 =	vld [tilespmem:$0x1C290]  }
0x99: {  	[tilespmem:$0x8C00] =	vst v1;
	v1 =	vld [tilespmem:$0x1C6A0]  }
0x9a: {  	v52 =	vld [tilespmem:$0x1C2C0];
	[tilespmem:$0x9890] =	vst v50  }
0x9b: {  	v53 =	vld [tilespmem:$0x1C6C0];
	[tilespmem:$0x8C20] =	vst v51  }
0x9c: {  	[tilespmem:$0x9880] =	vst v2;
	v2 =	vld [tilespmem:$0x1C2B0]  }
0x9d: {  	[tilespmem:$0x8C10] =	vst v3;
	v3 =	vld [tilespmem:$0x1C6B0]  }
0x9e: {  	[tilespmem:$0x98A0] =	vst v1;
	v1 =	vld [tilespmem:$0x1C2D0]  }
0x9f: {  	v54 =	vld [tilespmem:$0x1C6E0];
	[tilespmem:$0x8C40] =	vst v52  }
0xa0: {  	v55 =	vld [tilespmem:$0x1C2F0];
	[tilespmem:$0x98C0] =	vst v53  }
0xa1: {  	[tilespmem:$0x8C30] =	vst v2;
	v2 =	vld [tilespmem:$0x1C6D0]  }
0xa2: {  	[tilespmem:$0x98B0] =	vst v3;
	v3 =	vld [tilespmem:$0x1C2E0]  }
0xa3: {  	[tilespmem:$0x8C50] =	vst v1;
	v1 =	vld [tilespmem:$0x1C6F0]  }
0xa4: {  	v56 =	vld [tilespmem:$0x1C310];
	[tilespmem:$0x98E0] =	vst v54  }
0xa5: {  	v57 =	vld [tilespmem:$0x1C710];
	[tilespmem:$0x8C70] =	vst v55  }
0xa6: {  	[tilespmem:$0x98D0] =	vst v2;
	v2 =	vld [tilespmem:$0x1C300]  }
0xa7: {  	[tilespmem:$0x8C60] =	vst v3;
	v3 =	vld [tilespmem:$0x1C700]  }
0xa8: {  	[tilespmem:$0x98F0] =	vst v1;
	v1 =	vld [tilespmem:$0x1C320]  }
0xa9: {  	v58 =	vld [tilespmem:$0x1C730];
	[tilespmem:$0xA810] =	vst v56  }
0xaa: {  	v59 =	vld [tilespmem:$0x1C340];
	[tilespmem:$0xB490] =	vst v57  }
0xab: {  	[tilespmem:$0xA800] =	vst v2;
	v2 =	vld [tilespmem:$0x1C720]  }
0xac: {  	[tilespmem:$0xB480] =	vst v3;
	v3 =	vld [tilespmem:$0x1C330]  }
0xad: {  	[tilespmem:$0xA820] =	vst v1;
	v1 =	vld [tilespmem:$0x1C740]  }
0xae: {  	v60 =	vld [tilespmem:$0x1C360];
	[tilespmem:$0xB4B0] =	vst v58  }
0xaf: {  	v61 =	vld [tilespmem:$0x1C760];
	[tilespmem:$0xA840] =	vst v59  }
0xb0: {  	[tilespmem:$0xB4A0] =	vst v2;
	v2 =	vld [tilespmem:$0x1C350]  }
0xb1: {  	[tilespmem:$0xA830] =	vst v3;
	v3 =	vld [tilespmem:$0x1C750]  }
0xb2: {  	[tilespmem:$0xB4C0] =	vst v1;
	v1 =	vld [tilespmem:$0x1C370]  }
0xb3: {  	v62 =	vld [tilespmem:$0x1C780];
	[tilespmem:$0xA860] =	vst v60  }
0xb4: {  	v63 =	vld [tilespmem:$0x1C390];
	[tilespmem:$0xB4E0] =	vst v61  }
0xb5: {  	[tilespmem:$0xA850] =	vst v2;
	v2 =	vld [tilespmem:$0x1C770]  }
0xb6: {  	[tilespmem:$0xB4D0] =	vst v3;
	v3 =	vld [tilespmem:$0x1C380]  }
0xb7: {  	[tilespmem:$0xA870] =	vst v1;
	v1 =	vld [tilespmem:$0x1C790]  }
0xb8: {  	v8 =	vld [tilespmem:$0x1C3B0];
	[tilespmem:$0xD080] =	vst v62  }
0xb9: {  	v9 =	vld [tilespmem:$0x1C7B0];
	[tilespmem:$0xC410] =	vst v63  }
0xba: {  	[tilespmem:$0xB4F0] =	vst v2;
	v2 =	vld [tilespmem:$0x1C3A0]  }
0xbb: {  	[tilespmem:$0xC400] =	vst v3;
	v3 =	vld [tilespmem:$0x1C7A0]  }
0xbc: {  	[tilespmem:$0xD090] =	vst v1;
	v1 =	vld [tilespmem:$0x1C3C0]  }
0xbd: {  	v10 =	vld [tilespmem:$0x1C7D0];
	[tilespmem:$0xC430] =	vst v8  }
0xbe: {  	v11 =	vld [tilespmem:$0x1C3E0];
	[tilespmem:$0xD0B0] =	vst v9  }
0xbf: {  	[tilespmem:$0xC420] =	vst v2;
	v2 =	vld [tilespmem:$0x1C7C0]  }
0xc0: {  	[tilespmem:$0xD0A0] =	vst v3;
	v3 =	vld [tilespmem:$0x1C3D0]  }
0xc1: {  	[tilespmem:$0xC440] =	vst v1;
	v1 =	vld [tilespmem:$0x1C7E0]  }
0xc2: {  	v12 =	vld [tilespmem:$0x1C800];
	[tilespmem:$0xD0D0] =	vst v10  }
0xc3: {  	v13 =	vld [tilespmem:$0x1CC00];
	[tilespmem:$0xC460] =	vst v11  }
0xc4: {  	[tilespmem:$0xD0C0] =	vst v2;
	v2 =	vld [tilespmem:$0x1C3F0]  }
0xc5: {  	[tilespmem:$0xC450] =	vst v3;
	v3 =	vld [tilespmem:$0x1C7F0]  }
0xc6: {  	[tilespmem:$0xD0E0] =	vst v1;
	v1 =	vld [tilespmem:$0x1C810]  }
0xc7: {  	v14 =	vld [tilespmem:$0x1CC20];
	[tilespmem:$0xE000] =	vst v12  }
0xc8: {  	v15 =	vld [tilespmem:$0x1C830];
	[tilespmem:$0xEC80] =	vst v13  }
0xc9: {  	[tilespmem:$0xC470] =	vst v2;
	v2 =	vld [tilespmem:$0x1CC10]  }
0xca: {  	[tilespmem:$0xD0F0] =	vst v3;
	v3 =	vld [tilespmem:$0x1C820]  }
0xcb: {  	[tilespmem:$0xE010] =	vst v1;
	v1 =	vld [tilespmem:$0x1CC30]  }
0xcc: {  	v16 =	vld [tilespmem:$0x1C850];
	[tilespmem:$0xECA0] =	vst v14  }
0xcd: {  	v17 =	vld [tilespmem:$0x1CC50];
	[tilespmem:$0xE030] =	vst v15  }
0xce: {  	[tilespmem:$0xEC90] =	vst v2;
	v2 =	vld [tilespmem:$0x1C840]  }
0xcf: {  	[tilespmem:$0xE020] =	vst v3;
	v3 =	vld [tilespmem:$0x1CC40]  }
0xd0: {  	[tilespmem:$0xECB0] =	vst v1;
	v1 =	vld [tilespmem:$0x1C860]  }
0xd1: {  	v18 =	vld [tilespmem:$0x1CC70];
	[tilespmem:$0xE050] =	vst v16  }
0xd2: {  	v19 =	vld [tilespmem:$0x1C880];
	[tilespmem:$0xECD0] =	vst v17  }
0xd3: {  	[tilespmem:$0xE040] =	vst v2;
	v2 =	vld [tilespmem:$0x1CC60]  }
0xd4: {  	[tilespmem:$0xECC0] =	vst v3;
	v3 =	vld [tilespmem:$0x1C870]  }
0xd5: {  	[tilespmem:$0xE060] =	vst v1;
	v1 =	vld [tilespmem:$0x1CC80]  }
0xd6: {  	v20 =	vld [tilespmem:$0x1C8A0];
	[tilespmem:$0xECF0] =	vst v18  }
0xd7: {  	v21 =	vld [tilespmem:$0x1CCA0];
	[tilespmem:$0xFC00] =	vst v19  }
0xd8: {  	[tilespmem:$0xECE0] =	vst v2;
	v2 =	vld [tilespmem:$0x1C890]  }
0xd9: {  	[tilespmem:$0xE070] =	vst v3;
	v3 =	vld [tilespmem:$0x1CC90]  }
0xda: {  	[tilespmem:$0x10880] =	vst v1;
	v1 =	vld [tilespmem:$0x1C8B0]  }
0xdb: {  	v22 =	vld [tilespmem:$0x1CCC0];
	[tilespmem:$0xFC20] =	vst v20  }
0xdc: {  	v23 =	vld [tilespmem:$0x1C8D0];
	[tilespmem:$0x108A0] =	vst v21  }
0xdd: {  	[tilespmem:$0xFC10] =	vst v2;
	v2 =	vld [tilespmem:$0x1CCB0]  }
0xde: {  	[tilespmem:$0x10890] =	vst v3;
	v3 =	vld [tilespmem:$0x1C8C0]  }
0xdf: {  	[tilespmem:$0xFC30] =	vst v1;
	v1 =	vld [tilespmem:$0x1CCD0]  }
0xe0: {  	[tilespmem:$0x108C0] =	vst v22;
	v24 =	vld [tilespmem:$0x1C8F0]  }
0xe1: {  	[tilespmem:$0xFC50] =	vst v23;
	v25 =	vld [tilespmem:$0x1CCF0]  }
0xe2: {  	[tilespmem:$0x108B0] =	vst v2;
	v2 =	vld [tilespmem:$0x1C8E0]  }
0xe3: {  	[tilespmem:$0xFC40] =	vst v3;
	v3 =	vld [tilespmem:$0x1CCE0]  }
0xe4: {  	[tilespmem:$0x108D0] =	vst v1;
	v1 =	vld [tilespmem:$0x1C900]  }
0xe5: {  	v26 =	vld [tilespmem:$0x1CD10];
	[tilespmem:$0xFC70] =	vst v24  }
0xe6: {  	v27 =	vld [tilespmem:$0x1C920];
	[tilespmem:$0x108F0] =	vst v25  }
0xe7: {  	[tilespmem:$0xFC60] =	vst v2;
	v2 =	vld [tilespmem:$0x1CD00]  }
0xe8: {  	[tilespmem:$0x108E0] =	vst v3;
	v3 =	vld [tilespmem:$0x1C910]  }
0xe9: {  	[tilespmem:$0x11800] =	vst v1;
	v1 =	vld [tilespmem:$0x1CD20]  }
0xea: {  	v28 =	vld [tilespmem:$0x1C940];
	[tilespmem:$0x12490] =	vst v26  }
0xeb: {  	v29 =	vld [tilespmem:$0x1CD40];
	[tilespmem:$0x11820] =	vst v27  }
0xec: {  	[tilespmem:$0x12480] =	vst v2;
	v2 =	vld [tilespmem:$0x1C930]  }
0xed: {  	[tilespmem:$0x11810] =	vst v3;
	v3 =	vld [tilespmem:$0x1CD30]  }
0xee: {  	[tilespmem:$0x124A0] =	vst v1;
	v1 =	vld [tilespmem:$0x1C950]  }
0xef: {  	v30 =	vld [tilespmem:$0x1CD60];
	[tilespmem:$0x11840] =	vst v28  }
0xf0: {  	v31 =	vld [tilespmem:$0x1C970];
	[tilespmem:$0x124C0] =	vst v29  }
0xf1: {  	[tilespmem:$0x11830] =	vst v2;
	v2 =	vld [tilespmem:$0x1CD50]  }
0xf2: {  	[tilespmem:$0x124B0] =	vst v3;
	v3 =	vld [tilespmem:$0x1C960]  }
0xf3: {  	[tilespmem:$0x11850] =	vst v1;
	v1 =	vld [tilespmem:$0x1CD70]  }
0xf4: {  	v32 =	vld [tilespmem:$0x1C990];
	[tilespmem:$0x124E0] =	vst v30  }
0xf5: {  	v33 =	vld [tilespmem:$0x1CD90];
	[tilespmem:$0x11870] =	vst v31  }
0xf6: {  	[tilespmem:$0x124D0] =	vst v2;
	v2 =	vld [tilespmem:$0x1C980]  }
0xf7: {  	[tilespmem:$0x11860] =	vst v3;
	v3 =	vld [tilespmem:$0x1CD80]  }
0xf8: {  	[tilespmem:$0x124F0] =	vst v1;
	v1 =	vld [tilespmem:$0x1C9A0]  }
0xf9: {  	v34 =	vld [tilespmem:$0x1CDB0];
	[tilespmem:$0x13410] =	vst v32  }
0xfa: {  	v35 =	vld [tilespmem:$0x1C9C0];
	[tilespmem:$0x14090] =	vst v33  }
0xfb: {  	[tilespmem:$0x13400] =	vst v2;
	v2 =	vld [tilespmem:$0x1CDA0]  }
0xfc: {  	[tilespmem:$0x14080] =	vst v3;
	v3 =	vld [tilespmem:$0x1C9B0]  }
0xfd: {  	[tilespmem:$0x13420] =	vst v1;
	v1 =	vld [tilespmem:$0x1CDC0]  }
0xfe: {  	v36 =	vld [tilespmem:$0x1C9E0];
	[tilespmem:$0x140B0] =	vst v34  }
0xff: {  	v37 =	vld [tilespmem:$0x1CDE0];
	[tilespmem:$0x13440] =	vst v35  }
0x100: {  	[tilespmem:$0x140A0] =	vst v2;
	v2 =	vld [tilespmem:$0x1C9D0]  }
0x101: {  	[tilespmem:$0x13430] =	vst v3;
	v3 =	vld [tilespmem:$0x1CDD0]  }
0x102: {  	[tilespmem:$0x140C0] =	vst v1;
	v1 =	vld [tilespmem:$0x1C9F0]  }
0x103: {  	v38 =	vld [tilespmem:$0x1CE00];
	[tilespmem:$0x13460] =	vst v36  }
0x104: {  	v39 =	vld [tilespmem:$0x1CA10];
	[tilespmem:$0x140E0] =	vst v37  }
0x105: {  	[tilespmem:$0x13450] =	vst v2;
	v2 =	vld [tilespmem:$0x1CDF0]  }
0x106: {  	[tilespmem:$0x140D0] =	vst v3;
	v3 =	vld [tilespmem:$0x1CA00]  }
0x107: {  	[tilespmem:$0x13470] =	vst v1;
	v1 =	vld [tilespmem:$0x1CE10]  }
0x108: {  	v40 =	vld [tilespmem:$0x1CA30];
	[tilespmem:$0x15C80] =	vst v38  }
0x109: {  	v41 =	vld [tilespmem:$0x1CE30];
	[tilespmem:$0x15010] =	vst v39  }
0x10a: {  	[tilespmem:$0x140F0] =	vst v2;
	v2 =	vld [tilespmem:$0x1CA20]  }
0x10b: {  	[tilespmem:$0x15000] =	vst v3;
	v3 =	vld [tilespmem:$0x1CE20]  }
0x10c: {  	[tilespmem:$0x15C90] =	vst v1;
	v1 =	vld [tilespmem:$0x1CA40]  }
0x10d: {  	v42 =	vld [tilespmem:$0x1CE50];
	[tilespmem:$0x15030] =	vst v40  }
0x10e: {  	v43 =	vld [tilespmem:$0x1CA60];
	[tilespmem:$0x15CB0] =	vst v41  }
0x10f: {  	[tilespmem:$0x15020] =	vst v2;
	v2 =	vld [tilespmem:$0x1CE40]  }
0x110: {  	[tilespmem:$0x15CA0] =	vst v3;
	v3 =	vld [tilespmem:$0x1CA50]  }
0x111: {  	[tilespmem:$0x15040] =	vst v1;
	v1 =	vld [tilespmem:$0x1CE60]  }
0x112: {  	v44 =	vld [tilespmem:$0x1CA80];
	[tilespmem:$0x15CD0] =	vst v42  }
0x113: {  	v45 =	vld [tilespmem:$0x1CE80];
	[tilespmem:$0x15060] =	vst v43  }
0x114: {  	[tilespmem:$0x15CC0] =	vst v2;
	v2 =	vld [tilespmem:$0x1CA70]  }
0x115: {  	[tilespmem:$0x15050] =	vst v3;
	v3 =	vld [tilespmem:$0x1CE70]  }
0x116: {  	[tilespmem:$0x15CE0] =	vst v1;
	v1 =	vld [tilespmem:$0x1CA90]  }
0x117: {  	v46 =	vld [tilespmem:$0x1CEA0];
	[tilespmem:$0x16C00] =	vst v44  }
0x118: {  	v47 =	vld [tilespmem:$0x1CAB0];
	[tilespmem:$0x17880] =	vst v45  }
0x119: {  	[tilespmem:$0x15070] =	vst v2;
	v2 =	vld [tilespmem:$0x1CE90]  }
0x11a: {  	[tilespmem:$0x15CF0] =	vst v3;
	v3 =	vld [tilespmem:$0x1CAA0]  }
0x11b: {  	[tilespmem:$0x16C10] =	vst v1;
	v1 =	vld [tilespmem:$0x1CEB0]  }
0x11c: {  	v48 =	vld [tilespmem:$0x1CAD0];
	[tilespmem:$0x178A0] =	vst v46  }
0x11d: {  	v49 =	vld [tilespmem:$0x1CED0];
	[tilespmem:$0x16C30] =	vst v47  }
0x11e: {  	[tilespmem:$0x17890] =	vst v2;
	v2 =	vld [tilespmem:$0x1CAC0]  }
0x11f: {  	[tilespmem:$0x16C20] =	vst v3;
	v3 =	vld [tilespmem:$0x1CEC0]  }
0x120: {  	[tilespmem:$0x178B0] =	vst v1;
	v1 =	vld [tilespmem:$0x1CAE0]  }
0x121: {  	v50 =	vld [tilespmem:$0x1CEF0];
	[tilespmem:$0x16C50] =	vst v48  }
0x122: {  	v51 =	vld [tilespmem:$0x1CB00];
	[tilespmem:$0x178D0] =	vst v49  }
0x123: {  	[tilespmem:$0x16C40] =	vst v2;
	v2 =	vld [tilespmem:$0x1CEE0]  }
0x124: {  	[tilespmem:$0x178C0] =	vst v3;
	v3 =	vld [tilespmem:$0x1CAF0]  }
0x125: {  	[tilespmem:$0x16C60] =	vst v1;
	v1 =	vld [tilespmem:$0x1CF00]  }
0x126: {  	v52 =	vld [tilespmem:$0x1CB20];
	[tilespmem:$0x178F0] =	vst v50  }
0x127: {  	v53 =	vld [tilespmem:$0x1CF20];
	[tilespmem:$0x18800] =	vst v51  }
0x128: {  	[tilespmem:$0x178E0] =	vst v2;
	v2 =	vld [tilespmem:$0x1CB10]  }
0x129: {  	[tilespmem:$0x16C70] =	vst v3;
	v3 =	vld [tilespmem:$0x1CF10]  }
0x12a: {  	[tilespmem:$0x19480] =	vst v1;
	v1 =	vld [tilespmem:$0x1CB30]  }
0x12b: {  	v54 =	vld [tilespmem:$0x1CF40];
	[tilespmem:$0x18820] =	vst v52  }
0x12c: {  	v55 =	vld [tilespmem:$0x1CB50];
	[tilespmem:$0x194A0] =	vst v53  }
0x12d: {  	[tilespmem:$0x18810] =	vst v2;
	v2 =	vld [tilespmem:$0x1CF30]  }
0x12e: {  	[tilespmem:$0x19490] =	vst v3;
	v3 =	vld [tilespmem:$0x1CB40]  }
0x12f: {  	[tilespmem:$0x18830] =	vst v1;
	v1 =	vld [tilespmem:$0x1CF50]  }
0x130: {  	v56 =	vld [tilespmem:$0x1CB70];
	[tilespmem:$0x194C0] =	vst v54  }
0x131: {  	v57 =	vld [tilespmem:$0x1CF70];
	[tilespmem:$0x18850] =	vst v55  }
0x132: {  	[tilespmem:$0x194B0] =	vst v2;
	v2 =	vld [tilespmem:$0x1CB60]  }
0x133: {  	[tilespmem:$0x18840] =	vst v3;
	v3 =	vld [tilespmem:$0x1CF60]  }
0x134: {  	[tilespmem:$0x194D0] =	vst v1;
	v1 =	vld [tilespmem:$0x1CB80]  }
0x135: {  	v58 =	vld [tilespmem:$0x1CF90];
	[tilespmem:$0x18870] =	vst v56  }
0x136: {  	v59 =	vld [tilespmem:$0x1CBA0];
	[tilespmem:$0x194F0] =	vst v57  }
0x137: {  	[tilespmem:$0x18860] =	vst v2;
	v2 =	vld [tilespmem:$0x1CF80]  }
0x138: {  	[tilespmem:$0x194E0] =	vst v3;
	v3 =	vld [tilespmem:$0x1CB90]  }
0x139: {  	[tilespmem:$0x1A400] =	vst v1;
	v1 =	vld [tilespmem:$0x1CFA0]  }
0x13a: {  	v60 =	vld [tilespmem:$0x1CBC0];
	[tilespmem:$0x1B090] =	vst v58  }
0x13b: {  	v61 =	vld [tilespmem:$0x1CFC0];
	[tilespmem:$0x1A420] =	vst v59  }
0x13c: {  	[tilespmem:$0x1B080] =	vst v2;
	v2 =	vld [tilespmem:$0x1CBB0]  }
0x13d: {  	[tilespmem:$0x1A410] =	vst v3;
	v3 =	vld [tilespmem:$0x1CFB0]  }
0x13e: {  	[tilespmem:$0x1B0A0] =	vst v1;
	v1 =	vld [tilespmem:$0x1CBD0]  }
0x13f: {  	v62 =	vld [tilespmem:$0x1CFE0];
	[tilespmem:$0x1A440] =	vst v60  }
0x140: {  	v63 =	vld [tilespmem:$0x1CBF0];
	[tilespmem:$0x1B0C0] =	vst v61  }
0x141: {  	[tilespmem:$0x1A430] =	vst v2;
	v2 =	vld [tilespmem:$0x1CFD0]  }
0x142: {  	[tilespmem:$0x1B0B0] =	vst v3;
	v3 =	vld [tilespmem:$0x1CBE0]  }
0x143: {  	[tilespmem:$0x1A450] =	vst v1;
	v1 =	vld [tilespmem:$0x1CFF0]  }
0x144: {  	[tilespmem:$0x1B0E0] =	vst v62  }
0x145: {  	[tilespmem:$0x1A470] =	vst v63  }
0x146: {  	[tilespmem:$0x1B0D0] =	vst v2  }
0x147: {  	[tilespmem:$0x1A460] =	vst v3  }
0x148: {  	[tilespmem:$0x1B0F0] =	vst v1  }
0x149: {  	[hbm4b:s28+s2] =	stream.linear.scatter [tilespmem:s2], [sflag:$0x2], $0x1900, $0x38;
	[tilespmem:$0x1D000] =	vst v63  }
0x14a: {  	s0 =	sadd.s32 $0x380, s28  }
0x14b: {  	[hbm4b:s0+s2] =	stream.linear.scatter [tilespmem:s9], [sflag:$0x2], $0x1900, $0x38;
	[tilespmem:$0x1D000] =	vst v63  }
0x14c: {  	s30 =	sadd.s32 $0x700, s28  }
0x14d: {  	[hbm4b:s30+s2] =	stream.linear.scatter [tilespmem:s10], [sflag:$0x2], $0x1900, $0x38;
	[tilespmem:$0x1D000] =	vst v63  }
0x14e: {  	s31 =	sadd.s32 $0xA80, s28  }
0x14f: {  	[hbm4b:s31+s2] =	stream.linear.scatter [tilespmem:s11], [sflag:$0x2], $0x1900, $0x38;
	[tilespmem:$0x1D000] =	vst v63  }
0x150: {  	s30 =	sadd.s32 $0xE00, s28  }
0x151: {  	[hbm4b:s30+s2] =	stream.linear.scatter [tilespmem:s12], [sflag:$0x2], $0x1900, $0x38;
	[tilespmem:$0x1D000] =	vst v63  }
0x152: {  	s31 =	sadd.s32 $0x1180, s28  }
0x153: {  	[hbm4b:s31+s2] =	stream.linear.scatter [tilespmem:s13], [sflag:$0x2], $0x1900, $0x38;
	[tilespmem:$0x1D000] =	vst v63  }
0x154: {  	s30 =	sadd.s32 $0x1500, s28  }
0x155: {  	[hbm4b:s30+s2] =	stream.linear.scatter [tilespmem:s14], [sflag:$0x2], $0x1900, $0x38;
	[tilespmem:$0x1D000] =	vst v63  }
0x156: {  	s31 =	sadd.s32 $0x1880, s28  }
0x157: {  	[hbm4b:s31+s2] =	stream.linear.scatter [tilespmem:s15], [sflag:$0x2], $0x1900, $0x38;
	[tilespmem:$0x1D000] =	vst v63  }
0x158: {  	s30 =	sadd.s32 $0x1C00, s28  }
0x159: {  	[hbm4b:s30+s2] =	stream.linear.scatter [tilespmem:s16], [sflag:$0x2], $0x1900, $0x38;
	[tilespmem:$0x1D000] =	vst v63  }
0x15a: {  	s31 =	sadd.s32 $0x1F80, s28  }
0x15b: {  	[hbm4b:s31+s2] =	stream.linear.scatter [tilespmem:s17], [sflag:$0x2], $0x1900, $0x38;
	[tilespmem:$0x1D000] =	vst v63  }
0x15c: {  	s30 =	sadd.s32 $0x2300, s28  }
0x15d: {  	[hbm4b:s30+s2] =	stream.linear.scatter [tilespmem:s18], [sflag:$0x2], $0x1900, $0x38;
	[tilespmem:$0x1D000] =	vst v63  }
0x15e: {  	s31 =	sadd.s32 $0x2680, s28  }
0x15f: {  	[hbm4b:s31+s2] =	stream.linear.scatter [tilespmem:s19], [sflag:$0x2], $0x1900, $0x38;
	[tilespmem:$0x1D000] =	vst v63  }
0x160: {  	s30 =	sadd.s32 $0x2A00, s28  }
0x161: {  	[hbm4b:s30+s2] =	stream.linear.scatter [tilespmem:s20], [sflag:$0x2], $0x1900, $0x38;
	[tilespmem:$0x1D000] =	vst v63  }
0x162: {  	s31 =	sadd.s32 $0x2D80, s28  }
0x163: {  	[hbm4b:s31+s2] =	stream.linear.scatter [tilespmem:s21], [sflag:$0x2], $0x1900, $0x38;
	[tilespmem:$0x1D000] =	vst v63  }
0x164: {  	s30 =	sadd.s32 $0x3100, s28  }
0x165: {  	[hbm4b:s30+s2] =	stream.linear.scatter [tilespmem:s22], [sflag:$0x2], $0x1900, $0x38;
	[tilespmem:$0x1D000] =	vst v63  }
.Ltmp6:
0x166: {  	s31 =	sadd.s32 $0x3480, s28;
	(pc) =	sbr.rel .LBB2_6-.Ltmp6, $4  }
0x167: {  	[hbm4b:s31+s2] =	stream.linear.scatter [tilespmem:s23], [sflag:$0x2], $0x1900, $0x38;
	[tilespmem:$0x1D000] =	vst v63  }
0x168: {  	_ =	swait.ge [sflag:s24], $0x19000  }
0x169: {  	[sflag:s24] =	ssyncset.done $0x0  }
0x16a: {  	[sflag:s24] =	ssyncadd.s32 $0xFFFE7000  }
.LBB2_8:
0x16b: {  	_ =	sfence.sel $0x180000  }
0x16c: {  	[bflag:$0x0] =	sbarrier.arrive $0xFFFF  }
0x16d: {  	_ =	strace $0x90000047  }
0x16e: {  	[bflag:$0x2] =	sbarrier.arrive $0xFFFF  }
0x16f: {  	p0 =	sne.s32 s1, $0x0;
	s0 =	rddreg [dreg:$0x2]  }
0x170: {  	s0 =	sadd.s32 @!p0 $0x100000, s0  }
0x171: {  	[sflag:s0] =	ssyncadd.tile.s32 @!p0 $0x1;
	_ =	shalt  }
.Lfunc_end2:
_tile_overlayer_lowered:
.L_overlay_start_2:
0x172: {  	(tag) =	ssettag $0x2  }
0x173: {  	s0 =	rddreg [dreg:$0x0];
	s2 =	stileid.u32  }
0x174: {  	s1 =	rddreg [dreg:$0x1];
	p0 =	sne.s32 s2, $0x0  }
0x175: {  	s3 =	rddreg [dreg:$0x2];
	[bflag:$0x3] =	sbarrier.arrive $0xFFFF;
	s2 =	simm.s32 @!p0 $0x1C03  }
0x176: {  	[timem:s3], [sflag:s2] =	dma.local @!p0 [hbm:s0], s1  }
0x177: {  	s0 =	simm.s32 @!p0 $0x3  }
0x178: {  	_ =	swait.ge @!p0 [sflag:s0], s1  }
0x179: {  	s1 =	ssub.s32 @!p0 $0x0, s1;
	[sflag:s0] =	ssyncset.done @!p0 $0x0  }
0x17a: {  	[sflag:s0] =	ssyncadd.s32 @!p0 s1  }
0x17b: {  	[bflag:$0x3] =	sbarrier.arrive $0xFFFF  }
0x17c: {  	_ =	shalt  }

</sc_bundles>
